<compile_context>
chip_gen: v7x
topology: tpu7x:2x2x1
jax: 0.10.2.dev20260603
libtpu: 0.0.44.dev20260713+nightly
codegen_flags: <defaults>
</compile_context>

<pallas_src>
import functools

import jax
import jax.numpy as jnp
from jax import lax
from jax.experimental import pallas as pl
from jax.experimental.pallas import tpu as pltpu
from jax.experimental.pallas import tpu_sc as plsc

NC = 2
NS = 16
NW = NC * NS
L = 16

DIM = 64
NEG = 20
CHUNK = 128


def _sc_gather_dots(v_pos, u_pos, neg_t, v_emb, u_emb):
    B = v_pos.shape[0]
    bpw = B // NW
    nchunk = bpw // CHUNK
    mesh = plsc.VectorSubcoreMesh(core_axis_name="c", subcore_axis_name="s")

    @functools.partial(
        pl.kernel,
        out_type=jax.ShapeDtypeStruct((B * 2 * L,), jnp.float32),
        mesh=mesh,
        compiler_params=pltpu.CompilerParams(use_tc_tiling_on_sc=False),
        scratch_types=[
            pltpu.VMEM((2, CHUNK), jnp.int32),
            pltpu.VMEM((2, CHUNK), jnp.int32),
            pltpu.VMEM((2, NEG, CHUNK), jnp.int32),
            pltpu.VMEM((2, CHUNK, DIM), jnp.float32),
            pltpu.VMEM((2, CHUNK, DIM), jnp.float32),
            pltpu.VMEM((2, CHUNK, DIM), jnp.float32),
            pltpu.VMEM((CHUNK * 2 * L,), jnp.float32),
            pltpu.SemaphoreType.DMA,
            pltpu.SemaphoreType.DMA,
        ],
    )
    def sc_k(vpos_hbm, upos_hbm, negt_hbm, vemb_hbm, uemb_hbm, out_hbm,
             vidx, uidx, nidx, vbuf, ubuf, acc, po, sem0, sem1):
        wid = lax.axis_index("s") * NC + lax.axis_index("c")
        base_w = wid * bpw
        sems = (sem0, sem1)
        zero = jnp.zeros((L,), jnp.float32)

        def zero_body(c, _):
            for s in range(2):
                for j in range(DIM // L):
                    acc.at[s][c, pl.ds(j * L, L)] = zero
            return 0
        lax.fori_loop(0, CHUNK, zero_body, 0)

        def issue(ci, s):
            base = base_w + ci * CHUNK
            pltpu.sync_copy(vpos_hbm.at[pl.ds(base, CHUNK)], vidx.at[s])
            pltpu.sync_copy(upos_hbm.at[pl.ds(base, CHUNK)], uidx.at[s])
            pltpu.sync_copy(negt_hbm.at[:, pl.ds(base, CHUNK)], nidx.at[s])
            cps = [
                pltpu.async_copy(vemb_hbm.at[vidx.at[s]], vbuf.at[s], sems[s]),
                pltpu.async_copy(uemb_hbm.at[uidx.at[s]], ubuf.at[s], sems[s]),
            ]
            for k in range(NEG):
                cps.append(pltpu.async_copy(
                    uemb_hbm.at[nidx.at[s].at[k]], acc.at[s], sems[s],
                    add=True))
            return cps

        def compute(ci, s):
            base = base_w + ci * CHUNK
            vb, ub, ab = vbuf.at[s], ubuf.at[s], acc.at[s]

            def body(c, _):
                pd = jnp.zeros((L,), jnp.float32)
                nd = jnp.zeros((L,), jnp.float32)
                for j in range(DIM // L):
                    sl = pl.ds(j * L, L)
                    vv = vb[c, sl]
                    pd = pd + vv * ub[c, sl]
                    nd = nd + vv * ab[c, sl]
                    ab[c, sl] = zero
                po.at[pl.ds(c * 2 * L, L)][...] = pd
                po.at[pl.ds(c * 2 * L + L, L)][...] = nd
                return 0
            lax.fori_loop(0, CHUNK, body, 0)
            pltpu.sync_copy(po, out_hbm.at[pl.ds(base * 2 * L,
                                                 CHUNK * 2 * L)])

        pending = issue(0, 0)
        for ci in range(nchunk):
            s = ci % 2
            nxt = None
            if ci + 1 < nchunk:
                nxt = issue(ci + 1, 1 - s)
            for cp in pending:
                cp.wait()
            compute(ci, s)
            pending = nxt

    return sc_k(v_pos, u_pos, neg_t, v_emb, u_emb)


def _tc_loss(parts):
    B = parts.shape[0]

    def body(p_ref, o_ref):
        x = p_ref[:]
        pos = jnp.sum(x[:, 0:L], axis=1)
        neg = jnp.sum(x[:, L:2 * L], axis=1)

        def logsig(v):
            return jnp.minimum(v, 0.0) - jnp.log1p(jnp.exp(-jnp.abs(v)))

        total = jnp.sum(logsig(pos)) + jnp.sum(logsig(-neg))
        o_ref[0, 0] = -total / B

    return pl.pallas_call(
        body,
        out_shape=jax.ShapeDtypeStruct((1, 1), jnp.float32),
        out_specs=pl.BlockSpec(memory_space=pltpu.SMEM),
    )(parts)


def kernel(v_pos, u_pos, neg_pos, v_emb, u_emb):
    neg_t = jnp.transpose(neg_pos)
    flat = _sc_gather_dots(v_pos, u_pos, neg_t, v_emb, u_emb)
    parts = flat.reshape(v_pos.shape[0], 2 * L)
    loss2 = _tc_loss(parts)
    return loss2[0, 0]

# --- scband reference (transcript-rebuilt; emitter-appended) ---
"""Pipeline reference for scband-skip-gram-6399501271495 (READ-ONLY COPY).

The authoritative reference and input builder live on the scoring server;
editing this copy changes nothing except your own understanding.
"""

import jax, jax.numpy as jnp
import numpy as np

VOCAB = 1000000
DIM = 64
B = 16384
NEG = 20


def setup_inputs(seed: int = 0) -> dict:
    key = jax.random.key(seed)
    k1, k2, k3, k4, k5 = jax.random.split(key, 5)
    v_pos = jax.random.randint(k1, (B,), 0, VOCAB, dtype=jnp.int64 if jax.config.jax_enable_x64 else jnp.int32).astype(jnp.int32)
    u_pos = jax.random.randint(k2, (B,), 0, VOCAB).astype(jnp.int32)
    neg_pos = jax.random.randint(k3, (B, NEG), 0, VOCAB).astype(jnp.int32)
    initrange = (2.0 / (VOCAB + DIM)) ** 0.5
    v_emb = jax.random.uniform(k4, (VOCAB, DIM), minval=-initrange, maxval=initrange, dtype=jnp.float32)
    u_emb = jax.random.uniform(k5, (VOCAB, DIM), minval=-initrange, maxval=initrange, dtype=jnp.float32)
    return {"v_pos": v_pos, "u_pos": u_pos, "neg_pos": neg_pos, "v_emb": v_emb, "u_emb": u_emb}


def reference(v_pos, u_pos, neg_pos, v_emb, u_emb):
    # v = self.v_emb(v_pos)
    v = jnp.take(v_emb, v_pos, axis=0)            # [B, D]
    # u = self.u_emb(u_pos)
    u = jnp.take(u_emb, u_pos, axis=0)            # [B, D]
    # positive_val = log_sigmoid(sum(v*u, dim=1)).squeeze()
    positive_val = jax.nn.log_sigmoid(jnp.sum(v * u, axis=1))  # [B]
    # neg = self.u_emb(neg_pos)
    neg = jnp.take(u_emb, neg_pos, axis=0)        # [B, NEG, D]
    # neg_val = bmm(neg, v.unsqueeze(2)).squeeze(2)
    neg_val = jnp.einsum('bkd,bd->bk', neg, v)    # [B, NEG]
    # negative_val = log_sigmoid(-sum(neg_val, dim=1)).squeeze()
    negative_val = jax.nn.log_sigmoid(-jnp.sum(neg_val, axis=1))  # [B]
    loss = positive_val + negative_val
    return -jnp.mean(loss)

if __name__ == "__main__":
    import jax
    _d = setup_inputs()
    print(jax.jit(kernel)(*tuple(_d.values())))

</pallas_src>

<mosaic_0001>
#map = affine_map<(d0, d1) -> (0)>
#map1 = affine_map<(d0, d1) -> (0, 0)>
module attributes {stable_mosaic.version = 14 : i64} {
  func.func @sc_k(%arg0: i32, %arg1: i32, %arg2: memref<16384xi32, #tpu.memory_space<hbm>>, %arg3: memref<16384xi32, #tpu.memory_space<hbm>>, %arg4: memref<20x16384xi32, #tpu.memory_space<hbm>>, %arg5: memref<1000000x64xf32, #tpu.memory_space<hbm>>, %arg6: memref<1000000x64xf32, #tpu.memory_space<hbm>>, %arg7: memref<524288xf32, #tpu.memory_space<hbm>>, %arg8: memref<2x128xi32, #tpu.memory_space<vmem>>, %arg9: memref<2x128xi32, #tpu.memory_space<vmem>>, %arg10: memref<2x20x128xi32, #tpu.memory_space<vmem>>, %arg11: memref<2x128x64xf32, #tpu.memory_space<vmem>>, %arg12: memref<2x128x64xf32, #tpu.memory_space<vmem>>, %arg13: memref<2x128x64xf32, #tpu.memory_space<vmem>>, %arg14: memref<4096xf32, #tpu.memory_space<vmem>>, %arg15: memref<!tpu.dma_semaphore, #tpu.memory_space<semaphore_mem>>, %arg16: memref<!tpu.dma_semaphore, #tpu.memory_space<semaphore_mem>>) attributes {dimension_semantics = [#tpu.dimension_semantics<core_parallel>, #tpu.dimension_semantics<subcore_parallel>], iteration_bounds = array<i64: 2, 16>, scalar_prefetch = 0 : i64, scratch_operands = 9 : i64, tpu.core_type = #tpu.core_type<sc_vector_subcore>, window_params = [{transform_indices = #map}, {transform_indices = #map}, {transform_indices = #map1}, {transform_indices = #map1}, {transform_indices = #map1}, {transform_indices = #map}]} {
    %mul3A = arith.constant 2 : i32
    %mul3A_0 = arith.muli %arg1, %mul3A : i32
    %add3A = arith.addi %mul3A_0, %arg0 : i32
    %mul3A_1 = arith.constant 512 : i32
    %mul3A_2 = arith.muli %add3A, %mul3A_1 : i32
    %broadcast_in_dim3A = arith.constant 0.000000e+00 : f32
    %broadcast_in_dim3A_3 = vector.broadcast %broadcast_in_dim3A : f32 to vector<16xf32>
    %scan3A = arith.constant 0 : i32
    %scan3A_4 = arith.constant 0 : i32
    %scan3A_5 = arith.constant 128 : i32
    %scan3A_6 = arith.addi %scan3A_4, %scan3A_5 : i32
    %scan3A_7 = arith.constant 1 : i32
    %scan3A_8 = scf.for %scan3A_3003 = %scan3A_4 to %scan3A_6 step %scan3A_7 iter_args(%scan3A_3004 = %scan3A) -> (i32)  : i32 {
      %swap3A = arith.constant 0 : i32
      %swap3A_3005 = arith.constant 0 : i32
      %swap3A_3006 = arith.constant 0 : i32
      %swap3A_3007 = tpu.memref_slice %arg13[%swap3A, %swap3A_3005, %swap3A_3006] : memref<2x128x64xf32, #tpu.memory_space<vmem>> -> memref<1x128x64xf32, #tpu.memory_space<vmem>>
      %swap3A_3008 = tpu.memref_squeeze %swap3A_3007 : memref<1x128x64xf32, #tpu.memory_space<vmem>> -> memref<128x64xf32, #tpu.memory_space<vmem>>
      %swap3A_3009 = arith.index_cast %scan3A_3003 : i32 to index
      %swap3A_3010 = arith.constant 0 : index
      %swap3A_3011 = tpu.vector_load %swap3A_3008[%swap3A_3009, %swap3A_3010] {strides = array<i32>} : memref<128x64xf32, #tpu.memory_space<vmem>>, vector<1x16xf32>,
      %swap3A_3012 = vector.shape_cast %swap3A_3011 : vector<1x16xf32> to vector<16xf32>
      %swap3A_3013 = vector.shape_cast %broadcast_in_dim3A_3 : vector<16xf32> to vector<1x16xf32>
      tpu.vector_store %swap3A_3008[%swap3A_3009, %swap3A_3010], %swap3A_3013 {strides = array<i32>} : memref<128x64xf32, #tpu.memory_space<vmem>>, vector<1x16xf32>,
      %swap3A_3014 = arith.constant 0 : i32
      %swap3A_3015 = arith.constant 0 : i32
      %swap3A_3016 = arith.constant 0 : i32
      %swap3A_3017 = tpu.memref_slice %arg13[%swap3A_3014, %swap3A_3015, %swap3A_3016] : memref<2x128x64xf32, #tpu.memory_space<vmem>> -> memref<1x128x64xf32, #tpu.memory_space<vmem>>
      %swap3A_3018 = tpu.memref_squeeze %swap3A_3017 : memref<1x128x64xf32, #tpu.memory_space<vmem>> -> memref<128x64xf32, #tpu.memory_space<vmem>>
      %swap3A_3019 = arith.index_cast %scan3A_3003 : i32 to index
      %swap3A_3020 = arith.constant 16 : index
      %swap3A_3021 = tpu.vector_load %swap3A_3018[%swap3A_3019, %swap3A_3020] {strides = array<i32>} : memref<128x64xf32, #tpu.memory_space<vmem>>, vector<1x16xf32>,
      %swap3A_3022 = vector.shape_cast %swap3A_3021 : vector<1x16xf32> to vector<16xf32>
      %swap3A_3023 = vector.shape_cast %broadcast_in_dim3A_3 : vector<16xf32> to vector<1x16xf32>
      tpu.vector_store %swap3A_3018[%swap3A_3019, %swap3A_3020], %swap3A_3023 {strides = array<i32>} : memref<128x64xf32, #tpu.memory_space<vmem>>, vector<1x16xf32>,
      %swap3A_3024 = arith.constant 0 : i32
      %swap3A_3025 = arith.constant 0 : i32
      %swap3A_3026 = arith.constant 0 : i32
      %swap3A_3027 = tpu.memref_slice %arg13[%swap3A_3024, %swap3A_3025, %swap3A_3026] : memref<2x128x64xf32, #tpu.memory_space<vmem>> -> memref<1x128x64xf32, #tpu.memory_space<vmem>>
      %swap3A_3028 = tpu.memref_squeeze %swap3A_3027 : memref<1x128x64xf32, #tpu.memory_space<vmem>> -> memref<128x64xf32, #tpu.memory_space<vmem>>
      %swap3A_3029 = arith.index_cast %scan3A_3003 : i32 to index
      %swap3A_3030 = arith.constant 32 : index
      %swap3A_3031 = tpu.vector_load %swap3A_3028[%swap3A_3029, %swap3A_3030] {strides = array<i32>} : memref<128x64xf32, #tpu.memory_space<vmem>>, vector<1x16xf32>,
      %swap3A_3032 = vector.shape_cast %swap3A_3031 : vector<1x16xf32> to vector<16xf32>
      %swap3A_3033 = vector.shape_cast %broadcast_in_dim3A_3 : vector<16xf32> to vector<1x16xf32>
      tpu.vector_store %swap3A_3028[%swap3A_3029, %swap3A_3030], %swap3A_3033 {strides = array<i32>} : memref<128x64xf32, #tpu.memory_space<vmem>>, vector<1x16xf32>,
      %swap3A_3034 = arith.constant 0 : i32
      %swap3A_3035 = arith.constant 0 : i32
      %swap3A_3036 = arith.constant 0 : i32
      %swap3A_3037 = tpu.memref_slice %arg13[%swap3A_3034, %swap3A_3035, %swap3A_3036] : memref<2x128x64xf32, #tpu.memory_space<vmem>> -> memref<1x128x64xf32, #tpu.memory_space<vmem>>
      %swap3A_3038 = tpu.memref_squeeze %swap3A_3037 : memref<1x128x64xf32, #tpu.memory_space<vmem>> -> memref<128x64xf32, #tpu.memory_space<vmem>>
      %swap3A_3039 = arith.index_cast %scan3A_3003 : i32 to index
      %swap3A_3040 = arith.constant 48 : index
      %swap3A_3041 = tpu.vector_load %swap3A_3038[%swap3A_3039, %swap3A_3040] {strides = array<i32>} : memref<128x64xf32, #tpu.memory_space<vmem>>, vector<1x16xf32>,
      %swap3A_3042 = vector.shape_cast %swap3A_3041 : vector<1x16xf32> to vector<16xf32>
      %swap3A_3043 = vector.shape_cast %broadcast_in_dim3A_3 : vector<16xf32> to vector<1x16xf32>
      tpu.vector_store %swap3A_3038[%swap3A_3039, %swap3A_3040], %swap3A_3043 {strides = array<i32>} : memref<128x64xf32, #tpu.memory_space<vmem>>, vector<1x16xf32>,
      %swap3A_3044 = arith.constant 1 : i32
      %swap3A_3045 = arith.constant 0 : i32
      %swap3A_3046 = arith.constant 0 : i32
      %swap3A_3047 = tpu.memref_slice %arg13[%swap3A_3044, %swap3A_3045, %swap3A_3046] : memref<2x128x64xf32, #tpu.memory_space<vmem>> -> memref<1x128x64xf32, #tpu.memory_space<vmem>>
      %swap3A_3048 = tpu.memref_squeeze %swap3A_3047 : memref<1x128x64xf32, #tpu.memory_space<vmem>> -> memref<128x64xf32, #tpu.memory_space<vmem>>
      %swap3A_3049 = arith.index_cast %scan3A_3003 : i32 to index
      %swap3A_3050 = arith.constant 0 : index
      %swap3A_3051 = tpu.vector_load %swap3A_3048[%swap3A_3049, %swap3A_3050] {strides = array<i32>} : memref<128x64xf32, #tpu.memory_space<vmem>>, vector<1x16xf32>,
      %swap3A_3052 = vector.shape_cast %swap3A_3051 : vector<1x16xf32> to vector<16xf32>
      %swap3A_3053 = vector.shape_cast %broadcast_in_dim3A_3 : vector<16xf32> to vector<1x16xf32>
      tpu.vector_store %swap3A_3048[%swap3A_3049, %swap3A_3050], %swap3A_3053 {strides = array<i32>} : memref<128x64xf32, #tpu.memory_space<vmem>>, vector<1x16xf32>,
      %swap3A_3054 = arith.constant 1 : i32
      %swap3A_3055 = arith.constant 0 : i32
      %swap3A_3056 = arith.constant 0 : i32
      %swap3A_3057 = tpu.memref_slice %arg13[%swap3A_3054, %swap3A_3055, %swap3A_3056] : memref<2x128x64xf32, #tpu.memory_space<vmem>> -> memref<1x128x64xf32, #tpu.memory_space<vmem>>
      %swap3A_3058 = tpu.memref_squeeze %swap3A_3057 : memref<1x128x64xf32, #tpu.memory_space<vmem>> -> memref<128x64xf32, #tpu.memory_space<vmem>>
      %swap3A_3059 = arith.index_cast %scan3A_3003 : i32 to index
      %swap3A_3060 = arith.constant 16 : index
      %swap3A_3061 = tpu.vector_load %swap3A_3058[%swap3A_3059, %swap3A_3060] {strides = array<i32>} : memref<128x64xf32, #tpu.memory_space<vmem>>, vector<1x16xf32>,
      %swap3A_3062 = vector.shape_cast %swap3A_3061 : vector<1x16xf32> to vector<16xf32>
      %swap3A_3063 = vector.shape_cast %broadcast_in_dim3A_3 : vector<16xf32> to vector<1x16xf32>
      tpu.vector_store %swap3A_3058[%swap3A_3059, %swap3A_3060], %swap3A_3063 {strides = array<i32>} : memref<128x64xf32, #tpu.memory_space<vmem>>, vector<1x16xf32>,
      %swap3A_3064 = arith.constant 1 : i32
      %swap3A_3065 = arith.constant 0 : i32
      %swap3A_3066 = arith.constant 0 : i32
      %swap3A_3067 = tpu.memref_slice %arg13[%swap3A_3064, %swap3A_3065, %swap3A_3066] : memref<2x128x64xf32, #tpu.memory_space<vmem>> -> memref<1x128x64xf32, #tpu.memory_space<vmem>>
      %swap3A_3068 = tpu.memref_squeeze %swap3A_3067 : memref<1x128x64xf32, #tpu.memory_space<vmem>> -> memref<128x64xf32, #tpu.memory_space<vmem>>
      %swap3A_3069 = arith.index_cast %scan3A_3003 : i32 to index
      %swap3A_3070 = arith.constant 32 : index
      %swap3A_3071 = tpu.vector_load %swap3A_3068[%swap3A_3069, %swap3A_3070] {strides = array<i32>} : memref<128x64xf32, #tpu.memory_space<vmem>>, vector<1x16xf32>,
      %swap3A_3072 = vector.shape_cast %swap3A_3071 : vector<1x16xf32> to vector<16xf32>
      %swap3A_3073 = vector.shape_cast %broadcast_in_dim3A_3 : vector<16xf32> to vector<1x16xf32>
      tpu.vector_store %swap3A_3068[%swap3A_3069, %swap3A_3070], %swap3A_3073 {strides = array<i32>} : memref<128x64xf32, #tpu.memory_space<vmem>>, vector<1x16xf32>,
      %swap3A_3074 = arith.constant 1 : i32
      %swap3A_3075 = arith.constant 0 : i32
      %swap3A_3076 = arith.constant 0 : i32
      %swap3A_3077 = tpu.memref_slice %arg13[%swap3A_3074, %swap3A_3075, %swap3A_3076] : memref<2x128x64xf32, #tpu.memory_space<vmem>> -> memref<1x128x64xf32, #tpu.memory_space<vmem>>
      %swap3A_3078 = tpu.memref_squeeze %swap3A_3077 : memref<1x128x64xf32, #tpu.memory_space<vmem>> -> memref<128x64xf32, #tpu.memory_space<vmem>>
      %swap3A_3079 = arith.index_cast %scan3A_3003 : i32 to index
      %swap3A_3080 = arith.constant 48 : index
      %swap3A_3081 = tpu.vector_load %swap3A_3078[%swap3A_3079, %swap3A_3080] {strides = array<i32>} : memref<128x64xf32, #tpu.memory_space<vmem>>, vector<1x16xf32>,
      %swap3A_3082 = vector.shape_cast %swap3A_3081 : vector<1x16xf32> to vector<16xf32>
      %swap3A_3083 = vector.shape_cast %broadcast_in_dim3A_3 : vector<16xf32> to vector<1x16xf32>
      tpu.vector_store %swap3A_3078[%swap3A_3079, %swap3A_3080], %swap3A_3083 {strides = array<i32>} : memref<128x64xf32, #tpu.memory_space<vmem>>, vector<1x16xf32>,
      %scan3A_3084 = arith.constant 0 : i32
      scf.yield %scan3A_3084 : i32
    }
    %scan3A_9 = arith.constant 128 : i32
    %add3A_10 = arith.constant 0 : i32
    %add3A_11 = arith.addi %mul3A_2, %add3A_10 : i32
    %run_scoped3A = arith.constant 0 : i32
    "tpu.region"() ({
      %run_scoped3A_3003 = tpu.sem_alloc : memref<!tpu.dma_semaphore, #tpu.memory_space<semaphore_mem>>
      %dma_start3A_3004 = arith.constant 0 : i32
      %dma_start3A_3005 = tpu.memref_slice %arg8[%run_scoped3A, %dma_start3A_3004] : memref<2x128xi32, #tpu.memory_space<vmem>> -> memref<1x128xi32, #tpu.memory_space<vmem>>
      %dma_start3A_3006 = tpu.memref_squeeze %dma_start3A_3005 : memref<1x128xi32, #tpu.memory_space<vmem>> -> memref<128xi32, #tpu.memory_space<vmem>>
      %dma_start3A_3007 = tpu.memref_slice %arg2[%add3A_11] : memref<16384xi32, #tpu.memory_space<hbm>> -> memref<128xi32, #tpu.memory_space<hbm>>
      %dma_start3A_3008 = arith.constant 0 : i32
      %dma_start3A_3009 = tpu.memref_slice %arg8[%run_scoped3A, %dma_start3A_3008] : memref<2x128xi32, #tpu.memory_space<vmem>> -> memref<1x128xi32, #tpu.memory_space<vmem>>
      %dma_start3A_3010 = tpu.memref_squeeze %dma_start3A_3009 : memref<1x128xi32, #tpu.memory_space<vmem>> -> memref<128xi32, #tpu.memory_space<vmem>>
      %dma_start3A_3011 = tpu.memref_slice %arg2[%add3A_11] : memref<16384xi32, #tpu.memory_space<hbm>> -> memref<128xi32, #tpu.memory_space<hbm>>
      tpu.enqueue_dma source(%dma_start3A_3011 : memref<128xi32, #tpu.memory_space<hbm>>) target(%dma_start3A_3010 : memref<128xi32, #tpu.memory_space<vmem>>) target_semaphore(%run_scoped3A_3003 : memref<!tpu.dma_semaphore, #tpu.memory_space<semaphore_mem>>)
      %dma_wait3A_3012 = arith.constant 0 : i32
      %dma_wait3A_3013 = tpu.memref_slice %arg8[%run_scoped3A, %dma_wait3A_3012] : memref<2x128xi32, #tpu.memory_space<vmem>> -> memref<1x128xi32, #tpu.memory_space<vmem>>
      %dma_wait3A_3014 = tpu.memref_squeeze %dma_wait3A_3013 : memref<1x128xi32, #tpu.memory_space<vmem>> -> memref<128xi32, #tpu.memory_space<vmem>>
      %dma_wait3A_3015 = tpu.memref_slice %arg2[%add3A_11] : memref<16384xi32, #tpu.memory_space<hbm>> -> memref<128xi32, #tpu.memory_space<hbm>>
      %dma_wait3A_3016 = arith.constant 0 : i32
      %dma_wait3A_3017 = tpu.memref_slice %arg8[%run_scoped3A, %dma_wait3A_3016] : memref<2x128xi32, #tpu.memory_space<vmem>> -> memref<1x128xi32, #tpu.memory_space<vmem>>
      %dma_wait3A_3018 = tpu.memref_squeeze %dma_wait3A_3017 : memref<1x128xi32, #tpu.memory_space<vmem>> -> memref<128xi32, #tpu.memory_space<vmem>>
      %dma_wait3A_3019 = tpu.memref_slice %arg2[%add3A_11] : memref<16384xi32, #tpu.memory_space<hbm>> -> memref<128xi32, #tpu.memory_space<hbm>>
      tpu.wait_dma2 semaphore(%run_scoped3A_3003 : memref<!tpu.dma_semaphore, #tpu.memory_space<semaphore_mem>>) src(%dma_wait3A_3019 : memref<128xi32, #tpu.memory_space<hbm>>) dst(%dma_wait3A_3018 : memref<128xi32, #tpu.memory_space<vmem>>)
      tpu.yield
    }) : () -> ()
    %run_scoped3A_12 = arith.constant 0 : i32
    "tpu.region"() ({
      %run_scoped3A_3003 = tpu.sem_alloc : memref<!tpu.dma_semaphore, #tpu.memory_space<semaphore_mem>>
      %dma_start3A_3004 = arith.constant 0 : i32
      %dma_start3A_3005 = tpu.memref_slice %arg9[%run_scoped3A_12, %dma_start3A_3004] : memref<2x128xi32, #tpu.memory_space<vmem>> -> memref<1x128xi32, #tpu.memory_space<vmem>>
      %dma_start3A_3006 = tpu.memref_squeeze %dma_start3A_3005 : memref<1x128xi32, #tpu.memory_space<vmem>> -> memref<128xi32, #tpu.memory_space<vmem>>
      %dma_start3A_3007 = tpu.memref_slice %arg3[%add3A_11] : memref<16384xi32, #tpu.memory_space<hbm>> -> memref<128xi32, #tpu.memory_space<hbm>>
      %dma_start3A_3008 = arith.constant 0 : i32
      %dma_start3A_3009 = tpu.memref_slice %arg9[%run_scoped3A_12, %dma_start3A_3008] : memref<2x128xi32, #tpu.memory_space<vmem>> -> memref<1x128xi32, #tpu.memory_space<vmem>>
      %dma_start3A_3010 = tpu.memref_squeeze %dma_start3A_3009 : memref<1x128xi32, #tpu.memory_space<vmem>> -> memref<128xi32, #tpu.memory_space<vmem>>
      %dma_start3A_3011 = tpu.memref_slice %arg3[%add3A_11] : memref<16384xi32, #tpu.memory_space<hbm>> -> memref<128xi32, #tpu.memory_space<hbm>>
      tpu.enqueue_dma source(%dma_start3A_3011 : memref<128xi32, #tpu.memory_space<hbm>>) target(%dma_start3A_3010 : memref<128xi32, #tpu.memory_space<vmem>>) target_semaphore(%run_scoped3A_3003 : memref<!tpu.dma_semaphore, #tpu.memory_space<semaphore_mem>>)
      %dma_wait3A_3012 = arith.constant 0 : i32
      %dma_wait3A_3013 = tpu.memref_slice %arg9[%run_scoped3A_12, %dma_wait3A_3012] : memref<2x128xi32, #tpu.memory_space<vmem>> -> memref<1x128xi32, #tpu.memory_space<vmem>>
      %dma_wait3A_3014 = tpu.memref_squeeze %dma_wait3A_3013 : memref<1x128xi32, #tpu.memory_space<vmem>> -> memref<128xi32, #tpu.memory_space<vmem>>
      %dma_wait3A_3015 = tpu.memref_slice %arg3[%add3A_11] : memref<16384xi32, #tpu.memory_space<hbm>> -> memref<128xi32, #tpu.memory_space<hbm>>
      %dma_wait3A_3016 = arith.constant 0 : i32
      %dma_wait3A_3017 = tpu.memref_slice %arg9[%run_scoped3A_12, %dma_wait3A_3016] : memref<2x128xi32, #tpu.memory_space<vmem>> -> memref<1x128xi32, #tpu.memory_space<vmem>>
      %dma_wait3A_3018 = tpu.memref_squeeze %dma_wait3A_3017 : memref<1x128xi32, #tpu.memory_space<vmem>> -> memref<128xi32, #tpu.memory_space<vmem>>
      %dma_wait3A_3019 = tpu.memref_slice %arg3[%add3A_11] : memref<16384xi32, #tpu.memory_space<hbm>> -> memref<128xi32, #tpu.memory_space<hbm>>
      tpu.wait_dma2 semaphore(%run_scoped3A_3003 : memref<!tpu.dma_semaphore, #tpu.memory_space<semaphore_mem>>) src(%dma_wait3A_3019 : memref<128xi32, #tpu.memory_space<hbm>>) dst(%dma_wait3A_3018 : memref<128xi32, #tpu.memory_space<vmem>>)
      tpu.yield
    }) : () -> ()
    %run_scoped3A_13 = arith.constant 0 : i32
    "tpu.region"() ({
      %run_scoped3A_3003 = tpu.sem_alloc : memref<!tpu.dma_semaphore, #tpu.memory_space<semaphore_mem>>
      %dma_start3A_3004 = arith.constant 0 : i32
      %dma_start3A_3005 = arith.constant 0 : i32
      %dma_start3A_3006 = tpu.memref_slice %arg10[%run_scoped3A_13, %dma_start3A_3004, %dma_start3A_3005] : memref<2x20x128xi32, #tpu.memory_space<vmem>> -> memref<1x20x128xi32, #tpu.memory_space<vmem>>
      %dma_start3A_3007 = tpu.memref_squeeze %dma_start3A_3006 : memref<1x20x128xi32, #tpu.memory_space<vmem>> -> memref<20x128xi32, #tpu.memory_space<vmem>>
      %dma_start3A_3008 = arith.constant 0 : i32
      %dma_start3A_3009 = tpu.memref_slice %arg4[%dma_start3A_3008, %add3A_11] : memref<20x16384xi32, #tpu.memory_space<hbm>> -> memref<20x128xi32, #tpu.memory_space<hbm>>
      %dma_start3A_3010 = arith.constant 0 : i32
      %dma_start3A_3011 = arith.constant 0 : i32
      %dma_start3A_3012 = tpu.memref_slice %arg10[%run_scoped3A_13, %dma_start3A_3010, %dma_start3A_3011] : memref<2x20x128xi32, #tpu.memory_space<vmem>> -> memref<1x20x128xi32, #tpu.memory_space<vmem>>
      %dma_start3A_3013 = tpu.memref_squeeze %dma_start3A_3012 : memref<1x20x128xi32, #tpu.memory_space<vmem>> -> memref<20x128xi32, #tpu.memory_space<vmem>>
      %dma_start3A_3014 = arith.constant 0 : i32
      %dma_start3A_3015 = tpu.memref_slice %arg4[%dma_start3A_3014, %add3A_11] : memref<20x16384xi32, #tpu.memory_space<hbm>> -> memref<20x128xi32, #tpu.memory_space<hbm>>
      tpu.enqueue_dma source(%dma_start3A_3015 : memref<20x128xi32, #tpu.memory_space<hbm>>) target(%dma_start3A_3013 : memref<20x128xi32, #tpu.memory_space<vmem>>) target_semaphore(%run_scoped3A_3003 : memref<!tpu.dma_semaphore, #tpu.memory_space<semaphore_mem>>)
      %dma_wait3A_3016 = arith.constant 0 : i32
      %dma_wait3A_3017 = arith.constant 0 : i32
      %dma_wait3A_3018 = tpu.memref_slice %arg10[%run_scoped3A_13, %dma_wait3A_3016, %dma_wait3A_3017] : memref<2x20x128xi32, #tpu.memory_space<vmem>> -> memref<1x20x128xi32, #tpu.memory_space<vmem>>
      %dma_wait3A_3019 = tpu.memref_squeeze %dma_wait3A_3018 : memref<1x20x128xi32, #tpu.memory_space<vmem>> -> memref<20x128xi32, #tpu.memory_space<vmem>>
      %dma_wait3A_3020 = arith.constant 0 : i32
      %dma_wait3A_3021 = tpu.memref_slice %arg4[%dma_wait3A_3020, %add3A_11] : memref<20x16384xi32, #tpu.memory_space<hbm>> -> memref<20x128xi32, #tpu.memory_space<hbm>>
      %dma_wait3A_3022 = arith.constant 0 : i32
      %dma_wait3A_3023 = arith.constant 0 : i32
      %dma_wait3A_3024 = tpu.memref_slice %arg10[%run_scoped3A_13, %dma_wait3A_3022, %dma_wait3A_3023] : memref<2x20x128xi32, #tpu.memory_space<vmem>> -> memref<1x20x128xi32, #tpu.memory_space<vmem>>
      %dma_wait3A_3025 = tpu.memref_squeeze %dma_wait3A_3024 : memref<1x20x128xi32, #tpu.memory_space<vmem>> -> memref<20x128xi32, #tpu.memory_space<vmem>>
      %dma_wait3A_3026 = arith.constant 0 : i32
      %dma_wait3A_3027 = tpu.memref_slice %arg4[%dma_wait3A_3026, %add3A_11] : memref<20x16384xi32, #tpu.memory_space<hbm>> -> memref<20x128xi32, #tpu.memory_space<hbm>>
      tpu.wait_dma2 semaphore(%run_scoped3A_3003 : memref<!tpu.dma_semaphore, #tpu.memory_space<semaphore_mem>>) src(%dma_wait3A_3027 : memref<20x128xi32, #tpu.memory_space<hbm>>) dst(%dma_wait3A_3025 : memref<20x128xi32, #tpu.memory_space<vmem>>)
      tpu.yield
    }) : () -> ()
    %dma_start3A = arith.constant 0 : i32
    %dma_start3A_14 = arith.constant 0 : i32
    %dma_start3A_15 = arith.constant 0 : i32
    %dma_start3A_16 = arith.constant 0 : i32
    %dma_start3A_17 = tpu.memref_slice %arg11[%dma_start3A_14, %dma_start3A_15, %dma_start3A_16] : memref<2x128x64xf32, #tpu.memory_space<vmem>> -> memref<1x128x64xf32, #tpu.memory_space<vmem>>
    %dma_start3A_18 = tpu.memref_squeeze %dma_start3A_17 : memref<1x128x64xf32, #tpu.memory_space<vmem>> -> memref<128x64xf32, #tpu.memory_space<vmem>>
    %dma_start3A_19 = arith.constant 0 : i32
    %dma_start3A_20 = tpu.memref_slice %arg8[%dma_start3A, %dma_start3A_19] : memref<2x128xi32, #tpu.memory_space<vmem>> -> memref<1x128xi32, #tpu.memory_space<vmem>>
    %dma_start3A_21 = tpu.memref_squeeze %dma_start3A_20 : memref<1x128xi32, #tpu.memory_space<vmem>> -> memref<128xi32, #tpu.memory_space<vmem>>
    %dma_start3A_22 = arith.constant 0 : i32
    %dma_start3A_23 = arith.constant 0 : i32
    %dma_start3A_24 = tpu.memref_slice %arg5[%dma_start3A_22, %dma_start3A_23] : memref<1000000x64xf32, #tpu.memory_space<hbm>> -> memref<1000000x64xf32, #tpu.memory_space<hbm>>
    tpu.enqueue_indirect_dma source(%dma_start3A_24 : memref<1000000x64xf32, #tpu.memory_space<hbm>>) target(%dma_start3A_18 : memref<128x64xf32, #tpu.memory_space<vmem>>) offsets(%dma_start3A_21 : memref<128xi32, #tpu.memory_space<vmem>>) semaphore(%arg15 : memref<!tpu.dma_semaphore, #tpu.memory_space<semaphore_mem>>)
    %dma_start3A_25 = arith.constant 0 : i32
    %dma_start3A_26 = arith.constant 0 : i32
    %dma_start3A_27 = arith.constant 0 : i32
    %dma_start3A_28 = arith.constant 0 : i32
    %dma_start3A_29 = tpu.memref_slice %arg12[%dma_start3A_26, %dma_start3A_27, %dma_start3A_28] : memref<2x128x64xf32, #tpu.memory_space<vmem>> -> memref<1x128x64xf32, #tpu.memory_space<vmem>>
    %dma_start3A_30 = tpu.memref_squeeze %dma_start3A_29 : memref<1x128x64xf32, #tpu.memory_space<vmem>> -> memref<128x64xf32, #tpu.memory_space<vmem>>
    %dma_start3A_31 = arith.constant 0 : i32
    %dma_start3A_32 = tpu.memref_slice %arg9[%dma_start3A_25, %dma_start3A_31] : memref<2x128xi32, #tpu.memory_space<vmem>> -> memref<1x128xi32, #tpu.memory_space<vmem>>
    %dma_start3A_33 = tpu.memref_squeeze %dma_start3A_32 : memref<1x128xi32, #tpu.memory_space<vmem>> -> memref<128xi32, #tpu.memory_space<vmem>>
    %dma_start3A_34 = arith.constant 0 : i32
    %dma_start3A_35 = arith.constant 0 : i32
    %dma_start3A_36 = tpu.memref_slice %arg6[%dma_start3A_34, %dma_start3A_35] : memref<1000000x64xf32, #tpu.memory_space<hbm>> -> memref<1000000x64xf32, #tpu.memory_space<hbm>>
    tpu.enqueue_indirect_dma source(%dma_start3A_36 : memref<1000000x64xf32, #tpu.memory_space<hbm>>) target(%dma_start3A_30 : memref<128x64xf32, #tpu.memory_space<vmem>>) offsets(%dma_start3A_33 : memref<128xi32, #tpu.memory_space<vmem>>) semaphore(%arg15 : memref<!tpu.dma_semaphore, #tpu.memory_space<semaphore_mem>>)
    %dma_start3A_37 = arith.constant 0 : i32
    %dma_start3A_38 = arith.constant 0 : i32
    %dma_start3A_39 = arith.constant 0 : i32
    %dma_start3A_40 = arith.constant 0 : i32
    %dma_start3A_41 = arith.constant 0 : i32
    %dma_start3A_42 = tpu.memref_slice %arg13[%dma_start3A_39, %dma_start3A_40, %dma_start3A_41] : memref<2x128x64xf32, #tpu.memory_space<vmem>> -> memref<1x128x64xf32, #tpu.memory_space<vmem>>
    %dma_start3A_43 = tpu.memref_squeeze %dma_start3A_42 : memref<1x128x64xf32, #tpu.memory_space<vmem>> -> memref<128x64xf32, #tpu.memory_space<vmem>>
    %dma_start3A_44 = arith.constant 0 : i32
    %dma_start3A_45 = arith.constant 0 : i32
    %dma_start3A_46 = tpu.memref_slice %arg10[%dma_start3A_37, %dma_start3A_44, %dma_start3A_45] : memref<2x20x128xi32, #tpu.memory_space<vmem>> -> memref<1x20x128xi32, #tpu.memory_space<vmem>>
    %dma_start3A_47 = tpu.memref_squeeze %dma_start3A_46 : memref<1x20x128xi32, #tpu.memory_space<vmem>> -> memref<20x128xi32, #tpu.memory_space<vmem>>
    %dma_start3A_48 = arith.constant 0 : i32
    %dma_start3A_49 = tpu.memref_slice %dma_start3A_47[%dma_start3A_38, %dma_start3A_48] : memref<20x128xi32, #tpu.memory_space<vmem>> -> memref<1x128xi32, #tpu.memory_space<vmem>>
    %dma_start3A_50 = tpu.memref_squeeze %dma_start3A_49 : memref<1x128xi32, #tpu.memory_space<vmem>> -> memref<128xi32, #tpu.memory_space<vmem>>
    %dma_start3A_51 = arith.constant 0 : i32
    %dma_start3A_52 = arith.constant 0 : i32
    %dma_start3A_53 = tpu.memref_slice %arg6[%dma_start3A_51, %dma_start3A_52] : memref<1000000x64xf32, #tpu.memory_space<hbm>> -> memref<1000000x64xf32, #tpu.memory_space<hbm>>
    tpu.enqueue_indirect_dma source(%dma_start3A_53 : memref<1000000x64xf32, #tpu.memory_space<hbm>>) target(%dma_start3A_43 : memref<128x64xf32, #tpu.memory_space<vmem>>) offsets(%dma_start3A_50 : memref<128xi32, #tpu.memory_space<vmem>>) semaphore(%arg15 : memref<!tpu.dma_semaphore, #tpu.memory_space<semaphore_mem>>) {add = true}
    %dma_start3A_54 = arith.constant 0 : i32
    %dma_start3A_55 = arith.constant 1 : i32
    %dma_start3A_56 = arith.constant 0 : i32
    %dma_start3A_57 = arith.constant 0 : i32
    %dma_start3A_58 = arith.constant 0 : i32
    %dma_start3A_59 = tpu.memref_slice %arg13[%dma_start3A_56, %dma_start3A_57, %dma_start3A_58] : memref<2x128x64xf32, #tpu.memory_space<vmem>> -> memref<1x128x64xf32, #tpu.memory_space<vmem>>
    %dma_start3A_60 = tpu.memref_squeeze %dma_start3A_59 : memref<1x128x64xf32, #tpu.memory_space<vmem>> -> memref<128x64xf32, #tpu.memory_space<vmem>>
    %dma_start3A_61 = arith.constant 0 : i32
    %dma_start3A_62 = arith.constant 0 : i32
    %dma_start3A_63 = tpu.memref_slice %arg10[%dma_start3A_54, %dma_start3A_61, %dma_start3A_62] : memref<2x20x128xi32, #tpu.memory_space<vmem>> -> memref<1x20x128xi32, #tpu.memory_space<vmem>>
    %dma_start3A_64 = tpu.memref_squeeze %dma_start3A_63 : memref<1x20x128xi32, #tpu.memory_space<vmem>> -> memref<20x128xi32, #tpu.memory_space<vmem>>
    %dma_start3A_65 = arith.constant 0 : i32
    %dma_start3A_66 = tpu.memref_slice %dma_start3A_64[%dma_start3A_55, %dma_start3A_65] : memref<20x128xi32, #tpu.memory_space<vmem>> -> memref<1x128xi32, #tpu.memory_space<vmem>>
    %dma_start3A_67 = tpu.memref_squeeze %dma_start3A_66 : memref<1x128xi32, #tpu.memory_space<vmem>> -> memref<128xi32, #tpu.memory_space<vmem>>
    %dma_start3A_68 = arith.constant 0 : i32
    %dma_start3A_69 = arith.constant 0 : i32
    %dma_start3A_70 = tpu.memref_slice %arg6[%dma_start3A_68, %dma_start3A_69] : memref<1000000x64xf32, #tpu.memory_space<hbm>> -> memref<1000000x64xf32, #tpu.memory_space<hbm>>
    tpu.enqueue_indirect_dma source(%dma_start3A_70 : memref<1000000x64xf32, #tpu.memory_space<hbm>>) target(%dma_start3A_60 : memref<128x64xf32, #tpu.memory_space<vmem>>) offsets(%dma_start3A_67 : memref<128xi32, #tpu.memory_space<vmem>>) semaphore(%arg15 : memref<!tpu.dma_semaphore, #tpu.memory_space<semaphore_mem>>) {add = true}
    %dma_start3A_71 = arith.constant 0 : i32
    %dma_start3A_72 = arith.constant 2 : i32
    %dma_start3A_73 = arith.constant 0 : i32
    %dma_start3A_74 = arith.constant 0 : i32
    %dma_start3A_75 = arith.constant 0 : i32
    %dma_start3A_76 = tpu.memref_slice %arg13[%dma_start3A_73, %dma_start3A_74, %dma_start3A_75] : memref<2x128x64xf32, #tpu.memory_space<vmem>> -> memref<1x128x64xf32, #tpu.memory_space<vmem>>
    %dma_start3A_77 = tpu.memref_squeeze %dma_start3A_76 : memref<1x128x64xf32, #tpu.memory_space<vmem>> -> memref<128x64xf32, #tpu.memory_space<vmem>>
    %dma_start3A_78 = arith.constant 0 : i32
    %dma_start3A_79 = arith.constant 0 : i32
    %dma_start3A_80 = tpu.memref_slice %arg10[%dma_start3A_71, %dma_start3A_78, %dma_start3A_79] : memref<2x20x128xi32, #tpu.memory_space<vmem>> -> memref<1x20x128xi32, #tpu.memory_space<vmem>>
    %dma_start3A_81 = tpu.memref_squeeze %dma_start3A_80 : memref<1x20x128xi32, #tpu.memory_space<vmem>> -> memref<20x128xi32, #tpu.memory_space<vmem>>
    %dma_start3A_82 = arith.constant 0 : i32
    %dma_start3A_83 = tpu.memref_slice %dma_start3A_81[%dma_start3A_72, %dma_start3A_82] : memref<20x128xi32, #tpu.memory_space<vmem>> -> memref<1x128xi32, #tpu.memory_space<vmem>>
    %dma_start3A_84 = tpu.memref_squeeze %dma_start3A_83 : memref<1x128xi32, #tpu.memory_space<vmem>> -> memref<128xi32, #tpu.memory_space<vmem>>
    %dma_start3A_85 = arith.constant 0 : i32
    %dma_start3A_86 = arith.constant 0 : i32
    %dma_start3A_87 = tpu.memref_slice %arg6[%dma_start3A_85, %dma_start3A_86] : memref<1000000x64xf32, #tpu.memory_space<hbm>> -> memref<1000000x64xf32, #tpu.memory_space<hbm>>
    tpu.enqueue_indirect_dma source(%dma_start3A_87 : memref<1000000x64xf32, #tpu.memory_space<hbm>>) target(%dma_start3A_77 : memref<128x64xf32, #tpu.memory_space<vmem>>) offsets(%dma_start3A_84 : memref<128xi32, #tpu.memory_space<vmem>>) semaphore(%arg15 : memref<!tpu.dma_semaphore, #tpu.memory_space<semaphore_mem>>) {add = true}
    %dma_start3A_88 = arith.constant 0 : i32
    %dma_start3A_89 = arith.constant 3 : i32
    %dma_start3A_90 = arith.constant 0 : i32
    %dma_start3A_91 = arith.constant 0 : i32
    %dma_start3A_92 = arith.constant 0 : i32
    %dma_start3A_93 = tpu.memref_slice %arg13[%dma_start3A_90, %dma_start3A_91, %dma_start3A_92] : memref<2x128x64xf32, #tpu.memory_space<vmem>> -> memref<1x128x64xf32, #tpu.memory_space<vmem>>
    %dma_start3A_94 = tpu.memref_squeeze %dma_start3A_93 : memref<1x128x64xf32, #tpu.memory_space<vmem>> -> memref<128x64xf32, #tpu.memory_space<vmem>>
    %dma_start3A_95 = arith.constant 0 : i32
    %dma_start3A_96 = arith.constant 0 : i32
    %dma_start3A_97 = tpu.memref_slice %arg10[%dma_start3A_88, %dma_start3A_95, %dma_start3A_96] : memref<2x20x128xi32, #tpu.memory_space<vmem>> -> memref<1x20x128xi32, #tpu.memory_space<vmem>>
    %dma_start3A_98 = tpu.memref_squeeze %dma_start3A_97 : memref<1x20x128xi32, #tpu.memory_space<vmem>> -> memref<20x128xi32, #tpu.memory_space<vmem>>
    %dma_start3A_99 = arith.constant 0 : i32
    %dma_start3A_100 = tpu.memref_slice %dma_start3A_98[%dma_start3A_89, %dma_start3A_99] : memref<20x128xi32, #tpu.memory_space<vmem>> -> memref<1x128xi32, #tpu.memory_space<vmem>>
    %dma_start3A_101 = tpu.memref_squeeze %dma_start3A_100 : memref<1x128xi32, #tpu.memory_space<vmem>> -> memref<128xi32, #tpu.memory_space<vmem>>
    %dma_start3A_102 = arith.constant 0 : i32
    %dma_start3A_103 = arith.constant 0 : i32
    %dma_start3A_104 = tpu.memref_slice %arg6[%dma_start3A_102, %dma_start3A_103] : memref<1000000x64xf32, #tpu.memory_space<hbm>> -> memref<1000000x64xf32, #tpu.memory_space<hbm>>
    tpu.enqueue_indirect_dma source(%dma_start3A_104 : memref<1000000x64xf32, #tpu.memory_space<hbm>>) target(%dma_start3A_94 : memref<128x64xf32, #tpu.memory_space<vmem>>) offsets(%dma_start3A_101 : memref<128xi32, #tpu.memory_space<vmem>>) semaphore(%arg15 : memref<!tpu.dma_semaphore, #tpu.memory_space<semaphore_mem>>) {add = true}
    %dma_start3A_105 = arith.constant 0 : i32
    %dma_start3A_106 = arith.constant 4 : i32
    %dma_start3A_107 = arith.constant 0 : i32
    %dma_start3A_108 = arith.constant 0 : i32
    %dma_start3A_109 = arith.constant 0 : i32
    %dma_start3A_110 = tpu.memref_slice %arg13[%dma_start3A_107, %dma_start3A_108, %dma_start3A_109] : memref<2x128x64xf32, #tpu.memory_space<vmem>> -> memref<1x128x64xf32, #tpu.memory_space<vmem>>
    %dma_start3A_111 = tpu.memref_squeeze %dma_start3A_110 : memref<1x128x64xf32, #tpu.memory_space<vmem>> -> memref<128x64xf32, #tpu.memory_space<vmem>>
    %dma_start3A_112 = arith.constant 0 : i32
    %dma_start3A_113 = arith.constant 0 : i32
    %dma_start3A_114 = tpu.memref_slice %arg10[%dma_start3A_105, %dma_start3A_112, %dma_start3A_113] : memref<2x20x128xi32, #tpu.memory_space<vmem>> -> memref<1x20x128xi32, #tpu.memory_space<vmem>>
    %dma_start3A_115 = tpu.memref_squeeze %dma_start3A_114 : memref<1x20x128xi32, #tpu.memory_space<vmem>> -> memref<20x128xi32, #tpu.memory_space<vmem>>
    %dma_start3A_116 = arith.constant 0 : i32
    %dma_start3A_117 = tpu.memref_slice %dma_start3A_115[%dma_start3A_106, %dma_start3A_116] : memref<20x128xi32, #tpu.memory_space<vmem>> -> memref<1x128xi32, #tpu.memory_space<vmem>>
    %dma_start3A_118 = tpu.memref_squeeze %dma_start3A_117 : memref<1x128xi32, #tpu.memory_space<vmem>> -> memref<128xi32, #tpu.memory_space<vmem>>
    %dma_start3A_119 = arith.constant 0 : i32
    %dma_start3A_120 = arith.constant 0 : i32
    %dma_start3A_121 = tpu.memref_slice %arg6[%dma_start3A_119, %dma_start3A_120] : memref<1000000x64xf32, #tpu.memory_space<hbm>> -> memref<1000000x64xf32, #tpu.memory_space<hbm>>
    tpu.enqueue_indirect_dma source(%dma_start3A_121 : memref<1000000x64xf32, #tpu.memory_space<hbm>>) target(%dma_start3A_111 : memref<128x64xf32, #tpu.memory_space<vmem>>) offsets(%dma_start3A_118 : memref<128xi32, #tpu.memory_space<vmem>>) semaphore(%arg15 : memref<!tpu.dma_semaphore, #tpu.memory_space<semaphore_mem>>) {add = true}
    %dma_start3A_122 = arith.constant 0 : i32
    %dma_start3A_123 = arith.constant 5 : i32
    %dma_start3A_124 = arith.constant 0 : i32
    %dma_start3A_125 = arith.constant 0 : i32
    %dma_start3A_126 = arith.constant 0 : i32
    %dma_start3A_127 = tpu.memref_slice %arg13[%dma_start3A_124, %dma_start3A_125, %dma_start3A_126] : memref<2x128x64xf32, #tpu.memory_space<vmem>> -> memref<1x128x64xf32, #tpu.memory_space<vmem>>
    %dma_start3A_128 = tpu.memref_squeeze %dma_start3A_127 : memref<1x128x64xf32, #tpu.memory_space<vmem>> -> memref<128x64xf32, #tpu.memory_space<vmem>>
    %dma_start3A_129 = arith.constant 0 : i32
    %dma_start3A_130 = arith.constant 0 : i32
    %dma_start3A_131 = tpu.memref_slice %arg10[%dma_start3A_122, %dma_start3A_129, %dma_start3A_130] : memref<2x20x128xi32, #tpu.memory_space<vmem>> -> memref<1x20x128xi32, #tpu.memory_space<vmem>>
    %dma_start3A_132 = tpu.memref_squeeze %dma_start3A_131 : memref<1x20x128xi32, #tpu.memory_space<vmem>> -> memref<20x128xi32, #tpu.memory_space<vmem>>
    %dma_start3A_133 = arith.constant 0 : i32
    %dma_start3A_134 = tpu.memref_slice %dma_start3A_132[%dma_start3A_123, %dma_start3A_133] : memref<20x128xi32, #tpu.memory_space<vmem>> -> memref<1x128xi32, #tpu.memory_space<vmem>>
    %dma_start3A_135 = tpu.memref_squeeze %dma_start3A_134 : memref<1x128xi32, #tpu.memory_space<vmem>> -> memref<128xi32, #tpu.memory_space<vmem>>
    %dma_start3A_136 = arith.constant 0 : i32
    %dma_start3A_137 = arith.constant 0 : i32
    %dma_start3A_138 = tpu.memref_slice %arg6[%dma_start3A_136, %dma_start3A_137] : memref<1000000x64xf32, #tpu.memory_space<hbm>> -> memref<1000000x64xf32, #tpu.memory_space<hbm>>
    tpu.enqueue_indirect_dma source(%dma_start3A_138 : memref<1000000x64xf32, #tpu.memory_space<hbm>>) target(%dma_start3A_128 : memref<128x64xf32, #tpu.memory_space<vmem>>) offsets(%dma_start3A_135 : memref<128xi32, #tpu.memory_space<vmem>>) semaphore(%arg15 : memref<!tpu.dma_semaphore, #tpu.memory_space<semaphore_mem>>) {add = true}
    %dma_start3A_139 = arith.constant 0 : i32
    %dma_start3A_140 = arith.constant 6 : i32
    %dma_start3A_141 = arith.constant 0 : i32
    %dma_start3A_142 = arith.constant 0 : i32
    %dma_start3A_143 = arith.constant 0 : i32
    %dma_start3A_144 = tpu.memref_slice %arg13[%dma_start3A_141, %dma_start3A_142, %dma_start3A_143] : memref<2x128x64xf32, #tpu.memory_space<vmem>> -> memref<1x128x64xf32, #tpu.memory_space<vmem>>
    %dma_start3A_145 = tpu.memref_squeeze %dma_start3A_144 : memref<1x128x64xf32, #tpu.memory_space<vmem>> -> memref<128x64xf32, #tpu.memory_space<vmem>>
    %dma_start3A_146 = arith.constant 0 : i32
    %dma_start3A_147 = arith.constant 0 : i32
    %dma_start3A_148 = tpu.memref_slice %arg10[%dma_start3A_139, %dma_start3A_146, %dma_start3A_147] : memref<2x20x128xi32, #tpu.memory_space<vmem>> -> memref<1x20x128xi32, #tpu.memory_space<vmem>>
    %dma_start3A_149 = tpu.memref_squeeze %dma_start3A_148 : memref<1x20x128xi32, #tpu.memory_space<vmem>> -> memref<20x128xi32, #tpu.memory_space<vmem>>
    %dma_start3A_150 = arith.constant 0 : i32
    %dma_start3A_151 = tpu.memref_slice %dma_start3A_149[%dma_start3A_140, %dma_start3A_150] : memref<20x128xi32, #tpu.memory_space<vmem>> -> memref<1x128xi32, #tpu.memory_space<vmem>>
    %dma_start3A_152 = tpu.memref_squeeze %dma_start3A_151 : memref<1x128xi32, #tpu.memory_space<vmem>> -> memref<128xi32, #tpu.memory_space<vmem>>
    %dma_start3A_153 = arith.constant 0 : i32
    %dma_start3A_154 = arith.constant 0 : i32
    %dma_start3A_155 = tpu.memref_slice %arg6[%dma_start3A_153, %dma_start3A_154] : memref<1000000x64xf32, #tpu.memory_space<hbm>> -> memref<1000000x64xf32, #tpu.memory_space<hbm>>
    tpu.enqueue_indirect_dma source(%dma_start3A_155 : memref<1000000x64xf32, #tpu.memory_space<hbm>>) target(%dma_start3A_145 : memref<128x64xf32, #tpu.memory_space<vmem>>) offsets(%dma_start3A_152 : memref<128xi32, #tpu.memory_space<vmem>>) semaphore(%arg15 : memref<!tpu.dma_semaphore, #tpu.memory_space<semaphore_mem>>) {add = true}
    %dma_start3A_156 = arith.constant 0 : i32
    %dma_start3A_157 = arith.constant 7 : i32
    %dma_start3A_158 = arith.constant 0 : i32
    %dma_start3A_159 = arith.constant 0 : i32
    %dma_start3A_160 = arith.constant 0 : i32
    %dma_start3A_161 = tpu.memref_slice %arg13[%dma_start3A_158, %dma_start3A_159, %dma_start3A_160] : memref<2x128x64xf32, #tpu.memory_space<vmem>> -> memref<1x128x64xf32, #tpu.memory_space<vmem>>
    %dma_start3A_162 = tpu.memref_squeeze %dma_start3A_161 : memref<1x128x64xf32, #tpu.memory_space<vmem>> -> memref<128x64xf32, #tpu.memory_space<vmem>>
    %dma_start3A_163 = arith.constant 0 : i32
    %dma_start3A_164 = arith.constant 0 : i32
    %dma_start3A_165 = tpu.memref_slice %arg10[%dma_start3A_156, %dma_start3A_163, %dma_start3A_164] : memref<2x20x128xi32, #tpu.memory_space<vmem>> -> memref<1x20x128xi32, #tpu.memory_space<vmem>>
    %dma_start3A_166 = tpu.memref_squeeze %dma_start3A_165 : memref<1x20x128xi32, #tpu.memory_space<vmem>> -> memref<20x128xi32, #tpu.memory_space<vmem>>
    %dma_start3A_167 = arith.constant 0 : i32
    %dma_start3A_168 = tpu.memref_slice %dma_start3A_166[%dma_start3A_157, %dma_start3A_167] : memref<20x128xi32, #tpu.memory_space<vmem>> -> memref<1x128xi32, #tpu.memory_space<vmem>>
    %dma_start3A_169 = tpu.memref_squeeze %dma_start3A_168 : memref<1x128xi32, #tpu.memory_space<vmem>> -> memref<128xi32, #tpu.memory_space<vmem>>
    %dma_start3A_170 = arith.constant 0 : i32
    %dma_start3A_171 = arith.constant 0 : i32
    %dma_start3A_172 = tpu.memref_slice %arg6[%dma_start3A_170, %dma_start3A_171] : memref<1000000x64xf32, #tpu.memory_space<hbm>> -> memref<1000000x64xf32, #tpu.memory_space<hbm>>
    tpu.enqueue_indirect_dma source(%dma_start3A_172 : memref<1000000x64xf32, #tpu.memory_space<hbm>>) target(%dma_start3A_162 : memref<128x64xf32, #tpu.memory_space<vmem>>) offsets(%dma_start3A_169 : memref<128xi32, #tpu.memory_space<vmem>>) semaphore(%arg15 : memref<!tpu.dma_semaphore, #tpu.memory_space<semaphore_mem>>) {add = true}
    %dma_start3A_173 = arith.constant 0 : i32
    %dma_start3A_174 = arith.constant 8 : i32
    %dma_start3A_175 = arith.constant 0 : i32
    %dma_start3A_176 = arith.constant 0 : i32
    %dma_start3A_177 = arith.constant 0 : i32
    %dma_start3A_178 = tpu.memref_slice %arg13[%dma_start3A_175, %dma_start3A_176, %dma_start3A_177] : memref<2x128x64xf32, #tpu.memory_space<vmem>> -> memref<1x128x64xf32, #tpu.memory_space<vmem>>
    %dma_start3A_179 = tpu.memref_squeeze %dma_start3A_178 : memref<1x128x64xf32, #tpu.memory_space<vmem>> -> memref<128x64xf32, #tpu.memory_space<vmem>>
    %dma_start3A_180 = arith.constant 0 : i32
    %dma_start3A_181 = arith.constant 0 : i32
    %dma_start3A_182 = tpu.memref_slice %arg10[%dma_start3A_173, %dma_start3A_180, %dma_start3A_181] : memref<2x20x128xi32, #tpu.memory_space<vmem>> -> memref<1x20x128xi32, #tpu.memory_space<vmem>>
    %dma_start3A_183 = tpu.memref_squeeze %dma_start3A_182 : memref<1x20x128xi32, #tpu.memory_space<vmem>> -> memref<20x128xi32, #tpu.memory_space<vmem>>
    %dma_start3A_184 = arith.constant 0 : i32
    %dma_start3A_185 = tpu.memref_slice %dma_start3A_183[%dma_start3A_174, %dma_start3A_184] : memref<20x128xi32, #tpu.memory_space<vmem>> -> memref<1x128xi32, #tpu.memory_space<vmem>>
    %dma_start3A_186 = tpu.memref_squeeze %dma_start3A_185 : memref<1x128xi32, #tpu.memory_space<vmem>> -> memref<128xi32, #tpu.memory_space<vmem>>
    %dma_start3A_187 = arith.constant 0 : i32
    %dma_start3A_188 = arith.constant 0 : i32
    %dma_start3A_189 = tpu.memref_slice %arg6[%dma_start3A_187, %dma_start3A_188] : memref<1000000x64xf32, #tpu.memory_space<hbm>> -> memref<1000000x64xf32, #tpu.memory_space<hbm>>
    tpu.enqueue_indirect_dma source(%dma_start3A_189 : memref<1000000x64xf32, #tpu.memory_space<hbm>>) target(%dma_start3A_179 : memref<128x64xf32, #tpu.memory_space<vmem>>) offsets(%dma_start3A_186 : memref<128xi32, #tpu.memory_space<vmem>>) semaphore(%arg15 : memref<!tpu.dma_semaphore, #tpu.memory_space<semaphore_mem>>) {add = true}
    %dma_start3A_190 = arith.constant 0 : i32
    %dma_start3A_191 = arith.constant 9 : i32
    %dma_start3A_192 = arith.constant 0 : i32
    %dma_start3A_193 = arith.constant 0 : i32
    %dma_start3A_194 = arith.constant 0 : i32
    %dma_start3A_195 = tpu.memref_slice %arg13[%dma_start3A_192, %dma_start3A_193, %dma_start3A_194] : memref<2x128x64xf32, #tpu.memory_space<vmem>> -> memref<1x128x64xf32, #tpu.memory_space<vmem>>
    %dma_start3A_196 = tpu.memref_squeeze %dma_start3A_195 : memref<1x128x64xf32, #tpu.memory_space<vmem>> -> memref<128x64xf32, #tpu.memory_space<vmem>>
    %dma_start3A_197 = arith.constant 0 : i32
    %dma_start3A_198 = arith.constant 0 : i32
    %dma_start3A_199 = tpu.memref_slice %arg10[%dma_start3A_190, %dma_start3A_197, %dma_start3A_198] : memref<2x20x128xi32, #tpu.memory_space<vmem>> -> memref<1x20x128xi32, #tpu.memory_space<vmem>>
    %dma_start3A_200 = tpu.memref_squeeze %dma_start3A_199 : memref<1x20x128xi32, #tpu.memory_space<vmem>> -> memref<20x128xi32, #tpu.memory_space<vmem>>
    %dma_start3A_201 = arith.constant 0 : i32
    %dma_start3A_202 = tpu.memref_slice %dma_start3A_200[%dma_start3A_191, %dma_start3A_201] : memref<20x128xi32, #tpu.memory_space<vmem>> -> memref<1x128xi32, #tpu.memory_space<vmem>>
    %dma_start3A_203 = tpu.memref_squeeze %dma_start3A_202 : memref<1x128xi32, #tpu.memory_space<vmem>> -> memref<128xi32, #tpu.memory_space<vmem>>
    %dma_start3A_204 = arith.constant 0 : i32
    %dma_start3A_205 = arith.constant 0 : i32
    %dma_start3A_206 = tpu.memref_slice %arg6[%dma_start3A_204, %dma_start3A_205] : memref<1000000x64xf32, #tpu.memory_space<hbm>> -> memref<1000000x64xf32, #tpu.memory_space<hbm>>
    tpu.enqueue_indirect_dma source(%dma_start3A_206 : memref<1000000x64xf32, #tpu.memory_space<hbm>>) target(%dma_start3A_196 : memref<128x64xf32, #tpu.memory_space<vmem>>) offsets(%dma_start3A_203 : memref<128xi32, #tpu.memory_space<vmem>>) semaphore(%arg15 : memref<!tpu.dma_semaphore, #tpu.memory_space<semaphore_mem>>) {add = true}
    %dma_start3A_207 = arith.constant 0 : i32
    %dma_start3A_208 = arith.constant 10 : i32
    %dma_start3A_209 = arith.constant 0 : i32
    %dma_start3A_210 = arith.constant 0 : i32
    %dma_start3A_211 = arith.constant 0 : i32
    %dma_start3A_212 = tpu.memref_slice %arg13[%dma_start3A_209, %dma_start3A_210, %dma_start3A_211] : memref<2x128x64xf32, #tpu.memory_space<vmem>> -> memref<1x128x64xf32, #tpu.memory_space<vmem>>
    %dma_start3A_213 = tpu.memref_squeeze %dma_start3A_212 : memref<1x128x64xf32, #tpu.memory_space<vmem>> -> memref<128x64xf32, #tpu.memory_space<vmem>>
    %dma_start3A_214 = arith.constant 0 : i32
    %dma_start3A_215 = arith.constant 0 : i32
    %dma_start3A_216 = tpu.memref_slice %arg10[%dma_start3A_207, %dma_start3A_214, %dma_start3A_215] : memref<2x20x128xi32, #tpu.memory_space<vmem>> -> memref<1x20x128xi32, #tpu.memory_space<vmem>>
    %dma_start3A_217 = tpu.memref_squeeze %dma_start3A_216 : memref<1x20x128xi32, #tpu.memory_space<vmem>> -> memref<20x128xi32, #tpu.memory_space<vmem>>
    %dma_start3A_218 = arith.constant 0 : i32
    %dma_start3A_219 = tpu.memref_slice %dma_start3A_217[%dma_start3A_208, %dma_start3A_218] : memref<20x128xi32, #tpu.memory_space<vmem>> -> memref<1x128xi32, #tpu.memory_space<vmem>>
    %dma_start3A_220 = tpu.memref_squeeze %dma_start3A_219 : memref<1x128xi32, #tpu.memory_space<vmem>> -> memref<128xi32, #tpu.memory_space<vmem>>
    %dma_start3A_221 = arith.constant 0 : i32
    %dma_start3A_222 = arith.constant 0 : i32
    %dma_start3A_223 = tpu.memref_slice %arg6[%dma_start3A_221, %dma_start3A_222] : memref<1000000x64xf32, #tpu.memory_space<hbm>> -> memref<1000000x64xf32, #tpu.memory_space<hbm>>
    tpu.enqueue_indirect_dma source(%dma_start3A_223 : memref<1000000x64xf32, #tpu.memory_space<hbm>>) target(%dma_start3A_213 : memref<128x64xf32, #tpu.memory_space<vmem>>) offsets(%dma_start3A_220 : memref<128xi32, #tpu.memory_space<vmem>>) semaphore(%arg15 : memref<!tpu.dma_semaphore, #tpu.memory_space<semaphore_mem>>) {add = true}
    %dma_start3A_224 = arith.constant 0 : i32
    %dma_start3A_225 = arith.constant 11 : i32
    %dma_start3A_226 = arith.constant 0 : i32
    %dma_start3A_227 = arith.constant 0 : i32
    %dma_start3A_228 = arith.constant 0 : i32
    %dma_start3A_229 = tpu.memref_slice %arg13[%dma_start3A_226, %dma_start3A_227, %dma_start3A_228] : memref<2x128x64xf32, #tpu.memory_space<vmem>> -> memref<1x128x64xf32, #tpu.memory_space<vmem>>
    %dma_start3A_230 = tpu.memref_squeeze %dma_start3A_229 : memref<1x128x64xf32, #tpu.memory_space<vmem>> -> memref<128x64xf32, #tpu.memory_space<vmem>>
    %dma_start3A_231 = arith.constant 0 : i32
    %dma_start3A_232 = arith.constant 0 : i32
    %dma_start3A_233 = tpu.memref_slice %arg10[%dma_start3A_224, %dma_start3A_231, %dma_start3A_232] : memref<2x20x128xi32, #tpu.memory_space<vmem>> -> memref<1x20x128xi32, #tpu.memory_space<vmem>>
    %dma_start3A_234 = tpu.memref_squeeze %dma_start3A_233 : memref<1x20x128xi32, #tpu.memory_space<vmem>> -> memref<20x128xi32, #tpu.memory_space<vmem>>
    %dma_start3A_235 = arith.constant 0 : i32
    %dma_start3A_236 = tpu.memref_slice %dma_start3A_234[%dma_start3A_225, %dma_start3A_235] : memref<20x128xi32, #tpu.memory_space<vmem>> -> memref<1x128xi32, #tpu.memory_space<vmem>>
    %dma_start3A_237 = tpu.memref_squeeze %dma_start3A_236 : memref<1x128xi32, #tpu.memory_space<vmem>> -> memref<128xi32, #tpu.memory_space<vmem>>
    %dma_start3A_238 = arith.constant 0 : i32
    %dma_start3A_239 = arith.constant 0 : i32
    %dma_start3A_240 = tpu.memref_slice %arg6[%dma_start3A_238, %dma_start3A_239] : memref<1000000x64xf32, #tpu.memory_space<hbm>> -> memref<1000000x64xf32, #tpu.memory_space<hbm>>
    tpu.enqueue_indirect_dma source(%dma_start3A_240 : memref<1000000x64xf32, #tpu.memory_space<hbm>>) target(%dma_start3A_230 : memref<128x64xf32, #tpu.memory_space<vmem>>) offsets(%dma_start3A_237 : memref<128xi32, #tpu.memory_space<vmem>>) semaphore(%arg15 : memref<!tpu.dma_semaphore, #tpu.memory_space<semaphore_mem>>) {add = true}
    %dma_start3A_241 = arith.constant 0 : i32
    %dma_start3A_242 = arith.constant 12 : i32
    %dma_start3A_243 = arith.constant 0 : i32
    %dma_start3A_244 = arith.constant 0 : i32
    %dma_start3A_245 = arith.constant 0 : i32
    %dma_start3A_246 = tpu.memref_slice %arg13[%dma_start3A_243, %dma_start3A_244, %dma_start3A_245] : memref<2x128x64xf32, #tpu.memory_space<vmem>> -> memref<1x128x64xf32, #tpu.memory_space<vmem>>
    %dma_start3A_247 = tpu.memref_squeeze %dma_start3A_246 : memref<1x128x64xf32, #tpu.memory_space<vmem>> -> memref<128x64xf32, #tpu.memory_space<vmem>>
    %dma_start3A_248 = arith.constant 0 : i32
    %dma_start3A_249 = arith.constant 0 : i32
    %dma_start3A_250 = tpu.memref_slice %arg10[%dma_start3A_241, %dma_start3A_248, %dma_start3A_249] : memref<2x20x128xi32, #tpu.memory_space<vmem>> -> memref<1x20x128xi32, #tpu.memory_space<vmem>>
    %dma_start3A_251 = tpu.memref_squeeze %dma_start3A_250 : memref<1x20x128xi32, #tpu.memory_space<vmem>> -> memref<20x128xi32, #tpu.memory_space<vmem>>
    %dma_start3A_252 = arith.constant 0 : i32
    %dma_start3A_253 = tpu.memref_slice %dma_start3A_251[%dma_start3A_242, %dma_start3A_252] : memref<20x128xi32, #tpu.memory_space<vmem>> -> memref<1x128xi32, #tpu.memory_space<vmem>>
    %dma_start3A_254 = tpu.memref_squeeze %dma_start3A_253 : memref<1x128xi32, #tpu.memory_space<vmem>> -> memref<128xi32, #tpu.memory_space<vmem>>
    %dma_start3A_255 = arith.constant 0 : i32
    %dma_start3A_256 = arith.constant 0 : i32
    %dma_start3A_257 = tpu.memref_slice %arg6[%dma_start3A_255, %dma_start3A_256] : memref<1000000x64xf32, #tpu.memory_space<hbm>> -> memref<1000000x64xf32, #tpu.memory_space<hbm>>
    tpu.enqueue_indirect_dma source(%dma_start3A_257 : memref<1000000x64xf32, #tpu.memory_space<hbm>>) target(%dma_start3A_247 : memref<128x64xf32, #tpu.memory_space<vmem>>) offsets(%dma_start3A_254 : memref<128xi32, #tpu.memory_space<vmem>>) semaphore(%arg15 : memref<!tpu.dma_semaphore, #tpu.memory_space<semaphore_mem>>) {add = true}
    %dma_start3A_258 = arith.constant 0 : i32
    %dma_start3A_259 = arith.constant 13 : i32
    %dma_start3A_260 = arith.constant 0 : i32
    %dma_start3A_261 = arith.constant 0 : i32
    %dma_start3A_262 = arith.constant 0 : i32
    %dma_start3A_263 = tpu.memref_slice %arg13[%dma_start3A_260, %dma_start3A_261, %dma_start3A_262] : memref<2x128x64xf32, #tpu.memory_space<vmem>> -> memref<1x128x64xf32, #tpu.memory_space<vmem>>
    %dma_start3A_264 = tpu.memref_squeeze %dma_start3A_263 : memref<1x128x64xf32, #tpu.memory_space<vmem>> -> memref<128x64xf32, #tpu.memory_space<vmem>>
    %dma_start3A_265 = arith.constant 0 : i32
    %dma_start3A_266 = arith.constant 0 : i32
    %dma_start3A_267 = tpu.memref_slice %arg10[%dma_start3A_258, %dma_start3A_265, %dma_start3A_266] : memref<2x20x128xi32, #tpu.memory_space<vmem>> -> memref<1x20x128xi32, #tpu.memory_space<vmem>>
    %dma_start3A_268 = tpu.memref_squeeze %dma_start3A_267 : memref<1x20x128xi32, #tpu.memory_space<vmem>> -> memref<20x128xi32, #tpu.memory_space<vmem>>
    %dma_start3A_269 = arith.constant 0 : i32
    %dma_start3A_270 = tpu.memref_slice %dma_start3A_268[%dma_start3A_259, %dma_start3A_269] : memref<20x128xi32, #tpu.memory_space<vmem>> -> memref<1x128xi32, #tpu.memory_space<vmem>>
    %dma_start3A_271 = tpu.memref_squeeze %dma_start3A_270 : memref<1x128xi32, #tpu.memory_space<vmem>> -> memref<128xi32, #tpu.memory_space<vmem>>
    %dma_start3A_272 = arith.constant 0 : i32
    %dma_start3A_273 = arith.constant 0 : i32
    %dma_start3A_274 = tpu.memref_slice %arg6[%dma_start3A_272, %dma_start3A_273] : memref<1000000x64xf32, #tpu.memory_space<hbm>> -> memref<1000000x64xf32, #tpu.memory_space<hbm>>
    tpu.enqueue_indirect_dma source(%dma_start3A_274 : memref<1000000x64xf32, #tpu.memory_space<hbm>>) target(%dma_start3A_264 : memref<128x64xf32, #tpu.memory_space<vmem>>) offsets(%dma_start3A_271 : memref<128xi32, #tpu.memory_space<vmem>>) semaphore(%arg15 : memref<!tpu.dma_semaphore, #tpu.memory_space<semaphore_mem>>) {add = true}
    %dma_start3A_275 = arith.constant 0 : i32
    %dma_start3A_276 = arith.constant 14 : i32
    %dma_start3A_277 = arith.constant 0 : i32
    %dma_start3A_278 = arith.constant 0 : i32
    %dma_start3A_279 = arith.constant 0 : i32
    %dma_start3A_280 = tpu.memref_slice %arg13[%dma_start3A_277, %dma_start3A_278, %dma_start3A_279] : memref<2x128x64xf32, #tpu.memory_space<vmem>> -> memref<1x128x64xf32, #tpu.memory_space<vmem>>
    %dma_start3A_281 = tpu.memref_squeeze %dma_start3A_280 : memref<1x128x64xf32, #tpu.memory_space<vmem>> -> memref<128x64xf32, #tpu.memory_space<vmem>>
    %dma_start3A_282 = arith.constant 0 : i32
    %dma_start3A_283 = arith.constant 0 : i32
    %dma_start3A_284 = tpu.memref_slice %arg10[%dma_start3A_275, %dma_start3A_282, %dma_start3A_283] : memref<2x20x128xi32, #tpu.memory_space<vmem>> -> memref<1x20x128xi32, #tpu.memory_space<vmem>>
    %dma_start3A_285 = tpu.memref_squeeze %dma_start3A_284 : memref<1x20x128xi32, #tpu.memory_space<vmem>> -> memref<20x128xi32, #tpu.memory_space<vmem>>
    %dma_start3A_286 = arith.constant 0 : i32
    %dma_start3A_287 = tpu.memref_slice %dma_start3A_285[%dma_start3A_276, %dma_start3A_286] : memref<20x128xi32, #tpu.memory_space<vmem>> -> memref<1x128xi32, #tpu.memory_space<vmem>>
    %dma_start3A_288 = tpu.memref_squeeze %dma_start3A_287 : memref<1x128xi32, #tpu.memory_space<vmem>> -> memref<128xi32, #tpu.memory_space<vmem>>
    %dma_start3A_289 = arith.constant 0 : i32
    %dma_start3A_290 = arith.constant 0 : i32
    %dma_start3A_291 = tpu.memref_slice %arg6[%dma_start3A_289, %dma_start3A_290] : memref<1000000x64xf32, #tpu.memory_space<hbm>> -> memref<1000000x64xf32, #tpu.memory_space<hbm>>
    tpu.enqueue_indirect_dma source(%dma_start3A_291 : memref<1000000x64xf32, #tpu.memory_space<hbm>>) target(%dma_start3A_281 : memref<128x64xf32, #tpu.memory_space<vmem>>) offsets(%dma_start3A_288 : memref<128xi32, #tpu.memory_space<vmem>>) semaphore(%arg15 : memref<!tpu.dma_semaphore, #tpu.memory_space<semaphore_mem>>) {add = true}
    %dma_start3A_292 = arith.constant 0 : i32
    %dma_start3A_293 = arith.constant 15 : i32
    %dma_start3A_294 = arith.constant 0 : i32
    %dma_start3A_295 = arith.constant 0 : i32
    %dma_start3A_296 = arith.constant 0 : i32
    %dma_start3A_297 = tpu.memref_slice %arg13[%dma_start3A_294, %dma_start3A_295, %dma_start3A_296] : memref<2x128x64xf32, #tpu.memory_space<vmem>> -> memref<1x128x64xf32, #tpu.memory_space<vmem>>
    %dma_start3A_298 = tpu.memref_squeeze %dma_start3A_297 : memref<1x128x64xf32, #tpu.memory_space<vmem>> -> memref<128x64xf32, #tpu.memory_space<vmem>>
    %dma_start3A_299 = arith.constant 0 : i32
    %dma_start3A_300 = arith.constant 0 : i32
    %dma_start3A_301 = tpu.memref_slice %arg10[%dma_start3A_292, %dma_start3A_299, %dma_start3A_300] : memref<2x20x128xi32, #tpu.memory_space<vmem>> -> memref<1x20x128xi32, #tpu.memory_space<vmem>>
    %dma_start3A_302 = tpu.memref_squeeze %dma_start3A_301 : memref<1x20x128xi32, #tpu.memory_space<vmem>> -> memref<20x128xi32, #tpu.memory_space<vmem>>
    %dma_start3A_303 = arith.constant 0 : i32
    %dma_start3A_304 = tpu.memref_slice %dma_start3A_302[%dma_start3A_293, %dma_start3A_303] : memref<20x128xi32, #tpu.memory_space<vmem>> -> memref<1x128xi32, #tpu.memory_space<vmem>>
    %dma_start3A_305 = tpu.memref_squeeze %dma_start3A_304 : memref<1x128xi32, #tpu.memory_space<vmem>> -> memref<128xi32, #tpu.memory_space<vmem>>
    %dma_start3A_306 = arith.constant 0 : i32
    %dma_start3A_307 = arith.constant 0 : i32
    %dma_start3A_308 = tpu.memref_slice %arg6[%dma_start3A_306, %dma_start3A_307] : memref<1000000x64xf32, #tpu.memory_space<hbm>> -> memref<1000000x64xf32, #tpu.memory_space<hbm>>
    tpu.enqueue_indirect_dma source(%dma_start3A_308 : memref<1000000x64xf32, #tpu.memory_space<hbm>>) target(%dma_start3A_298 : memref<128x64xf32, #tpu.memory_space<vmem>>) offsets(%dma_start3A_305 : memref<128xi32, #tpu.memory_space<vmem>>) semaphore(%arg15 : memref<!tpu.dma_semaphore, #tpu.memory_space<semaphore_mem>>) {add = true}
    %dma_start3A_309 = arith.constant 0 : i32
    %dma_start3A_310 = arith.constant 16 : i32
    %dma_start3A_311 = arith.constant 0 : i32
    %dma_start3A_312 = arith.constant 0 : i32
    %dma_start3A_313 = arith.constant 0 : i32
    %dma_start3A_314 = tpu.memref_slice %arg13[%dma_start3A_311, %dma_start3A_312, %dma_start3A_313] : memref<2x128x64xf32, #tpu.memory_space<vmem>> -> memref<1x128x64xf32, #tpu.memory_space<vmem>>
    %dma_start3A_315 = tpu.memref_squeeze %dma_start3A_314 : memref<1x128x64xf32, #tpu.memory_space<vmem>> -> memref<128x64xf32, #tpu.memory_space<vmem>>
    %dma_start3A_316 = arith.constant 0 : i32
    %dma_start3A_317 = arith.constant 0 : i32
    %dma_start3A_318 = tpu.memref_slice %arg10[%dma_start3A_309, %dma_start3A_316, %dma_start3A_317] : memref<2x20x128xi32, #tpu.memory_space<vmem>> -> memref<1x20x128xi32, #tpu.memory_space<vmem>>
    %dma_start3A_319 = tpu.memref_squeeze %dma_start3A_318 : memref<1x20x128xi32, #tpu.memory_space<vmem>> -> memref<20x128xi32, #tpu.memory_space<vmem>>
    %dma_start3A_320 = arith.constant 0 : i32
    %dma_start3A_321 = tpu.memref_slice %dma_start3A_319[%dma_start3A_310, %dma_start3A_320] : memref<20x128xi32, #tpu.memory_space<vmem>> -> memref<1x128xi32, #tpu.memory_space<vmem>>
    %dma_start3A_322 = tpu.memref_squeeze %dma_start3A_321 : memref<1x128xi32, #tpu.memory_space<vmem>> -> memref<128xi32, #tpu.memory_space<vmem>>
    %dma_start3A_323 = arith.constant 0 : i32
    %dma_start3A_324 = arith.constant 0 : i32
    %dma_start3A_325 = tpu.memref_slice %arg6[%dma_start3A_323, %dma_start3A_324] : memref<1000000x64xf32, #tpu.memory_space<hbm>> -> memref<1000000x64xf32, #tpu.memory_space<hbm>>
    tpu.enqueue_indirect_dma source(%dma_start3A_325 : memref<1000000x64xf32, #tpu.memory_space<hbm>>) target(%dma_start3A_315 : memref<128x64xf32, #tpu.memory_space<vmem>>) offsets(%dma_start3A_322 : memref<128xi32, #tpu.memory_space<vmem>>) semaphore(%arg15 : memref<!tpu.dma_semaphore, #tpu.memory_space<semaphore_mem>>) {add = true}
    %dma_start3A_326 = arith.constant 0 : i32
    %dma_start3A_327 = arith.constant 17 : i32
    %dma_start3A_328 = arith.constant 0 : i32
    %dma_start3A_329 = arith.constant 0 : i32
    %dma_start3A_330 = arith.constant 0 : i32
    %dma_start3A_331 = tpu.memref_slice %arg13[%dma_start3A_328, %dma_start3A_329, %dma_start3A_330] : memref<2x128x64xf32, #tpu.memory_space<vmem>> -> memref<1x128x64xf32, #tpu.memory_space<vmem>>
    %dma_start3A_332 = tpu.memref_squeeze %dma_start3A_331 : memref<1x128x64xf32, #tpu.memory_space<vmem>> -> memref<128x64xf32, #tpu.memory_space<vmem>>
    %dma_start3A_333 = arith.constant 0 : i32
    %dma_start3A_334 = arith.constant 0 : i32
    %dma_start3A_335 = tpu.memref_slice %arg10[%dma_start3A_326, %dma_start3A_333, %dma_start3A_334] : memref<2x20x128xi32, #tpu.memory_space<vmem>> -> memref<1x20x128xi32, #tpu.memory_space<vmem>>
    %dma_start3A_336 = tpu.memref_squeeze %dma_start3A_335 : memref<1x20x128xi32, #tpu.memory_space<vmem>> -> memref<20x128xi32, #tpu.memory_space<vmem>>
    %dma_start3A_337 = arith.constant 0 : i32
    %dma_start3A_338 = tpu.memref_slice %dma_start3A_336[%dma_start3A_327, %dma_start3A_337] : memref<20x128xi32, #tpu.memory_space<vmem>> -> memref<1x128xi32, #tpu.memory_space<vmem>>
    %dma_start3A_339 = tpu.memref_squeeze %dma_start3A_338 : memref<1x128xi32, #tpu.memory_space<vmem>> -> memref<128xi32, #tpu.memory_space<vmem>>
    %dma_start3A_340 = arith.constant 0 : i32
    %dma_start3A_341 = arith.constant 0 : i32
    %dma_start3A_342 = tpu.memref_slice %arg6[%dma_start3A_340, %dma_start3A_341] : memref<1000000x64xf32, #tpu.memory_space<hbm>> -> memref<1000000x64xf32, #tpu.memory_space<hbm>>
    tpu.enqueue_indirect_dma source(%dma_start3A_342 : memref<1000000x64xf32, #tpu.memory_space<hbm>>) target(%dma_start3A_332 : memref<128x64xf32, #tpu.memory_space<vmem>>) offsets(%dma_start3A_339 : memref<128xi32, #tpu.memory_space<vmem>>) semaphore(%arg15 : memref<!tpu.dma_semaphore, #tpu.memory_space<semaphore_mem>>) {add = true}
    %dma_start3A_343 = arith.constant 0 : i32
    %dma_start3A_344 = arith.constant 18 : i32
    %dma_start3A_345 = arith.constant 0 : i32
    %dma_start3A_346 = arith.constant 0 : i32
    %dma_start3A_347 = arith.constant 0 : i32
    %dma_start3A_348 = tpu.memref_slice %arg13[%dma_start3A_345, %dma_start3A_346, %dma_start3A_347] : memref<2x128x64xf32, #tpu.memory_space<vmem>> -> memref<1x128x64xf32, #tpu.memory_space<vmem>>
    %dma_start3A_349 = tpu.memref_squeeze %dma_start3A_348 : memref<1x128x64xf32, #tpu.memory_space<vmem>> -> memref<128x64xf32, #tpu.memory_space<vmem>>
    %dma_start3A_350 = arith.constant 0 : i32
    %dma_start3A_351 = arith.constant 0 : i32
    %dma_start3A_352 = tpu.memref_slice %arg10[%dma_start3A_343, %dma_start3A_350, %dma_start3A_351] : memref<2x20x128xi32, #tpu.memory_space<vmem>> -> memref<1x20x128xi32, #tpu.memory_space<vmem>>
    %dma_start3A_353 = tpu.memref_squeeze %dma_start3A_352 : memref<1x20x128xi32, #tpu.memory_space<vmem>> -> memref<20x128xi32, #tpu.memory_space<vmem>>
    %dma_start3A_354 = arith.constant 0 : i32
    %dma_start3A_355 = tpu.memref_slice %dma_start3A_353[%dma_start3A_344, %dma_start3A_354] : memref<20x128xi32, #tpu.memory_space<vmem>> -> memref<1x128xi32, #tpu.memory_space<vmem>>
    %dma_start3A_356 = tpu.memref_squeeze %dma_start3A_355 : memref<1x128xi32, #tpu.memory_space<vmem>> -> memref<128xi32, #tpu.memory_space<vmem>>
    %dma_start3A_357 = arith.constant 0 : i32
    %dma_start3A_358 = arith.constant 0 : i32
    %dma_start3A_359 = tpu.memref_slice %arg6[%dma_start3A_357, %dma_start3A_358] : memref<1000000x64xf32, #tpu.memory_space<hbm>> -> memref<1000000x64xf32, #tpu.memory_space<hbm>>
    tpu.enqueue_indirect_dma source(%dma_start3A_359 : memref<1000000x64xf32, #tpu.memory_space<hbm>>) target(%dma_start3A_349 : memref<128x64xf32, #tpu.memory_space<vmem>>) offsets(%dma_start3A_356 : memref<128xi32, #tpu.memory_space<vmem>>) semaphore(%arg15 : memref<!tpu.dma_semaphore, #tpu.memory_space<semaphore_mem>>) {add = true}
    %dma_start3A_360 = arith.constant 0 : i32
    %dma_start3A_361 = arith.constant 19 : i32
    %dma_start3A_362 = arith.constant 0 : i32
    %dma_start3A_363 = arith.constant 0 : i32
    %dma_start3A_364 = arith.constant 0 : i32
    %dma_start3A_365 = tpu.memref_slice %arg13[%dma_start3A_362, %dma_start3A_363, %dma_start3A_364] : memref<2x128x64xf32, #tpu.memory_space<vmem>> -> memref<1x128x64xf32, #tpu.memory_space<vmem>>
    %dma_start3A_366 = tpu.memref_squeeze %dma_start3A_365 : memref<1x128x64xf32, #tpu.memory_space<vmem>> -> memref<128x64xf32, #tpu.memory_space<vmem>>
    %dma_start3A_367 = arith.constant 0 : i32
    %dma_start3A_368 = arith.constant 0 : i32
    %dma_start3A_369 = tpu.memref_slice %arg10[%dma_start3A_360, %dma_start3A_367, %dma_start3A_368] : memref<2x20x128xi32, #tpu.memory_space<vmem>> -> memref<1x20x128xi32, #tpu.memory_space<vmem>>
    %dma_start3A_370 = tpu.memref_squeeze %dma_start3A_369 : memref<1x20x128xi32, #tpu.memory_space<vmem>> -> memref<20x128xi32, #tpu.memory_space<vmem>>
    %dma_start3A_371 = arith.constant 0 : i32
    %dma_start3A_372 = tpu.memref_slice %dma_start3A_370[%dma_start3A_361, %dma_start3A_371] : memref<20x128xi32, #tpu.memory_space<vmem>> -> memref<1x128xi32, #tpu.memory_space<vmem>>
    %dma_start3A_373 = tpu.memref_squeeze %dma_start3A_372 : memref<1x128xi32, #tpu.memory_space<vmem>> -> memref<128xi32, #tpu.memory_space<vmem>>
    %dma_start3A_374 = arith.constant 0 : i32
    %dma_start3A_375 = arith.constant 0 : i32
    %dma_start3A_376 = tpu.memref_slice %arg6[%dma_start3A_374, %dma_start3A_375] : memref<1000000x64xf32, #tpu.memory_space<hbm>> -> memref<1000000x64xf32, #tpu.memory_space<hbm>>
    tpu.enqueue_indirect_dma source(%dma_start3A_376 : memref<1000000x64xf32, #tpu.memory_space<hbm>>) target(%dma_start3A_366 : memref<128x64xf32, #tpu.memory_space<vmem>>) offsets(%dma_start3A_373 : memref<128xi32, #tpu.memory_space<vmem>>) semaphore(%arg15 : memref<!tpu.dma_semaphore, #tpu.memory_space<semaphore_mem>>) {add = true}
    %add3A_377 = arith.constant 128 : i32
    %add3A_378 = arith.addi %mul3A_2, %add3A_377 : i32
    %run_scoped3A_379 = arith.constant 1 : i32
    "tpu.region"() ({
      %run_scoped3A_3003 = tpu.sem_alloc : memref<!tpu.dma_semaphore, #tpu.memory_space<semaphore_mem>>
      %dma_start3A_3004 = arith.constant 0 : i32
      %dma_start3A_3005 = tpu.memref_slice %arg8[%run_scoped3A_379, %dma_start3A_3004] : memref<2x128xi32, #tpu.memory_space<vmem>> -> memref<1x128xi32, #tpu.memory_space<vmem>>
      %dma_start3A_3006 = tpu.memref_squeeze %dma_start3A_3005 : memref<1x128xi32, #tpu.memory_space<vmem>> -> memref<128xi32, #tpu.memory_space<vmem>>
      %dma_start3A_3007 = tpu.memref_slice %arg2[%add3A_378] : memref<16384xi32, #tpu.memory_space<hbm>> -> memref<128xi32, #tpu.memory_space<hbm>>
      %dma_start3A_3008 = arith.constant 0 : i32
      %dma_start3A_3009 = tpu.memref_slice %arg8[%run_scoped3A_379, %dma_start3A_3008] : memref<2x128xi32, #tpu.memory_space<vmem>> -> memref<1x128xi32, #tpu.memory_space<vmem>>
      %dma_start3A_3010 = tpu.memref_squeeze %dma_start3A_3009 : memref<1x128xi32, #tpu.memory_space<vmem>> -> memref<128xi32, #tpu.memory_space<vmem>>
      %dma_start3A_3011 = tpu.memref_slice %arg2[%add3A_378] : memref<16384xi32, #tpu.memory_space<hbm>> -> memref<128xi32, #tpu.memory_space<hbm>>
      tpu.enqueue_dma source(%dma_start3A_3011 : memref<128xi32, #tpu.memory_space<hbm>>) target(%dma_start3A_3010 : memref<128xi32, #tpu.memory_space<vmem>>) target_semaphore(%run_scoped3A_3003 : memref<!tpu.dma_semaphore, #tpu.memory_space<semaphore_mem>>)
      %dma_wait3A_3012 = arith.constant 0 : i32
      %dma_wait3A_3013 = tpu.memref_slice %arg8[%run_scoped3A_379, %dma_wait3A_3012] : memref<2x128xi32, #tpu.memory_space<vmem>> -> memref<1x128xi32, #tpu.memory_space<vmem>>
      %dma_wait3A_3014 = tpu.memref_squeeze %dma_wait3A_3013 : memref<1x128xi32, #tpu.memory_space<vmem>> -> memref<128xi32, #tpu.memory_space<vmem>>
      %dma_wait3A_3015 = tpu.memref_slice %arg2[%add3A_378] : memref<16384xi32, #tpu.memory_space<hbm>> -> memref<128xi32, #tpu.memory_space<hbm>>
      %dma_wait3A_3016 = arith.constant 0 : i32
      %dma_wait3A_3017 = tpu.memref_slice %arg8[%run_scoped3A_379, %dma_wait3A_3016] : memref<2x128xi32, #tpu.memory_space<vmem>> -> memref<1x128xi32, #tpu.memory_space<vmem>>
      %dma_wait3A_3018 = tpu.memref_squeeze %dma_wait3A_3017 : memref<1x128xi32, #tpu.memory_space<vmem>> -> memref<128xi32, #tpu.memory_space<vmem>>
      %dma_wait3A_3019 = tpu.memref_slice %arg2[%add3A_378] : memref<16384xi32, #tpu.memory_space<hbm>> -> memref<128xi32, #tpu.memory_space<hbm>>
      tpu.wait_dma2 semaphore(%run_scoped3A_3003 : memref<!tpu.dma_semaphore, #tpu.memory_space<semaphore_mem>>) src(%dma_wait3A_3019 : memref<128xi32, #tpu.memory_space<hbm>>) dst(%dma_wait3A_3018 : memref<128xi32, #tpu.memory_space<vmem>>)
      tpu.yield
    }) : () -> ()
    %run_scoped3A_380 = arith.constant 1 : i32
    "tpu.region"() ({
      %run_scoped3A_3003 = tpu.sem_alloc : memref<!tpu.dma_semaphore, #tpu.memory_space<semaphore_mem>>
      %dma_start3A_3004 = arith.constant 0 : i32
      %dma_start3A_3005 = tpu.memref_slice %arg9[%run_scoped3A_380, %dma_start3A_3004] : memref<2x128xi32, #tpu.memory_space<vmem>> -> memref<1x128xi32, #tpu.memory_space<vmem>>
      %dma_start3A_3006 = tpu.memref_squeeze %dma_start3A_3005 : memref<1x128xi32, #tpu.memory_space<vmem>> -> memref<128xi32, #tpu.memory_space<vmem>>
      %dma_start3A_3007 = tpu.memref_slice %arg3[%add3A_378] : memref<16384xi32, #tpu.memory_space<hbm>> -> memref<128xi32, #tpu.memory_space<hbm>>
      %dma_start3A_3008 = arith.constant 0 : i32
      %dma_start3A_3009 = tpu.memref_slice %arg9[%run_scoped3A_380, %dma_start3A_3008] : memref<2x128xi32, #tpu.memory_space<vmem>> -> memref<1x128xi32, #tpu.memory_space<vmem>>
      %dma_start3A_3010 = tpu.memref_squeeze %dma_start3A_3009 : memref<1x128xi32, #tpu.memory_space<vmem>> -> memref<128xi32, #tpu.memory_space<vmem>>
      %dma_start3A_3011 = tpu.memref_slice %arg3[%add3A_378] : memref<16384xi32, #tpu.memory_space<hbm>> -> memref<128xi32, #tpu.memory_space<hbm>>
      tpu.enqueue_dma source(%dma_start3A_3011 : memref<128xi32, #tpu.memory_space<hbm>>) target(%dma_start3A_3010 : memref<128xi32, #tpu.memory_space<vmem>>) target_semaphore(%run_scoped3A_3003 : memref<!tpu.dma_semaphore, #tpu.memory_space<semaphore_mem>>)
      %dma_wait3A_3012 = arith.constant 0 : i32
      %dma_wait3A_3013 = tpu.memref_slice %arg9[%run_scoped3A_380, %dma_wait3A_3012] : memref<2x128xi32, #tpu.memory_space<vmem>> -> memref<1x128xi32, #tpu.memory_space<vmem>>
      %dma_wait3A_3014 = tpu.memref_squeeze %dma_wait3A_3013 : memref<1x128xi32, #tpu.memory_space<vmem>> -> memref<128xi32, #tpu.memory_space<vmem>>
      %dma_wait3A_3015 = tpu.memref_slice %arg3[%add3A_378] : memref<16384xi32, #tpu.memory_space<hbm>> -> memref<128xi32, #tpu.memory_space<hbm>>
      %dma_wait3A_3016 = arith.constant 0 : i32
      %dma_wait3A_3017 = tpu.memref_slice %arg9[%run_scoped3A_380, %dma_wait3A_3016] : memref<2x128xi32, #tpu.memory_space<vmem>> -> memref<1x128xi32, #tpu.memory_space<vmem>>
      %dma_wait3A_3018 = tpu.memref_squeeze %dma_wait3A_3017 : memref<1x128xi32, #tpu.memory_space<vmem>> -> memref<128xi32, #tpu.memory_space<vmem>>
      %dma_wait3A_3019 = tpu.memref_slice %arg3[%add3A_378] : memref<16384xi32, #tpu.memory_space<hbm>> -> memref<128xi32, #tpu.memory_space<hbm>>
      tpu.wait_dma2 semaphore(%run_scoped3A_3003 : memref<!tpu.dma_semaphore, #tpu.memory_space<semaphore_mem>>) src(%dma_wait3A_3019 : memref<128xi32, #tpu.memory_space<hbm>>) dst(%dma_wait3A_3018 : memref<128xi32, #tpu.memory_space<vmem>>)
      tpu.yield
    }) : () -> ()
    %run_scoped3A_381 = arith.constant 1 : i32
    "tpu.region"() ({
      %run_scoped3A_3003 = tpu.sem_alloc : memref<!tpu.dma_semaphore, #tpu.memory_space<semaphore_mem>>
      %dma_start3A_3004 = arith.constant 0 : i32
      %dma_start3A_3005 = arith.constant 0 : i32
      %dma_start3A_3006 = tpu.memref_slice %arg10[%run_scoped3A_381, %dma_start3A_3004, %dma_start3A_3005] : memref<2x20x128xi32, #tpu.memory_space<vmem>> -> memref<1x20x128xi32, #tpu.memory_space<vmem>>
      %dma_start3A_3007 = tpu.memref_squeeze %dma_start3A_3006 : memref<1x20x128xi32, #tpu.memory_space<vmem>> -> memref<20x128xi32, #tpu.memory_space<vmem>>
      %dma_start3A_3008 = arith.constant 0 : i32
      %dma_start3A_3009 = tpu.memref_slice %arg4[%dma_start3A_3008, %add3A_378] : memref<20x16384xi32, #tpu.memory_space<hbm>> -> memref<20x128xi32, #tpu.memory_space<hbm>>
      %dma_start3A_3010 = arith.constant 0 : i32
      %dma_start3A_3011 = arith.constant 0 : i32
      %dma_start3A_3012 = tpu.memref_slice %arg10[%run_scoped3A_381, %dma_start3A_3010, %dma_start3A_3011] : memref<2x20x128xi32, #tpu.memory_space<vmem>> -> memref<1x20x128xi32, #tpu.memory_space<vmem>>
      %dma_start3A_3013 = tpu.memref_squeeze %dma_start3A_3012 : memref<1x20x128xi32, #tpu.memory_space<vmem>> -> memref<20x128xi32, #tpu.memory_space<vmem>>
      %dma_start3A_3014 = arith.constant 0 : i32
      %dma_start3A_3015 = tpu.memref_slice %arg4[%dma_start3A_3014, %add3A_378] : memref<20x16384xi32, #tpu.memory_space<hbm>> -> memref<20x128xi32, #tpu.memory_space<hbm>>
      tpu.enqueue_dma source(%dma_start3A_3015 : memref<20x128xi32, #tpu.memory_space<hbm>>) target(%dma_start3A_3013 : memref<20x128xi32, #tpu.memory_space<vmem>>) target_semaphore(%run_scoped3A_3003 : memref<!tpu.dma_semaphore, #tpu.memory_space<semaphore_mem>>)
      %dma_wait3A_3016 = arith.constant 0 : i32
      %dma_wait3A_3017 = arith.constant 0 : i32
      %dma_wait3A_3018 = tpu.memref_slice %arg10[%run_scoped3A_381, %dma_wait3A_3016, %dma_wait3A_3017] : memref<2x20x128xi32, #tpu.memory_space<vmem>> -> memref<1x20x128xi32, #tpu.memory_space<vmem>>
      %dma_wait3A_3019 = tpu.memref_squeeze %dma_wait3A_3018 : memref<1x20x128xi32, #tpu.memory_space<vmem>> -> memref<20x128xi32, #tpu.memory_space<vmem>>
      %dma_wait3A_3020 = arith.constant 0 : i32
      %dma_wait3A_3021 = tpu.memref_slice %arg4[%dma_wait3A_3020, %add3A_378] : memref<20x16384xi32, #tpu.memory_space<hbm>> -> memref<20x128xi32, #tpu.memory_space<hbm>>
      %dma_wait3A_3022 = arith.constant 0 : i32
      %dma_wait3A_3023 = arith.constant 0 : i32
      %dma_wait3A_3024 = tpu.memref_slice %arg10[%run_scoped3A_381, %dma_wait3A_3022, %dma_wait3A_3023] : memref<2x20x128xi32, #tpu.memory_space<vmem>> -> memref<1x20x128xi32, #tpu.memory_space<vmem>>
      %dma_wait3A_3025 = tpu.memref_squeeze %dma_wait3A_3024 : memref<1x20x128xi32, #tpu.memory_space<vmem>> -> memref<20x128xi32, #tpu.memory_space<vmem>>
      %dma_wait3A_3026 = arith.constant 0 : i32
      %dma_wait3A_3027 = tpu.memref_slice %arg4[%dma_wait3A_3026, %add3A_378] : memref<20x16384xi32, #tpu.memory_space<hbm>> -> memref<20x128xi32, #tpu.memory_space<hbm>>
      tpu.wait_dma2 semaphore(%run_scoped3A_3003 : memref<!tpu.dma_semaphore, #tpu.memory_space<semaphore_mem>>) src(%dma_wait3A_3027 : memref<20x128xi32, #tpu.memory_space<hbm>>) dst(%dma_wait3A_3025 : memref<20x128xi32, #tpu.memory_space<vmem>>)
      tpu.yield
    }) : () -> ()
    %dma_start3A_382 = arith.constant 1 : i32
    %dma_start3A_383 = arith.constant 1 : i32
    %dma_start3A_384 = arith.constant 0 : i32
    %dma_start3A_385 = arith.constant 0 : i32
    %dma_start3A_386 = tpu.memref_slice %arg11[%dma_start3A_383, %dma_start3A_384, %dma_start3A_385] : memref<2x128x64xf32, #tpu.memory_space<vmem>> -> memref<1x128x64xf32, #tpu.memory_space<vmem>>
    %dma_start3A_387 = tpu.memref_squeeze %dma_start3A_386 : memref<1x128x64xf32, #tpu.memory_space<vmem>> -> memref<128x64xf32, #tpu.memory_space<vmem>>
    %dma_start3A_388 = arith.constant 0 : i32
    %dma_start3A_389 = tpu.memref_slice %arg8[%dma_start3A_382, %dma_start3A_388] : memref<2x128xi32, #tpu.memory_space<vmem>> -> memref<1x128xi32, #tpu.memory_space<vmem>>
    %dma_start3A_390 = tpu.memref_squeeze %dma_start3A_389 : memref<1x128xi32, #tpu.memory_space<vmem>> -> memref<128xi32, #tpu.memory_space<vmem>>
    %dma_start3A_391 = arith.constant 0 : i32
    %dma_start3A_392 = arith.constant 0 : i32
    %dma_start3A_393 = tpu.memref_slice %arg5[%dma_start3A_391, %dma_start3A_392] : memref<1000000x64xf32, #tpu.memory_space<hbm>> -> memref<1000000x64xf32, #tpu.memory_space<hbm>>
    tpu.enqueue_indirect_dma source(%dma_start3A_393 : memref<1000000x64xf32, #tpu.memory_space<hbm>>) target(%dma_start3A_387 : memref<128x64xf32, #tpu.memory_space<vmem>>) offsets(%dma_start3A_390 : memref<128xi32, #tpu.memory_space<vmem>>) semaphore(%arg16 : memref<!tpu.dma_semaphore, #tpu.memory_space<semaphore_mem>>)
    %dma_start3A_394 = arith.constant 1 : i32
    %dma_start3A_395 = arith.constant 1 : i32
    %dma_start3A_396 = arith.constant 0 : i32
    %dma_start3A_397 = arith.constant 0 : i32
    %dma_start3A_398 = tpu.memref_slice %arg12[%dma_start3A_395, %dma_start3A_396, %dma_start3A_397] : memref<2x128x64xf32, #tpu.memory_space<vmem>> -> memref<1x128x64xf32, #tpu.memory_space<vmem>>
    %dma_start3A_399 = tpu.memref_squeeze %dma_start3A_398 : memref<1x128x64xf32, #tpu.memory_space<vmem>> -> memref<128x64xf32, #tpu.memory_space<vmem>>
    %dma_start3A_400 = arith.constant 0 : i32
    %dma_start3A_401 = tpu.memref_slice %arg9[%dma_start3A_394, %dma_start3A_400] : memref<2x128xi32, #tpu.memory_space<vmem>> -> memref<1x128xi32, #tpu.memory_space<vmem>>
    %dma_start3A_402 = tpu.memref_squeeze %dma_start3A_401 : memref<1x128xi32, #tpu.memory_space<vmem>> -> memref<128xi32, #tpu.memory_space<vmem>>
    %dma_start3A_403 = arith.constant 0 : i32
    %dma_start3A_404 = arith.constant 0 : i32
    %dma_start3A_405 = tpu.memref_slice %arg6[%dma_start3A_403, %dma_start3A_404] : memref<1000000x64xf32, #tpu.memory_space<hbm>> -> memref<1000000x64xf32, #tpu.memory_space<hbm>>
    tpu.enqueue_indirect_dma source(%dma_start3A_405 : memref<1000000x64xf32, #tpu.memory_space<hbm>>) target(%dma_start3A_399 : memref<128x64xf32, #tpu.memory_space<vmem>>) offsets(%dma_start3A_402 : memref<128xi32, #tpu.memory_space<vmem>>) semaphore(%arg16 : memref<!tpu.dma_semaphore, #tpu.memory_space<semaphore_mem>>)
    %dma_start3A_406 = arith.constant 1 : i32
    %dma_start3A_407 = arith.constant 0 : i32
    %dma_start3A_408 = arith.constant 1 : i32
    %dma_start3A_409 = arith.constant 0 : i32
    %dma_start3A_410 = arith.constant 0 : i32
    %dma_start3A_411 = tpu.memref_slice %arg13[%dma_start3A_408, %dma_start3A_409, %dma_start3A_410] : memref<2x128x64xf32, #tpu.memory_space<vmem>> -> memref<1x128x64xf32, #tpu.memory_space<vmem>>
    %dma_start3A_412 = tpu.memref_squeeze %dma_start3A_411 : memref<1x128x64xf32, #tpu.memory_space<vmem>> -> memref<128x64xf32, #tpu.memory_space<vmem>>
    %dma_start3A_413 = arith.constant 0 : i32
    %dma_start3A_414 = arith.constant 0 : i32
    %dma_start3A_415 = tpu.memref_slice %arg10[%dma_start3A_406, %dma_start3A_413, %dma_start3A_414] : memref<2x20x128xi32, #tpu.memory_space<vmem>> -> memref<1x20x128xi32, #tpu.memory_space<vmem>>
    %dma_start3A_416 = tpu.memref_squeeze %dma_start3A_415 : memref<1x20x128xi32, #tpu.memory_space<vmem>> -> memref<20x128xi32, #tpu.memory_space<vmem>>
    %dma_start3A_417 = arith.constant 0 : i32
    %dma_start3A_418 = tpu.memref_slice %dma_start3A_416[%dma_start3A_407, %dma_start3A_417] : memref<20x128xi32, #tpu.memory_space<vmem>> -> memref<1x128xi32, #tpu.memory_space<vmem>>
    %dma_start3A_419 = tpu.memref_squeeze %dma_start3A_418 : memref<1x128xi32, #tpu.memory_space<vmem>> -> memref<128xi32, #tpu.memory_space<vmem>>
    %dma_start3A_420 = arith.constant 0 : i32
    %dma_start3A_421 = arith.constant 0 : i32
    %dma_start3A_422 = tpu.memref_slice %arg6[%dma_start3A_420, %dma_start3A_421] : memref<1000000x64xf32, #tpu.memory_space<hbm>> -> memref<1000000x64xf32, #tpu.memory_space<hbm>>
    tpu.enqueue_indirect_dma source(%dma_start3A_422 : memref<1000000x64xf32, #tpu.memory_space<hbm>>) target(%dma_start3A_412 : memref<128x64xf32, #tpu.memory_space<vmem>>) offsets(%dma_start3A_419 : memref<128xi32, #tpu.memory_space<vmem>>) semaphore(%arg16 : memref<!tpu.dma_semaphore, #tpu.memory_space<semaphore_mem>>) {add = true}
    %dma_start3A_423 = arith.constant 1 : i32
    %dma_start3A_424 = arith.constant 1 : i32
    %dma_start3A_425 = arith.constant 1 : i32
    %dma_start3A_426 = arith.constant 0 : i32
    %dma_start3A_427 = arith.constant 0 : i32
    %dma_start3A_428 = tpu.memref_slice %arg13[%dma_start3A_425, %dma_start3A_426, %dma_start3A_427] : memref<2x128x64xf32, #tpu.memory_space<vmem>> -> memref<1x128x64xf32, #tpu.memory_space<vmem>>
    %dma_start3A_429 = tpu.memref_squeeze %dma_start3A_428 : memref<1x128x64xf32, #tpu.memory_space<vmem>> -> memref<128x64xf32, #tpu.memory_space<vmem>>
    %dma_start3A_430 = arith.constant 0 : i32
    %dma_start3A_431 = arith.constant 0 : i32
    %dma_start3A_432 = tpu.memref_slice %arg10[%dma_start3A_423, %dma_start3A_430, %dma_start3A_431] : memref<2x20x128xi32, #tpu.memory_space<vmem>> -> memref<1x20x128xi32, #tpu.memory_space<vmem>>
    %dma_start3A_433 = tpu.memref_squeeze %dma_start3A_432 : memref<1x20x128xi32, #tpu.memory_space<vmem>> -> memref<20x128xi32, #tpu.memory_space<vmem>>
    %dma_start3A_434 = arith.constant 0 : i32
    %dma_start3A_435 = tpu.memref_slice %dma_start3A_433[%dma_start3A_424, %dma_start3A_434] : memref<20x128xi32, #tpu.memory_space<vmem>> -> memref<1x128xi32, #tpu.memory_space<vmem>>
    %dma_start3A_436 = tpu.memref_squeeze %dma_start3A_435 : memref<1x128xi32, #tpu.memory_space<vmem>> -> memref<128xi32, #tpu.memory_space<vmem>>
    %dma_start3A_437 = arith.constant 0 : i32
    %dma_start3A_438 = arith.constant 0 : i32
    %dma_start3A_439 = tpu.memref_slice %arg6[%dma_start3A_437, %dma_start3A_438] : memref<1000000x64xf32, #tpu.memory_space<hbm>> -> memref<1000000x64xf32, #tpu.memory_space<hbm>>
    tpu.enqueue_indirect_dma source(%dma_start3A_439 : memref<1000000x64xf32, #tpu.memory_space<hbm>>) target(%dma_start3A_429 : memref<128x64xf32, #tpu.memory_space<vmem>>) offsets(%dma_start3A_436 : memref<128xi32, #tpu.memory_space<vmem>>) semaphore(%arg16 : memref<!tpu.dma_semaphore, #tpu.memory_space<semaphore_mem>>) {add = true}
    %dma_start3A_440 = arith.constant 1 : i32
    %dma_start3A_441 = arith.constant 2 : i32
    %dma_start3A_442 = arith.constant 1 : i32
    %dma_start3A_443 = arith.constant 0 : i32
    %dma_start3A_444 = arith.constant 0 : i32
    %dma_start3A_445 = tpu.memref_slice %arg13[%dma_start3A_442, %dma_start3A_443, %dma_start3A_444] : memref<2x128x64xf32, #tpu.memory_space<vmem>> -> memref<1x128x64xf32, #tpu.memory_space<vmem>>
    %dma_start3A_446 = tpu.memref_squeeze %dma_start3A_445 : memref<1x128x64xf32, #tpu.memory_space<vmem>> -> memref<128x64xf32, #tpu.memory_space<vmem>>
    %dma_start3A_447 = arith.constant 0 : i32
    %dma_start3A_448 = arith.constant 0 : i32
    %dma_start3A_449 = tpu.memref_slice %arg10[%dma_start3A_440, %dma_start3A_447, %dma_start3A_448] : memref<2x20x128xi32, #tpu.memory_space<vmem>> -> memref<1x20x128xi32, #tpu.memory_space<vmem>>
    %dma_start3A_450 = tpu.memref_squeeze %dma_start3A_449 : memref<1x20x128xi32, #tpu.memory_space<vmem>> -> memref<20x128xi32, #tpu.memory_space<vmem>>
    %dma_start3A_451 = arith.constant 0 : i32
    %dma_start3A_452 = tpu.memref_slice %dma_start3A_450[%dma_start3A_441, %dma_start3A_451] : memref<20x128xi32, #tpu.memory_space<vmem>> -> memref<1x128xi32, #tpu.memory_space<vmem>>
    %dma_start3A_453 = tpu.memref_squeeze %dma_start3A_452 : memref<1x128xi32, #tpu.memory_space<vmem>> -> memref<128xi32, #tpu.memory_space<vmem>>
    %dma_start3A_454 = arith.constant 0 : i32
    %dma_start3A_455 = arith.constant 0 : i32
    %dma_start3A_456 = tpu.memref_slice %arg6[%dma_start3A_454, %dma_start3A_455] : memref<1000000x64xf32, #tpu.memory_space<hbm>> -> memref<1000000x64xf32, #tpu.memory_space<hbm>>
    tpu.enqueue_indirect_dma source(%dma_start3A_456 : memref<1000000x64xf32, #tpu.memory_space<hbm>>) target(%dma_start3A_446 : memref<128x64xf32, #tpu.memory_space<vmem>>) offsets(%dma_start3A_453 : memref<128xi32, #tpu.memory_space<vmem>>) semaphore(%arg16 : memref<!tpu.dma_semaphore, #tpu.memory_space<semaphore_mem>>) {add = true}
    %dma_start3A_457 = arith.constant 1 : i32
    %dma_start3A_458 = arith.constant 3 : i32
    %dma_start3A_459 = arith.constant 1 : i32
    %dma_start3A_460 = arith.constant 0 : i32
    %dma_start3A_461 = arith.constant 0 : i32
    %dma_start3A_462 = tpu.memref_slice %arg13[%dma_start3A_459, %dma_start3A_460, %dma_start3A_461] : memref<2x128x64xf32, #tpu.memory_space<vmem>> -> memref<1x128x64xf32, #tpu.memory_space<vmem>>
    %dma_start3A_463 = tpu.memref_squeeze %dma_start3A_462 : memref<1x128x64xf32, #tpu.memory_space<vmem>> -> memref<128x64xf32, #tpu.memory_space<vmem>>
    %dma_start3A_464 = arith.constant 0 : i32
    %dma_start3A_465 = arith.constant 0 : i32
    %dma_start3A_466 = tpu.memref_slice %arg10[%dma_start3A_457, %dma_start3A_464, %dma_start3A_465] : memref<2x20x128xi32, #tpu.memory_space<vmem>> -> memref<1x20x128xi32, #tpu.memory_space<vmem>>
    %dma_start3A_467 = tpu.memref_squeeze %dma_start3A_466 : memref<1x20x128xi32, #tpu.memory_space<vmem>> -> memref<20x128xi32, #tpu.memory_space<vmem>>
    %dma_start3A_468 = arith.constant 0 : i32
    %dma_start3A_469 = tpu.memref_slice %dma_start3A_467[%dma_start3A_458, %dma_start3A_468] : memref<20x128xi32, #tpu.memory_space<vmem>> -> memref<1x128xi32, #tpu.memory_space<vmem>>
    %dma_start3A_470 = tpu.memref_squeeze %dma_start3A_469 : memref<1x128xi32, #tpu.memory_space<vmem>> -> memref<128xi32, #tpu.memory_space<vmem>>
    %dma_start3A_471 = arith.constant 0 : i32
    %dma_start3A_472 = arith.constant 0 : i32
    %dma_start3A_473 = tpu.memref_slice %arg6[%dma_start3A_471, %dma_start3A_472] : memref<1000000x64xf32, #tpu.memory_space<hbm>> -> memref<1000000x64xf32, #tpu.memory_space<hbm>>
    tpu.enqueue_indirect_dma source(%dma_start3A_473 : memref<1000000x64xf32, #tpu.memory_space<hbm>>) target(%dma_start3A_463 : memref<128x64xf32, #tpu.memory_space<vmem>>) offsets(%dma_start3A_470 : memref<128xi32, #tpu.memory_space<vmem>>) semaphore(%arg16 : memref<!tpu.dma_semaphore, #tpu.memory_space<semaphore_mem>>) {add = true}
    %dma_start3A_474 = arith.constant 1 : i32
    %dma_start3A_475 = arith.constant 4 : i32
    %dma_start3A_476 = arith.constant 1 : i32
    %dma_start3A_477 = arith.constant 0 : i32
    %dma_start3A_478 = arith.constant 0 : i32
    %dma_start3A_479 = tpu.memref_slice %arg13[%dma_start3A_476, %dma_start3A_477, %dma_start3A_478] : memref<2x128x64xf32, #tpu.memory_space<vmem>> -> memref<1x128x64xf32, #tpu.memory_space<vmem>>
    %dma_start3A_480 = tpu.memref_squeeze %dma_start3A_479 : memref<1x128x64xf32, #tpu.memory_space<vmem>> -> memref<128x64xf32, #tpu.memory_space<vmem>>
    %dma_start3A_481 = arith.constant 0 : i32
    %dma_start3A_482 = arith.constant 0 : i32
    %dma_start3A_483 = tpu.memref_slice %arg10[%dma_start3A_474, %dma_start3A_481, %dma_start3A_482] : memref<2x20x128xi32, #tpu.memory_space<vmem>> -> memref<1x20x128xi32, #tpu.memory_space<vmem>>
    %dma_start3A_484 = tpu.memref_squeeze %dma_start3A_483 : memref<1x20x128xi32, #tpu.memory_space<vmem>> -> memref<20x128xi32, #tpu.memory_space<vmem>>
    %dma_start3A_485 = arith.constant 0 : i32
    %dma_start3A_486 = tpu.memref_slice %dma_start3A_484[%dma_start3A_475, %dma_start3A_485] : memref<20x128xi32, #tpu.memory_space<vmem>> -> memref<1x128xi32, #tpu.memory_space<vmem>>
    %dma_start3A_487 = tpu.memref_squeeze %dma_start3A_486 : memref<1x128xi32, #tpu.memory_space<vmem>> -> memref<128xi32, #tpu.memory_space<vmem>>
    %dma_start3A_488 = arith.constant 0 : i32
    %dma_start3A_489 = arith.constant 0 : i32
    %dma_start3A_490 = tpu.memref_slice %arg6[%dma_start3A_488, %dma_start3A_489] : memref<1000000x64xf32, #tpu.memory_space<hbm>> -> memref<1000000x64xf32, #tpu.memory_space<hbm>>
    tpu.enqueue_indirect_dma source(%dma_start3A_490 : memref<1000000x64xf32, #tpu.memory_space<hbm>>) target(%dma_start3A_480 : memref<128x64xf32, #tpu.memory_space<vmem>>) offsets(%dma_start3A_487 : memref<128xi32, #tpu.memory_space<vmem>>) semaphore(%arg16 : memref<!tpu.dma_semaphore, #tpu.memory_space<semaphore_mem>>) {add = true}
    %dma_start3A_491 = arith.constant 1 : i32
    %dma_start3A_492 = arith.constant 5 : i32
    %dma_start3A_493 = arith.constant 1 : i32
    %dma_start3A_494 = arith.constant 0 : i32
    %dma_start3A_495 = arith.constant 0 : i32
    %dma_start3A_496 = tpu.memref_slice %arg13[%dma_start3A_493, %dma_start3A_494, %dma_start3A_495] : memref<2x128x64xf32, #tpu.memory_space<vmem>> -> memref<1x128x64xf32, #tpu.memory_space<vmem>>
    %dma_start3A_497 = tpu.memref_squeeze %dma_start3A_496 : memref<1x128x64xf32, #tpu.memory_space<vmem>> -> memref<128x64xf32, #tpu.memory_space<vmem>>
    %dma_start3A_498 = arith.constant 0 : i32
    %dma_start3A_499 = arith.constant 0 : i32
    %dma_start3A_500 = tpu.memref_slice %arg10[%dma_start3A_491, %dma_start3A_498, %dma_start3A_499] : memref<2x20x128xi32, #tpu.memory_space<vmem>> -> memref<1x20x128xi32, #tpu.memory_space<vmem>>
    %dma_start3A_501 = tpu.memref_squeeze %dma_start3A_500 : memref<1x20x128xi32, #tpu.memory_space<vmem>> -> memref<20x128xi32, #tpu.memory_space<vmem>>
    %dma_start3A_502 = arith.constant 0 : i32
    %dma_start3A_503 = tpu.memref_slice %dma_start3A_501[%dma_start3A_492, %dma_start3A_502] : memref<20x128xi32, #tpu.memory_space<vmem>> -> memref<1x128xi32, #tpu.memory_space<vmem>>
    %dma_start3A_504 = tpu.memref_squeeze %dma_start3A_503 : memref<1x128xi32, #tpu.memory_space<vmem>> -> memref<128xi32, #tpu.memory_space<vmem>>
    %dma_start3A_505 = arith.constant 0 : i32
    %dma_start3A_506 = arith.constant 0 : i32
    %dma_start3A_507 = tpu.memref_slice %arg6[%dma_start3A_505, %dma_start3A_506] : memref<1000000x64xf32, #tpu.memory_space<hbm>> -> memref<1000000x64xf32, #tpu.memory_space<hbm>>
    tpu.enqueue_indirect_dma source(%dma_start3A_507 : memref<1000000x64xf32, #tpu.memory_space<hbm>>) target(%dma_start3A_497 : memref<128x64xf32, #tpu.memory_space<vmem>>) offsets(%dma_start3A_504 : memref<128xi32, #tpu.memory_space<vmem>>) semaphore(%arg16 : memref<!tpu.dma_semaphore, #tpu.memory_space<semaphore_mem>>) {add = true}
    %dma_start3A_508 = arith.constant 1 : i32
    %dma_start3A_509 = arith.constant 6 : i32
    %dma_start3A_510 = arith.constant 1 : i32
    %dma_start3A_511 = arith.constant 0 : i32
    %dma_start3A_512 = arith.constant 0 : i32
    %dma_start3A_513 = tpu.memref_slice %arg13[%dma_start3A_510, %dma_start3A_511, %dma_start3A_512] : memref<2x128x64xf32, #tpu.memory_space<vmem>> -> memref<1x128x64xf32, #tpu.memory_space<vmem>>
    %dma_start3A_514 = tpu.memref_squeeze %dma_start3A_513 : memref<1x128x64xf32, #tpu.memory_space<vmem>> -> memref<128x64xf32, #tpu.memory_space<vmem>>
    %dma_start3A_515 = arith.constant 0 : i32
    %dma_start3A_516 = arith.constant 0 : i32
    %dma_start3A_517 = tpu.memref_slice %arg10[%dma_start3A_508, %dma_start3A_515, %dma_start3A_516] : memref<2x20x128xi32, #tpu.memory_space<vmem>> -> memref<1x20x128xi32, #tpu.memory_space<vmem>>
    %dma_start3A_518 = tpu.memref_squeeze %dma_start3A_517 : memref<1x20x128xi32, #tpu.memory_space<vmem>> -> memref<20x128xi32, #tpu.memory_space<vmem>>
    %dma_start3A_519 = arith.constant 0 : i32
    %dma_start3A_520 = tpu.memref_slice %dma_start3A_518[%dma_start3A_509, %dma_start3A_519] : memref<20x128xi32, #tpu.memory_space<vmem>> -> memref<1x128xi32, #tpu.memory_space<vmem>>
    %dma_start3A_521 = tpu.memref_squeeze %dma_start3A_520 : memref<1x128xi32, #tpu.memory_space<vmem>> -> memref<128xi32, #tpu.memory_space<vmem>>
    %dma_start3A_522 = arith.constant 0 : i32
    %dma_start3A_523 = arith.constant 0 : i32
    %dma_start3A_524 = tpu.memref_slice %arg6[%dma_start3A_522, %dma_start3A_523] : memref<1000000x64xf32, #tpu.memory_space<hbm>> -> memref<1000000x64xf32, #tpu.memory_space<hbm>>
    tpu.enqueue_indirect_dma source(%dma_start3A_524 : memref<1000000x64xf32, #tpu.memory_space<hbm>>) target(%dma_start3A_514 : memref<128x64xf32, #tpu.memory_space<vmem>>) offsets(%dma_start3A_521 : memref<128xi32, #tpu.memory_space<vmem>>) semaphore(%arg16 : memref<!tpu.dma_semaphore, #tpu.memory_space<semaphore_mem>>) {add = true}
    %dma_start3A_525 = arith.constant 1 : i32
    %dma_start3A_526 = arith.constant 7 : i32
    %dma_start3A_527 = arith.constant 1 : i32
    %dma_start3A_528 = arith.constant 0 : i32
    %dma_start3A_529 = arith.constant 0 : i32
    %dma_start3A_530 = tpu.memref_slice %arg13[%dma_start3A_527, %dma_start3A_528, %dma_start3A_529] : memref<2x128x64xf32, #tpu.memory_space<vmem>> -> memref<1x128x64xf32, #tpu.memory_space<vmem>>
    %dma_start3A_531 = tpu.memref_squeeze %dma_start3A_530 : memref<1x128x64xf32, #tpu.memory_space<vmem>> -> memref<128x64xf32, #tpu.memory_space<vmem>>
    %dma_start3A_532 = arith.constant 0 : i32
    %dma_start3A_533 = arith.constant 0 : i32
    %dma_start3A_534 = tpu.memref_slice %arg10[%dma_start3A_525, %dma_start3A_532, %dma_start3A_533] : memref<2x20x128xi32, #tpu.memory_space<vmem>> -> memref<1x20x128xi32, #tpu.memory_space<vmem>>
    %dma_start3A_535 = tpu.memref_squeeze %dma_start3A_534 : memref<1x20x128xi32, #tpu.memory_space<vmem>> -> memref<20x128xi32, #tpu.memory_space<vmem>>
    %dma_start3A_536 = arith.constant 0 : i32
    %dma_start3A_537 = tpu.memref_slice %dma_start3A_535[%dma_start3A_526, %dma_start3A_536] : memref<20x128xi32, #tpu.memory_space<vmem>> -> memref<1x128xi32, #tpu.memory_space<vmem>>
    %dma_start3A_538 = tpu.memref_squeeze %dma_start3A_537 : memref<1x128xi32, #tpu.memory_space<vmem>> -> memref<128xi32, #tpu.memory_space<vmem>>
    %dma_start3A_539 = arith.constant 0 : i32
    %dma_start3A_540 = arith.constant 0 : i32
    %dma_start3A_541 = tpu.memref_slice %arg6[%dma_start3A_539, %dma_start3A_540] : memref<1000000x64xf32, #tpu.memory_space<hbm>> -> memref<1000000x64xf32, #tpu.memory_space<hbm>>
    tpu.enqueue_indirect_dma source(%dma_start3A_541 : memref<1000000x64xf32, #tpu.memory_space<hbm>>) target(%dma_start3A_531 : memref<128x64xf32, #tpu.memory_space<vmem>>) offsets(%dma_start3A_538 : memref<128xi32, #tpu.memory_space<vmem>>) semaphore(%arg16 : memref<!tpu.dma_semaphore, #tpu.memory_space<semaphore_mem>>) {add = true}
    %dma_start3A_542 = arith.constant 1 : i32
    %dma_start3A_543 = arith.constant 8 : i32
    %dma_start3A_544 = arith.constant 1 : i32
    %dma_start3A_545 = arith.constant 0 : i32
    %dma_start3A_546 = arith.constant 0 : i32
    %dma_start3A_547 = tpu.memref_slice %arg13[%dma_start3A_544, %dma_start3A_545, %dma_start3A_546] : memref<2x128x64xf32, #tpu.memory_space<vmem>> -> memref<1x128x64xf32, #tpu.memory_space<vmem>>
    %dma_start3A_548 = tpu.memref_squeeze %dma_start3A_547 : memref<1x128x64xf32, #tpu.memory_space<vmem>> -> memref<128x64xf32, #tpu.memory_space<vmem>>
    %dma_start3A_549 = arith.constant 0 : i32
    %dma_start3A_550 = arith.constant 0 : i32
    %dma_start3A_551 = tpu.memref_slice %arg10[%dma_start3A_542, %dma_start3A_549, %dma_start3A_550] : memref<2x20x128xi32, #tpu.memory_space<vmem>> -> memref<1x20x128xi32, #tpu.memory_space<vmem>>
    %dma_start3A_552 = tpu.memref_squeeze %dma_start3A_551 : memref<1x20x128xi32, #tpu.memory_space<vmem>> -> memref<20x128xi32, #tpu.memory_space<vmem>>
    %dma_start3A_553 = arith.constant 0 : i32
    %dma_start3A_554 = tpu.memref_slice %dma_start3A_552[%dma_start3A_543, %dma_start3A_553] : memref<20x128xi32, #tpu.memory_space<vmem>> -> memref<1x128xi32, #tpu.memory_space<vmem>>
    %dma_start3A_555 = tpu.memref_squeeze %dma_start3A_554 : memref<1x128xi32, #tpu.memory_space<vmem>> -> memref<128xi32, #tpu.memory_space<vmem>>
    %dma_start3A_556 = arith.constant 0 : i32
    %dma_start3A_557 = arith.constant 0 : i32
    %dma_start3A_558 = tpu.memref_slice %arg6[%dma_start3A_556, %dma_start3A_557] : memref<1000000x64xf32, #tpu.memory_space<hbm>> -> memref<1000000x64xf32, #tpu.memory_space<hbm>>
    tpu.enqueue_indirect_dma source(%dma_start3A_558 : memref<1000000x64xf32, #tpu.memory_space<hbm>>) target(%dma_start3A_548 : memref<128x64xf32, #tpu.memory_space<vmem>>) offsets(%dma_start3A_555 : memref<128xi32, #tpu.memory_space<vmem>>) semaphore(%arg16 : memref<!tpu.dma_semaphore, #tpu.memory_space<semaphore_mem>>) {add = true}
    %dma_start3A_559 = arith.constant 1 : i32
    %dma_start3A_560 = arith.constant 9 : i32
    %dma_start3A_561 = arith.constant 1 : i32
    %dma_start3A_562 = arith.constant 0 : i32
    %dma_start3A_563 = arith.constant 0 : i32
    %dma_start3A_564 = tpu.memref_slice %arg13[%dma_start3A_561, %dma_start3A_562, %dma_start3A_563] : memref<2x128x64xf32, #tpu.memory_space<vmem>> -> memref<1x128x64xf32, #tpu.memory_space<vmem>>
    %dma_start3A_565 = tpu.memref_squeeze %dma_start3A_564 : memref<1x128x64xf32, #tpu.memory_space<vmem>> -> memref<128x64xf32, #tpu.memory_space<vmem>>
    %dma_start3A_566 = arith.constant 0 : i32
    %dma_start3A_567 = arith.constant 0 : i32
    %dma_start3A_568 = tpu.memref_slice %arg10[%dma_start3A_559, %dma_start3A_566, %dma_start3A_567] : memref<2x20x128xi32, #tpu.memory_space<vmem>> -> memref<1x20x128xi32, #tpu.memory_space<vmem>>
    %dma_start3A_569 = tpu.memref_squeeze %dma_start3A_568 : memref<1x20x128xi32, #tpu.memory_space<vmem>> -> memref<20x128xi32, #tpu.memory_space<vmem>>
    %dma_start3A_570 = arith.constant 0 : i32
    %dma_start3A_571 = tpu.memref_slice %dma_start3A_569[%dma_start3A_560, %dma_start3A_570] : memref<20x128xi32, #tpu.memory_space<vmem>> -> memref<1x128xi32, #tpu.memory_space<vmem>>
    %dma_start3A_572 = tpu.memref_squeeze %dma_start3A_571 : memref<1x128xi32, #tpu.memory_space<vmem>> -> memref<128xi32, #tpu.memory_space<vmem>>
    %dma_start3A_573 = arith.constant 0 : i32
    %dma_start3A_574 = arith.constant 0 : i32
    %dma_start3A_575 = tpu.memref_slice %arg6[%dma_start3A_573, %dma_start3A_574] : memref<1000000x64xf32, #tpu.memory_space<hbm>> -> memref<1000000x64xf32, #tpu.memory_space<hbm>>
    tpu.enqueue_indirect_dma source(%dma_start3A_575 : memref<1000000x64xf32, #tpu.memory_space<hbm>>) target(%dma_start3A_565 : memref<128x64xf32, #tpu.memory_space<vmem>>) offsets(%dma_start3A_572 : memref<128xi32, #tpu.memory_space<vmem>>) semaphore(%arg16 : memref<!tpu.dma_semaphore, #tpu.memory_space<semaphore_mem>>) {add = true}
    %dma_start3A_576 = arith.constant 1 : i32
    %dma_start3A_577 = arith.constant 10 : i32
    %dma_start3A_578 = arith.constant 1 : i32
    %dma_start3A_579 = arith.constant 0 : i32
    %dma_start3A_580 = arith.constant 0 : i32
    %dma_start3A_581 = tpu.memref_slice %arg13[%dma_start3A_578, %dma_start3A_579, %dma_start3A_580] : memref<2x128x64xf32, #tpu.memory_space<vmem>> -> memref<1x128x64xf32, #tpu.memory_space<vmem>>
    %dma_start3A_582 = tpu.memref_squeeze %dma_start3A_581 : memref<1x128x64xf32, #tpu.memory_space<vmem>> -> memref<128x64xf32, #tpu.memory_space<vmem>>
    %dma_start3A_583 = arith.constant 0 : i32
    %dma_start3A_584 = arith.constant 0 : i32
    %dma_start3A_585 = tpu.memref_slice %arg10[%dma_start3A_576, %dma_start3A_583, %dma_start3A_584] : memref<2x20x128xi32, #tpu.memory_space<vmem>> -> memref<1x20x128xi32, #tpu.memory_space<vmem>>
    %dma_start3A_586 = tpu.memref_squeeze %dma_start3A_585 : memref<1x20x128xi32, #tpu.memory_space<vmem>> -> memref<20x128xi32, #tpu.memory_space<vmem>>
    %dma_start3A_587 = arith.constant 0 : i32
    %dma_start3A_588 = tpu.memref_slice %dma_start3A_586[%dma_start3A_577, %dma_start3A_587] : memref<20x128xi32, #tpu.memory_space<vmem>> -> memref<1x128xi32, #tpu.memory_space<vmem>>
    %dma_start3A_589 = tpu.memref_squeeze %dma_start3A_588 : memref<1x128xi32, #tpu.memory_space<vmem>> -> memref<128xi32, #tpu.memory_space<vmem>>
    %dma_start3A_590 = arith.constant 0 : i32
    %dma_start3A_591 = arith.constant 0 : i32
    %dma_start3A_592 = tpu.memref_slice %arg6[%dma_start3A_590, %dma_start3A_591] : memref<1000000x64xf32, #tpu.memory_space<hbm>> -> memref<1000000x64xf32, #tpu.memory_space<hbm>>
    tpu.enqueue_indirect_dma source(%dma_start3A_592 : memref<1000000x64xf32, #tpu.memory_space<hbm>>) target(%dma_start3A_582 : memref<128x64xf32, #tpu.memory_space<vmem>>) offsets(%dma_start3A_589 : memref<128xi32, #tpu.memory_space<vmem>>) semaphore(%arg16 : memref<!tpu.dma_semaphore, #tpu.memory_space<semaphore_mem>>) {add = true}
    %dma_start3A_593 = arith.constant 1 : i32
    %dma_start3A_594 = arith.constant 11 : i32
    %dma_start3A_595 = arith.constant 1 : i32
    %dma_start3A_596 = arith.constant 0 : i32
    %dma_start3A_597 = arith.constant 0 : i32
    %dma_start3A_598 = tpu.memref_slice %arg13[%dma_start3A_595, %dma_start3A_596, %dma_start3A_597] : memref<2x128x64xf32, #tpu.memory_space<vmem>> -> memref<1x128x64xf32, #tpu.memory_space<vmem>>
    %dma_start3A_599 = tpu.memref_squeeze %dma_start3A_598 : memref<1x128x64xf32, #tpu.memory_space<vmem>> -> memref<128x64xf32, #tpu.memory_space<vmem>>
    %dma_start3A_600 = arith.constant 0 : i32
    %dma_start3A_601 = arith.constant 0 : i32
    %dma_start3A_602 = tpu.memref_slice %arg10[%dma_start3A_593, %dma_start3A_600, %dma_start3A_601] : memref<2x20x128xi32, #tpu.memory_space<vmem>> -> memref<1x20x128xi32, #tpu.memory_space<vmem>>
    %dma_start3A_603 = tpu.memref_squeeze %dma_start3A_602 : memref<1x20x128xi32, #tpu.memory_space<vmem>> -> memref<20x128xi32, #tpu.memory_space<vmem>>
    %dma_start3A_604 = arith.constant 0 : i32
    %dma_start3A_605 = tpu.memref_slice %dma_start3A_603[%dma_start3A_594, %dma_start3A_604] : memref<20x128xi32, #tpu.memory_space<vmem>> -> memref<1x128xi32, #tpu.memory_space<vmem>>
    %dma_start3A_606 = tpu.memref_squeeze %dma_start3A_605 : memref<1x128xi32, #tpu.memory_space<vmem>> -> memref<128xi32, #tpu.memory_space<vmem>>
    %dma_start3A_607 = arith.constant 0 : i32
    %dma_start3A_608 = arith.constant 0 : i32
    %dma_start3A_609 = tpu.memref_slice %arg6[%dma_start3A_607, %dma_start3A_608] : memref<1000000x64xf32, #tpu.memory_space<hbm>> -> memref<1000000x64xf32, #tpu.memory_space<hbm>>
    tpu.enqueue_indirect_dma source(%dma_start3A_609 : memref<1000000x64xf32, #tpu.memory_space<hbm>>) target(%dma_start3A_599 : memref<128x64xf32, #tpu.memory_space<vmem>>) offsets(%dma_start3A_606 : memref<128xi32, #tpu.memory_space<vmem>>) semaphore(%arg16 : memref<!tpu.dma_semaphore, #tpu.memory_space<semaphore_mem>>) {add = true}
    %dma_start3A_610 = arith.constant 1 : i32
    %dma_start3A_611 = arith.constant 12 : i32
    %dma_start3A_612 = arith.constant 1 : i32
    %dma_start3A_613 = arith.constant 0 : i32
    %dma_start3A_614 = arith.constant 0 : i32
    %dma_start3A_615 = tpu.memref_slice %arg13[%dma_start3A_612, %dma_start3A_613, %dma_start3A_614] : memref<2x128x64xf32, #tpu.memory_space<vmem>> -> memref<1x128x64xf32, #tpu.memory_space<vmem>>
    %dma_start3A_616 = tpu.memref_squeeze %dma_start3A_615 : memref<1x128x64xf32, #tpu.memory_space<vmem>> -> memref<128x64xf32, #tpu.memory_space<vmem>>
    %dma_start3A_617 = arith.constant 0 : i32
    %dma_start3A_618 = arith.constant 0 : i32
    %dma_start3A_619 = tpu.memref_slice %arg10[%dma_start3A_610, %dma_start3A_617, %dma_start3A_618] : memref<2x20x128xi32, #tpu.memory_space<vmem>> -> memref<1x20x128xi32, #tpu.memory_space<vmem>>
    %dma_start3A_620 = tpu.memref_squeeze %dma_start3A_619 : memref<1x20x128xi32, #tpu.memory_space<vmem>> -> memref<20x128xi32, #tpu.memory_space<vmem>>
    %dma_start3A_621 = arith.constant 0 : i32
    %dma_start3A_622 = tpu.memref_slice %dma_start3A_620[%dma_start3A_611, %dma_start3A_621] : memref<20x128xi32, #tpu.memory_space<vmem>> -> memref<1x128xi32, #tpu.memory_space<vmem>>
    %dma_start3A_623 = tpu.memref_squeeze %dma_start3A_622 : memref<1x128xi32, #tpu.memory_space<vmem>> -> memref<128xi32, #tpu.memory_space<vmem>>
    %dma_start3A_624 = arith.constant 0 : i32
    %dma_start3A_625 = arith.constant 0 : i32
    %dma_start3A_626 = tpu.memref_slice %arg6[%dma_start3A_624, %dma_start3A_625] : memref<1000000x64xf32, #tpu.memory_space<hbm>> -> memref<1000000x64xf32, #tpu.memory_space<hbm>>
    tpu.enqueue_indirect_dma source(%dma_start3A_626 : memref<1000000x64xf32, #tpu.memory_space<hbm>>) target(%dma_start3A_616 : memref<128x64xf32, #tpu.memory_space<vmem>>) offsets(%dma_start3A_623 : memref<128xi32, #tpu.memory_space<vmem>>) semaphore(%arg16 : memref<!tpu.dma_semaphore, #tpu.memory_space<semaphore_mem>>) {add = true}
    %dma_start3A_627 = arith.constant 1 : i32
    %dma_start3A_628 = arith.constant 13 : i32
    %dma_start3A_629 = arith.constant 1 : i32
    %dma_start3A_630 = arith.constant 0 : i32
    %dma_start3A_631 = arith.constant 0 : i32
    %dma_start3A_632 = tpu.memref_slice %arg13[%dma_start3A_629, %dma_start3A_630, %dma_start3A_631] : memref<2x128x64xf32, #tpu.memory_space<vmem>> -> memref<1x128x64xf32, #tpu.memory_space<vmem>>
    %dma_start3A_633 = tpu.memref_squeeze %dma_start3A_632 : memref<1x128x64xf32, #tpu.memory_space<vmem>> -> memref<128x64xf32, #tpu.memory_space<vmem>>
    %dma_start3A_634 = arith.constant 0 : i32
    %dma_start3A_635 = arith.constant 0 : i32
    %dma_start3A_636 = tpu.memref_slice %arg10[%dma_start3A_627, %dma_start3A_634, %dma_start3A_635] : memref<2x20x128xi32, #tpu.memory_space<vmem>> -> memref<1x20x128xi32, #tpu.memory_space<vmem>>
    %dma_start3A_637 = tpu.memref_squeeze %dma_start3A_636 : memref<1x20x128xi32, #tpu.memory_space<vmem>> -> memref<20x128xi32, #tpu.memory_space<vmem>>
    %dma_start3A_638 = arith.constant 0 : i32
    %dma_start3A_639 = tpu.memref_slice %dma_start3A_637[%dma_start3A_628, %dma_start3A_638] : memref<20x128xi32, #tpu.memory_space<vmem>> -> memref<1x128xi32, #tpu.memory_space<vmem>>
    %dma_start3A_640 = tpu.memref_squeeze %dma_start3A_639 : memref<1x128xi32, #tpu.memory_space<vmem>> -> memref<128xi32, #tpu.memory_space<vmem>>
    %dma_start3A_641 = arith.constant 0 : i32
    %dma_start3A_642 = arith.constant 0 : i32
    %dma_start3A_643 = tpu.memref_slice %arg6[%dma_start3A_641, %dma_start3A_642] : memref<1000000x64xf32, #tpu.memory_space<hbm>> -> memref<1000000x64xf32, #tpu.memory_space<hbm>>
    tpu.enqueue_indirect_dma source(%dma_start3A_643 : memref<1000000x64xf32, #tpu.memory_space<hbm>>) target(%dma_start3A_633 : memref<128x64xf32, #tpu.memory_space<vmem>>) offsets(%dma_start3A_640 : memref<128xi32, #tpu.memory_space<vmem>>) semaphore(%arg16 : memref<!tpu.dma_semaphore, #tpu.memory_space<semaphore_mem>>) {add = true}
    %dma_start3A_644 = arith.constant 1 : i32
    %dma_start3A_645 = arith.constant 14 : i32
    %dma_start3A_646 = arith.constant 1 : i32
    %dma_start3A_647 = arith.constant 0 : i32
    %dma_start3A_648 = arith.constant 0 : i32
    %dma_start3A_649 = tpu.memref_slice %arg13[%dma_start3A_646, %dma_start3A_647, %dma_start3A_648] : memref<2x128x64xf32, #tpu.memory_space<vmem>> -> memref<1x128x64xf32, #tpu.memory_space<vmem>>
    %dma_start3A_650 = tpu.memref_squeeze %dma_start3A_649 : memref<1x128x64xf32, #tpu.memory_space<vmem>> -> memref<128x64xf32, #tpu.memory_space<vmem>>
    %dma_start3A_651 = arith.constant 0 : i32
    %dma_start3A_652 = arith.constant 0 : i32
    %dma_start3A_653 = tpu.memref_slice %arg10[%dma_start3A_644, %dma_start3A_651, %dma_start3A_652] : memref<2x20x128xi32, #tpu.memory_space<vmem>> -> memref<1x20x128xi32, #tpu.memory_space<vmem>>
    %dma_start3A_654 = tpu.memref_squeeze %dma_start3A_653 : memref<1x20x128xi32, #tpu.memory_space<vmem>> -> memref<20x128xi32, #tpu.memory_space<vmem>>
    %dma_start3A_655 = arith.constant 0 : i32
    %dma_start3A_656 = tpu.memref_slice %dma_start3A_654[%dma_start3A_645, %dma_start3A_655] : memref<20x128xi32, #tpu.memory_space<vmem>> -> memref<1x128xi32, #tpu.memory_space<vmem>>
    %dma_start3A_657 = tpu.memref_squeeze %dma_start3A_656 : memref<1x128xi32, #tpu.memory_space<vmem>> -> memref<128xi32, #tpu.memory_space<vmem>>
    %dma_start3A_658 = arith.constant 0 : i32
    %dma_start3A_659 = arith.constant 0 : i32
    %dma_start3A_660 = tpu.memref_slice %arg6[%dma_start3A_658, %dma_start3A_659] : memref<1000000x64xf32, #tpu.memory_space<hbm>> -> memref<1000000x64xf32, #tpu.memory_space<hbm>>
    tpu.enqueue_indirect_dma source(%dma_start3A_660 : memref<1000000x64xf32, #tpu.memory_space<hbm>>) target(%dma_start3A_650 : memref<128x64xf32, #tpu.memory_space<vmem>>) offsets(%dma_start3A_657 : memref<128xi32, #tpu.memory_space<vmem>>) semaphore(%arg16 : memref<!tpu.dma_semaphore, #tpu.memory_space<semaphore_mem>>) {add = true}
    %dma_start3A_661 = arith.constant 1 : i32
    %dma_start3A_662 = arith.constant 15 : i32
    %dma_start3A_663 = arith.constant 1 : i32
    %dma_start3A_664 = arith.constant 0 : i32
    %dma_start3A_665 = arith.constant 0 : i32
    %dma_start3A_666 = tpu.memref_slice %arg13[%dma_start3A_663, %dma_start3A_664, %dma_start3A_665] : memref<2x128x64xf32, #tpu.memory_space<vmem>> -> memref<1x128x64xf32, #tpu.memory_space<vmem>>
    %dma_start3A_667 = tpu.memref_squeeze %dma_start3A_666 : memref<1x128x64xf32, #tpu.memory_space<vmem>> -> memref<128x64xf32, #tpu.memory_space<vmem>>
    %dma_start3A_668 = arith.constant 0 : i32
    %dma_start3A_669 = arith.constant 0 : i32
    %dma_start3A_670 = tpu.memref_slice %arg10[%dma_start3A_661, %dma_start3A_668, %dma_start3A_669] : memref<2x20x128xi32, #tpu.memory_space<vmem>> -> memref<1x20x128xi32, #tpu.memory_space<vmem>>
    %dma_start3A_671 = tpu.memref_squeeze %dma_start3A_670 : memref<1x20x128xi32, #tpu.memory_space<vmem>> -> memref<20x128xi32, #tpu.memory_space<vmem>>
    %dma_start3A_672 = arith.constant 0 : i32
    %dma_start3A_673 = tpu.memref_slice %dma_start3A_671[%dma_start3A_662, %dma_start3A_672] : memref<20x128xi32, #tpu.memory_space<vmem>> -> memref<1x128xi32, #tpu.memory_space<vmem>>
    %dma_start3A_674 = tpu.memref_squeeze %dma_start3A_673 : memref<1x128xi32, #tpu.memory_space<vmem>> -> memref<128xi32, #tpu.memory_space<vmem>>
    %dma_start3A_675 = arith.constant 0 : i32
    %dma_start3A_676 = arith.constant 0 : i32
    %dma_start3A_677 = tpu.memref_slice %arg6[%dma_start3A_675, %dma_start3A_676] : memref<1000000x64xf32, #tpu.memory_space<hbm>> -> memref<1000000x64xf32, #tpu.memory_space<hbm>>
    tpu.enqueue_indirect_dma source(%dma_start3A_677 : memref<1000000x64xf32, #tpu.memory_space<hbm>>) target(%dma_start3A_667 : memref<128x64xf32, #tpu.memory_space<vmem>>) offsets(%dma_start3A_674 : memref<128xi32, #tpu.memory_space<vmem>>) semaphore(%arg16 : memref<!tpu.dma_semaphore, #tpu.memory_space<semaphore_mem>>) {add = true}
    %dma_start3A_678 = arith.constant 1 : i32
    %dma_start3A_679 = arith.constant 16 : i32
    %dma_start3A_680 = arith.constant 1 : i32
    %dma_start3A_681 = arith.constant 0 : i32
    %dma_start3A_682 = arith.constant 0 : i32
    %dma_start3A_683 = tpu.memref_slice %arg13[%dma_start3A_680, %dma_start3A_681, %dma_start3A_682] : memref<2x128x64xf32, #tpu.memory_space<vmem>> -> memref<1x128x64xf32, #tpu.memory_space<vmem>>
    %dma_start3A_684 = tpu.memref_squeeze %dma_start3A_683 : memref<1x128x64xf32, #tpu.memory_space<vmem>> -> memref<128x64xf32, #tpu.memory_space<vmem>>
    %dma_start3A_685 = arith.constant 0 : i32
    %dma_start3A_686 = arith.constant 0 : i32
    %dma_start3A_687 = tpu.memref_slice %arg10[%dma_start3A_678, %dma_start3A_685, %dma_start3A_686] : memref<2x20x128xi32, #tpu.memory_space<vmem>> -> memref<1x20x128xi32, #tpu.memory_space<vmem>>
    %dma_start3A_688 = tpu.memref_squeeze %dma_start3A_687 : memref<1x20x128xi32, #tpu.memory_space<vmem>> -> memref<20x128xi32, #tpu.memory_space<vmem>>
    %dma_start3A_689 = arith.constant 0 : i32
    %dma_start3A_690 = tpu.memref_slice %dma_start3A_688[%dma_start3A_679, %dma_start3A_689] : memref<20x128xi32, #tpu.memory_space<vmem>> -> memref<1x128xi32, #tpu.memory_space<vmem>>
    %dma_start3A_691 = tpu.memref_squeeze %dma_start3A_690 : memref<1x128xi32, #tpu.memory_space<vmem>> -> memref<128xi32, #tpu.memory_space<vmem>>
    %dma_start3A_692 = arith.constant 0 : i32
    %dma_start3A_693 = arith.constant 0 : i32
    %dma_start3A_694 = tpu.memref_slice %arg6[%dma_start3A_692, %dma_start3A_693] : memref<1000000x64xf32, #tpu.memory_space<hbm>> -> memref<1000000x64xf32, #tpu.memory_space<hbm>>
    tpu.enqueue_indirect_dma source(%dma_start3A_694 : memref<1000000x64xf32, #tpu.memory_space<hbm>>) target(%dma_start3A_684 : memref<128x64xf32, #tpu.memory_space<vmem>>) offsets(%dma_start3A_691 : memref<128xi32, #tpu.memory_space<vmem>>) semaphore(%arg16 : memref<!tpu.dma_semaphore, #tpu.memory_space<semaphore_mem>>) {add = true}
    %dma_start3A_695 = arith.constant 1 : i32
    %dma_start3A_696 = arith.constant 17 : i32
    %dma_start3A_697 = arith.constant 1 : i32
    %dma_start3A_698 = arith.constant 0 : i32
    %dma_start3A_699 = arith.constant 0 : i32
    %dma_start3A_700 = tpu.memref_slice %arg13[%dma_start3A_697, %dma_start3A_698, %dma_start3A_699] : memref<2x128x64xf32, #tpu.memory_space<vmem>> -> memref<1x128x64xf32, #tpu.memory_space<vmem>>
    %dma_start3A_701 = tpu.memref_squeeze %dma_start3A_700 : memref<1x128x64xf32, #tpu.memory_space<vmem>> -> memref<128x64xf32, #tpu.memory_space<vmem>>
    %dma_start3A_702 = arith.constant 0 : i32
    %dma_start3A_703 = arith.constant 0 : i32
    %dma_start3A_704 = tpu.memref_slice %arg10[%dma_start3A_695, %dma_start3A_702, %dma_start3A_703] : memref<2x20x128xi32, #tpu.memory_space<vmem>> -> memref<1x20x128xi32, #tpu.memory_space<vmem>>
    %dma_start3A_705 = tpu.memref_squeeze %dma_start3A_704 : memref<1x20x128xi32, #tpu.memory_space<vmem>> -> memref<20x128xi32, #tpu.memory_space<vmem>>
    %dma_start3A_706 = arith.constant 0 : i32
    %dma_start3A_707 = tpu.memref_slice %dma_start3A_705[%dma_start3A_696, %dma_start3A_706] : memref<20x128xi32, #tpu.memory_space<vmem>> -> memref<1x128xi32, #tpu.memory_space<vmem>>
    %dma_start3A_708 = tpu.memref_squeeze %dma_start3A_707 : memref<1x128xi32, #tpu.memory_space<vmem>> -> memref<128xi32, #tpu.memory_space<vmem>>
    %dma_start3A_709 = arith.constant 0 : i32
    %dma_start3A_710 = arith.constant 0 : i32
    %dma_start3A_711 = tpu.memref_slice %arg6[%dma_start3A_709, %dma_start3A_710] : memref<1000000x64xf32, #tpu.memory_space<hbm>> -> memref<1000000x64xf32, #tpu.memory_space<hbm>>
    tpu.enqueue_indirect_dma source(%dma_start3A_711 : memref<1000000x64xf32, #tpu.memory_space<hbm>>) target(%dma_start3A_701 : memref<128x64xf32, #tpu.memory_space<vmem>>) offsets(%dma_start3A_708 : memref<128xi32, #tpu.memory_space<vmem>>) semaphore(%arg16 : memref<!tpu.dma_semaphore, #tpu.memory_space<semaphore_mem>>) {add = true}
    %dma_start3A_712 = arith.constant 1 : i32
    %dma_start3A_713 = arith.constant 18 : i32
    %dma_start3A_714 = arith.constant 1 : i32
    %dma_start3A_715 = arith.constant 0 : i32
    %dma_start3A_716 = arith.constant 0 : i32
    %dma_start3A_717 = tpu.memref_slice %arg13[%dma_start3A_714, %dma_start3A_715, %dma_start3A_716] : memref<2x128x64xf32, #tpu.memory_space<vmem>> -> memref<1x128x64xf32, #tpu.memory_space<vmem>>
    %dma_start3A_718 = tpu.memref_squeeze %dma_start3A_717 : memref<1x128x64xf32, #tpu.memory_space<vmem>> -> memref<128x64xf32, #tpu.memory_space<vmem>>
    %dma_start3A_719 = arith.constant 0 : i32
    %dma_start3A_720 = arith.constant 0 : i32
    %dma_start3A_721 = tpu.memref_slice %arg10[%dma_start3A_712, %dma_start3A_719, %dma_start3A_720] : memref<2x20x128xi32, #tpu.memory_space<vmem>> -> memref<1x20x128xi32, #tpu.memory_space<vmem>>
    %dma_start3A_722 = tpu.memref_squeeze %dma_start3A_721 : memref<1x20x128xi32, #tpu.memory_space<vmem>> -> memref<20x128xi32, #tpu.memory_space<vmem>>
    %dma_start3A_723 = arith.constant 0 : i32
    %dma_start3A_724 = tpu.memref_slice %dma_start3A_722[%dma_start3A_713, %dma_start3A_723] : memref<20x128xi32, #tpu.memory_space<vmem>> -> memref<1x128xi32, #tpu.memory_space<vmem>>
    %dma_start3A_725 = tpu.memref_squeeze %dma_start3A_724 : memref<1x128xi32, #tpu.memory_space<vmem>> -> memref<128xi32, #tpu.memory_space<vmem>>
    %dma_start3A_726 = arith.constant 0 : i32
    %dma_start3A_727 = arith.constant 0 : i32
    %dma_start3A_728 = tpu.memref_slice %arg6[%dma_start3A_726, %dma_start3A_727] : memref<1000000x64xf32, #tpu.memory_space<hbm>> -> memref<1000000x64xf32, #tpu.memory_space<hbm>>
    tpu.enqueue_indirect_dma source(%dma_start3A_728 : memref<1000000x64xf32, #tpu.memory_space<hbm>>) target(%dma_start3A_718 : memref<128x64xf32, #tpu.memory_space<vmem>>) offsets(%dma_start3A_725 : memref<128xi32, #tpu.memory_space<vmem>>) semaphore(%arg16 : memref<!tpu.dma_semaphore, #tpu.memory_space<semaphore_mem>>) {add = true}
    %dma_start3A_729 = arith.constant 1 : i32
    %dma_start3A_730 = arith.constant 19 : i32
    %dma_start3A_731 = arith.constant 1 : i32
    %dma_start3A_732 = arith.constant 0 : i32
    %dma_start3A_733 = arith.constant 0 : i32
    %dma_start3A_734 = tpu.memref_slice %arg13[%dma_start3A_731, %dma_start3A_732, %dma_start3A_733] : memref<2x128x64xf32, #tpu.memory_space<vmem>> -> memref<1x128x64xf32, #tpu.memory_space<vmem>>
    %dma_start3A_735 = tpu.memref_squeeze %dma_start3A_734 : memref<1x128x64xf32, #tpu.memory_space<vmem>> -> memref<128x64xf32, #tpu.memory_space<vmem>>
    %dma_start3A_736 = arith.constant 0 : i32
    %dma_start3A_737 = arith.constant 0 : i32
    %dma_start3A_738 = tpu.memref_slice %arg10[%dma_start3A_729, %dma_start3A_736, %dma_start3A_737] : memref<2x20x128xi32, #tpu.memory_space<vmem>> -> memref<1x20x128xi32, #tpu.memory_space<vmem>>
    %dma_start3A_739 = tpu.memref_squeeze %dma_start3A_738 : memref<1x20x128xi32, #tpu.memory_space<vmem>> -> memref<20x128xi32, #tpu.memory_space<vmem>>
    %dma_start3A_740 = arith.constant 0 : i32
    %dma_start3A_741 = tpu.memref_slice %dma_start3A_739[%dma_start3A_730, %dma_start3A_740] : memref<20x128xi32, #tpu.memory_space<vmem>> -> memref<1x128xi32, #tpu.memory_space<vmem>>
    %dma_start3A_742 = tpu.memref_squeeze %dma_start3A_741 : memref<1x128xi32, #tpu.memory_space<vmem>> -> memref<128xi32, #tpu.memory_space<vmem>>
    %dma_start3A_743 = arith.constant 0 : i32
    %dma_start3A_744 = arith.constant 0 : i32
    %dma_start3A_745 = tpu.memref_slice %arg6[%dma_start3A_743, %dma_start3A_744] : memref<1000000x64xf32, #tpu.memory_space<hbm>> -> memref<1000000x64xf32, #tpu.memory_space<hbm>>
    tpu.enqueue_indirect_dma source(%dma_start3A_745 : memref<1000000x64xf32, #tpu.memory_space<hbm>>) target(%dma_start3A_735 : memref<128x64xf32, #tpu.memory_space<vmem>>) offsets(%dma_start3A_742 : memref<128xi32, #tpu.memory_space<vmem>>) semaphore(%arg16 : memref<!tpu.dma_semaphore, #tpu.memory_space<semaphore_mem>>) {add = true}
    %dma_wait3A = arith.constant 0 : i32
    %dma_wait3A_746 = arith.constant 0 : i32
    %dma_wait3A_747 = arith.constant 0 : i32
    %dma_wait3A_748 = arith.constant 0 : i32
    %dma_wait3A_749 = tpu.memref_slice %arg11[%dma_wait3A_746, %dma_wait3A_747, %dma_wait3A_748] : memref<2x128x64xf32, #tpu.memory_space<vmem>> -> memref<1x128x64xf32, #tpu.memory_space<vmem>>
    %dma_wait3A_750 = tpu.memref_squeeze %dma_wait3A_749 : memref<1x128x64xf32, #tpu.memory_space<vmem>> -> memref<128x64xf32, #tpu.memory_space<vmem>>
    %dma_wait3A_751 = arith.constant 0 : i32
    %dma_wait3A_752 = tpu.memref_slice %arg8[%dma_wait3A, %dma_wait3A_751] : memref<2x128xi32, #tpu.memory_space<vmem>> -> memref<1x128xi32, #tpu.memory_space<vmem>>
    %dma_wait3A_753 = tpu.memref_squeeze %dma_wait3A_752 : memref<1x128xi32, #tpu.memory_space<vmem>> -> memref<128xi32, #tpu.memory_space<vmem>>
    %dma_wait3A_754 = arith.constant 0 : i32
    %dma_wait3A_755 = arith.constant 0 : i32
    %dma_wait3A_756 = tpu.memref_slice %arg5[%dma_wait3A_754, %dma_wait3A_755] : memref<1000000x64xf32, #tpu.memory_space<hbm>> -> memref<1000000x64xf32, #tpu.memory_space<hbm>>
    tpu.wait_indirect_dma semaphore(%arg15 : memref<!tpu.dma_semaphore, #tpu.memory_space<semaphore_mem>>) src(%dma_wait3A_756 : memref<1000000x64xf32, #tpu.memory_space<hbm>>) dst(%dma_wait3A_750 : memref<128x64xf32, #tpu.memory_space<vmem>>)
    %dma_wait3A_757 = arith.constant 0 : i32
    %dma_wait3A_758 = arith.constant 0 : i32
    %dma_wait3A_759 = arith.constant 0 : i32
    %dma_wait3A_760 = arith.constant 0 : i32
    %dma_wait3A_761 = tpu.memref_slice %arg12[%dma_wait3A_758, %dma_wait3A_759, %dma_wait3A_760] : memref<2x128x64xf32, #tpu.memory_space<vmem>> -> memref<1x128x64xf32, #tpu.memory_space<vmem>>
    %dma_wait3A_762 = tpu.memref_squeeze %dma_wait3A_761 : memref<1x128x64xf32, #tpu.memory_space<vmem>> -> memref<128x64xf32, #tpu.memory_space<vmem>>
    %dma_wait3A_763 = arith.constant 0 : i32
    %dma_wait3A_764 = tpu.memref_slice %arg9[%dma_wait3A_757, %dma_wait3A_763] : memref<2x128xi32, #tpu.memory_space<vmem>> -> memref<1x128xi32, #tpu.memory_space<vmem>>
    %dma_wait3A_765 = tpu.memref_squeeze %dma_wait3A_764 : memref<1x128xi32, #tpu.memory_space<vmem>> -> memref<128xi32, #tpu.memory_space<vmem>>
    %dma_wait3A_766 = arith.constant 0 : i32
    %dma_wait3A_767 = arith.constant 0 : i32
    %dma_wait3A_768 = tpu.memref_slice %arg6[%dma_wait3A_766, %dma_wait3A_767] : memref<1000000x64xf32, #tpu.memory_space<hbm>> -> memref<1000000x64xf32, #tpu.memory_space<hbm>>
    tpu.wait_indirect_dma semaphore(%arg15 : memref<!tpu.dma_semaphore, #tpu.memory_space<semaphore_mem>>) src(%dma_wait3A_768 : memref<1000000x64xf32, #tpu.memory_space<hbm>>) dst(%dma_wait3A_762 : memref<128x64xf32, #tpu.memory_space<vmem>>)
    %dma_wait3A_769 = arith.constant 0 : i32
    %dma_wait3A_770 = arith.constant 0 : i32
    %dma_wait3A_771 = arith.constant 0 : i32
    %dma_wait3A_772 = arith.constant 0 : i32
    %dma_wait3A_773 = arith.constant 0 : i32
    %dma_wait3A_774 = tpu.memref_slice %arg13[%dma_wait3A_771, %dma_wait3A_772, %dma_wait3A_773] : memref<2x128x64xf32, #tpu.memory_space<vmem>> -> memref<1x128x64xf32, #tpu.memory_space<vmem>>
    %dma_wait3A_775 = tpu.memref_squeeze %dma_wait3A_774 : memref<1x128x64xf32, #tpu.memory_space<vmem>> -> memref<128x64xf32, #tpu.memory_space<vmem>>
    %dma_wait3A_776 = arith.constant 0 : i32
    %dma_wait3A_777 = arith.constant 0 : i32
    %dma_wait3A_778 = tpu.memref_slice %arg10[%dma_wait3A_769, %dma_wait3A_776, %dma_wait3A_777] : memref<2x20x128xi32, #tpu.memory_space<vmem>> -> memref<1x20x128xi32, #tpu.memory_space<vmem>>
    %dma_wait3A_779 = tpu.memref_squeeze %dma_wait3A_778 : memref<1x20x128xi32, #tpu.memory_space<vmem>> -> memref<20x128xi32, #tpu.memory_space<vmem>>
    %dma_wait3A_780 = arith.constant 0 : i32
    %dma_wait3A_781 = tpu.memref_slice %dma_wait3A_779[%dma_wait3A_770, %dma_wait3A_780] : memref<20x128xi32, #tpu.memory_space<vmem>> -> memref<1x128xi32, #tpu.memory_space<vmem>>
    %dma_wait3A_782 = tpu.memref_squeeze %dma_wait3A_781 : memref<1x128xi32, #tpu.memory_space<vmem>> -> memref<128xi32, #tpu.memory_space<vmem>>
    %dma_wait3A_783 = arith.constant 0 : i32
    %dma_wait3A_784 = arith.constant 0 : i32
    %dma_wait3A_785 = tpu.memref_slice %arg6[%dma_wait3A_783, %dma_wait3A_784] : memref<1000000x64xf32, #tpu.memory_space<hbm>> -> memref<1000000x64xf32, #tpu.memory_space<hbm>>
    tpu.wait_indirect_dma semaphore(%arg15 : memref<!tpu.dma_semaphore, #tpu.memory_space<semaphore_mem>>) src(%dma_wait3A_785 : memref<1000000x64xf32, #tpu.memory_space<hbm>>) dst(%dma_wait3A_775 : memref<128x64xf32, #tpu.memory_space<vmem>>)
    %dma_wait3A_786 = arith.constant 0 : i32
    %dma_wait3A_787 = arith.constant 1 : i32
    %dma_wait3A_788 = arith.constant 0 : i32
    %dma_wait3A_789 = arith.constant 0 : i32
    %dma_wait3A_790 = arith.constant 0 : i32
    %dma_wait3A_791 = tpu.memref_slice %arg13[%dma_wait3A_788, %dma_wait3A_789, %dma_wait3A_790] : memref<2x128x64xf32, #tpu.memory_space<vmem>> -> memref<1x128x64xf32, #tpu.memory_space<vmem>>
    %dma_wait3A_792 = tpu.memref_squeeze %dma_wait3A_791 : memref<1x128x64xf32, #tpu.memory_space<vmem>> -> memref<128x64xf32, #tpu.memory_space<vmem>>
    %dma_wait3A_793 = arith.constant 0 : i32
    %dma_wait3A_794 = arith.constant 0 : i32
    %dma_wait3A_795 = tpu.memref_slice %arg10[%dma_wait3A_786, %dma_wait3A_793, %dma_wait3A_794] : memref<2x20x128xi32, #tpu.memory_space<vmem>> -> memref<1x20x128xi32, #tpu.memory_space<vmem>>
    %dma_wait3A_796 = tpu.memref_squeeze %dma_wait3A_795 : memref<1x20x128xi32, #tpu.memory_space<vmem>> -> memref<20x128xi32, #tpu.memory_space<vmem>>
    %dma_wait3A_797 = arith.constant 0 : i32
    %dma_wait3A_798 = tpu.memref_slice %dma_wait3A_796[%dma_wait3A_787, %dma_wait3A_797] : memref<20x128xi32, #tpu.memory_space<vmem>> -> memref<1x128xi32, #tpu.memory_space<vmem>>
    %dma_wait3A_799 = tpu.memref_squeeze %dma_wait3A_798 : memref<1x128xi32, #tpu.memory_space<vmem>> -> memref<128xi32, #tpu.memory_space<vmem>>
    %dma_wait3A_800 = arith.constant 0 : i32
    %dma_wait3A_801 = arith.constant 0 : i32
    %dma_wait3A_802 = tpu.memref_slice %arg6[%dma_wait3A_800, %dma_wait3A_801] : memref<1000000x64xf32, #tpu.memory_space<hbm>> -> memref<1000000x64xf32, #tpu.memory_space<hbm>>
    tpu.wait_indirect_dma semaphore(%arg15 : memref<!tpu.dma_semaphore, #tpu.memory_space<semaphore_mem>>) src(%dma_wait3A_802 : memref<1000000x64xf32, #tpu.memory_space<hbm>>) dst(%dma_wait3A_792 : memref<128x64xf32, #tpu.memory_space<vmem>>)
    %dma_wait3A_803 = arith.constant 0 : i32
    %dma_wait3A_804 = arith.constant 2 : i32
    %dma_wait3A_805 = arith.constant 0 : i32
    %dma_wait3A_806 = arith.constant 0 : i32
    %dma_wait3A_807 = arith.constant 0 : i32
    %dma_wait3A_808 = tpu.memref_slice %arg13[%dma_wait3A_805, %dma_wait3A_806, %dma_wait3A_807] : memref<2x128x64xf32, #tpu.memory_space<vmem>> -> memref<1x128x64xf32, #tpu.memory_space<vmem>>
    %dma_wait3A_809 = tpu.memref_squeeze %dma_wait3A_808 : memref<1x128x64xf32, #tpu.memory_space<vmem>> -> memref<128x64xf32, #tpu.memory_space<vmem>>
    %dma_wait3A_810 = arith.constant 0 : i32
    %dma_wait3A_811 = arith.constant 0 : i32
    %dma_wait3A_812 = tpu.memref_slice %arg10[%dma_wait3A_803, %dma_wait3A_810, %dma_wait3A_811] : memref<2x20x128xi32, #tpu.memory_space<vmem>> -> memref<1x20x128xi32, #tpu.memory_space<vmem>>
    %dma_wait3A_813 = tpu.memref_squeeze %dma_wait3A_812 : memref<1x20x128xi32, #tpu.memory_space<vmem>> -> memref<20x128xi32, #tpu.memory_space<vmem>>
    %dma_wait3A_814 = arith.constant 0 : i32
    %dma_wait3A_815 = tpu.memref_slice %dma_wait3A_813[%dma_wait3A_804, %dma_wait3A_814] : memref<20x128xi32, #tpu.memory_space<vmem>> -> memref<1x128xi32, #tpu.memory_space<vmem>>
    %dma_wait3A_816 = tpu.memref_squeeze %dma_wait3A_815 : memref<1x128xi32, #tpu.memory_space<vmem>> -> memref<128xi32, #tpu.memory_space<vmem>>
    %dma_wait3A_817 = arith.constant 0 : i32
    %dma_wait3A_818 = arith.constant 0 : i32
    %dma_wait3A_819 = tpu.memref_slice %arg6[%dma_wait3A_817, %dma_wait3A_818] : memref<1000000x64xf32, #tpu.memory_space<hbm>> -> memref<1000000x64xf32, #tpu.memory_space<hbm>>
    tpu.wait_indirect_dma semaphore(%arg15 : memref<!tpu.dma_semaphore, #tpu.memory_space<semaphore_mem>>) src(%dma_wait3A_819 : memref<1000000x64xf32, #tpu.memory_space<hbm>>) dst(%dma_wait3A_809 : memref<128x64xf32, #tpu.memory_space<vmem>>)
    %dma_wait3A_820 = arith.constant 0 : i32
    %dma_wait3A_821 = arith.constant 3 : i32
    %dma_wait3A_822 = arith.constant 0 : i32
    %dma_wait3A_823 = arith.constant 0 : i32
    %dma_wait3A_824 = arith.constant 0 : i32
    %dma_wait3A_825 = tpu.memref_slice %arg13[%dma_wait3A_822, %dma_wait3A_823, %dma_wait3A_824] : memref<2x128x64xf32, #tpu.memory_space<vmem>> -> memref<1x128x64xf32, #tpu.memory_space<vmem>>
    %dma_wait3A_826 = tpu.memref_squeeze %dma_wait3A_825 : memref<1x128x64xf32, #tpu.memory_space<vmem>> -> memref<128x64xf32, #tpu.memory_space<vmem>>
    %dma_wait3A_827 = arith.constant 0 : i32
    %dma_wait3A_828 = arith.constant 0 : i32
    %dma_wait3A_829 = tpu.memref_slice %arg10[%dma_wait3A_820, %dma_wait3A_827, %dma_wait3A_828] : memref<2x20x128xi32, #tpu.memory_space<vmem>> -> memref<1x20x128xi32, #tpu.memory_space<vmem>>
    %dma_wait3A_830 = tpu.memref_squeeze %dma_wait3A_829 : memref<1x20x128xi32, #tpu.memory_space<vmem>> -> memref<20x128xi32, #tpu.memory_space<vmem>>
    %dma_wait3A_831 = arith.constant 0 : i32
    %dma_wait3A_832 = tpu.memref_slice %dma_wait3A_830[%dma_wait3A_821, %dma_wait3A_831] : memref<20x128xi32, #tpu.memory_space<vmem>> -> memref<1x128xi32, #tpu.memory_space<vmem>>
    %dma_wait3A_833 = tpu.memref_squeeze %dma_wait3A_832 : memref<1x128xi32, #tpu.memory_space<vmem>> -> memref<128xi32, #tpu.memory_space<vmem>>
    %dma_wait3A_834 = arith.constant 0 : i32
    %dma_wait3A_835 = arith.constant 0 : i32
    %dma_wait3A_836 = tpu.memref_slice %arg6[%dma_wait3A_834, %dma_wait3A_835] : memref<1000000x64xf32, #tpu.memory_space<hbm>> -> memref<1000000x64xf32, #tpu.memory_space<hbm>>
    tpu.wait_indirect_dma semaphore(%arg15 : memref<!tpu.dma_semaphore, #tpu.memory_space<semaphore_mem>>) src(%dma_wait3A_836 : memref<1000000x64xf32, #tpu.memory_space<hbm>>) dst(%dma_wait3A_826 : memref<128x64xf32, #tpu.memory_space<vmem>>)
    %dma_wait3A_837 = arith.constant 0 : i32
    %dma_wait3A_838 = arith.constant 4 : i32
    %dma_wait3A_839 = arith.constant 0 : i32
    %dma_wait3A_840 = arith.constant 0 : i32
    %dma_wait3A_841 = arith.constant 0 : i32
    %dma_wait3A_842 = tpu.memref_slice %arg13[%dma_wait3A_839, %dma_wait3A_840, %dma_wait3A_841] : memref<2x128x64xf32, #tpu.memory_space<vmem>> -> memref<1x128x64xf32, #tpu.memory_space<vmem>>
    %dma_wait3A_843 = tpu.memref_squeeze %dma_wait3A_842 : memref<1x128x64xf32, #tpu.memory_space<vmem>> -> memref<128x64xf32, #tpu.memory_space<vmem>>
    %dma_wait3A_844 = arith.constant 0 : i32
    %dma_wait3A_845 = arith.constant 0 : i32
    %dma_wait3A_846 = tpu.memref_slice %arg10[%dma_wait3A_837, %dma_wait3A_844, %dma_wait3A_845] : memref<2x20x128xi32, #tpu.memory_space<vmem>> -> memref<1x20x128xi32, #tpu.memory_space<vmem>>
    %dma_wait3A_847 = tpu.memref_squeeze %dma_wait3A_846 : memref<1x20x128xi32, #tpu.memory_space<vmem>> -> memref<20x128xi32, #tpu.memory_space<vmem>>
    %dma_wait3A_848 = arith.constant 0 : i32
    %dma_wait3A_849 = tpu.memref_slice %dma_wait3A_847[%dma_wait3A_838, %dma_wait3A_848] : memref<20x128xi32, #tpu.memory_space<vmem>> -> memref<1x128xi32, #tpu.memory_space<vmem>>
    %dma_wait3A_850 = tpu.memref_squeeze %dma_wait3A_849 : memref<1x128xi32, #tpu.memory_space<vmem>> -> memref<128xi32, #tpu.memory_space<vmem>>
    %dma_wait3A_851 = arith.constant 0 : i32
    %dma_wait3A_852 = arith.constant 0 : i32
    %dma_wait3A_853 = tpu.memref_slice %arg6[%dma_wait3A_851, %dma_wait3A_852] : memref<1000000x64xf32, #tpu.memory_space<hbm>> -> memref<1000000x64xf32, #tpu.memory_space<hbm>>
    tpu.wait_indirect_dma semaphore(%arg15 : memref<!tpu.dma_semaphore, #tpu.memory_space<semaphore_mem>>) src(%dma_wait3A_853 : memref<1000000x64xf32, #tpu.memory_space<hbm>>) dst(%dma_wait3A_843 : memref<128x64xf32, #tpu.memory_space<vmem>>)
    %dma_wait3A_854 = arith.constant 0 : i32
    %dma_wait3A_855 = arith.constant 5 : i32
    %dma_wait3A_856 = arith.constant 0 : i32
    %dma_wait3A_857 = arith.constant 0 : i32
    %dma_wait3A_858 = arith.constant 0 : i32
    %dma_wait3A_859 = tpu.memref_slice %arg13[%dma_wait3A_856, %dma_wait3A_857, %dma_wait3A_858] : memref<2x128x64xf32, #tpu.memory_space<vmem>> -> memref<1x128x64xf32, #tpu.memory_space<vmem>>
    %dma_wait3A_860 = tpu.memref_squeeze %dma_wait3A_859 : memref<1x128x64xf32, #tpu.memory_space<vmem>> -> memref<128x64xf32, #tpu.memory_space<vmem>>
    %dma_wait3A_861 = arith.constant 0 : i32
    %dma_wait3A_862 = arith.constant 0 : i32
    %dma_wait3A_863 = tpu.memref_slice %arg10[%dma_wait3A_854, %dma_wait3A_861, %dma_wait3A_862] : memref<2x20x128xi32, #tpu.memory_space<vmem>> -> memref<1x20x128xi32, #tpu.memory_space<vmem>>
    %dma_wait3A_864 = tpu.memref_squeeze %dma_wait3A_863 : memref<1x20x128xi32, #tpu.memory_space<vmem>> -> memref<20x128xi32, #tpu.memory_space<vmem>>
    %dma_wait3A_865 = arith.constant 0 : i32
    %dma_wait3A_866 = tpu.memref_slice %dma_wait3A_864[%dma_wait3A_855, %dma_wait3A_865] : memref<20x128xi32, #tpu.memory_space<vmem>> -> memref<1x128xi32, #tpu.memory_space<vmem>>
    %dma_wait3A_867 = tpu.memref_squeeze %dma_wait3A_866 : memref<1x128xi32, #tpu.memory_space<vmem>> -> memref<128xi32, #tpu.memory_space<vmem>>
    %dma_wait3A_868 = arith.constant 0 : i32
    %dma_wait3A_869 = arith.constant 0 : i32
    %dma_wait3A_870 = tpu.memref_slice %arg6[%dma_wait3A_868, %dma_wait3A_869] : memref<1000000x64xf32, #tpu.memory_space<hbm>> -> memref<1000000x64xf32, #tpu.memory_space<hbm>>
    tpu.wait_indirect_dma semaphore(%arg15 : memref<!tpu.dma_semaphore, #tpu.memory_space<semaphore_mem>>) src(%dma_wait3A_870 : memref<1000000x64xf32, #tpu.memory_space<hbm>>) dst(%dma_wait3A_860 : memref<128x64xf32, #tpu.memory_space<vmem>>)
    %dma_wait3A_871 = arith.constant 0 : i32
    %dma_wait3A_872 = arith.constant 6 : i32
    %dma_wait3A_873 = arith.constant 0 : i32
    %dma_wait3A_874 = arith.constant 0 : i32
    %dma_wait3A_875 = arith.constant 0 : i32
    %dma_wait3A_876 = tpu.memref_slice %arg13[%dma_wait3A_873, %dma_wait3A_874, %dma_wait3A_875] : memref<2x128x64xf32, #tpu.memory_space<vmem>> -> memref<1x128x64xf32, #tpu.memory_space<vmem>>
    %dma_wait3A_877 = tpu.memref_squeeze %dma_wait3A_876 : memref<1x128x64xf32, #tpu.memory_space<vmem>> -> memref<128x64xf32, #tpu.memory_space<vmem>>
    %dma_wait3A_878 = arith.constant 0 : i32
    %dma_wait3A_879 = arith.constant 0 : i32
    %dma_wait3A_880 = tpu.memref_slice %arg10[%dma_wait3A_871, %dma_wait3A_878, %dma_wait3A_879] : memref<2x20x128xi32, #tpu.memory_space<vmem>> -> memref<1x20x128xi32, #tpu.memory_space<vmem>>
    %dma_wait3A_881 = tpu.memref_squeeze %dma_wait3A_880 : memref<1x20x128xi32, #tpu.memory_space<vmem>> -> memref<20x128xi32, #tpu.memory_space<vmem>>
    %dma_wait3A_882 = arith.constant 0 : i32
    %dma_wait3A_883 = tpu.memref_slice %dma_wait3A_881[%dma_wait3A_872, %dma_wait3A_882] : memref<20x128xi32, #tpu.memory_space<vmem>> -> memref<1x128xi32, #tpu.memory_space<vmem>>
    %dma_wait3A_884 = tpu.memref_squeeze %dma_wait3A_883 : memref<1x128xi32, #tpu.memory_space<vmem>> -> memref<128xi32, #tpu.memory_space<vmem>>
    %dma_wait3A_885 = arith.constant 0 : i32
    %dma_wait3A_886 = arith.constant 0 : i32
    %dma_wait3A_887 = tpu.memref_slice %arg6[%dma_wait3A_885, %dma_wait3A_886] : memref<1000000x64xf32, #tpu.memory_space<hbm>> -> memref<1000000x64xf32, #tpu.memory_space<hbm>>
    tpu.wait_indirect_dma semaphore(%arg15 : memref<!tpu.dma_semaphore, #tpu.memory_space<semaphore_mem>>) src(%dma_wait3A_887 : memref<1000000x64xf32, #tpu.memory_space<hbm>>) dst(%dma_wait3A_877 : memref<128x64xf32, #tpu.memory_space<vmem>>)
    %dma_wait3A_888 = arith.constant 0 : i32
    %dma_wait3A_889 = arith.constant 7 : i32
    %dma_wait3A_890 = arith.constant 0 : i32
    %dma_wait3A_891 = arith.constant 0 : i32
    %dma_wait3A_892 = arith.constant 0 : i32
    %dma_wait3A_893 = tpu.memref_slice %arg13[%dma_wait3A_890, %dma_wait3A_891, %dma_wait3A_892] : memref<2x128x64xf32, #tpu.memory_space<vmem>> -> memref<1x128x64xf32, #tpu.memory_space<vmem>>
    %dma_wait3A_894 = tpu.memref_squeeze %dma_wait3A_893 : memref<1x128x64xf32, #tpu.memory_space<vmem>> -> memref<128x64xf32, #tpu.memory_space<vmem>>
    %dma_wait3A_895 = arith.constant 0 : i32
    %dma_wait3A_896 = arith.constant 0 : i32
    %dma_wait3A_897 = tpu.memref_slice %arg10[%dma_wait3A_888, %dma_wait3A_895, %dma_wait3A_896] : memref<2x20x128xi32, #tpu.memory_space<vmem>> -> memref<1x20x128xi32, #tpu.memory_space<vmem>>
    %dma_wait3A_898 = tpu.memref_squeeze %dma_wait3A_897 : memref<1x20x128xi32, #tpu.memory_space<vmem>> -> memref<20x128xi32, #tpu.memory_space<vmem>>
    %dma_wait3A_899 = arith.constant 0 : i32
    %dma_wait3A_900 = tpu.memref_slice %dma_wait3A_898[%dma_wait3A_889, %dma_wait3A_899] : memref<20x128xi32, #tpu.memory_space<vmem>> -> memref<1x128xi32, #tpu.memory_space<vmem>>
    %dma_wait3A_901 = tpu.memref_squeeze %dma_wait3A_900 : memref<1x128xi32, #tpu.memory_space<vmem>> -> memref<128xi32, #tpu.memory_space<vmem>>
    %dma_wait3A_902 = arith.constant 0 : i32
    %dma_wait3A_903 = arith.constant 0 : i32
    %dma_wait3A_904 = tpu.memref_slice %arg6[%dma_wait3A_902, %dma_wait3A_903] : memref<1000000x64xf32, #tpu.memory_space<hbm>> -> memref<1000000x64xf32, #tpu.memory_space<hbm>>
    tpu.wait_indirect_dma semaphore(%arg15 : memref<!tpu.dma_semaphore, #tpu.memory_space<semaphore_mem>>) src(%dma_wait3A_904 : memref<1000000x64xf32, #tpu.memory_space<hbm>>) dst(%dma_wait3A_894 : memref<128x64xf32, #tpu.memory_space<vmem>>)
    %dma_wait3A_905 = arith.constant 0 : i32
    %dma_wait3A_906 = arith.constant 8 : i32
    %dma_wait3A_907 = arith.constant 0 : i32
    %dma_wait3A_908 = arith.constant 0 : i32
    %dma_wait3A_909 = arith.constant 0 : i32
    %dma_wait3A_910 = tpu.memref_slice %arg13[%dma_wait3A_907, %dma_wait3A_908, %dma_wait3A_909] : memref<2x128x64xf32, #tpu.memory_space<vmem>> -> memref<1x128x64xf32, #tpu.memory_space<vmem>>
    %dma_wait3A_911 = tpu.memref_squeeze %dma_wait3A_910 : memref<1x128x64xf32, #tpu.memory_space<vmem>> -> memref<128x64xf32, #tpu.memory_space<vmem>>
    %dma_wait3A_912 = arith.constant 0 : i32
    %dma_wait3A_913 = arith.constant 0 : i32
    %dma_wait3A_914 = tpu.memref_slice %arg10[%dma_wait3A_905, %dma_wait3A_912, %dma_wait3A_913] : memref<2x20x128xi32, #tpu.memory_space<vmem>> -> memref<1x20x128xi32, #tpu.memory_space<vmem>>
    %dma_wait3A_915 = tpu.memref_squeeze %dma_wait3A_914 : memref<1x20x128xi32, #tpu.memory_space<vmem>> -> memref<20x128xi32, #tpu.memory_space<vmem>>
    %dma_wait3A_916 = arith.constant 0 : i32
    %dma_wait3A_917 = tpu.memref_slice %dma_wait3A_915[%dma_wait3A_906, %dma_wait3A_916] : memref<20x128xi32, #tpu.memory_space<vmem>> -> memref<1x128xi32, #tpu.memory_space<vmem>>
    %dma_wait3A_918 = tpu.memref_squeeze %dma_wait3A_917 : memref<1x128xi32, #tpu.memory_space<vmem>> -> memref<128xi32, #tpu.memory_space<vmem>>
    %dma_wait3A_919 = arith.constant 0 : i32
    %dma_wait3A_920 = arith.constant 0 : i32
    %dma_wait3A_921 = tpu.memref_slice %arg6[%dma_wait3A_919, %dma_wait3A_920] : memref<1000000x64xf32, #tpu.memory_space<hbm>> -> memref<1000000x64xf32, #tpu.memory_space<hbm>>
    tpu.wait_indirect_dma semaphore(%arg15 : memref<!tpu.dma_semaphore, #tpu.memory_space<semaphore_mem>>) src(%dma_wait3A_921 : memref<1000000x64xf32, #tpu.memory_space<hbm>>) dst(%dma_wait3A_911 : memref<128x64xf32, #tpu.memory_space<vmem>>)
    %dma_wait3A_922 = arith.constant 0 : i32
    %dma_wait3A_923 = arith.constant 9 : i32
    %dma_wait3A_924 = arith.constant 0 : i32
    %dma_wait3A_925 = arith.constant 0 : i32
    %dma_wait3A_926 = arith.constant 0 : i32
    %dma_wait3A_927 = tpu.memref_slice %arg13[%dma_wait3A_924, %dma_wait3A_925, %dma_wait3A_926] : memref<2x128x64xf32, #tpu.memory_space<vmem>> -> memref<1x128x64xf32, #tpu.memory_space<vmem>>
    %dma_wait3A_928 = tpu.memref_squeeze %dma_wait3A_927 : memref<1x128x64xf32, #tpu.memory_space<vmem>> -> memref<128x64xf32, #tpu.memory_space<vmem>>
    %dma_wait3A_929 = arith.constant 0 : i32
    %dma_wait3A_930 = arith.constant 0 : i32
    %dma_wait3A_931 = tpu.memref_slice %arg10[%dma_wait3A_922, %dma_wait3A_929, %dma_wait3A_930] : memref<2x20x128xi32, #tpu.memory_space<vmem>> -> memref<1x20x128xi32, #tpu.memory_space<vmem>>
    %dma_wait3A_932 = tpu.memref_squeeze %dma_wait3A_931 : memref<1x20x128xi32, #tpu.memory_space<vmem>> -> memref<20x128xi32, #tpu.memory_space<vmem>>
    %dma_wait3A_933 = arith.constant 0 : i32
    %dma_wait3A_934 = tpu.memref_slice %dma_wait3A_932[%dma_wait3A_923, %dma_wait3A_933] : memref<20x128xi32, #tpu.memory_space<vmem>> -> memref<1x128xi32, #tpu.memory_space<vmem>>
    %dma_wait3A_935 = tpu.memref_squeeze %dma_wait3A_934 : memref<1x128xi32, #tpu.memory_space<vmem>> -> memref<128xi32, #tpu.memory_space<vmem>>
    %dma_wait3A_936 = arith.constant 0 : i32
    %dma_wait3A_937 = arith.constant 0 : i32
    %dma_wait3A_938 = tpu.memref_slice %arg6[%dma_wait3A_936, %dma_wait3A_937] : memref<1000000x64xf32, #tpu.memory_space<hbm>> -> memref<1000000x64xf32, #tpu.memory_space<hbm>>
    tpu.wait_indirect_dma semaphore(%arg15 : memref<!tpu.dma_semaphore, #tpu.memory_space<semaphore_mem>>) src(%dma_wait3A_938 : memref<1000000x64xf32, #tpu.memory_space<hbm>>) dst(%dma_wait3A_928 : memref<128x64xf32, #tpu.memory_space<vmem>>)
    %dma_wait3A_939 = arith.constant 0 : i32
    %dma_wait3A_940 = arith.constant 10 : i32
    %dma_wait3A_941 = arith.constant 0 : i32
    %dma_wait3A_942 = arith.constant 0 : i32
    %dma_wait3A_943 = arith.constant 0 : i32
    %dma_wait3A_944 = tpu.memref_slice %arg13[%dma_wait3A_941, %dma_wait3A_942, %dma_wait3A_943] : memref<2x128x64xf32, #tpu.memory_space<vmem>> -> memref<1x128x64xf32, #tpu.memory_space<vmem>>
    %dma_wait3A_945 = tpu.memref_squeeze %dma_wait3A_944 : memref<1x128x64xf32, #tpu.memory_space<vmem>> -> memref<128x64xf32, #tpu.memory_space<vmem>>
    %dma_wait3A_946 = arith.constant 0 : i32
    %dma_wait3A_947 = arith.constant 0 : i32
    %dma_wait3A_948 = tpu.memref_slice %arg10[%dma_wait3A_939, %dma_wait3A_946, %dma_wait3A_947] : memref<2x20x128xi32, #tpu.memory_space<vmem>> -> memref<1x20x128xi32, #tpu.memory_space<vmem>>
    %dma_wait3A_949 = tpu.memref_squeeze %dma_wait3A_948 : memref<1x20x128xi32, #tpu.memory_space<vmem>> -> memref<20x128xi32, #tpu.memory_space<vmem>>
    %dma_wait3A_950 = arith.constant 0 : i32
    %dma_wait3A_951 = tpu.memref_slice %dma_wait3A_949[%dma_wait3A_940, %dma_wait3A_950] : memref<20x128xi32, #tpu.memory_space<vmem>> -> memref<1x128xi32, #tpu.memory_space<vmem>>
    %dma_wait3A_952 = tpu.memref_squeeze %dma_wait3A_951 : memref<1x128xi32, #tpu.memory_space<vmem>> -> memref<128xi32, #tpu.memory_space<vmem>>
    %dma_wait3A_953 = arith.constant 0 : i32
    %dma_wait3A_954 = arith.constant 0 : i32
    %dma_wait3A_955 = tpu.memref_slice %arg6[%dma_wait3A_953, %dma_wait3A_954] : memref<1000000x64xf32, #tpu.memory_space<hbm>> -> memref<1000000x64xf32, #tpu.memory_space<hbm>>
    tpu.wait_indirect_dma semaphore(%arg15 : memref<!tpu.dma_semaphore, #tpu.memory_space<semaphore_mem>>) src(%dma_wait3A_955 : memref<1000000x64xf32, #tpu.memory_space<hbm>>) dst(%dma_wait3A_945 : memref<128x64xf32, #tpu.memory_space<vmem>>)
    %dma_wait3A_956 = arith.constant 0 : i32
    %dma_wait3A_957 = arith.constant 11 : i32
    %dma_wait3A_958 = arith.constant 0 : i32
    %dma_wait3A_959 = arith.constant 0 : i32
    %dma_wait3A_960 = arith.constant 0 : i32
    %dma_wait3A_961 = tpu.memref_slice %arg13[%dma_wait3A_958, %dma_wait3A_959, %dma_wait3A_960] : memref<2x128x64xf32, #tpu.memory_space<vmem>> -> memref<1x128x64xf32, #tpu.memory_space<vmem>>
    %dma_wait3A_962 = tpu.memref_squeeze %dma_wait3A_961 : memref<1x128x64xf32, #tpu.memory_space<vmem>> -> memref<128x64xf32, #tpu.memory_space<vmem>>
    %dma_wait3A_963 = arith.constant 0 : i32
    %dma_wait3A_964 = arith.constant 0 : i32
    %dma_wait3A_965 = tpu.memref_slice %arg10[%dma_wait3A_956, %dma_wait3A_963, %dma_wait3A_964] : memref<2x20x128xi32, #tpu.memory_space<vmem>> -> memref<1x20x128xi32, #tpu.memory_space<vmem>>
    %dma_wait3A_966 = tpu.memref_squeeze %dma_wait3A_965 : memref<1x20x128xi32, #tpu.memory_space<vmem>> -> memref<20x128xi32, #tpu.memory_space<vmem>>
    %dma_wait3A_967 = arith.constant 0 : i32
    %dma_wait3A_968 = tpu.memref_slice %dma_wait3A_966[%dma_wait3A_957, %dma_wait3A_967] : memref<20x128xi32, #tpu.memory_space<vmem>> -> memref<1x128xi32, #tpu.memory_space<vmem>>
    %dma_wait3A_969 = tpu.memref_squeeze %dma_wait3A_968 : memref<1x128xi32, #tpu.memory_space<vmem>> -> memref<128xi32, #tpu.memory_space<vmem>>
    %dma_wait3A_970 = arith.constant 0 : i32
    %dma_wait3A_971 = arith.constant 0 : i32
    %dma_wait3A_972 = tpu.memref_slice %arg6[%dma_wait3A_970, %dma_wait3A_971] : memref<1000000x64xf32, #tpu.memory_space<hbm>> -> memref<1000000x64xf32, #tpu.memory_space<hbm>>
    tpu.wait_indirect_dma semaphore(%arg15 : memref<!tpu.dma_semaphore, #tpu.memory_space<semaphore_mem>>) src(%dma_wait3A_972 : memref<1000000x64xf32, #tpu.memory_space<hbm>>) dst(%dma_wait3A_962 : memref<128x64xf32, #tpu.memory_space<vmem>>)
    %dma_wait3A_973 = arith.constant 0 : i32
    %dma_wait3A_974 = arith.constant 12 : i32
    %dma_wait3A_975 = arith.constant 0 : i32
    %dma_wait3A_976 = arith.constant 0 : i32
    %dma_wait3A_977 = arith.constant 0 : i32
    %dma_wait3A_978 = tpu.memref_slice %arg13[%dma_wait3A_975, %dma_wait3A_976, %dma_wait3A_977] : memref<2x128x64xf32, #tpu.memory_space<vmem>> -> memref<1x128x64xf32, #tpu.memory_space<vmem>>
    %dma_wait3A_979 = tpu.memref_squeeze %dma_wait3A_978 : memref<1x128x64xf32, #tpu.memory_space<vmem>> -> memref<128x64xf32, #tpu.memory_space<vmem>>
    %dma_wait3A_980 = arith.constant 0 : i32
    %dma_wait3A_981 = arith.constant 0 : i32
    %dma_wait3A_982 = tpu.memref_slice %arg10[%dma_wait3A_973, %dma_wait3A_980, %dma_wait3A_981] : memref<2x20x128xi32, #tpu.memory_space<vmem>> -> memref<1x20x128xi32, #tpu.memory_space<vmem>>
    %dma_wait3A_983 = tpu.memref_squeeze %dma_wait3A_982 : memref<1x20x128xi32, #tpu.memory_space<vmem>> -> memref<20x128xi32, #tpu.memory_space<vmem>>
    %dma_wait3A_984 = arith.constant 0 : i32
    %dma_wait3A_985 = tpu.memref_slice %dma_wait3A_983[%dma_wait3A_974, %dma_wait3A_984] : memref<20x128xi32, #tpu.memory_space<vmem>> -> memref<1x128xi32, #tpu.memory_space<vmem>>
    %dma_wait3A_986 = tpu.memref_squeeze %dma_wait3A_985 : memref<1x128xi32, #tpu.memory_space<vmem>> -> memref<128xi32, #tpu.memory_space<vmem>>
    %dma_wait3A_987 = arith.constant 0 : i32
    %dma_wait3A_988 = arith.constant 0 : i32
    %dma_wait3A_989 = tpu.memref_slice %arg6[%dma_wait3A_987, %dma_wait3A_988] : memref<1000000x64xf32, #tpu.memory_space<hbm>> -> memref<1000000x64xf32, #tpu.memory_space<hbm>>
    tpu.wait_indirect_dma semaphore(%arg15 : memref<!tpu.dma_semaphore, #tpu.memory_space<semaphore_mem>>) src(%dma_wait3A_989 : memref<1000000x64xf32, #tpu.memory_space<hbm>>) dst(%dma_wait3A_979 : memref<128x64xf32, #tpu.memory_space<vmem>>)
    %dma_wait3A_990 = arith.constant 0 : i32
    %dma_wait3A_991 = arith.constant 13 : i32
    %dma_wait3A_992 = arith.constant 0 : i32
    %dma_wait3A_993 = arith.constant 0 : i32
    %dma_wait3A_994 = arith.constant 0 : i32
    %dma_wait3A_995 = tpu.memref_slice %arg13[%dma_wait3A_992, %dma_wait3A_993, %dma_wait3A_994] : memref<2x128x64xf32, #tpu.memory_space<vmem>> -> memref<1x128x64xf32, #tpu.memory_space<vmem>>
    %dma_wait3A_996 = tpu.memref_squeeze %dma_wait3A_995 : memref<1x128x64xf32, #tpu.memory_space<vmem>> -> memref<128x64xf32, #tpu.memory_space<vmem>>
    %dma_wait3A_997 = arith.constant 0 : i32
    %dma_wait3A_998 = arith.constant 0 : i32
    %dma_wait3A_999 = tpu.memref_slice %arg10[%dma_wait3A_990, %dma_wait3A_997, %dma_wait3A_998] : memref<2x20x128xi32, #tpu.memory_space<vmem>> -> memref<1x20x128xi32, #tpu.memory_space<vmem>>
    %dma_wait3A_1000 = tpu.memref_squeeze %dma_wait3A_999 : memref<1x20x128xi32, #tpu.memory_space<vmem>> -> memref<20x128xi32, #tpu.memory_space<vmem>>
    %dma_wait3A_1001 = arith.constant 0 : i32
    %dma_wait3A_1002 = tpu.memref_slice %dma_wait3A_1000[%dma_wait3A_991, %dma_wait3A_1001] : memref<20x128xi32, #tpu.memory_space<vmem>> -> memref<1x128xi32, #tpu.memory_space<vmem>>
    %dma_wait3A_1003 = tpu.memref_squeeze %dma_wait3A_1002 : memref<1x128xi32, #tpu.memory_space<vmem>> -> memref<128xi32, #tpu.memory_space<vmem>>
    %dma_wait3A_1004 = arith.constant 0 : i32
    %dma_wait3A_1005 = arith.constant 0 : i32
    %dma_wait3A_1006 = tpu.memref_slice %arg6[%dma_wait3A_1004, %dma_wait3A_1005] : memref<1000000x64xf32, #tpu.memory_space<hbm>> -> memref<1000000x64xf32, #tpu.memory_space<hbm>>
    tpu.wait_indirect_dma semaphore(%arg15 : memref<!tpu.dma_semaphore, #tpu.memory_space<semaphore_mem>>) src(%dma_wait3A_1006 : memref<1000000x64xf32, #tpu.memory_space<hbm>>) dst(%dma_wait3A_996 : memref<128x64xf32, #tpu.memory_space<vmem>>)
    %dma_wait3A_1007 = arith.constant 0 : i32
    %dma_wait3A_1008 = arith.constant 14 : i32
    %dma_wait3A_1009 = arith.constant 0 : i32
    %dma_wait3A_1010 = arith.constant 0 : i32
    %dma_wait3A_1011 = arith.constant 0 : i32
    %dma_wait3A_1012 = tpu.memref_slice %arg13[%dma_wait3A_1009, %dma_wait3A_1010, %dma_wait3A_1011] : memref<2x128x64xf32, #tpu.memory_space<vmem>> -> memref<1x128x64xf32, #tpu.memory_space<vmem>>
    %dma_wait3A_1013 = tpu.memref_squeeze %dma_wait3A_1012 : memref<1x128x64xf32, #tpu.memory_space<vmem>> -> memref<128x64xf32, #tpu.memory_space<vmem>>
    %dma_wait3A_1014 = arith.constant 0 : i32
    %dma_wait3A_1015 = arith.constant 0 : i32
    %dma_wait3A_1016 = tpu.memref_slice %arg10[%dma_wait3A_1007, %dma_wait3A_1014, %dma_wait3A_1015] : memref<2x20x128xi32, #tpu.memory_space<vmem>> -> memref<1x20x128xi32, #tpu.memory_space<vmem>>
    %dma_wait3A_1017 = tpu.memref_squeeze %dma_wait3A_1016 : memref<1x20x128xi32, #tpu.memory_space<vmem>> -> memref<20x128xi32, #tpu.memory_space<vmem>>
    %dma_wait3A_1018 = arith.constant 0 : i32
    %dma_wait3A_1019 = tpu.memref_slice %dma_wait3A_1017[%dma_wait3A_1008, %dma_wait3A_1018] : memref<20x128xi32, #tpu.memory_space<vmem>> -> memref<1x128xi32, #tpu.memory_space<vmem>>
    %dma_wait3A_1020 = tpu.memref_squeeze %dma_wait3A_1019 : memref<1x128xi32, #tpu.memory_space<vmem>> -> memref<128xi32, #tpu.memory_space<vmem>>
    %dma_wait3A_1021 = arith.constant 0 : i32
    %dma_wait3A_1022 = arith.constant 0 : i32
    %dma_wait3A_1023 = tpu.memref_slice %arg6[%dma_wait3A_1021, %dma_wait3A_1022] : memref<1000000x64xf32, #tpu.memory_space<hbm>> -> memref<1000000x64xf32, #tpu.memory_space<hbm>>
    tpu.wait_indirect_dma semaphore(%arg15 : memref<!tpu.dma_semaphore, #tpu.memory_space<semaphore_mem>>) src(%dma_wait3A_1023 : memref<1000000x64xf32, #tpu.memory_space<hbm>>) dst(%dma_wait3A_1013 : memref<128x64xf32, #tpu.memory_space<vmem>>)
    %dma_wait3A_1024 = arith.constant 0 : i32
    %dma_wait3A_1025 = arith.constant 15 : i32
    %dma_wait3A_1026 = arith.constant 0 : i32
    %dma_wait3A_1027 = arith.constant 0 : i32
    %dma_wait3A_1028 = arith.constant 0 : i32
    %dma_wait3A_1029 = tpu.memref_slice %arg13[%dma_wait3A_1026, %dma_wait3A_1027, %dma_wait3A_1028] : memref<2x128x64xf32, #tpu.memory_space<vmem>> -> memref<1x128x64xf32, #tpu.memory_space<vmem>>
    %dma_wait3A_1030 = tpu.memref_squeeze %dma_wait3A_1029 : memref<1x128x64xf32, #tpu.memory_space<vmem>> -> memref<128x64xf32, #tpu.memory_space<vmem>>
    %dma_wait3A_1031 = arith.constant 0 : i32
    %dma_wait3A_1032 = arith.constant 0 : i32
    %dma_wait3A_1033 = tpu.memref_slice %arg10[%dma_wait3A_1024, %dma_wait3A_1031, %dma_wait3A_1032] : memref<2x20x128xi32, #tpu.memory_space<vmem>> -> memref<1x20x128xi32, #tpu.memory_space<vmem>>
    %dma_wait3A_1034 = tpu.memref_squeeze %dma_wait3A_1033 : memref<1x20x128xi32, #tpu.memory_space<vmem>> -> memref<20x128xi32, #tpu.memory_space<vmem>>
    %dma_wait3A_1035 = arith.constant 0 : i32
    %dma_wait3A_1036 = tpu.memref_slice %dma_wait3A_1034[%dma_wait3A_1025, %dma_wait3A_1035] : memref<20x128xi32, #tpu.memory_space<vmem>> -> memref<1x128xi32, #tpu.memory_space<vmem>>
    %dma_wait3A_1037 = tpu.memref_squeeze %dma_wait3A_1036 : memref<1x128xi32, #tpu.memory_space<vmem>> -> memref<128xi32, #tpu.memory_space<vmem>>
    %dma_wait3A_1038 = arith.constant 0 : i32
    %dma_wait3A_1039 = arith.constant 0 : i32
    %dma_wait3A_1040 = tpu.memref_slice %arg6[%dma_wait3A_1038, %dma_wait3A_1039] : memref<1000000x64xf32, #tpu.memory_space<hbm>> -> memref<1000000x64xf32, #tpu.memory_space<hbm>>
    tpu.wait_indirect_dma semaphore(%arg15 : memref<!tpu.dma_semaphore, #tpu.memory_space<semaphore_mem>>) src(%dma_wait3A_1040 : memref<1000000x64xf32, #tpu.memory_space<hbm>>) dst(%dma_wait3A_1030 : memref<128x64xf32, #tpu.memory_space<vmem>>)
    %dma_wait3A_1041 = arith.constant 0 : i32
    %dma_wait3A_1042 = arith.constant 16 : i32
    %dma_wait3A_1043 = arith.constant 0 : i32
    %dma_wait3A_1044 = arith.constant 0 : i32
    %dma_wait3A_1045 = arith.constant 0 : i32
    %dma_wait3A_1046 = tpu.memref_slice %arg13[%dma_wait3A_1043, %dma_wait3A_1044, %dma_wait3A_1045] : memref<2x128x64xf32, #tpu.memory_space<vmem>> -> memref<1x128x64xf32, #tpu.memory_space<vmem>>
    %dma_wait3A_1047 = tpu.memref_squeeze %dma_wait3A_1046 : memref<1x128x64xf32, #tpu.memory_space<vmem>> -> memref<128x64xf32, #tpu.memory_space<vmem>>
    %dma_wait3A_1048 = arith.constant 0 : i32
    %dma_wait3A_1049 = arith.constant 0 : i32
    %dma_wait3A_1050 = tpu.memref_slice %arg10[%dma_wait3A_1041, %dma_wait3A_1048, %dma_wait3A_1049] : memref<2x20x128xi32, #tpu.memory_space<vmem>> -> memref<1x20x128xi32, #tpu.memory_space<vmem>>
    %dma_wait3A_1051 = tpu.memref_squeeze %dma_wait3A_1050 : memref<1x20x128xi32, #tpu.memory_space<vmem>> -> memref<20x128xi32, #tpu.memory_space<vmem>>
    %dma_wait3A_1052 = arith.constant 0 : i32
    %dma_wait3A_1053 = tpu.memref_slice %dma_wait3A_1051[%dma_wait3A_1042, %dma_wait3A_1052] : memref<20x128xi32, #tpu.memory_space<vmem>> -> memref<1x128xi32, #tpu.memory_space<vmem>>
    %dma_wait3A_1054 = tpu.memref_squeeze %dma_wait3A_1053 : memref<1x128xi32, #tpu.memory_space<vmem>> -> memref<128xi32, #tpu.memory_space<vmem>>
    %dma_wait3A_1055 = arith.constant 0 : i32
    %dma_wait3A_1056 = arith.constant 0 : i32
    %dma_wait3A_1057 = tpu.memref_slice %arg6[%dma_wait3A_1055, %dma_wait3A_1056] : memref<1000000x64xf32, #tpu.memory_space<hbm>> -> memref<1000000x64xf32, #tpu.memory_space<hbm>>
    tpu.wait_indirect_dma semaphore(%arg15 : memref<!tpu.dma_semaphore, #tpu.memory_space<semaphore_mem>>) src(%dma_wait3A_1057 : memref<1000000x64xf32, #tpu.memory_space<hbm>>) dst(%dma_wait3A_1047 : memref<128x64xf32, #tpu.memory_space<vmem>>)
    %dma_wait3A_1058 = arith.constant 0 : i32
    %dma_wait3A_1059 = arith.constant 17 : i32
    %dma_wait3A_1060 = arith.constant 0 : i32
    %dma_wait3A_1061 = arith.constant 0 : i32
    %dma_wait3A_1062 = arith.constant 0 : i32
    %dma_wait3A_1063 = tpu.memref_slice %arg13[%dma_wait3A_1060, %dma_wait3A_1061, %dma_wait3A_1062] : memref<2x128x64xf32, #tpu.memory_space<vmem>> -> memref<1x128x64xf32, #tpu.memory_space<vmem>>
    %dma_wait3A_1064 = tpu.memref_squeeze %dma_wait3A_1063 : memref<1x128x64xf32, #tpu.memory_space<vmem>> -> memref<128x64xf32, #tpu.memory_space<vmem>>
    %dma_wait3A_1065 = arith.constant 0 : i32
    %dma_wait3A_1066 = arith.constant 0 : i32
    %dma_wait3A_1067 = tpu.memref_slice %arg10[%dma_wait3A_1058, %dma_wait3A_1065, %dma_wait3A_1066] : memref<2x20x128xi32, #tpu.memory_space<vmem>> -> memref<1x20x128xi32, #tpu.memory_space<vmem>>
    %dma_wait3A_1068 = tpu.memref_squeeze %dma_wait3A_1067 : memref<1x20x128xi32, #tpu.memory_space<vmem>> -> memref<20x128xi32, #tpu.memory_space<vmem>>
    %dma_wait3A_1069 = arith.constant 0 : i32
    %dma_wait3A_1070 = tpu.memref_slice %dma_wait3A_1068[%dma_wait3A_1059, %dma_wait3A_1069] : memref<20x128xi32, #tpu.memory_space<vmem>> -> memref<1x128xi32, #tpu.memory_space<vmem>>
    %dma_wait3A_1071 = tpu.memref_squeeze %dma_wait3A_1070 : memref<1x128xi32, #tpu.memory_space<vmem>> -> memref<128xi32, #tpu.memory_space<vmem>>
    %dma_wait3A_1072 = arith.constant 0 : i32
    %dma_wait3A_1073 = arith.constant 0 : i32
    %dma_wait3A_1074 = tpu.memref_slice %arg6[%dma_wait3A_1072, %dma_wait3A_1073] : memref<1000000x64xf32, #tpu.memory_space<hbm>> -> memref<1000000x64xf32, #tpu.memory_space<hbm>>
    tpu.wait_indirect_dma semaphore(%arg15 : memref<!tpu.dma_semaphore, #tpu.memory_space<semaphore_mem>>) src(%dma_wait3A_1074 : memref<1000000x64xf32, #tpu.memory_space<hbm>>) dst(%dma_wait3A_1064 : memref<128x64xf32, #tpu.memory_space<vmem>>)
    %dma_wait3A_1075 = arith.constant 0 : i32
    %dma_wait3A_1076 = arith.constant 18 : i32
    %dma_wait3A_1077 = arith.constant 0 : i32
    %dma_wait3A_1078 = arith.constant 0 : i32
    %dma_wait3A_1079 = arith.constant 0 : i32
    %dma_wait3A_1080 = tpu.memref_slice %arg13[%dma_wait3A_1077, %dma_wait3A_1078, %dma_wait3A_1079] : memref<2x128x64xf32, #tpu.memory_space<vmem>> -> memref<1x128x64xf32, #tpu.memory_space<vmem>>
    %dma_wait3A_1081 = tpu.memref_squeeze %dma_wait3A_1080 : memref<1x128x64xf32, #tpu.memory_space<vmem>> -> memref<128x64xf32, #tpu.memory_space<vmem>>
    %dma_wait3A_1082 = arith.constant 0 : i32
    %dma_wait3A_1083 = arith.constant 0 : i32
    %dma_wait3A_1084 = tpu.memref_slice %arg10[%dma_wait3A_1075, %dma_wait3A_1082, %dma_wait3A_1083] : memref<2x20x128xi32, #tpu.memory_space<vmem>> -> memref<1x20x128xi32, #tpu.memory_space<vmem>>
    %dma_wait3A_1085 = tpu.memref_squeeze %dma_wait3A_1084 : memref<1x20x128xi32, #tpu.memory_space<vmem>> -> memref<20x128xi32, #tpu.memory_space<vmem>>
    %dma_wait3A_1086 = arith.constant 0 : i32
    %dma_wait3A_1087 = tpu.memref_slice %dma_wait3A_1085[%dma_wait3A_1076, %dma_wait3A_1086] : memref<20x128xi32, #tpu.memory_space<vmem>> -> memref<1x128xi32, #tpu.memory_space<vmem>>
    %dma_wait3A_1088 = tpu.memref_squeeze %dma_wait3A_1087 : memref<1x128xi32, #tpu.memory_space<vmem>> -> memref<128xi32, #tpu.memory_space<vmem>>
    %dma_wait3A_1089 = arith.constant 0 : i32
    %dma_wait3A_1090 = arith.constant 0 : i32
    %dma_wait3A_1091 = tpu.memref_slice %arg6[%dma_wait3A_1089, %dma_wait3A_1090] : memref<1000000x64xf32, #tpu.memory_space<hbm>> -> memref<1000000x64xf32, #tpu.memory_space<hbm>>
    tpu.wait_indirect_dma semaphore(%arg15 : memref<!tpu.dma_semaphore, #tpu.memory_space<semaphore_mem>>) src(%dma_wait3A_1091 : memref<1000000x64xf32, #tpu.memory_space<hbm>>) dst(%dma_wait3A_1081 : memref<128x64xf32, #tpu.memory_space<vmem>>)
    %dma_wait3A_1092 = arith.constant 0 : i32
    %dma_wait3A_1093 = arith.constant 19 : i32
    %dma_wait3A_1094 = arith.constant 0 : i32
    %dma_wait3A_1095 = arith.constant 0 : i32
    %dma_wait3A_1096 = arith.constant 0 : i32
    %dma_wait3A_1097 = tpu.memref_slice %arg13[%dma_wait3A_1094, %dma_wait3A_1095, %dma_wait3A_1096] : memref<2x128x64xf32, #tpu.memory_space<vmem>> -> memref<1x128x64xf32, #tpu.memory_space<vmem>>
    %dma_wait3A_1098 = tpu.memref_squeeze %dma_wait3A_1097 : memref<1x128x64xf32, #tpu.memory_space<vmem>> -> memref<128x64xf32, #tpu.memory_space<vmem>>
    %dma_wait3A_1099 = arith.constant 0 : i32
    %dma_wait3A_1100 = arith.constant 0 : i32
    %dma_wait3A_1101 = tpu.memref_slice %arg10[%dma_wait3A_1092, %dma_wait3A_1099, %dma_wait3A_1100] : memref<2x20x128xi32, #tpu.memory_space<vmem>> -> memref<1x20x128xi32, #tpu.memory_space<vmem>>
    %dma_wait3A_1102 = tpu.memref_squeeze %dma_wait3A_1101 : memref<1x20x128xi32, #tpu.memory_space<vmem>> -> memref<20x128xi32, #tpu.memory_space<vmem>>
    %dma_wait3A_1103 = arith.constant 0 : i32
    %dma_wait3A_1104 = tpu.memref_slice %dma_wait3A_1102[%dma_wait3A_1093, %dma_wait3A_1103] : memref<20x128xi32, #tpu.memory_space<vmem>> -> memref<1x128xi32, #tpu.memory_space<vmem>>
    %dma_wait3A_1105 = tpu.memref_squeeze %dma_wait3A_1104 : memref<1x128xi32, #tpu.memory_space<vmem>> -> memref<128xi32, #tpu.memory_space<vmem>>
    %dma_wait3A_1106 = arith.constant 0 : i32
    %dma_wait3A_1107 = arith.constant 0 : i32
    %dma_wait3A_1108 = tpu.memref_slice %arg6[%dma_wait3A_1106, %dma_wait3A_1107] : memref<1000000x64xf32, #tpu.memory_space<hbm>> -> memref<1000000x64xf32, #tpu.memory_space<hbm>>
    tpu.wait_indirect_dma semaphore(%arg15 : memref<!tpu.dma_semaphore, #tpu.memory_space<semaphore_mem>>) src(%dma_wait3A_1108 : memref<1000000x64xf32, #tpu.memory_space<hbm>>) dst(%dma_wait3A_1098 : memref<128x64xf32, #tpu.memory_space<vmem>>)
    %add3A_1109 = arith.constant 0 : i32
    %add3A_1110 = arith.addi %mul3A_2, %add3A_1109 : i32
    %scan3A_1111 = arith.constant 0 : i32
    %scan3A_1112 = arith.constant 0 : i32
    %scan3A_1113 = arith.constant 0 : i32
    %scan3A_1114 = arith.constant 0 : i32
    %scan3A_1115 = arith.constant 0 : i32
    %scan3A_1116 = arith.constant 128 : i32
    %scan3A_1117 = arith.addi %scan3A_1115, %scan3A_1116 : i32
    %scan3A_1118 = arith.constant 1 : i32
    %scan3A_1119 = scf.for %scan3A_3003 = %scan3A_1115 to %scan3A_1117 step %scan3A_1118 iter_args(%scan3A_3004 = %scan3A_1114) -> (i32)  : i32 {
      %broadcast_in_dim3A_3005 = arith.constant 0.000000e+00 : f32
      %broadcast_in_dim3A_3006 = vector.broadcast %broadcast_in_dim3A_3005 : f32 to vector<16xf32>
      %broadcast_in_dim3A_3007 = arith.constant 0.000000e+00 : f32
      %broadcast_in_dim3A_3008 = vector.broadcast %broadcast_in_dim3A_3007 : f32 to vector<16xf32>
      %get3A = arith.constant 0 : i32
      %get3A_3009 = arith.constant 0 : i32
      %get3A_3010 = tpu.memref_slice %arg11[%scan3A_1111, %get3A, %get3A_3009] : memref<2x128x64xf32, #tpu.memory_space<vmem>> -> memref<1x128x64xf32, #tpu.memory_space<vmem>>
      %get3A_3011 = tpu.memref_squeeze %get3A_3010 : memref<1x128x64xf32, #tpu.memory_space<vmem>> -> memref<128x64xf32, #tpu.memory_space<vmem>>
      %get3A_3012 = arith.index_cast %scan3A_3003 : i32 to index
      %get3A_3013 = arith.constant 0 : index
      %get3A_3014 = tpu.vector_load %get3A_3011[%get3A_3012, %get3A_3013] {strides = array<i32>} : memref<128x64xf32, #tpu.memory_space<vmem>>, vector<1x16xf32>,
      %get3A_3015 = vector.shape_cast %get3A_3014 : vector<1x16xf32> to vector<16xf32>
      %get3A_3016 = arith.constant 0 : i32
      %get3A_3017 = arith.constant 0 : i32
      %get3A_3018 = tpu.memref_slice %arg12[%scan3A_1112, %get3A_3016, %get3A_3017] : memref<2x128x64xf32, #tpu.memory_space<vmem>> -> memref<1x128x64xf32, #tpu.memory_space<vmem>>
      %get3A_3019 = tpu.memref_squeeze %get3A_3018 : memref<1x128x64xf32, #tpu.memory_space<vmem>> -> memref<128x64xf32, #tpu.memory_space<vmem>>
      %get3A_3020 = arith.index_cast %scan3A_3003 : i32 to index
      %get3A_3021 = arith.constant 0 : index
      %get3A_3022 = tpu.vector_load %get3A_3019[%get3A_3020, %get3A_3021] {strides = array<i32>} : memref<128x64xf32, #tpu.memory_space<vmem>>, vector<1x16xf32>,
      %get3A_3023 = vector.shape_cast %get3A_3022 : vector<1x16xf32> to vector<16xf32>
      %mul3A_3024 = arith.mulf %get3A_3015, %get3A_3023 : vector<16xf32>
      %add3A_3025 = arith.addf %broadcast_in_dim3A_3006, %mul3A_3024 : vector<16xf32>
      %get3A_3026 = arith.constant 0 : i32
      %get3A_3027 = arith.constant 0 : i32
      %get3A_3028 = tpu.memref_slice %arg13[%scan3A_1113, %get3A_3026, %get3A_3027] : memref<2x128x64xf32, #tpu.memory_space<vmem>> -> memref<1x128x64xf32, #tpu.memory_space<vmem>>
      %get3A_3029 = tpu.memref_squeeze %get3A_3028 : memref<1x128x64xf32, #tpu.memory_space<vmem>> -> memref<128x64xf32, #tpu.memory_space<vmem>>
      %get3A_3030 = arith.index_cast %scan3A_3003 : i32 to index
      %get3A_3031 = arith.constant 0 : index
      %get3A_3032 = tpu.vector_load %get3A_3029[%get3A_3030, %get3A_3031] {strides = array<i32>} : memref<128x64xf32, #tpu.memory_space<vmem>>, vector<1x16xf32>,
      %get3A_3033 = vector.shape_cast %get3A_3032 : vector<1x16xf32> to vector<16xf32>
      %mul3A_3034 = arith.mulf %get3A_3015, %get3A_3033 : vector<16xf32>
      %add3A_3035 = arith.addf %broadcast_in_dim3A_3008, %mul3A_3034 : vector<16xf32>
      %swap3A = arith.constant 0 : i32
      %swap3A_3036 = arith.constant 0 : i32
      %swap3A_3037 = tpu.memref_slice %arg13[%scan3A_1113, %swap3A, %swap3A_3036] : memref<2x128x64xf32, #tpu.memory_space<vmem>> -> memref<1x128x64xf32, #tpu.memory_space<vmem>>
      %swap3A_3038 = tpu.memref_squeeze %swap3A_3037 : memref<1x128x64xf32, #tpu.memory_space<vmem>> -> memref<128x64xf32, #tpu.memory_space<vmem>>
      %swap3A_3039 = arith.index_cast %scan3A_3003 : i32 to index
      %swap3A_3040 = arith.constant 0 : index
      %swap3A_3041 = tpu.vector_load %swap3A_3038[%swap3A_3039, %swap3A_3040] {strides = array<i32>} : memref<128x64xf32, #tpu.memory_space<vmem>>, vector<1x16xf32>,
      %swap3A_3042 = vector.shape_cast %swap3A_3041 : vector<1x16xf32> to vector<16xf32>
      %swap3A_3043 = vector.shape_cast %broadcast_in_dim3A_3 : vector<16xf32> to vector<1x16xf32>
      tpu.vector_store %swap3A_3038[%swap3A_3039, %swap3A_3040], %swap3A_3043 {strides = array<i32>} : memref<128x64xf32, #tpu.memory_space<vmem>>, vector<1x16xf32>,
      %get3A_3044 = arith.constant 0 : i32
      %get3A_3045 = arith.constant 0 : i32
      %get3A_3046 = tpu.memref_slice %arg11[%scan3A_1111, %get3A_3044, %get3A_3045] : memref<2x128x64xf32, #tpu.memory_space<vmem>> -> memref<1x128x64xf32, #tpu.memory_space<vmem>>
      %get3A_3047 = tpu.memref_squeeze %get3A_3046 : memref<1x128x64xf32, #tpu.memory_space<vmem>> -> memref<128x64xf32, #tpu.memory_space<vmem>>
      %get3A_3048 = arith.index_cast %scan3A_3003 : i32 to index
      %get3A_3049 = arith.constant 16 : index
      %get3A_3050 = tpu.vector_load %get3A_3047[%get3A_3048, %get3A_3049] {strides = array<i32>} : memref<128x64xf32, #tpu.memory_space<vmem>>, vector<1x16xf32>,
      %get3A_3051 = vector.shape_cast %get3A_3050 : vector<1x16xf32> to vector<16xf32>
      %get3A_3052 = arith.constant 0 : i32
      %get3A_3053 = arith.constant 0 : i32
      %get3A_3054 = tpu.memref_slice %arg12[%scan3A_1112, %get3A_3052, %get3A_3053] : memref<2x128x64xf32, #tpu.memory_space<vmem>> -> memref<1x128x64xf32, #tpu.memory_space<vmem>>
      %get3A_3055 = tpu.memref_squeeze %get3A_3054 : memref<1x128x64xf32, #tpu.memory_space<vmem>> -> memref<128x64xf32, #tpu.memory_space<vmem>>
      %get3A_3056 = arith.index_cast %scan3A_3003 : i32 to index
      %get3A_3057 = arith.constant 16 : index
      %get3A_3058 = tpu.vector_load %get3A_3055[%get3A_3056, %get3A_3057] {strides = array<i32>} : memref<128x64xf32, #tpu.memory_space<vmem>>, vector<1x16xf32>,
      %get3A_3059 = vector.shape_cast %get3A_3058 : vector<1x16xf32> to vector<16xf32>
      %mul3A_3060 = arith.mulf %get3A_3051, %get3A_3059 : vector<16xf32>
      %add3A_3061 = arith.addf %add3A_3025, %mul3A_3060 : vector<16xf32>
      %get3A_3062 = arith.constant 0 : i32
      %get3A_3063 = arith.constant 0 : i32
      %get3A_3064 = tpu.memref_slice %arg13[%scan3A_1113, %get3A_3062, %get3A_3063] : memref<2x128x64xf32, #tpu.memory_space<vmem>> -> memref<1x128x64xf32, #tpu.memory_space<vmem>>
      %get3A_3065 = tpu.memref_squeeze %get3A_3064 : memref<1x128x64xf32, #tpu.memory_space<vmem>> -> memref<128x64xf32, #tpu.memory_space<vmem>>
      %get3A_3066 = arith.index_cast %scan3A_3003 : i32 to index
      %get3A_3067 = arith.constant 16 : index
      %get3A_3068 = tpu.vector_load %get3A_3065[%get3A_3066, %get3A_3067] {strides = array<i32>} : memref<128x64xf32, #tpu.memory_space<vmem>>, vector<1x16xf32>,
      %get3A_3069 = vector.shape_cast %get3A_3068 : vector<1x16xf32> to vector<16xf32>
      %mul3A_3070 = arith.mulf %get3A_3051, %get3A_3069 : vector<16xf32>
      %add3A_3071 = arith.addf %add3A_3035, %mul3A_3070 : vector<16xf32>
      %swap3A_3072 = arith.constant 0 : i32
      %swap3A_3073 = arith.constant 0 : i32
      %swap3A_3074 = tpu.memref_slice %arg13[%scan3A_1113, %swap3A_3072, %swap3A_3073] : memref<2x128x64xf32, #tpu.memory_space<vmem>> -> memref<1x128x64xf32, #tpu.memory_space<vmem>>
      %swap3A_3075 = tpu.memref_squeeze %swap3A_3074 : memref<1x128x64xf32, #tpu.memory_space<vmem>> -> memref<128x64xf32, #tpu.memory_space<vmem>>
      %swap3A_3076 = arith.index_cast %scan3A_3003 : i32 to index
      %swap3A_3077 = arith.constant 16 : index
      %swap3A_3078 = tpu.vector_load %swap3A_3075[%swap3A_3076, %swap3A_3077] {strides = array<i32>} : memref<128x64xf32, #tpu.memory_space<vmem>>, vector<1x16xf32>,
      %swap3A_3079 = vector.shape_cast %swap3A_3078 : vector<1x16xf32> to vector<16xf32>
      %swap3A_3080 = vector.shape_cast %broadcast_in_dim3A_3 : vector<16xf32> to vector<1x16xf32>
      tpu.vector_store %swap3A_3075[%swap3A_3076, %swap3A_3077], %swap3A_3080 {strides = array<i32>} : memref<128x64xf32, #tpu.memory_space<vmem>>, vector<1x16xf32>,
      %get3A_3081 = arith.constant 0 : i32
      %get3A_3082 = arith.constant 0 : i32
      %get3A_3083 = tpu.memref_slice %arg11[%scan3A_1111, %get3A_3081, %get3A_3082] : memref<2x128x64xf32, #tpu.memory_space<vmem>> -> memref<1x128x64xf32, #tpu.memory_space<vmem>>
      %get3A_3084 = tpu.memref_squeeze %get3A_3083 : memref<1x128x64xf32, #tpu.memory_space<vmem>> -> memref<128x64xf32, #tpu.memory_space<vmem>>
      %get3A_3085 = arith.index_cast %scan3A_3003 : i32 to index
      %get3A_3086 = arith.constant 32 : index
      %get3A_3087 = tpu.vector_load %get3A_3084[%get3A_3085, %get3A_3086] {strides = array<i32>} : memref<128x64xf32, #tpu.memory_space<vmem>>, vector<1x16xf32>,
      %get3A_3088 = vector.shape_cast %get3A_3087 : vector<1x16xf32> to vector<16xf32>
      %get3A_3089 = arith.constant 0 : i32
      %get3A_3090 = arith.constant 0 : i32
      %get3A_3091 = tpu.memref_slice %arg12[%scan3A_1112, %get3A_3089, %get3A_3090] : memref<2x128x64xf32, #tpu.memory_space<vmem>> -> memref<1x128x64xf32, #tpu.memory_space<vmem>>
      %get3A_3092 = tpu.memref_squeeze %get3A_3091 : memref<1x128x64xf32, #tpu.memory_space<vmem>> -> memref<128x64xf32, #tpu.memory_space<vmem>>
      %get3A_3093 = arith.index_cast %scan3A_3003 : i32 to index
      %get3A_3094 = arith.constant 32 : index
      %get3A_3095 = tpu.vector_load %get3A_3092[%get3A_3093, %get3A_3094] {strides = array<i32>} : memref<128x64xf32, #tpu.memory_space<vmem>>, vector<1x16xf32>,
      %get3A_3096 = vector.shape_cast %get3A_3095 : vector<1x16xf32> to vector<16xf32>
      %mul3A_3097 = arith.mulf %get3A_3088, %get3A_3096 : vector<16xf32>
      %add3A_3098 = arith.addf %add3A_3061, %mul3A_3097 : vector<16xf32>
      %get3A_3099 = arith.constant 0 : i32
      %get3A_3100 = arith.constant 0 : i32
      %get3A_3101 = tpu.memref_slice %arg13[%scan3A_1113, %get3A_3099, %get3A_3100] : memref<2x128x64xf32, #tpu.memory_space<vmem>> -> memref<1x128x64xf32, #tpu.memory_space<vmem>>
      %get3A_3102 = tpu.memref_squeeze %get3A_3101 : memref<1x128x64xf32, #tpu.memory_space<vmem>> -> memref<128x64xf32, #tpu.memory_space<vmem>>
      %get3A_3103 = arith.index_cast %scan3A_3003 : i32 to index
      %get3A_3104 = arith.constant 32 : index
      %get3A_3105 = tpu.vector_load %get3A_3102[%get3A_3103, %get3A_3104] {strides = array<i32>} : memref<128x64xf32, #tpu.memory_space<vmem>>, vector<1x16xf32>,
      %get3A_3106 = vector.shape_cast %get3A_3105 : vector<1x16xf32> to vector<16xf32>
      %mul3A_3107 = arith.mulf %get3A_3088, %get3A_3106 : vector<16xf32>
      %add3A_3108 = arith.addf %add3A_3071, %mul3A_3107 : vector<16xf32>
      %swap3A_3109 = arith.constant 0 : i32
      %swap3A_3110 = arith.constant 0 : i32
      %swap3A_3111 = tpu.memref_slice %arg13[%scan3A_1113, %swap3A_3109, %swap3A_3110] : memref<2x128x64xf32, #tpu.memory_space<vmem>> -> memref<1x128x64xf32, #tpu.memory_space<vmem>>
      %swap3A_3112 = tpu.memref_squeeze %swap3A_3111 : memref<1x128x64xf32, #tpu.memory_space<vmem>> -> memref<128x64xf32, #tpu.memory_space<vmem>>
      %swap3A_3113 = arith.index_cast %scan3A_3003 : i32 to index
      %swap3A_3114 = arith.constant 32 : index
      %swap3A_3115 = tpu.vector_load %swap3A_3112[%swap3A_3113, %swap3A_3114] {strides = array<i32>} : memref<128x64xf32, #tpu.memory_space<vmem>>, vector<1x16xf32>,
      %swap3A_3116 = vector.shape_cast %swap3A_3115 : vector<1x16xf32> to vector<16xf32>
      %swap3A_3117 = vector.shape_cast %broadcast_in_dim3A_3 : vector<16xf32> to vector<1x16xf32>
      tpu.vector_store %swap3A_3112[%swap3A_3113, %swap3A_3114], %swap3A_3117 {strides = array<i32>} : memref<128x64xf32, #tpu.memory_space<vmem>>, vector<1x16xf32>,
      %get3A_3118 = arith.constant 0 : i32
      %get3A_3119 = arith.constant 0 : i32
      %get3A_3120 = tpu.memref_slice %arg11[%scan3A_1111, %get3A_3118, %get3A_3119] : memref<2x128x64xf32, #tpu.memory_space<vmem>> -> memref<1x128x64xf32, #tpu.memory_space<vmem>>
      %get3A_3121 = tpu.memref_squeeze %get3A_3120 : memref<1x128x64xf32, #tpu.memory_space<vmem>> -> memref<128x64xf32, #tpu.memory_space<vmem>>
      %get3A_3122 = arith.index_cast %scan3A_3003 : i32 to index
      %get3A_3123 = arith.constant 48 : index
      %get3A_3124 = tpu.vector_load %get3A_3121[%get3A_3122, %get3A_3123] {strides = array<i32>} : memref<128x64xf32, #tpu.memory_space<vmem>>, vector<1x16xf32>,
      %get3A_3125 = vector.shape_cast %get3A_3124 : vector<1x16xf32> to vector<16xf32>
      %get3A_3126 = arith.constant 0 : i32
      %get3A_3127 = arith.constant 0 : i32
      %get3A_3128 = tpu.memref_slice %arg12[%scan3A_1112, %get3A_3126, %get3A_3127] : memref<2x128x64xf32, #tpu.memory_space<vmem>> -> memref<1x128x64xf32, #tpu.memory_space<vmem>>
      %get3A_3129 = tpu.memref_squeeze %get3A_3128 : memref<1x128x64xf32, #tpu.memory_space<vmem>> -> memref<128x64xf32, #tpu.memory_space<vmem>>
      %get3A_3130 = arith.index_cast %scan3A_3003 : i32 to index
      %get3A_3131 = arith.constant 48 : index
      %get3A_3132 = tpu.vector_load %get3A_3129[%get3A_3130, %get3A_3131] {strides = array<i32>} : memref<128x64xf32, #tpu.memory_space<vmem>>, vector<1x16xf32>,
      %get3A_3133 = vector.shape_cast %get3A_3132 : vector<1x16xf32> to vector<16xf32>
      %mul3A_3134 = arith.mulf %get3A_3125, %get3A_3133 : vector<16xf32>
      %add3A_3135 = arith.addf %add3A_3098, %mul3A_3134 : vector<16xf32>
      %get3A_3136 = arith.constant 0 : i32
      %get3A_3137 = arith.constant 0 : i32
      %get3A_3138 = tpu.memref_slice %arg13[%scan3A_1113, %get3A_3136, %get3A_3137] : memref<2x128x64xf32, #tpu.memory_space<vmem>> -> memref<1x128x64xf32, #tpu.memory_space<vmem>>
      %get3A_3139 = tpu.memref_squeeze %get3A_3138 : memref<1x128x64xf32, #tpu.memory_space<vmem>> -> memref<128x64xf32, #tpu.memory_space<vmem>>
      %get3A_3140 = arith.index_cast %scan3A_3003 : i32 to index
      %get3A_3141 = arith.constant 48 : index
      %get3A_3142 = tpu.vector_load %get3A_3139[%get3A_3140, %get3A_3141] {strides = array<i32>} : memref<128x64xf32, #tpu.memory_space<vmem>>, vector<1x16xf32>,
      %get3A_3143 = vector.shape_cast %get3A_3142 : vector<1x16xf32> to vector<16xf32>
      %mul3A_3144 = arith.mulf %get3A_3125, %get3A_3143 : vector<16xf32>
      %add3A_3145 = arith.addf %add3A_3108, %mul3A_3144 : vector<16xf32>
      %swap3A_3146 = arith.constant 0 : i32
      %swap3A_3147 = arith.constant 0 : i32
      %swap3A_3148 = tpu.memref_slice %arg13[%scan3A_1113, %swap3A_3146, %swap3A_3147] : memref<2x128x64xf32, #tpu.memory_space<vmem>> -> memref<1x128x64xf32, #tpu.memory_space<vmem>>
      %swap3A_3149 = tpu.memref_squeeze %swap3A_3148 : memref<1x128x64xf32, #tpu.memory_space<vmem>> -> memref<128x64xf32, #tpu.memory_space<vmem>>
      %swap3A_3150 = arith.index_cast %scan3A_3003 : i32 to index
      %swap3A_3151 = arith.constant 48 : index
      %swap3A_3152 = tpu.vector_load %swap3A_3149[%swap3A_3150, %swap3A_3151] {strides = array<i32>} : memref<128x64xf32, #tpu.memory_space<vmem>>, vector<1x16xf32>,
      %swap3A_3153 = vector.shape_cast %swap3A_3152 : vector<1x16xf32> to vector<16xf32>
      %swap3A_3154 = vector.shape_cast %broadcast_in_dim3A_3 : vector<16xf32> to vector<1x16xf32>
      tpu.vector_store %swap3A_3149[%swap3A_3150, %swap3A_3151], %swap3A_3154 {strides = array<i32>} : memref<128x64xf32, #tpu.memory_space<vmem>>, vector<1x16xf32>,
      %mul3A_3155 = arith.constant 2 : i32
      %mul3A_3156 = arith.muli %scan3A_3003, %mul3A_3155 : i32
      %mul3A_3157 = arith.constant 16 : i32
      %mul3A_3158 = arith.muli %mul3A_3156, %mul3A_3157 : i32
      %swap3A_3159 = arith.index_cast %mul3A_3158 : i32 to index
      %swap3A_3160 = tpu.vector_load %arg14[%swap3A_3159] {strides = array<i32>} : memref<4096xf32, #tpu.memory_space<vmem>>, vector<16xf32>,
      %swap3A_3161 = vector.shape_cast %swap3A_3160 : vector<16xf32> to vector<16xf32>
      %swap3A_3162 = vector.shape_cast %add3A_3135 : vector<16xf32> to vector<16xf32>
      tpu.vector_store %arg14[%swap3A_3159], %swap3A_3162 {strides = array<i32>} : memref<4096xf32, #tpu.memory_space<vmem>>, vector<16xf32>,
      %mul3A_3163 = arith.constant 2 : i32
      %mul3A_3164 = arith.muli %scan3A_3003, %mul3A_3163 : i32
      %mul3A_3165 = arith.constant 16 : i32
      %mul3A_3166 = arith.muli %mul3A_3164, %mul3A_3165 : i32
      %add3A_3167 = arith.constant 16 : i32
      %add3A_3168 = arith.addi %mul3A_3166, %add3A_3167 : i32
      %swap3A_3169 = arith.index_cast %add3A_3168 : i32 to index
      %swap3A_3170 = tpu.vector_load %arg14[%swap3A_3169] {strides = array<i32>} : memref<4096xf32, #tpu.memory_space<vmem>>, vector<16xf32>,
      %swap3A_3171 = vector.shape_cast %swap3A_3170 : vector<16xf32> to vector<16xf32>
      %swap3A_3172 = vector.shape_cast %add3A_3145 : vector<16xf32> to vector<16xf32>
      tpu.vector_store %arg14[%swap3A_3169], %swap3A_3172 {strides = array<i32>} : memref<4096xf32, #tpu.memory_space<vmem>>, vector<16xf32>,
      %scan3A_3173 = arith.constant 0 : i32
      scf.yield %scan3A_3173 : i32
    }
    %scan3A_1120 = arith.constant 128 : i32
    %mul3A_1121 = arith.constant 2 : i32
    %mul3A_1122 = arith.muli %add3A_1110, %mul3A_1121 : i32
    %mul3A_1123 = arith.constant 16 : i32
    %mul3A_1124 = arith.muli %mul3A_1122, %mul3A_1123 : i32
    "tpu.region"() ({
      %run_scoped3A_3003 = tpu.sem_alloc : memref<!tpu.dma_semaphore, #tpu.memory_space<semaphore_mem>>
      %dma_start3A_3004 = tpu.memref_slice %arg7[%mul3A_1124] : memref<524288xf32, #tpu.memory_space<hbm>> -> memref<4096xf32, #tpu.memory_space<hbm>>
      %dma_start3A_3005 = tpu.memref_slice %arg7[%mul3A_1124] : memref<524288xf32, #tpu.memory_space<hbm>> -> memref<4096xf32, #tpu.memory_space<hbm>>
      tpu.enqueue_dma source(%arg14 : memref<4096xf32, #tpu.memory_space<vmem>>) target(%dma_start3A_3005 : memref<4096xf32, #tpu.memory_space<hbm>>) target_semaphore(%run_scoped3A_3003 : memref<!tpu.dma_semaphore, #tpu.memory_space<semaphore_mem>>)
      %dma_wait3A_3006 = tpu.memref_slice %arg7[%mul3A_1124] : memref<524288xf32, #tpu.memory_space<hbm>> -> memref<4096xf32, #tpu.memory_space<hbm>>
      %dma_wait3A_3007 = tpu.memref_slice %arg7[%mul3A_1124] : memref<524288xf32, #tpu.memory_space<hbm>> -> memref<4096xf32, #tpu.memory_space<hbm>>
      tpu.wait_dma2 semaphore(%run_scoped3A_3003 : memref<!tpu.dma_semaphore, #tpu.memory_space<semaphore_mem>>) src(%arg14 : memref<4096xf32, #tpu.memory_space<vmem>>) dst(%dma_wait3A_3007 : memref<4096xf32, #tpu.memory_space<hbm>>)
      tpu.yield
    }) : () -> ()
    %add3A_1125 = arith.constant 256 : i32
    %add3A_1126 = arith.addi %mul3A_2, %add3A_1125 : i32
    %run_scoped3A_1127 = arith.constant 0 : i32
    "tpu.region"() ({
      %run_scoped3A_3003 = tpu.sem_alloc : memref<!tpu.dma_semaphore, #tpu.memory_space<semaphore_mem>>
      %dma_start3A_3004 = arith.constant 0 : i32
      %dma_start3A_3005 = tpu.memref_slice %arg8[%run_scoped3A_1127, %dma_start3A_3004] : memref<2x128xi32, #tpu.memory_space<vmem>> -> memref<1x128xi32, #tpu.memory_space<vmem>>
      %dma_start3A_3006 = tpu.memref_squeeze %dma_start3A_3005 : memref<1x128xi32, #tpu.memory_space<vmem>> -> memref<128xi32, #tpu.memory_space<vmem>>
      %dma_start3A_3007 = tpu.memref_slice %arg2[%add3A_1126] : memref<16384xi32, #tpu.memory_space<hbm>> -> memref<128xi32, #tpu.memory_space<hbm>>
      %dma_start3A_3008 = arith.constant 0 : i32
      %dma_start3A_3009 = tpu.memref_slice %arg8[%run_scoped3A_1127, %dma_start3A_3008] : memref<2x128xi32, #tpu.memory_space<vmem>> -> memref<1x128xi32, #tpu.memory_space<vmem>>
      %dma_start3A_3010 = tpu.memref_squeeze %dma_start3A_3009 : memref<1x128xi32, #tpu.memory_space<vmem>> -> memref<128xi32, #tpu.memory_space<vmem>>
      %dma_start3A_3011 = tpu.memref_slice %arg2[%add3A_1126] : memref<16384xi32, #tpu.memory_space<hbm>> -> memref<128xi32, #tpu.memory_space<hbm>>
      tpu.enqueue_dma source(%dma_start3A_3011 : memref<128xi32, #tpu.memory_space<hbm>>) target(%dma_start3A_3010 : memref<128xi32, #tpu.memory_space<vmem>>) target_semaphore(%run_scoped3A_3003 : memref<!tpu.dma_semaphore, #tpu.memory_space<semaphore_mem>>)
      %dma_wait3A_3012 = arith.constant 0 : i32
      %dma_wait3A_3013 = tpu.memref_slice %arg8[%run_scoped3A_1127, %dma_wait3A_3012] : memref<2x128xi32, #tpu.memory_space<vmem>> -> memref<1x128xi32, #tpu.memory_space<vmem>>
      %dma_wait3A_3014 = tpu.memref_squeeze %dma_wait3A_3013 : memref<1x128xi32, #tpu.memory_space<vmem>> -> memref<128xi32, #tpu.memory_space<vmem>>
      %dma_wait3A_3015 = tpu.memref_slice %arg2[%add3A_1126] : memref<16384xi32, #tpu.memory_space<hbm>> -> memref<128xi32, #tpu.memory_space<hbm>>
      %dma_wait3A_3016 = arith.constant 0 : i32
      %dma_wait3A_3017 = tpu.memref_slice %arg8[%run_scoped3A_1127, %dma_wait3A_3016] : memref<2x128xi32, #tpu.memory_space<vmem>> -> memref<1x128xi32, #tpu.memory_space<vmem>>
      %dma_wait3A_3018 = tpu.memref_squeeze %dma_wait3A_3017 : memref<1x128xi32, #tpu.memory_space<vmem>> -> memref<128xi32, #tpu.memory_space<vmem>>
      %dma_wait3A_3019 = tpu.memref_slice %arg2[%add3A_1126] : memref<16384xi32, #tpu.memory_space<hbm>> -> memref<128xi32, #tpu.memory_space<hbm>>
      tpu.wait_dma2 semaphore(%run_scoped3A_3003 : memref<!tpu.dma_semaphore, #tpu.memory_space<semaphore_mem>>) src(%dma_wait3A_3019 : memref<128xi32, #tpu.memory_space<hbm>>) dst(%dma_wait3A_3018 : memref<128xi32, #tpu.memory_space<vmem>>)
      tpu.yield
    }) : () -> ()
    %run_scoped3A_1128 = arith.constant 0 : i32
    "tpu.region"() ({
      %run_scoped3A_3003 = tpu.sem_alloc : memref<!tpu.dma_semaphore, #tpu.memory_space<semaphore_mem>>
      %dma_start3A_3004 = arith.constant 0 : i32
      %dma_start3A_3005 = tpu.memref_slice %arg9[%run_scoped3A_1128, %dma_start3A_3004] : memref<2x128xi32, #tpu.memory_space<vmem>> -> memref<1x128xi32, #tpu.memory_space<vmem>>
      %dma_start3A_3006 = tpu.memref_squeeze %dma_start3A_3005 : memref<1x128xi32, #tpu.memory_space<vmem>> -> memref<128xi32, #tpu.memory_space<vmem>>
      %dma_start3A_3007 = tpu.memref_slice %arg3[%add3A_1126] : memref<16384xi32, #tpu.memory_space<hbm>> -> memref<128xi32, #tpu.memory_space<hbm>>
      %dma_start3A_3008 = arith.constant 0 : i32
      %dma_start3A_3009 = tpu.memref_slice %arg9[%run_scoped3A_1128, %dma_start3A_3008] : memref<2x128xi32, #tpu.memory_space<vmem>> -> memref<1x128xi32, #tpu.memory_space<vmem>>
      %dma_start3A_3010 = tpu.memref_squeeze %dma_start3A_3009 : memref<1x128xi32, #tpu.memory_space<vmem>> -> memref<128xi32, #tpu.memory_space<vmem>>
      %dma_start3A_3011 = tpu.memref_slice %arg3[%add3A_1126] : memref<16384xi32, #tpu.memory_space<hbm>> -> memref<128xi32, #tpu.memory_space<hbm>>
      tpu.enqueue_dma source(%dma_start3A_3011 : memref<128xi32, #tpu.memory_space<hbm>>) target(%dma_start3A_3010 : memref<128xi32, #tpu.memory_space<vmem>>) target_semaphore(%run_scoped3A_3003 : memref<!tpu.dma_semaphore, #tpu.memory_space<semaphore_mem>>)
      %dma_wait3A_3012 = arith.constant 0 : i32
      %dma_wait3A_3013 = tpu.memref_slice %arg9[%run_scoped3A_1128, %dma_wait3A_3012] : memref<2x128xi32, #tpu.memory_space<vmem>> -> memref<1x128xi32, #tpu.memory_space<vmem>>
      %dma_wait3A_3014 = tpu.memref_squeeze %dma_wait3A_3013 : memref<1x128xi32, #tpu.memory_space<vmem>> -> memref<128xi32, #tpu.memory_space<vmem>>
      %dma_wait3A_3015 = tpu.memref_slice %arg3[%add3A_1126] : memref<16384xi32, #tpu.memory_space<hbm>> -> memref<128xi32, #tpu.memory_space<hbm>>
      %dma_wait3A_3016 = arith.constant 0 : i32
      %dma_wait3A_3017 = tpu.memref_slice %arg9[%run_scoped3A_1128, %dma_wait3A_3016] : memref<2x128xi32, #tpu.memory_space<vmem>> -> memref<1x128xi32, #tpu.memory_space<vmem>>
      %dma_wait3A_3018 = tpu.memref_squeeze %dma_wait3A_3017 : memref<1x128xi32, #tpu.memory_space<vmem>> -> memref<128xi32, #tpu.memory_space<vmem>>
      %dma_wait3A_3019 = tpu.memref_slice %arg3[%add3A_1126] : memref<16384xi32, #tpu.memory_space<hbm>> -> memref<128xi32, #tpu.memory_space<hbm>>
      tpu.wait_dma2 semaphore(%run_scoped3A_3003 : memref<!tpu.dma_semaphore, #tpu.memory_space<semaphore_mem>>) src(%dma_wait3A_3019 : memref<128xi32, #tpu.memory_space<hbm>>) dst(%dma_wait3A_3018 : memref<128xi32, #tpu.memory_space<vmem>>)
      tpu.yield
    }) : () -> ()
    %run_scoped3A_1129 = arith.constant 0 : i32
    "tpu.region"() ({
      %run_scoped3A_3003 = tpu.sem_alloc : memref<!tpu.dma_semaphore, #tpu.memory_space<semaphore_mem>>
      %dma_start3A_3004 = arith.constant 0 : i32
      %dma_start3A_3005 = arith.constant 0 : i32
      %dma_start3A_3006 = tpu.memref_slice %arg10[%run_scoped3A_1129, %dma_start3A_3004, %dma_start3A_3005] : memref<2x20x128xi32, #tpu.memory_space<vmem>> -> memref<1x20x128xi32, #tpu.memory_space<vmem>>
      %dma_start3A_3007 = tpu.memref_squeeze %dma_start3A_3006 : memref<1x20x128xi32, #tpu.memory_space<vmem>> -> memref<20x128xi32, #tpu.memory_space<vmem>>
      %dma_start3A_3008 = arith.constant 0 : i32
      %dma_start3A_3009 = tpu.memref_slice %arg4[%dma_start3A_3008, %add3A_1126] : memref<20x16384xi32, #tpu.memory_space<hbm>> -> memref<20x128xi32, #tpu.memory_space<hbm>>
      %dma_start3A_3010 = arith.constant 0 : i32
      %dma_start3A_3011 = arith.constant 0 : i32
      %dma_start3A_3012 = tpu.memref_slice %arg10[%run_scoped3A_1129, %dma_start3A_3010, %dma_start3A_3011] : memref<2x20x128xi32, #tpu.memory_space<vmem>> -> memref<1x20x128xi32, #tpu.memory_space<vmem>>
      %dma_start3A_3013 = tpu.memref_squeeze %dma_start3A_3012 : memref<1x20x128xi32, #tpu.memory_space<vmem>> -> memref<20x128xi32, #tpu.memory_space<vmem>>
      %dma_start3A_3014 = arith.constant 0 : i32
      %dma_start3A_3015 = tpu.memref_slice %arg4[%dma_start3A_3014, %add3A_1126] : memref<20x16384xi32, #tpu.memory_space<hbm>> -> memref<20x128xi32, #tpu.memory_space<hbm>>
      tpu.enqueue_dma source(%dma_start3A_3015 : memref<20x128xi32, #tpu.memory_space<hbm>>) target(%dma_start3A_3013 : memref<20x128xi32, #tpu.memory_space<vmem>>) target_semaphore(%run_scoped3A_3003 : memref<!tpu.dma_semaphore, #tpu.memory_space<semaphore_mem>>)
      %dma_wait3A_3016 = arith.constant 0 : i32
      %dma_wait3A_3017 = arith.constant 0 : i32
      %dma_wait3A_3018 = tpu.memref_slice %arg10[%run_scoped3A_1129, %dma_wait3A_3016, %dma_wait3A_3017] : memref<2x20x128xi32, #tpu.memory_space<vmem>> -> memref<1x20x128xi32, #tpu.memory_space<vmem>>
      %dma_wait3A_3019 = tpu.memref_squeeze %dma_wait3A_3018 : memref<1x20x128xi32, #tpu.memory_space<vmem>> -> memref<20x128xi32, #tpu.memory_space<vmem>>
      %dma_wait3A_3020 = arith.constant 0 : i32
      %dma_wait3A_3021 = tpu.memref_slice %arg4[%dma_wait3A_3020, %add3A_1126] : memref<20x16384xi32, #tpu.memory_space<hbm>> -> memref<20x128xi32, #tpu.memory_space<hbm>>
      %dma_wait3A_3022 = arith.constant 0 : i32
      %dma_wait3A_3023 = arith.constant 0 : i32
      %dma_wait3A_3024 = tpu.memref_slice %arg10[%run_scoped3A_1129, %dma_wait3A_3022, %dma_wait3A_3023] : memref<2x20x128xi32, #tpu.memory_space<vmem>> -> memref<1x20x128xi32, #tpu.memory_space<vmem>>
      %dma_wait3A_3025 = tpu.memref_squeeze %dma_wait3A_3024 : memref<1x20x128xi32, #tpu.memory_space<vmem>> -> memref<20x128xi32, #tpu.memory_space<vmem>>
      %dma_wait3A_3026 = arith.constant 0 : i32
      %dma_wait3A_3027 = tpu.memref_slice %arg4[%dma_wait3A_3026, %add3A_1126] : memref<20x16384xi32, #tpu.memory_space<hbm>> -> memref<20x128xi32, #tpu.memory_space<hbm>>
      tpu.wait_dma2 semaphore(%run_scoped3A_3003 : memref<!tpu.dma_semaphore, #tpu.memory_space<semaphore_mem>>) src(%dma_wait3A_3027 : memref<20x128xi32, #tpu.memory_space<hbm>>) dst(%dma_wait3A_3025 : memref<20x128xi32, #tpu.memory_space<vmem>>)
      tpu.yield
    }) : () -> ()
    %dma_start3A_1130 = arith.constant 0 : i32
    %dma_start3A_1131 = arith.constant 0 : i32
    %dma_start3A_1132 = arith.constant 0 : i32
    %dma_start3A_1133 = arith.constant 0 : i32
    %dma_start3A_1134 = tpu.memref_slice %arg11[%dma_start3A_1131, %dma_start3A_1132, %dma_start3A_1133] : memref<2x128x64xf32, #tpu.memory_space<vmem>> -> memref<1x128x64xf32, #tpu.memory_space<vmem>>
    %dma_start3A_1135 = tpu.memref_squeeze %dma_start3A_1134 : memref<1x128x64xf32, #tpu.memory_space<vmem>> -> memref<128x64xf32, #tpu.memory_space<vmem>>
    %dma_start3A_1136 = arith.constant 0 : i32
    %dma_start3A_1137 = tpu.memref_slice %arg8[%dma_start3A_1130, %dma_start3A_1136] : memref<2x128xi32, #tpu.memory_space<vmem>> -> memref<1x128xi32, #tpu.memory_space<vmem>>
    %dma_start3A_1138 = tpu.memref_squeeze %dma_start3A_1137 : memref<1x128xi32, #tpu.memory_space<vmem>> -> memref<128xi32, #tpu.memory_space<vmem>>
    %dma_start3A_1139 = arith.constant 0 : i32
    %dma_start3A_1140 = arith.constant 0 : i32
    %dma_start3A_1141 = tpu.memref_slice %arg5[%dma_start3A_1139, %dma_start3A_1140] : memref<1000000x64xf32, #tpu.memory_space<hbm>> -> memref<1000000x64xf32, #tpu.memory_space<hbm>>
    tpu.enqueue_indirect_dma source(%dma_start3A_1141 : memref<1000000x64xf32, #tpu.memory_space<hbm>>) target(%dma_start3A_1135 : memref<128x64xf32, #tpu.memory_space<vmem>>) offsets(%dma_start3A_1138 : memref<128xi32, #tpu.memory_space<vmem>>) semaphore(%arg15 : memref<!tpu.dma_semaphore, #tpu.memory_space<semaphore_mem>>)
    %dma_start3A_1142 = arith.constant 0 : i32
    %dma_start3A_1143 = arith.constant 0 : i32
    %dma_start3A_1144 = arith.constant 0 : i32
    %dma_start3A_1145 = arith.constant 0 : i32
    %dma_start3A_1146 = tpu.memref_slice %arg12[%dma_start3A_1143, %dma_start3A_1144, %dma_start3A_1145] : memref<2x128x64xf32, #tpu.memory_space<vmem>> -> memref<1x128x64xf32, #tpu.memory_space<vmem>>
    %dma_start3A_1147 = tpu.memref_squeeze %dma_start3A_1146 : memref<1x128x64xf32, #tpu.memory_space<vmem>> -> memref<128x64xf32, #tpu.memory_space<vmem>>
    %dma_start3A_1148 = arith.constant 0 : i32
    %dma_start3A_1149 = tpu.memref_slice %arg9[%dma_start3A_1142, %dma_start3A_1148] : memref<2x128xi32, #tpu.memory_space<vmem>> -> memref<1x128xi32, #tpu.memory_space<vmem>>
    %dma_start3A_1150 = tpu.memref_squeeze %dma_start3A_1149 : memref<1x128xi32, #tpu.memory_space<vmem>> -> memref<128xi32, #tpu.memory_space<vmem>>
    %dma_start3A_1151 = arith.constant 0 : i32
    %dma_start3A_1152 = arith.constant 0 : i32
    %dma_start3A_1153 = tpu.memref_slice %arg6[%dma_start3A_1151, %dma_start3A_1152] : memref<1000000x64xf32, #tpu.memory_space<hbm>> -> memref<1000000x64xf32, #tpu.memory_space<hbm>>
    tpu.enqueue_indirect_dma source(%dma_start3A_1153 : memref<1000000x64xf32, #tpu.memory_space<hbm>>) target(%dma_start3A_1147 : memref<128x64xf32, #tpu.memory_space<vmem>>) offsets(%dma_start3A_1150 : memref<128xi32, #tpu.memory_space<vmem>>) semaphore(%arg15 : memref<!tpu.dma_semaphore, #tpu.memory_space<semaphore_mem>>)
    %dma_start3A_1154 = arith.constant 0 : i32
    %dma_start3A_1155 = arith.constant 0 : i32
    %dma_start3A_1156 = arith.constant 0 : i32
    %dma_start3A_1157 = arith.constant 0 : i32
    %dma_start3A_1158 = arith.constant 0 : i32
    %dma_start3A_1159 = tpu.memref_slice %arg13[%dma_start3A_1156, %dma_start3A_1157, %dma_start3A_1158] : memref<2x128x64xf32, #tpu.memory_space<vmem>> -> memref<1x128x64xf32, #tpu.memory_space<vmem>>
    %dma_start3A_1160 = tpu.memref_squeeze %dma_start3A_1159 : memref<1x128x64xf32, #tpu.memory_space<vmem>> -> memref<128x64xf32, #tpu.memory_space<vmem>>
    %dma_start3A_1161 = arith.constant 0 : i32
    %dma_start3A_1162 = arith.constant 0 : i32
    %dma_start3A_1163 = tpu.memref_slice %arg10[%dma_start3A_1154, %dma_start3A_1161, %dma_start3A_1162] : memref<2x20x128xi32, #tpu.memory_space<vmem>> -> memref<1x20x128xi32, #tpu.memory_space<vmem>>
    %dma_start3A_1164 = tpu.memref_squeeze %dma_start3A_1163 : memref<1x20x128xi32, #tpu.memory_space<vmem>> -> memref<20x128xi32, #tpu.memory_space<vmem>>
    %dma_start3A_1165 = arith.constant 0 : i32
    %dma_start3A_1166 = tpu.memref_slice %dma_start3A_1164[%dma_start3A_1155, %dma_start3A_1165] : memref<20x128xi32, #tpu.memory_space<vmem>> -> memref<1x128xi32, #tpu.memory_space<vmem>>
    %dma_start3A_1167 = tpu.memref_squeeze %dma_start3A_1166 : memref<1x128xi32, #tpu.memory_space<vmem>> -> memref<128xi32, #tpu.memory_space<vmem>>
    %dma_start3A_1168 = arith.constant 0 : i32
    %dma_start3A_1169 = arith.constant 0 : i32
    %dma_start3A_1170 = tpu.memref_slice %arg6[%dma_start3A_1168, %dma_start3A_1169] : memref<1000000x64xf32, #tpu.memory_space<hbm>> -> memref<1000000x64xf32, #tpu.memory_space<hbm>>
    tpu.enqueue_indirect_dma source(%dma_start3A_1170 : memref<1000000x64xf32, #tpu.memory_space<hbm>>) target(%dma_start3A_1160 : memref<128x64xf32, #tpu.memory_space<vmem>>) offsets(%dma_start3A_1167 : memref<128xi32, #tpu.memory_space<vmem>>) semaphore(%arg15 : memref<!tpu.dma_semaphore, #tpu.memory_space<semaphore_mem>>) {add = true}
    %dma_start3A_1171 = arith.constant 0 : i32
    %dma_start3A_1172 = arith.constant 1 : i32
    %dma_start3A_1173 = arith.constant 0 : i32
    %dma_start3A_1174 = arith.constant 0 : i32
    %dma_start3A_1175 = arith.constant 0 : i32
    %dma_start3A_1176 = tpu.memref_slice %arg13[%dma_start3A_1173, %dma_start3A_1174, %dma_start3A_1175] : memref<2x128x64xf32, #tpu.memory_space<vmem>> -> memref<1x128x64xf32, #tpu.memory_space<vmem>>
    %dma_start3A_1177 = tpu.memref_squeeze %dma_start3A_1176 : memref<1x128x64xf32, #tpu.memory_space<vmem>> -> memref<128x64xf32, #tpu.memory_space<vmem>>
    %dma_start3A_1178 = arith.constant 0 : i32
    %dma_start3A_1179 = arith.constant 0 : i32
    %dma_start3A_1180 = tpu.memref_slice %arg10[%dma_start3A_1171, %dma_start3A_1178, %dma_start3A_1179] : memref<2x20x128xi32, #tpu.memory_space<vmem>> -> memref<1x20x128xi32, #tpu.memory_space<vmem>>
    %dma_start3A_1181 = tpu.memref_squeeze %dma_start3A_1180 : memref<1x20x128xi32, #tpu.memory_space<vmem>> -> memref<20x128xi32, #tpu.memory_space<vmem>>
    %dma_start3A_1182 = arith.constant 0 : i32
    %dma_start3A_1183 = tpu.memref_slice %dma_start3A_1181[%dma_start3A_1172, %dma_start3A_1182] : memref<20x128xi32, #tpu.memory_space<vmem>> -> memref<1x128xi32, #tpu.memory_space<vmem>>
    %dma_start3A_1184 = tpu.memref_squeeze %dma_start3A_1183 : memref<1x128xi32, #tpu.memory_space<vmem>> -> memref<128xi32, #tpu.memory_space<vmem>>
    %dma_start3A_1185 = arith.constant 0 : i32
    %dma_start3A_1186 = arith.constant 0 : i32
    %dma_start3A_1187 = tpu.memref_slice %arg6[%dma_start3A_1185, %dma_start3A_1186] : memref<1000000x64xf32, #tpu.memory_space<hbm>> -> memref<1000000x64xf32, #tpu.memory_space<hbm>>
    tpu.enqueue_indirect_dma source(%dma_start3A_1187 : memref<1000000x64xf32, #tpu.memory_space<hbm>>) target(%dma_start3A_1177 : memref<128x64xf32, #tpu.memory_space<vmem>>) offsets(%dma_start3A_1184 : memref<128xi32, #tpu.memory_space<vmem>>) semaphore(%arg15 : memref<!tpu.dma_semaphore, #tpu.memory_space<semaphore_mem>>) {add = true}
    %dma_start3A_1188 = arith.constant 0 : i32
    %dma_start3A_1189 = arith.constant 2 : i32
    %dma_start3A_1190 = arith.constant 0 : i32
    %dma_start3A_1191 = arith.constant 0 : i32
    %dma_start3A_1192 = arith.constant 0 : i32
    %dma_start3A_1193 = tpu.memref_slice %arg13[%dma_start3A_1190, %dma_start3A_1191, %dma_start3A_1192] : memref<2x128x64xf32, #tpu.memory_space<vmem>> -> memref<1x128x64xf32, #tpu.memory_space<vmem>>
    %dma_start3A_1194 = tpu.memref_squeeze %dma_start3A_1193 : memref<1x128x64xf32, #tpu.memory_space<vmem>> -> memref<128x64xf32, #tpu.memory_space<vmem>>
    %dma_start3A_1195 = arith.constant 0 : i32
    %dma_start3A_1196 = arith.constant 0 : i32
    %dma_start3A_1197 = tpu.memref_slice %arg10[%dma_start3A_1188, %dma_start3A_1195, %dma_start3A_1196] : memref<2x20x128xi32, #tpu.memory_space<vmem>> -> memref<1x20x128xi32, #tpu.memory_space<vmem>>
    %dma_start3A_1198 = tpu.memref_squeeze %dma_start3A_1197 : memref<1x20x128xi32, #tpu.memory_space<vmem>> -> memref<20x128xi32, #tpu.memory_space<vmem>>
    %dma_start3A_1199 = arith.constant 0 : i32
    %dma_start3A_1200 = tpu.memref_slice %dma_start3A_1198[%dma_start3A_1189, %dma_start3A_1199] : memref<20x128xi32, #tpu.memory_space<vmem>> -> memref<1x128xi32, #tpu.memory_space<vmem>>
    %dma_start3A_1201 = tpu.memref_squeeze %dma_start3A_1200 : memref<1x128xi32, #tpu.memory_space<vmem>> -> memref<128xi32, #tpu.memory_space<vmem>>
    %dma_start3A_1202 = arith.constant 0 : i32
    %dma_start3A_1203 = arith.constant 0 : i32
    %dma_start3A_1204 = tpu.memref_slice %arg6[%dma_start3A_1202, %dma_start3A_1203] : memref<1000000x64xf32, #tpu.memory_space<hbm>> -> memref<1000000x64xf32, #tpu.memory_space<hbm>>
    tpu.enqueue_indirect_dma source(%dma_start3A_1204 : memref<1000000x64xf32, #tpu.memory_space<hbm>>) target(%dma_start3A_1194 : memref<128x64xf32, #tpu.memory_space<vmem>>) offsets(%dma_start3A_1201 : memref<128xi32, #tpu.memory_space<vmem>>) semaphore(%arg15 : memref<!tpu.dma_semaphore, #tpu.memory_space<semaphore_mem>>) {add = true}
    %dma_start3A_1205 = arith.constant 0 : i32
    %dma_start3A_1206 = arith.constant 3 : i32
    %dma_start3A_1207 = arith.constant 0 : i32
    %dma_start3A_1208 = arith.constant 0 : i32
    %dma_start3A_1209 = arith.constant 0 : i32
    %dma_start3A_1210 = tpu.memref_slice %arg13[%dma_start3A_1207, %dma_start3A_1208, %dma_start3A_1209] : memref<2x128x64xf32, #tpu.memory_space<vmem>> -> memref<1x128x64xf32, #tpu.memory_space<vmem>>
    %dma_start3A_1211 = tpu.memref_squeeze %dma_start3A_1210 : memref<1x128x64xf32, #tpu.memory_space<vmem>> -> memref<128x64xf32, #tpu.memory_space<vmem>>
    %dma_start3A_1212 = arith.constant 0 : i32
    %dma_start3A_1213 = arith.constant 0 : i32
    %dma_start3A_1214 = tpu.memref_slice %arg10[%dma_start3A_1205, %dma_start3A_1212, %dma_start3A_1213] : memref<2x20x128xi32, #tpu.memory_space<vmem>> -> memref<1x20x128xi32, #tpu.memory_space<vmem>>
    %dma_start3A_1215 = tpu.memref_squeeze %dma_start3A_1214 : memref<1x20x128xi32, #tpu.memory_space<vmem>> -> memref<20x128xi32, #tpu.memory_space<vmem>>
    %dma_start3A_1216 = arith.constant 0 : i32
    %dma_start3A_1217 = tpu.memref_slice %dma_start3A_1215[%dma_start3A_1206, %dma_start3A_1216] : memref<20x128xi32, #tpu.memory_space<vmem>> -> memref<1x128xi32, #tpu.memory_space<vmem>>
    %dma_start3A_1218 = tpu.memref_squeeze %dma_start3A_1217 : memref<1x128xi32, #tpu.memory_space<vmem>> -> memref<128xi32, #tpu.memory_space<vmem>>
    %dma_start3A_1219 = arith.constant 0 : i32
    %dma_start3A_1220 = arith.constant 0 : i32
    %dma_start3A_1221 = tpu.memref_slice %arg6[%dma_start3A_1219, %dma_start3A_1220] : memref<1000000x64xf32, #tpu.memory_space<hbm>> -> memref<1000000x64xf32, #tpu.memory_space<hbm>>
    tpu.enqueue_indirect_dma source(%dma_start3A_1221 : memref<1000000x64xf32, #tpu.memory_space<hbm>>) target(%dma_start3A_1211 : memref<128x64xf32, #tpu.memory_space<vmem>>) offsets(%dma_start3A_1218 : memref<128xi32, #tpu.memory_space<vmem>>) semaphore(%arg15 : memref<!tpu.dma_semaphore, #tpu.memory_space<semaphore_mem>>) {add = true}
    %dma_start3A_1222 = arith.constant 0 : i32
    %dma_start3A_1223 = arith.constant 4 : i32
    %dma_start3A_1224 = arith.constant 0 : i32
    %dma_start3A_1225 = arith.constant 0 : i32
    %dma_start3A_1226 = arith.constant 0 : i32
    %dma_start3A_1227 = tpu.memref_slice %arg13[%dma_start3A_1224, %dma_start3A_1225, %dma_start3A_1226] : memref<2x128x64xf32, #tpu.memory_space<vmem>> -> memref<1x128x64xf32, #tpu.memory_space<vmem>>
    %dma_start3A_1228 = tpu.memref_squeeze %dma_start3A_1227 : memref<1x128x64xf32, #tpu.memory_space<vmem>> -> memref<128x64xf32, #tpu.memory_space<vmem>>
    %dma_start3A_1229 = arith.constant 0 : i32
    %dma_start3A_1230 = arith.constant 0 : i32
    %dma_start3A_1231 = tpu.memref_slice %arg10[%dma_start3A_1222, %dma_start3A_1229, %dma_start3A_1230] : memref<2x20x128xi32, #tpu.memory_space<vmem>> -> memref<1x20x128xi32, #tpu.memory_space<vmem>>
    %dma_start3A_1232 = tpu.memref_squeeze %dma_start3A_1231 : memref<1x20x128xi32, #tpu.memory_space<vmem>> -> memref<20x128xi32, #tpu.memory_space<vmem>>
    %dma_start3A_1233 = arith.constant 0 : i32
    %dma_start3A_1234 = tpu.memref_slice %dma_start3A_1232[%dma_start3A_1223, %dma_start3A_1233] : memref<20x128xi32, #tpu.memory_space<vmem>> -> memref<1x128xi32, #tpu.memory_space<vmem>>
    %dma_start3A_1235 = tpu.memref_squeeze %dma_start3A_1234 : memref<1x128xi32, #tpu.memory_space<vmem>> -> memref<128xi32, #tpu.memory_space<vmem>>
    %dma_start3A_1236 = arith.constant 0 : i32
    %dma_start3A_1237 = arith.constant 0 : i32
    %dma_start3A_1238 = tpu.memref_slice %arg6[%dma_start3A_1236, %dma_start3A_1237] : memref<1000000x64xf32, #tpu.memory_space<hbm>> -> memref<1000000x64xf32, #tpu.memory_space<hbm>>
    tpu.enqueue_indirect_dma source(%dma_start3A_1238 : memref<1000000x64xf32, #tpu.memory_space<hbm>>) target(%dma_start3A_1228 : memref<128x64xf32, #tpu.memory_space<vmem>>) offsets(%dma_start3A_1235 : memref<128xi32, #tpu.memory_space<vmem>>) semaphore(%arg15 : memref<!tpu.dma_semaphore, #tpu.memory_space<semaphore_mem>>) {add = true}
    %dma_start3A_1239 = arith.constant 0 : i32
    %dma_start3A_1240 = arith.constant 5 : i32
    %dma_start3A_1241 = arith.constant 0 : i32
    %dma_start3A_1242 = arith.constant 0 : i32
    %dma_start3A_1243 = arith.constant 0 : i32
    %dma_start3A_1244 = tpu.memref_slice %arg13[%dma_start3A_1241, %dma_start3A_1242, %dma_start3A_1243] : memref<2x128x64xf32, #tpu.memory_space<vmem>> -> memref<1x128x64xf32, #tpu.memory_space<vmem>>
    %dma_start3A_1245 = tpu.memref_squeeze %dma_start3A_1244 : memref<1x128x64xf32, #tpu.memory_space<vmem>> -> memref<128x64xf32, #tpu.memory_space<vmem>>
    %dma_start3A_1246 = arith.constant 0 : i32
    %dma_start3A_1247 = arith.constant 0 : i32
    %dma_start3A_1248 = tpu.memref_slice %arg10[%dma_start3A_1239, %dma_start3A_1246, %dma_start3A_1247] : memref<2x20x128xi32, #tpu.memory_space<vmem>> -> memref<1x20x128xi32, #tpu.memory_space<vmem>>
    %dma_start3A_1249 = tpu.memref_squeeze %dma_start3A_1248 : memref<1x20x128xi32, #tpu.memory_space<vmem>> -> memref<20x128xi32, #tpu.memory_space<vmem>>
    %dma_start3A_1250 = arith.constant 0 : i32
    %dma_start3A_1251 = tpu.memref_slice %dma_start3A_1249[%dma_start3A_1240, %dma_start3A_1250] : memref<20x128xi32, #tpu.memory_space<vmem>> -> memref<1x128xi32, #tpu.memory_space<vmem>>
    %dma_start3A_1252 = tpu.memref_squeeze %dma_start3A_1251 : memref<1x128xi32, #tpu.memory_space<vmem>> -> memref<128xi32, #tpu.memory_space<vmem>>
    %dma_start3A_1253 = arith.constant 0 : i32
    %dma_start3A_1254 = arith.constant 0 : i32
    %dma_start3A_1255 = tpu.memref_slice %arg6[%dma_start3A_1253, %dma_start3A_1254] : memref<1000000x64xf32, #tpu.memory_space<hbm>> -> memref<1000000x64xf32, #tpu.memory_space<hbm>>
    tpu.enqueue_indirect_dma source(%dma_start3A_1255 : memref<1000000x64xf32, #tpu.memory_space<hbm>>) target(%dma_start3A_1245 : memref<128x64xf32, #tpu.memory_space<vmem>>) offsets(%dma_start3A_1252 : memref<128xi32, #tpu.memory_space<vmem>>) semaphore(%arg15 : memref<!tpu.dma_semaphore, #tpu.memory_space<semaphore_mem>>) {add = true}
    %dma_start3A_1256 = arith.constant 0 : i32
    %dma_start3A_1257 = arith.constant 6 : i32
    %dma_start3A_1258 = arith.constant 0 : i32
    %dma_start3A_1259 = arith.constant 0 : i32
    %dma_start3A_1260 = arith.constant 0 : i32
    %dma_start3A_1261 = tpu.memref_slice %arg13[%dma_start3A_1258, %dma_start3A_1259, %dma_start3A_1260] : memref<2x128x64xf32, #tpu.memory_space<vmem>> -> memref<1x128x64xf32, #tpu.memory_space<vmem>>
    %dma_start3A_1262 = tpu.memref_squeeze %dma_start3A_1261 : memref<1x128x64xf32, #tpu.memory_space<vmem>> -> memref<128x64xf32, #tpu.memory_space<vmem>>
    %dma_start3A_1263 = arith.constant 0 : i32
    %dma_start3A_1264 = arith.constant 0 : i32
    %dma_start3A_1265 = tpu.memref_slice %arg10[%dma_start3A_1256, %dma_start3A_1263, %dma_start3A_1264] : memref<2x20x128xi32, #tpu.memory_space<vmem>> -> memref<1x20x128xi32, #tpu.memory_space<vmem>>
    %dma_start3A_1266 = tpu.memref_squeeze %dma_start3A_1265 : memref<1x20x128xi32, #tpu.memory_space<vmem>> -> memref<20x128xi32, #tpu.memory_space<vmem>>
    %dma_start3A_1267 = arith.constant 0 : i32
    %dma_start3A_1268 = tpu.memref_slice %dma_start3A_1266[%dma_start3A_1257, %dma_start3A_1267] : memref<20x128xi32, #tpu.memory_space<vmem>> -> memref<1x128xi32, #tpu.memory_space<vmem>>
    %dma_start3A_1269 = tpu.memref_squeeze %dma_start3A_1268 : memref<1x128xi32, #tpu.memory_space<vmem>> -> memref<128xi32, #tpu.memory_space<vmem>>
    %dma_start3A_1270 = arith.constant 0 : i32
    %dma_start3A_1271 = arith.constant 0 : i32
    %dma_start3A_1272 = tpu.memref_slice %arg6[%dma_start3A_1270, %dma_start3A_1271] : memref<1000000x64xf32, #tpu.memory_space<hbm>> -> memref<1000000x64xf32, #tpu.memory_space<hbm>>
    tpu.enqueue_indirect_dma source(%dma_start3A_1272 : memref<1000000x64xf32, #tpu.memory_space<hbm>>) target(%dma_start3A_1262 : memref<128x64xf32, #tpu.memory_space<vmem>>) offsets(%dma_start3A_1269 : memref<128xi32, #tpu.memory_space<vmem>>) semaphore(%arg15 : memref<!tpu.dma_semaphore, #tpu.memory_space<semaphore_mem>>) {add = true}
    %dma_start3A_1273 = arith.constant 0 : i32
    %dma_start3A_1274 = arith.constant 7 : i32
    %dma_start3A_1275 = arith.constant 0 : i32
    %dma_start3A_1276 = arith.constant 0 : i32
    %dma_start3A_1277 = arith.constant 0 : i32
    %dma_start3A_1278 = tpu.memref_slice %arg13[%dma_start3A_1275, %dma_start3A_1276, %dma_start3A_1277] : memref<2x128x64xf32, #tpu.memory_space<vmem>> -> memref<1x128x64xf32, #tpu.memory_space<vmem>>
    %dma_start3A_1279 = tpu.memref_squeeze %dma_start3A_1278 : memref<1x128x64xf32, #tpu.memory_space<vmem>> -> memref<128x64xf32, #tpu.memory_space<vmem>>
    %dma_start3A_1280 = arith.constant 0 : i32
    %dma_start3A_1281 = arith.constant 0 : i32
    %dma_start3A_1282 = tpu.memref_slice %arg10[%dma_start3A_1273, %dma_start3A_1280, %dma_start3A_1281] : memref<2x20x128xi32, #tpu.memory_space<vmem>> -> memref<1x20x128xi32, #tpu.memory_space<vmem>>
    %dma_start3A_1283 = tpu.memref_squeeze %dma_start3A_1282 : memref<1x20x128xi32, #tpu.memory_space<vmem>> -> memref<20x128xi32, #tpu.memory_space<vmem>>
    %dma_start3A_1284 = arith.constant 0 : i32
    %dma_start3A_1285 = tpu.memref_slice %dma_start3A_1283[%dma_start3A_1274, %dma_start3A_1284] : memref<20x128xi32, #tpu.memory_space<vmem>> -> memref<1x128xi32, #tpu.memory_space<vmem>>
    %dma_start3A_1286 = tpu.memref_squeeze %dma_start3A_1285 : memref<1x128xi32, #tpu.memory_space<vmem>> -> memref<128xi32, #tpu.memory_space<vmem>>
    %dma_start3A_1287 = arith.constant 0 : i32
    %dma_start3A_1288 = arith.constant 0 : i32
    %dma_start3A_1289 = tpu.memref_slice %arg6[%dma_start3A_1287, %dma_start3A_1288] : memref<1000000x64xf32, #tpu.memory_space<hbm>> -> memref<1000000x64xf32, #tpu.memory_space<hbm>>
    tpu.enqueue_indirect_dma source(%dma_start3A_1289 : memref<1000000x64xf32, #tpu.memory_space<hbm>>) target(%dma_start3A_1279 : memref<128x64xf32, #tpu.memory_space<vmem>>) offsets(%dma_start3A_1286 : memref<128xi32, #tpu.memory_space<vmem>>) semaphore(%arg15 : memref<!tpu.dma_semaphore, #tpu.memory_space<semaphore_mem>>) {add = true}
    %dma_start3A_1290 = arith.constant 0 : i32
    %dma_start3A_1291 = arith.constant 8 : i32
    %dma_start3A_1292 = arith.constant 0 : i32
    %dma_start3A_1293 = arith.constant 0 : i32
    %dma_start3A_1294 = arith.constant 0 : i32
    %dma_start3A_1295 = tpu.memref_slice %arg13[%dma_start3A_1292, %dma_start3A_1293, %dma_start3A_1294] : memref<2x128x64xf32, #tpu.memory_space<vmem>> -> memref<1x128x64xf32, #tpu.memory_space<vmem>>
    %dma_start3A_1296 = tpu.memref_squeeze %dma_start3A_1295 : memref<1x128x64xf32, #tpu.memory_space<vmem>> -> memref<128x64xf32, #tpu.memory_space<vmem>>
    %dma_start3A_1297 = arith.constant 0 : i32
    %dma_start3A_1298 = arith.constant 0 : i32
    %dma_start3A_1299 = tpu.memref_slice %arg10[%dma_start3A_1290, %dma_start3A_1297, %dma_start3A_1298] : memref<2x20x128xi32, #tpu.memory_space<vmem>> -> memref<1x20x128xi32, #tpu.memory_space<vmem>>
    %dma_start3A_1300 = tpu.memref_squeeze %dma_start3A_1299 : memref<1x20x128xi32, #tpu.memory_space<vmem>> -> memref<20x128xi32, #tpu.memory_space<vmem>>
    %dma_start3A_1301 = arith.constant 0 : i32
    %dma_start3A_1302 = tpu.memref_slice %dma_start3A_1300[%dma_start3A_1291, %dma_start3A_1301] : memref<20x128xi32, #tpu.memory_space<vmem>> -> memref<1x128xi32, #tpu.memory_space<vmem>>
    %dma_start3A_1303 = tpu.memref_squeeze %dma_start3A_1302 : memref<1x128xi32, #tpu.memory_space<vmem>> -> memref<128xi32, #tpu.memory_space<vmem>>
    %dma_start3A_1304 = arith.constant 0 : i32
    %dma_start3A_1305 = arith.constant 0 : i32
    %dma_start3A_1306 = tpu.memref_slice %arg6[%dma_start3A_1304, %dma_start3A_1305] : memref<1000000x64xf32, #tpu.memory_space<hbm>> -> memref<1000000x64xf32, #tpu.memory_space<hbm>>
    tpu.enqueue_indirect_dma source(%dma_start3A_1306 : memref<1000000x64xf32, #tpu.memory_space<hbm>>) target(%dma_start3A_1296 : memref<128x64xf32, #tpu.memory_space<vmem>>) offsets(%dma_start3A_1303 : memref<128xi32, #tpu.memory_space<vmem>>) semaphore(%arg15 : memref<!tpu.dma_semaphore, #tpu.memory_space<semaphore_mem>>) {add = true}
    %dma_start3A_1307 = arith.constant 0 : i32
    %dma_start3A_1308 = arith.constant 9 : i32
    %dma_start3A_1309 = arith.constant 0 : i32
    %dma_start3A_1310 = arith.constant 0 : i32
    %dma_start3A_1311 = arith.constant 0 : i32
    %dma_start3A_1312 = tpu.memref_slice %arg13[%dma_start3A_1309, %dma_start3A_1310, %dma_start3A_1311] : memref<2x128x64xf32, #tpu.memory_space<vmem>> -> memref<1x128x64xf32, #tpu.memory_space<vmem>>
    %dma_start3A_1313 = tpu.memref_squeeze %dma_start3A_1312 : memref<1x128x64xf32, #tpu.memory_space<vmem>> -> memref<128x64xf32, #tpu.memory_space<vmem>>
    %dma_start3A_1314 = arith.constant 0 : i32
    %dma_start3A_1315 = arith.constant 0 : i32
    %dma_start3A_1316 = tpu.memref_slice %arg10[%dma_start3A_1307, %dma_start3A_1314, %dma_start3A_1315] : memref<2x20x128xi32, #tpu.memory_space<vmem>> -> memref<1x20x128xi32, #tpu.memory_space<vmem>>
    %dma_start3A_1317 = tpu.memref_squeeze %dma_start3A_1316 : memref<1x20x128xi32, #tpu.memory_space<vmem>> -> memref<20x128xi32, #tpu.memory_space<vmem>>
    %dma_start3A_1318 = arith.constant 0 : i32
    %dma_start3A_1319 = tpu.memref_slice %dma_start3A_1317[%dma_start3A_1308, %dma_start3A_1318] : memref<20x128xi32, #tpu.memory_space<vmem>> -> memref<1x128xi32, #tpu.memory_space<vmem>>
    %dma_start3A_1320 = tpu.memref_squeeze %dma_start3A_1319 : memref<1x128xi32, #tpu.memory_space<vmem>> -> memref<128xi32, #tpu.memory_space<vmem>>
    %dma_start3A_1321 = arith.constant 0 : i32
    %dma_start3A_1322 = arith.constant 0 : i32
    %dma_start3A_1323 = tpu.memref_slice %arg6[%dma_start3A_1321, %dma_start3A_1322] : memref<1000000x64xf32, #tpu.memory_space<hbm>> -> memref<1000000x64xf32, #tpu.memory_space<hbm>>
    tpu.enqueue_indirect_dma source(%dma_start3A_1323 : memref<1000000x64xf32, #tpu.memory_space<hbm>>) target(%dma_start3A_1313 : memref<128x64xf32, #tpu.memory_space<vmem>>) offsets(%dma_start3A_1320 : memref<128xi32, #tpu.memory_space<vmem>>) semaphore(%arg15 : memref<!tpu.dma_semaphore, #tpu.memory_space<semaphore_mem>>) {add = true}
    %dma_start3A_1324 = arith.constant 0 : i32
    %dma_start3A_1325 = arith.constant 10 : i32
    %dma_start3A_1326 = arith.constant 0 : i32
    %dma_start3A_1327 = arith.constant 0 : i32
    %dma_start3A_1328 = arith.constant 0 : i32
    %dma_start3A_1329 = tpu.memref_slice %arg13[%dma_start3A_1326, %dma_start3A_1327, %dma_start3A_1328] : memref<2x128x64xf32, #tpu.memory_space<vmem>> -> memref<1x128x64xf32, #tpu.memory_space<vmem>>
    %dma_start3A_1330 = tpu.memref_squeeze %dma_start3A_1329 : memref<1x128x64xf32, #tpu.memory_space<vmem>> -> memref<128x64xf32, #tpu.memory_space<vmem>>
    %dma_start3A_1331 = arith.constant 0 : i32
    %dma_start3A_1332 = arith.constant 0 : i32
    %dma_start3A_1333 = tpu.memref_slice %arg10[%dma_start3A_1324, %dma_start3A_1331, %dma_start3A_1332] : memref<2x20x128xi32, #tpu.memory_space<vmem>> -> memref<1x20x128xi32, #tpu.memory_space<vmem>>
    %dma_start3A_1334 = tpu.memref_squeeze %dma_start3A_1333 : memref<1x20x128xi32, #tpu.memory_space<vmem>> -> memref<20x128xi32, #tpu.memory_space<vmem>>
    %dma_start3A_1335 = arith.constant 0 : i32
    %dma_start3A_1336 = tpu.memref_slice %dma_start3A_1334[%dma_start3A_1325, %dma_start3A_1335] : memref<20x128xi32, #tpu.memory_space<vmem>> -> memref<1x128xi32, #tpu.memory_space<vmem>>
    %dma_start3A_1337 = tpu.memref_squeeze %dma_start3A_1336 : memref<1x128xi32, #tpu.memory_space<vmem>> -> memref<128xi32, #tpu.memory_space<vmem>>
    %dma_start3A_1338 = arith.constant 0 : i32
    %dma_start3A_1339 = arith.constant 0 : i32
    %dma_start3A_1340 = tpu.memref_slice %arg6[%dma_start3A_1338, %dma_start3A_1339] : memref<1000000x64xf32, #tpu.memory_space<hbm>> -> memref<1000000x64xf32, #tpu.memory_space<hbm>>
    tpu.enqueue_indirect_dma source(%dma_start3A_1340 : memref<1000000x64xf32, #tpu.memory_space<hbm>>) target(%dma_start3A_1330 : memref<128x64xf32, #tpu.memory_space<vmem>>) offsets(%dma_start3A_1337 : memref<128xi32, #tpu.memory_space<vmem>>) semaphore(%arg15 : memref<!tpu.dma_semaphore, #tpu.memory_space<semaphore_mem>>) {add = true}
    %dma_start3A_1341 = arith.constant 0 : i32
    %dma_start3A_1342 = arith.constant 11 : i32
    %dma_start3A_1343 = arith.constant 0 : i32
    %dma_start3A_1344 = arith.constant 0 : i32
    %dma_start3A_1345 = arith.constant 0 : i32
    %dma_start3A_1346 = tpu.memref_slice %arg13[%dma_start3A_1343, %dma_start3A_1344, %dma_start3A_1345] : memref<2x128x64xf32, #tpu.memory_space<vmem>> -> memref<1x128x64xf32, #tpu.memory_space<vmem>>
    %dma_start3A_1347 = tpu.memref_squeeze %dma_start3A_1346 : memref<1x128x64xf32, #tpu.memory_space<vmem>> -> memref<128x64xf32, #tpu.memory_space<vmem>>
    %dma_start3A_1348 = arith.constant 0 : i32
    %dma_start3A_1349 = arith.constant 0 : i32
    %dma_start3A_1350 = tpu.memref_slice %arg10[%dma_start3A_1341, %dma_start3A_1348, %dma_start3A_1349] : memref<2x20x128xi32, #tpu.memory_space<vmem>> -> memref<1x20x128xi32, #tpu.memory_space<vmem>>
    %dma_start3A_1351 = tpu.memref_squeeze %dma_start3A_1350 : memref<1x20x128xi32, #tpu.memory_space<vmem>> -> memref<20x128xi32, #tpu.memory_space<vmem>>
    %dma_start3A_1352 = arith.constant 0 : i32
    %dma_start3A_1353 = tpu.memref_slice %dma_start3A_1351[%dma_start3A_1342, %dma_start3A_1352] : memref<20x128xi32, #tpu.memory_space<vmem>> -> memref<1x128xi32, #tpu.memory_space<vmem>>
    %dma_start3A_1354 = tpu.memref_squeeze %dma_start3A_1353 : memref<1x128xi32, #tpu.memory_space<vmem>> -> memref<128xi32, #tpu.memory_space<vmem>>
    %dma_start3A_1355 = arith.constant 0 : i32
    %dma_start3A_1356 = arith.constant 0 : i32
    %dma_start3A_1357 = tpu.memref_slice %arg6[%dma_start3A_1355, %dma_start3A_1356] : memref<1000000x64xf32, #tpu.memory_space<hbm>> -> memref<1000000x64xf32, #tpu.memory_space<hbm>>
    tpu.enqueue_indirect_dma source(%dma_start3A_1357 : memref<1000000x64xf32, #tpu.memory_space<hbm>>) target(%dma_start3A_1347 : memref<128x64xf32, #tpu.memory_space<vmem>>) offsets(%dma_start3A_1354 : memref<128xi32, #tpu.memory_space<vmem>>) semaphore(%arg15 : memref<!tpu.dma_semaphore, #tpu.memory_space<semaphore_mem>>) {add = true}
    %dma_start3A_1358 = arith.constant 0 : i32
    %dma_start3A_1359 = arith.constant 12 : i32
    %dma_start3A_1360 = arith.constant 0 : i32
    %dma_start3A_1361 = arith.constant 0 : i32
    %dma_start3A_1362 = arith.constant 0 : i32
    %dma_start3A_1363 = tpu.memref_slice %arg13[%dma_start3A_1360, %dma_start3A_1361, %dma_start3A_1362] : memref<2x128x64xf32, #tpu.memory_space<vmem>> -> memref<1x128x64xf32, #tpu.memory_space<vmem>>
    %dma_start3A_1364 = tpu.memref_squeeze %dma_start3A_1363 : memref<1x128x64xf32, #tpu.memory_space<vmem>> -> memref<128x64xf32, #tpu.memory_space<vmem>>
    %dma_start3A_1365 = arith.constant 0 : i32
    %dma_start3A_1366 = arith.constant 0 : i32
    %dma_start3A_1367 = tpu.memref_slice %arg10[%dma_start3A_1358, %dma_start3A_1365, %dma_start3A_1366] : memref<2x20x128xi32, #tpu.memory_space<vmem>> -> memref<1x20x128xi32, #tpu.memory_space<vmem>>
    %dma_start3A_1368 = tpu.memref_squeeze %dma_start3A_1367 : memref<1x20x128xi32, #tpu.memory_space<vmem>> -> memref<20x128xi32, #tpu.memory_space<vmem>>
    %dma_start3A_1369 = arith.constant 0 : i32
    %dma_start3A_1370 = tpu.memref_slice %dma_start3A_1368[%dma_start3A_1359, %dma_start3A_1369] : memref<20x128xi32, #tpu.memory_space<vmem>> -> memref<1x128xi32, #tpu.memory_space<vmem>>
    %dma_start3A_1371 = tpu.memref_squeeze %dma_start3A_1370 : memref<1x128xi32, #tpu.memory_space<vmem>> -> memref<128xi32, #tpu.memory_space<vmem>>
    %dma_start3A_1372 = arith.constant 0 : i32
    %dma_start3A_1373 = arith.constant 0 : i32
    %dma_start3A_1374 = tpu.memref_slice %arg6[%dma_start3A_1372, %dma_start3A_1373] : memref<1000000x64xf32, #tpu.memory_space<hbm>> -> memref<1000000x64xf32, #tpu.memory_space<hbm>>
    tpu.enqueue_indirect_dma source(%dma_start3A_1374 : memref<1000000x64xf32, #tpu.memory_space<hbm>>) target(%dma_start3A_1364 : memref<128x64xf32, #tpu.memory_space<vmem>>) offsets(%dma_start3A_1371 : memref<128xi32, #tpu.memory_space<vmem>>) semaphore(%arg15 : memref<!tpu.dma_semaphore, #tpu.memory_space<semaphore_mem>>) {add = true}
    %dma_start3A_1375 = arith.constant 0 : i32
    %dma_start3A_1376 = arith.constant 13 : i32
    %dma_start3A_1377 = arith.constant 0 : i32
    %dma_start3A_1378 = arith.constant 0 : i32
    %dma_start3A_1379 = arith.constant 0 : i32
    %dma_start3A_1380 = tpu.memref_slice %arg13[%dma_start3A_1377, %dma_start3A_1378, %dma_start3A_1379] : memref<2x128x64xf32, #tpu.memory_space<vmem>> -> memref<1x128x64xf32, #tpu.memory_space<vmem>>
    %dma_start3A_1381 = tpu.memref_squeeze %dma_start3A_1380 : memref<1x128x64xf32, #tpu.memory_space<vmem>> -> memref<128x64xf32, #tpu.memory_space<vmem>>
    %dma_start3A_1382 = arith.constant 0 : i32
    %dma_start3A_1383 = arith.constant 0 : i32
    %dma_start3A_1384 = tpu.memref_slice %arg10[%dma_start3A_1375, %dma_start3A_1382, %dma_start3A_1383] : memref<2x20x128xi32, #tpu.memory_space<vmem>> -> memref<1x20x128xi32, #tpu.memory_space<vmem>>
    %dma_start3A_1385 = tpu.memref_squeeze %dma_start3A_1384 : memref<1x20x128xi32, #tpu.memory_space<vmem>> -> memref<20x128xi32, #tpu.memory_space<vmem>>
    %dma_start3A_1386 = arith.constant 0 : i32
    %dma_start3A_1387 = tpu.memref_slice %dma_start3A_1385[%dma_start3A_1376, %dma_start3A_1386] : memref<20x128xi32, #tpu.memory_space<vmem>> -> memref<1x128xi32, #tpu.memory_space<vmem>>
    %dma_start3A_1388 = tpu.memref_squeeze %dma_start3A_1387 : memref<1x128xi32, #tpu.memory_space<vmem>> -> memref<128xi32, #tpu.memory_space<vmem>>
    %dma_start3A_1389 = arith.constant 0 : i32
    %dma_start3A_1390 = arith.constant 0 : i32
    %dma_start3A_1391 = tpu.memref_slice %arg6[%dma_start3A_1389, %dma_start3A_1390] : memref<1000000x64xf32, #tpu.memory_space<hbm>> -> memref<1000000x64xf32, #tpu.memory_space<hbm>>
    tpu.enqueue_indirect_dma source(%dma_start3A_1391 : memref<1000000x64xf32, #tpu.memory_space<hbm>>) target(%dma_start3A_1381 : memref<128x64xf32, #tpu.memory_space<vmem>>) offsets(%dma_start3A_1388 : memref<128xi32, #tpu.memory_space<vmem>>) semaphore(%arg15 : memref<!tpu.dma_semaphore, #tpu.memory_space<semaphore_mem>>) {add = true}
    %dma_start3A_1392 = arith.constant 0 : i32
    %dma_start3A_1393 = arith.constant 14 : i32
    %dma_start3A_1394 = arith.constant 0 : i32
    %dma_start3A_1395 = arith.constant 0 : i32
    %dma_start3A_1396 = arith.constant 0 : i32
    %dma_start3A_1397 = tpu.memref_slice %arg13[%dma_start3A_1394, %dma_start3A_1395, %dma_start3A_1396] : memref<2x128x64xf32, #tpu.memory_space<vmem>> -> memref<1x128x64xf32, #tpu.memory_space<vmem>>
    %dma_start3A_1398 = tpu.memref_squeeze %dma_start3A_1397 : memref<1x128x64xf32, #tpu.memory_space<vmem>> -> memref<128x64xf32, #tpu.memory_space<vmem>>
    %dma_start3A_1399 = arith.constant 0 : i32
    %dma_start3A_1400 = arith.constant 0 : i32
    %dma_start3A_1401 = tpu.memref_slice %arg10[%dma_start3A_1392, %dma_start3A_1399, %dma_start3A_1400] : memref<2x20x128xi32, #tpu.memory_space<vmem>> -> memref<1x20x128xi32, #tpu.memory_space<vmem>>
    %dma_start3A_1402 = tpu.memref_squeeze %dma_start3A_1401 : memref<1x20x128xi32, #tpu.memory_space<vmem>> -> memref<20x128xi32, #tpu.memory_space<vmem>>
    %dma_start3A_1403 = arith.constant 0 : i32
    %dma_start3A_1404 = tpu.memref_slice %dma_start3A_1402[%dma_start3A_1393, %dma_start3A_1403] : memref<20x128xi32, #tpu.memory_space<vmem>> -> memref<1x128xi32, #tpu.memory_space<vmem>>
    %dma_start3A_1405 = tpu.memref_squeeze %dma_start3A_1404 : memref<1x128xi32, #tpu.memory_space<vmem>> -> memref<128xi32, #tpu.memory_space<vmem>>
    %dma_start3A_1406 = arith.constant 0 : i32
    %dma_start3A_1407 = arith.constant 0 : i32
    %dma_start3A_1408 = tpu.memref_slice %arg6[%dma_start3A_1406, %dma_start3A_1407] : memref<1000000x64xf32, #tpu.memory_space<hbm>> -> memref<1000000x64xf32, #tpu.memory_space<hbm>>
    tpu.enqueue_indirect_dma source(%dma_start3A_1408 : memref<1000000x64xf32, #tpu.memory_space<hbm>>) target(%dma_start3A_1398 : memref<128x64xf32, #tpu.memory_space<vmem>>) offsets(%dma_start3A_1405 : memref<128xi32, #tpu.memory_space<vmem>>) semaphore(%arg15 : memref<!tpu.dma_semaphore, #tpu.memory_space<semaphore_mem>>) {add = true}
    %dma_start3A_1409 = arith.constant 0 : i32
    %dma_start3A_1410 = arith.constant 15 : i32
    %dma_start3A_1411 = arith.constant 0 : i32
    %dma_start3A_1412 = arith.constant 0 : i32
    %dma_start3A_1413 = arith.constant 0 : i32
    %dma_start3A_1414 = tpu.memref_slice %arg13[%dma_start3A_1411, %dma_start3A_1412, %dma_start3A_1413] : memref<2x128x64xf32, #tpu.memory_space<vmem>> -> memref<1x128x64xf32, #tpu.memory_space<vmem>>
    %dma_start3A_1415 = tpu.memref_squeeze %dma_start3A_1414 : memref<1x128x64xf32, #tpu.memory_space<vmem>> -> memref<128x64xf32, #tpu.memory_space<vmem>>
    %dma_start3A_1416 = arith.constant 0 : i32
    %dma_start3A_1417 = arith.constant 0 : i32
    %dma_start3A_1418 = tpu.memref_slice %arg10[%dma_start3A_1409, %dma_start3A_1416, %dma_start3A_1417] : memref<2x20x128xi32, #tpu.memory_space<vmem>> -> memref<1x20x128xi32, #tpu.memory_space<vmem>>
    %dma_start3A_1419 = tpu.memref_squeeze %dma_start3A_1418 : memref<1x20x128xi32, #tpu.memory_space<vmem>> -> memref<20x128xi32, #tpu.memory_space<vmem>>
    %dma_start3A_1420 = arith.constant 0 : i32
    %dma_start3A_1421 = tpu.memref_slice %dma_start3A_1419[%dma_start3A_1410, %dma_start3A_1420] : memref<20x128xi32, #tpu.memory_space<vmem>> -> memref<1x128xi32, #tpu.memory_space<vmem>>
    %dma_start3A_1422 = tpu.memref_squeeze %dma_start3A_1421 : memref<1x128xi32, #tpu.memory_space<vmem>> -> memref<128xi32, #tpu.memory_space<vmem>>
    %dma_start3A_1423 = arith.constant 0 : i32
    %dma_start3A_1424 = arith.constant 0 : i32
    %dma_start3A_1425 = tpu.memref_slice %arg6[%dma_start3A_1423, %dma_start3A_1424] : memref<1000000x64xf32, #tpu.memory_space<hbm>> -> memref<1000000x64xf32, #tpu.memory_space<hbm>>
    tpu.enqueue_indirect_dma source(%dma_start3A_1425 : memref<1000000x64xf32, #tpu.memory_space<hbm>>) target(%dma_start3A_1415 : memref<128x64xf32, #tpu.memory_space<vmem>>) offsets(%dma_start3A_1422 : memref<128xi32, #tpu.memory_space<vmem>>) semaphore(%arg15 : memref<!tpu.dma_semaphore, #tpu.memory_space<semaphore_mem>>) {add = true}
    %dma_start3A_1426 = arith.constant 0 : i32
    %dma_start3A_1427 = arith.constant 16 : i32
    %dma_start3A_1428 = arith.constant 0 : i32
    %dma_start3A_1429 = arith.constant 0 : i32
    %dma_start3A_1430 = arith.constant 0 : i32
    %dma_start3A_1431 = tpu.memref_slice %arg13[%dma_start3A_1428, %dma_start3A_1429, %dma_start3A_1430] : memref<2x128x64xf32, #tpu.memory_space<vmem>> -> memref<1x128x64xf32, #tpu.memory_space<vmem>>
    %dma_start3A_1432 = tpu.memref_squeeze %dma_start3A_1431 : memref<1x128x64xf32, #tpu.memory_space<vmem>> -> memref<128x64xf32, #tpu.memory_space<vmem>>
    %dma_start3A_1433 = arith.constant 0 : i32
    %dma_start3A_1434 = arith.constant 0 : i32
    %dma_start3A_1435 = tpu.memref_slice %arg10[%dma_start3A_1426, %dma_start3A_1433, %dma_start3A_1434] : memref<2x20x128xi32, #tpu.memory_space<vmem>> -> memref<1x20x128xi32, #tpu.memory_space<vmem>>
    %dma_start3A_1436 = tpu.memref_squeeze %dma_start3A_1435 : memref<1x20x128xi32, #tpu.memory_space<vmem>> -> memref<20x128xi32, #tpu.memory_space<vmem>>
    %dma_start3A_1437 = arith.constant 0 : i32
    %dma_start3A_1438 = tpu.memref_slice %dma_start3A_1436[%dma_start3A_1427, %dma_start3A_1437] : memref<20x128xi32, #tpu.memory_space<vmem>> -> memref<1x128xi32, #tpu.memory_space<vmem>>
    %dma_start3A_1439 = tpu.memref_squeeze %dma_start3A_1438 : memref<1x128xi32, #tpu.memory_space<vmem>> -> memref<128xi32, #tpu.memory_space<vmem>>
    %dma_start3A_1440 = arith.constant 0 : i32
    %dma_start3A_1441 = arith.constant 0 : i32
    %dma_start3A_1442 = tpu.memref_slice %arg6[%dma_start3A_1440, %dma_start3A_1441] : memref<1000000x64xf32, #tpu.memory_space<hbm>> -> memref<1000000x64xf32, #tpu.memory_space<hbm>>
    tpu.enqueue_indirect_dma source(%dma_start3A_1442 : memref<1000000x64xf32, #tpu.memory_space<hbm>>) target(%dma_start3A_1432 : memref<128x64xf32, #tpu.memory_space<vmem>>) offsets(%dma_start3A_1439 : memref<128xi32, #tpu.memory_space<vmem>>) semaphore(%arg15 : memref<!tpu.dma_semaphore, #tpu.memory_space<semaphore_mem>>) {add = true}
    %dma_start3A_1443 = arith.constant 0 : i32
    %dma_start3A_1444 = arith.constant 17 : i32
    %dma_start3A_1445 = arith.constant 0 : i32
    %dma_start3A_1446 = arith.constant 0 : i32
    %dma_start3A_1447 = arith.constant 0 : i32
    %dma_start3A_1448 = tpu.memref_slice %arg13[%dma_start3A_1445, %dma_start3A_1446, %dma_start3A_1447] : memref<2x128x64xf32, #tpu.memory_space<vmem>> -> memref<1x128x64xf32, #tpu.memory_space<vmem>>
    %dma_start3A_1449 = tpu.memref_squeeze %dma_start3A_1448 : memref<1x128x64xf32, #tpu.memory_space<vmem>> -> memref<128x64xf32, #tpu.memory_space<vmem>>
    %dma_start3A_1450 = arith.constant 0 : i32
    %dma_start3A_1451 = arith.constant 0 : i32
    %dma_start3A_1452 = tpu.memref_slice %arg10[%dma_start3A_1443, %dma_start3A_1450, %dma_start3A_1451] : memref<2x20x128xi32, #tpu.memory_space<vmem>> -> memref<1x20x128xi32, #tpu.memory_space<vmem>>
    %dma_start3A_1453 = tpu.memref_squeeze %dma_start3A_1452 : memref<1x20x128xi32, #tpu.memory_space<vmem>> -> memref<20x128xi32, #tpu.memory_space<vmem>>
    %dma_start3A_1454 = arith.constant 0 : i32
    %dma_start3A_1455 = tpu.memref_slice %dma_start3A_1453[%dma_start3A_1444, %dma_start3A_1454] : memref<20x128xi32, #tpu.memory_space<vmem>> -> memref<1x128xi32, #tpu.memory_space<vmem>>
    %dma_start3A_1456 = tpu.memref_squeeze %dma_start3A_1455 : memref<1x128xi32, #tpu.memory_space<vmem>> -> memref<128xi32, #tpu.memory_space<vmem>>
    %dma_start3A_1457 = arith.constant 0 : i32
    %dma_start3A_1458 = arith.constant 0 : i32
    %dma_start3A_1459 = tpu.memref_slice %arg6[%dma_start3A_1457, %dma_start3A_1458] : memref<1000000x64xf32, #tpu.memory_space<hbm>> -> memref<1000000x64xf32, #tpu.memory_space<hbm>>
    tpu.enqueue_indirect_dma source(%dma_start3A_1459 : memref<1000000x64xf32, #tpu.memory_space<hbm>>) target(%dma_start3A_1449 : memref<128x64xf32, #tpu.memory_space<vmem>>) offsets(%dma_start3A_1456 : memref<128xi32, #tpu.memory_space<vmem>>) semaphore(%arg15 : memref<!tpu.dma_semaphore, #tpu.memory_space<semaphore_mem>>) {add = true}
    %dma_start3A_1460 = arith.constant 0 : i32
    %dma_start3A_1461 = arith.constant 18 : i32
    %dma_start3A_1462 = arith.constant 0 : i32
    %dma_start3A_1463 = arith.constant 0 : i32
    %dma_start3A_1464 = arith.constant 0 : i32
    %dma_start3A_1465 = tpu.memref_slice %arg13[%dma_start3A_1462, %dma_start3A_1463, %dma_start3A_1464] : memref<2x128x64xf32, #tpu.memory_space<vmem>> -> memref<1x128x64xf32, #tpu.memory_space<vmem>>
    %dma_start3A_1466 = tpu.memref_squeeze %dma_start3A_1465 : memref<1x128x64xf32, #tpu.memory_space<vmem>> -> memref<128x64xf32, #tpu.memory_space<vmem>>
    %dma_start3A_1467 = arith.constant 0 : i32
    %dma_start3A_1468 = arith.constant 0 : i32
    %dma_start3A_1469 = tpu.memref_slice %arg10[%dma_start3A_1460, %dma_start3A_1467, %dma_start3A_1468] : memref<2x20x128xi32, #tpu.memory_space<vmem>> -> memref<1x20x128xi32, #tpu.memory_space<vmem>>
    %dma_start3A_1470 = tpu.memref_squeeze %dma_start3A_1469 : memref<1x20x128xi32, #tpu.memory_space<vmem>> -> memref<20x128xi32, #tpu.memory_space<vmem>>
    %dma_start3A_1471 = arith.constant 0 : i32
    %dma_start3A_1472 = tpu.memref_slice %dma_start3A_1470[%dma_start3A_1461, %dma_start3A_1471] : memref<20x128xi32, #tpu.memory_space<vmem>> -> memref<1x128xi32, #tpu.memory_space<vmem>>
    %dma_start3A_1473 = tpu.memref_squeeze %dma_start3A_1472 : memref<1x128xi32, #tpu.memory_space<vmem>> -> memref<128xi32, #tpu.memory_space<vmem>>
    %dma_start3A_1474 = arith.constant 0 : i32
    %dma_start3A_1475 = arith.constant 0 : i32
    %dma_start3A_1476 = tpu.memref_slice %arg6[%dma_start3A_1474, %dma_start3A_1475] : memref<1000000x64xf32, #tpu.memory_space<hbm>> -> memref<1000000x64xf32, #tpu.memory_space<hbm>>
    tpu.enqueue_indirect_dma source(%dma_start3A_1476 : memref<1000000x64xf32, #tpu.memory_space<hbm>>) target(%dma_start3A_1466 : memref<128x64xf32, #tpu.memory_space<vmem>>) offsets(%dma_start3A_1473 : memref<128xi32, #tpu.memory_space<vmem>>) semaphore(%arg15 : memref<!tpu.dma_semaphore, #tpu.memory_space<semaphore_mem>>) {add = true}
    %dma_start3A_1477 = arith.constant 0 : i32
    %dma_start3A_1478 = arith.constant 19 : i32
    %dma_start3A_1479 = arith.constant 0 : i32
    %dma_start3A_1480 = arith.constant 0 : i32
    %dma_start3A_1481 = arith.constant 0 : i32
    %dma_start3A_1482 = tpu.memref_slice %arg13[%dma_start3A_1479, %dma_start3A_1480, %dma_start3A_1481] : memref<2x128x64xf32, #tpu.memory_space<vmem>> -> memref<1x128x64xf32, #tpu.memory_space<vmem>>
    %dma_start3A_1483 = tpu.memref_squeeze %dma_start3A_1482 : memref<1x128x64xf32, #tpu.memory_space<vmem>> -> memref<128x64xf32, #tpu.memory_space<vmem>>
    %dma_start3A_1484 = arith.constant 0 : i32
    %dma_start3A_1485 = arith.constant 0 : i32
    %dma_start3A_1486 = tpu.memref_slice %arg10[%dma_start3A_1477, %dma_start3A_1484, %dma_start3A_1485] : memref<2x20x128xi32, #tpu.memory_space<vmem>> -> memref<1x20x128xi32, #tpu.memory_space<vmem>>
    %dma_start3A_1487 = tpu.memref_squeeze %dma_start3A_1486 : memref<1x20x128xi32, #tpu.memory_space<vmem>> -> memref<20x128xi32, #tpu.memory_space<vmem>>
    %dma_start3A_1488 = arith.constant 0 : i32
    %dma_start3A_1489 = tpu.memref_slice %dma_start3A_1487[%dma_start3A_1478, %dma_start3A_1488] : memref<20x128xi32, #tpu.memory_space<vmem>> -> memref<1x128xi32, #tpu.memory_space<vmem>>
    %dma_start3A_1490 = tpu.memref_squeeze %dma_start3A_1489 : memref<1x128xi32, #tpu.memory_space<vmem>> -> memref<128xi32, #tpu.memory_space<vmem>>
    %dma_start3A_1491 = arith.constant 0 : i32
    %dma_start3A_1492 = arith.constant 0 : i32
    %dma_start3A_1493 = tpu.memref_slice %arg6[%dma_start3A_1491, %dma_start3A_1492] : memref<1000000x64xf32, #tpu.memory_space<hbm>> -> memref<1000000x64xf32, #tpu.memory_space<hbm>>
    tpu.enqueue_indirect_dma source(%dma_start3A_1493 : memref<1000000x64xf32, #tpu.memory_space<hbm>>) target(%dma_start3A_1483 : memref<128x64xf32, #tpu.memory_space<vmem>>) offsets(%dma_start3A_1490 : memref<128xi32, #tpu.memory_space<vmem>>) semaphore(%arg15 : memref<!tpu.dma_semaphore, #tpu.memory_space<semaphore_mem>>) {add = true}
    %dma_wait3A_1494 = arith.constant 1 : i32
    %dma_wait3A_1495 = arith.constant 1 : i32
    %dma_wait3A_1496 = arith.constant 0 : i32
    %dma_wait3A_1497 = arith.constant 0 : i32
    %dma_wait3A_1498 = tpu.memref_slice %arg11[%dma_wait3A_1495, %dma_wait3A_1496, %dma_wait3A_1497] : memref<2x128x64xf32, #tpu.memory_space<vmem>> -> memref<1x128x64xf32, #tpu.memory_space<vmem>>
    %dma_wait3A_1499 = tpu.memref_squeeze %dma_wait3A_1498 : memref<1x128x64xf32, #tpu.memory_space<vmem>> -> memref<128x64xf32, #tpu.memory_space<vmem>>
    %dma_wait3A_1500 = arith.constant 0 : i32
    %dma_wait3A_1501 = tpu.memref_slice %arg8[%dma_wait3A_1494, %dma_wait3A_1500] : memref<2x128xi32, #tpu.memory_space<vmem>> -> memref<1x128xi32, #tpu.memory_space<vmem>>
    %dma_wait3A_1502 = tpu.memref_squeeze %dma_wait3A_1501 : memref<1x128xi32, #tpu.memory_space<vmem>> -> memref<128xi32, #tpu.memory_space<vmem>>
    %dma_wait3A_1503 = arith.constant 0 : i32
    %dma_wait3A_1504 = arith.constant 0 : i32
    %dma_wait3A_1505 = tpu.memref_slice %arg5[%dma_wait3A_1503, %dma_wait3A_1504] : memref<1000000x64xf32, #tpu.memory_space<hbm>> -> memref<1000000x64xf32, #tpu.memory_space<hbm>>
    tpu.wait_indirect_dma semaphore(%arg16 : memref<!tpu.dma_semaphore, #tpu.memory_space<semaphore_mem>>) src(%dma_wait3A_1505 : memref<1000000x64xf32, #tpu.memory_space<hbm>>) dst(%dma_wait3A_1499 : memref<128x64xf32, #tpu.memory_space<vmem>>)
    %dma_wait3A_1506 = arith.constant 1 : i32
    %dma_wait3A_1507 = arith.constant 1 : i32
    %dma_wait3A_1508 = arith.constant 0 : i32
    %dma_wait3A_1509 = arith.constant 0 : i32
    %dma_wait3A_1510 = tpu.memref_slice %arg12[%dma_wait3A_1507, %dma_wait3A_1508, %dma_wait3A_1509] : memref<2x128x64xf32, #tpu.memory_space<vmem>> -> memref<1x128x64xf32, #tpu.memory_space<vmem>>
    %dma_wait3A_1511 = tpu.memref_squeeze %dma_wait3A_1510 : memref<1x128x64xf32, #tpu.memory_space<vmem>> -> memref<128x64xf32, #tpu.memory_space<vmem>>
    %dma_wait3A_1512 = arith.constant 0 : i32
    %dma_wait3A_1513 = tpu.memref_slice %arg9[%dma_wait3A_1506, %dma_wait3A_1512] : memref<2x128xi32, #tpu.memory_space<vmem>> -> memref<1x128xi32, #tpu.memory_space<vmem>>
    %dma_wait3A_1514 = tpu.memref_squeeze %dma_wait3A_1513 : memref<1x128xi32, #tpu.memory_space<vmem>> -> memref<128xi32, #tpu.memory_space<vmem>>
    %dma_wait3A_1515 = arith.constant 0 : i32
    %dma_wait3A_1516 = arith.constant 0 : i32
    %dma_wait3A_1517 = tpu.memref_slice %arg6[%dma_wait3A_1515, %dma_wait3A_1516] : memref<1000000x64xf32, #tpu.memory_space<hbm>> -> memref<1000000x64xf32, #tpu.memory_space<hbm>>
    tpu.wait_indirect_dma semaphore(%arg16 : memref<!tpu.dma_semaphore, #tpu.memory_space<semaphore_mem>>) src(%dma_wait3A_1517 : memref<1000000x64xf32, #tpu.memory_space<hbm>>) dst(%dma_wait3A_1511 : memref<128x64xf32, #tpu.memory_space<vmem>>)
    %dma_wait3A_1518 = arith.constant 1 : i32
    %dma_wait3A_1519 = arith.constant 0 : i32
    %dma_wait3A_1520 = arith.constant 1 : i32
    %dma_wait3A_1521 = arith.constant 0 : i32
    %dma_wait3A_1522 = arith.constant 0 : i32
    %dma_wait3A_1523 = tpu.memref_slice %arg13[%dma_wait3A_1520, %dma_wait3A_1521, %dma_wait3A_1522] : memref<2x128x64xf32, #tpu.memory_space<vmem>> -> memref<1x128x64xf32, #tpu.memory_space<vmem>>
    %dma_wait3A_1524 = tpu.memref_squeeze %dma_wait3A_1523 : memref<1x128x64xf32, #tpu.memory_space<vmem>> -> memref<128x64xf32, #tpu.memory_space<vmem>>
    %dma_wait3A_1525 = arith.constant 0 : i32
    %dma_wait3A_1526 = arith.constant 0 : i32
    %dma_wait3A_1527 = tpu.memref_slice %arg10[%dma_wait3A_1518, %dma_wait3A_1525, %dma_wait3A_1526] : memref<2x20x128xi32, #tpu.memory_space<vmem>> -> memref<1x20x128xi32, #tpu.memory_space<vmem>>
    %dma_wait3A_1528 = tpu.memref_squeeze %dma_wait3A_1527 : memref<1x20x128xi32, #tpu.memory_space<vmem>> -> memref<20x128xi32, #tpu.memory_space<vmem>>
    %dma_wait3A_1529 = arith.constant 0 : i32
    %dma_wait3A_1530 = tpu.memref_slice %dma_wait3A_1528[%dma_wait3A_1519, %dma_wait3A_1529] : memref<20x128xi32, #tpu.memory_space<vmem>> -> memref<1x128xi32, #tpu.memory_space<vmem>>
    %dma_wait3A_1531 = tpu.memref_squeeze %dma_wait3A_1530 : memref<1x128xi32, #tpu.memory_space<vmem>> -> memref<128xi32, #tpu.memory_space<vmem>>
    %dma_wait3A_1532 = arith.constant 0 : i32
    %dma_wait3A_1533 = arith.constant 0 : i32
    %dma_wait3A_1534 = tpu.memref_slice %arg6[%dma_wait3A_1532, %dma_wait3A_1533] : memref<1000000x64xf32, #tpu.memory_space<hbm>> -> memref<1000000x64xf32, #tpu.memory_space<hbm>>
    tpu.wait_indirect_dma semaphore(%arg16 : memref<!tpu.dma_semaphore, #tpu.memory_space<semaphore_mem>>) src(%dma_wait3A_1534 : memref<1000000x64xf32, #tpu.memory_space<hbm>>) dst(%dma_wait3A_1524 : memref<128x64xf32, #tpu.memory_space<vmem>>)
    %dma_wait3A_1535 = arith.constant 1 : i32
    %dma_wait3A_1536 = arith.constant 1 : i32
    %dma_wait3A_1537 = arith.constant 1 : i32
    %dma_wait3A_1538 = arith.constant 0 : i32
    %dma_wait3A_1539 = arith.constant 0 : i32
    %dma_wait3A_1540 = tpu.memref_slice %arg13[%dma_wait3A_1537, %dma_wait3A_1538, %dma_wait3A_1539] : memref<2x128x64xf32, #tpu.memory_space<vmem>> -> memref<1x128x64xf32, #tpu.memory_space<vmem>>
    %dma_wait3A_1541 = tpu.memref_squeeze %dma_wait3A_1540 : memref<1x128x64xf32, #tpu.memory_space<vmem>> -> memref<128x64xf32, #tpu.memory_space<vmem>>
    %dma_wait3A_1542 = arith.constant 0 : i32
    %dma_wait3A_1543 = arith.constant 0 : i32
    %dma_wait3A_1544 = tpu.memref_slice %arg10[%dma_wait3A_1535, %dma_wait3A_1542, %dma_wait3A_1543] : memref<2x20x128xi32, #tpu.memory_space<vmem>> -> memref<1x20x128xi32, #tpu.memory_space<vmem>>
    %dma_wait3A_1545 = tpu.memref_squeeze %dma_wait3A_1544 : memref<1x20x128xi32, #tpu.memory_space<vmem>> -> memref<20x128xi32, #tpu.memory_space<vmem>>
    %dma_wait3A_1546 = arith.constant 0 : i32
    %dma_wait3A_1547 = tpu.memref_slice %dma_wait3A_1545[%dma_wait3A_1536, %dma_wait3A_1546] : memref<20x128xi32, #tpu.memory_space<vmem>> -> memref<1x128xi32, #tpu.memory_space<vmem>>
    %dma_wait3A_1548 = tpu.memref_squeeze %dma_wait3A_1547 : memref<1x128xi32, #tpu.memory_space<vmem>> -> memref<128xi32, #tpu.memory_space<vmem>>
    %dma_wait3A_1549 = arith.constant 0 : i32
    %dma_wait3A_1550 = arith.constant 0 : i32
    %dma_wait3A_1551 = tpu.memref_slice %arg6[%dma_wait3A_1549, %dma_wait3A_1550] : memref<1000000x64xf32, #tpu.memory_space<hbm>> -> memref<1000000x64xf32, #tpu.memory_space<hbm>>
    tpu.wait_indirect_dma semaphore(%arg16 : memref<!tpu.dma_semaphore, #tpu.memory_space<semaphore_mem>>) src(%dma_wait3A_1551 : memref<1000000x64xf32, #tpu.memory_space<hbm>>) dst(%dma_wait3A_1541 : memref<128x64xf32, #tpu.memory_space<vmem>>)
    %dma_wait3A_1552 = arith.constant 1 : i32
    %dma_wait3A_1553 = arith.constant 2 : i32
    %dma_wait3A_1554 = arith.constant 1 : i32
    %dma_wait3A_1555 = arith.constant 0 : i32
    %dma_wait3A_1556 = arith.constant 0 : i32
    %dma_wait3A_1557 = tpu.memref_slice %arg13[%dma_wait3A_1554, %dma_wait3A_1555, %dma_wait3A_1556] : memref<2x128x64xf32, #tpu.memory_space<vmem>> -> memref<1x128x64xf32, #tpu.memory_space<vmem>>
    %dma_wait3A_1558 = tpu.memref_squeeze %dma_wait3A_1557 : memref<1x128x64xf32, #tpu.memory_space<vmem>> -> memref<128x64xf32, #tpu.memory_space<vmem>>
    %dma_wait3A_1559 = arith.constant 0 : i32
    %dma_wait3A_1560 = arith.constant 0 : i32
    %dma_wait3A_1561 = tpu.memref_slice %arg10[%dma_wait3A_1552, %dma_wait3A_1559, %dma_wait3A_1560] : memref<2x20x128xi32, #tpu.memory_space<vmem>> -> memref<1x20x128xi32, #tpu.memory_space<vmem>>
    %dma_wait3A_1562 = tpu.memref_squeeze %dma_wait3A_1561 : memref<1x20x128xi32, #tpu.memory_space<vmem>> -> memref<20x128xi32, #tpu.memory_space<vmem>>
    %dma_wait3A_1563 = arith.constant 0 : i32
    %dma_wait3A_1564 = tpu.memref_slice %dma_wait3A_1562[%dma_wait3A_1553, %dma_wait3A_1563] : memref<20x128xi32, #tpu.memory_space<vmem>> -> memref<1x128xi32, #tpu.memory_space<vmem>>
    %dma_wait3A_1565 = tpu.memref_squeeze %dma_wait3A_1564 : memref<1x128xi32, #tpu.memory_space<vmem>> -> memref<128xi32, #tpu.memory_space<vmem>>
    %dma_wait3A_1566 = arith.constant 0 : i32
    %dma_wait3A_1567 = arith.constant 0 : i32
    %dma_wait3A_1568 = tpu.memref_slice %arg6[%dma_wait3A_1566, %dma_wait3A_1567] : memref<1000000x64xf32, #tpu.memory_space<hbm>> -> memref<1000000x64xf32, #tpu.memory_space<hbm>>
    tpu.wait_indirect_dma semaphore(%arg16 : memref<!tpu.dma_semaphore, #tpu.memory_space<semaphore_mem>>) src(%dma_wait3A_1568 : memref<1000000x64xf32, #tpu.memory_space<hbm>>) dst(%dma_wait3A_1558 : memref<128x64xf32, #tpu.memory_space<vmem>>)
    %dma_wait3A_1569 = arith.constant 1 : i32
    %dma_wait3A_1570 = arith.constant 3 : i32
    %dma_wait3A_1571 = arith.constant 1 : i32
    %dma_wait3A_1572 = arith.constant 0 : i32
    %dma_wait3A_1573 = arith.constant 0 : i32
    %dma_wait3A_1574 = tpu.memref_slice %arg13[%dma_wait3A_1571, %dma_wait3A_1572, %dma_wait3A_1573] : memref<2x128x64xf32, #tpu.memory_space<vmem>> -> memref<1x128x64xf32, #tpu.memory_space<vmem>>
    %dma_wait3A_1575 = tpu.memref_squeeze %dma_wait3A_1574 : memref<1x128x64xf32, #tpu.memory_space<vmem>> -> memref<128x64xf32, #tpu.memory_space<vmem>>
    %dma_wait3A_1576 = arith.constant 0 : i32
    %dma_wait3A_1577 = arith.constant 0 : i32
    %dma_wait3A_1578 = tpu.memref_slice %arg10[%dma_wait3A_1569, %dma_wait3A_1576, %dma_wait3A_1577] : memref<2x20x128xi32, #tpu.memory_space<vmem>> -> memref<1x20x128xi32, #tpu.memory_space<vmem>>
    %dma_wait3A_1579 = tpu.memref_squeeze %dma_wait3A_1578 : memref<1x20x128xi32, #tpu.memory_space<vmem>> -> memref<20x128xi32, #tpu.memory_space<vmem>>
    %dma_wait3A_1580 = arith.constant 0 : i32
    %dma_wait3A_1581 = tpu.memref_slice %dma_wait3A_1579[%dma_wait3A_1570, %dma_wait3A_1580] : memref<20x128xi32, #tpu.memory_space<vmem>> -> memref<1x128xi32, #tpu.memory_space<vmem>>
    %dma_wait3A_1582 = tpu.memref_squeeze %dma_wait3A_1581 : memref<1x128xi32, #tpu.memory_space<vmem>> -> memref<128xi32, #tpu.memory_space<vmem>>
    %dma_wait3A_1583 = arith.constant 0 : i32
    %dma_wait3A_1584 = arith.constant 0 : i32
    %dma_wait3A_1585 = tpu.memref_slice %arg6[%dma_wait3A_1583, %dma_wait3A_1584] : memref<1000000x64xf32, #tpu.memory_space<hbm>> -> memref<1000000x64xf32, #tpu.memory_space<hbm>>
    tpu.wait_indirect_dma semaphore(%arg16 : memref<!tpu.dma_semaphore, #tpu.memory_space<semaphore_mem>>) src(%dma_wait3A_1585 : memref<1000000x64xf32, #tpu.memory_space<hbm>>) dst(%dma_wait3A_1575 : memref<128x64xf32, #tpu.memory_space<vmem>>)
    %dma_wait3A_1586 = arith.constant 1 : i32
    %dma_wait3A_1587 = arith.constant 4 : i32
    %dma_wait3A_1588 = arith.constant 1 : i32
    %dma_wait3A_1589 = arith.constant 0 : i32
    %dma_wait3A_1590 = arith.constant 0 : i32
    %dma_wait3A_1591 = tpu.memref_slice %arg13[%dma_wait3A_1588, %dma_wait3A_1589, %dma_wait3A_1590] : memref<2x128x64xf32, #tpu.memory_space<vmem>> -> memref<1x128x64xf32, #tpu.memory_space<vmem>>
    %dma_wait3A_1592 = tpu.memref_squeeze %dma_wait3A_1591 : memref<1x128x64xf32, #tpu.memory_space<vmem>> -> memref<128x64xf32, #tpu.memory_space<vmem>>
    %dma_wait3A_1593 = arith.constant 0 : i32
    %dma_wait3A_1594 = arith.constant 0 : i32
    %dma_wait3A_1595 = tpu.memref_slice %arg10[%dma_wait3A_1586, %dma_wait3A_1593, %dma_wait3A_1594] : memref<2x20x128xi32, #tpu.memory_space<vmem>> -> memref<1x20x128xi32, #tpu.memory_space<vmem>>
    %dma_wait3A_1596 = tpu.memref_squeeze %dma_wait3A_1595 : memref<1x20x128xi32, #tpu.memory_space<vmem>> -> memref<20x128xi32, #tpu.memory_space<vmem>>
    %dma_wait3A_1597 = arith.constant 0 : i32
    %dma_wait3A_1598 = tpu.memref_slice %dma_wait3A_1596[%dma_wait3A_1587, %dma_wait3A_1597] : memref<20x128xi32, #tpu.memory_space<vmem>> -> memref<1x128xi32, #tpu.memory_space<vmem>>
    %dma_wait3A_1599 = tpu.memref_squeeze %dma_wait3A_1598 : memref<1x128xi32, #tpu.memory_space<vmem>> -> memref<128xi32, #tpu.memory_space<vmem>>
    %dma_wait3A_1600 = arith.constant 0 : i32
    %dma_wait3A_1601 = arith.constant 0 : i32
    %dma_wait3A_1602 = tpu.memref_slice %arg6[%dma_wait3A_1600, %dma_wait3A_1601] : memref<1000000x64xf32, #tpu.memory_space<hbm>> -> memref<1000000x64xf32, #tpu.memory_space<hbm>>
    tpu.wait_indirect_dma semaphore(%arg16 : memref<!tpu.dma_semaphore, #tpu.memory_space<semaphore_mem>>) src(%dma_wait3A_1602 : memref<1000000x64xf32, #tpu.memory_space<hbm>>) dst(%dma_wait3A_1592 : memref<128x64xf32, #tpu.memory_space<vmem>>)
    %dma_wait3A_1603 = arith.constant 1 : i32
    %dma_wait3A_1604 = arith.constant 5 : i32
    %dma_wait3A_1605 = arith.constant 1 : i32
    %dma_wait3A_1606 = arith.constant 0 : i32
    %dma_wait3A_1607 = arith.constant 0 : i32
    %dma_wait3A_1608 = tpu.memref_slice %arg13[%dma_wait3A_1605, %dma_wait3A_1606, %dma_wait3A_1607] : memref<2x128x64xf32, #tpu.memory_space<vmem>> -> memref<1x128x64xf32, #tpu.memory_space<vmem>>
    %dma_wait3A_1609 = tpu.memref_squeeze %dma_wait3A_1608 : memref<1x128x64xf32, #tpu.memory_space<vmem>> -> memref<128x64xf32, #tpu.memory_space<vmem>>
    %dma_wait3A_1610 = arith.constant 0 : i32
    %dma_wait3A_1611 = arith.constant 0 : i32
    %dma_wait3A_1612 = tpu.memref_slice %arg10[%dma_wait3A_1603, %dma_wait3A_1610, %dma_wait3A_1611] : memref<2x20x128xi32, #tpu.memory_space<vmem>> -> memref<1x20x128xi32, #tpu.memory_space<vmem>>
    %dma_wait3A_1613 = tpu.memref_squeeze %dma_wait3A_1612 : memref<1x20x128xi32, #tpu.memory_space<vmem>> -> memref<20x128xi32, #tpu.memory_space<vmem>>
    %dma_wait3A_1614 = arith.constant 0 : i32
    %dma_wait3A_1615 = tpu.memref_slice %dma_wait3A_1613[%dma_wait3A_1604, %dma_wait3A_1614] : memref<20x128xi32, #tpu.memory_space<vmem>> -> memref<1x128xi32, #tpu.memory_space<vmem>>
    %dma_wait3A_1616 = tpu.memref_squeeze %dma_wait3A_1615 : memref<1x128xi32, #tpu.memory_space<vmem>> -> memref<128xi32, #tpu.memory_space<vmem>>
    %dma_wait3A_1617 = arith.constant 0 : i32
    %dma_wait3A_1618 = arith.constant 0 : i32
    %dma_wait3A_1619 = tpu.memref_slice %arg6[%dma_wait3A_1617, %dma_wait3A_1618] : memref<1000000x64xf32, #tpu.memory_space<hbm>> -> memref<1000000x64xf32, #tpu.memory_space<hbm>>
    tpu.wait_indirect_dma semaphore(%arg16 : memref<!tpu.dma_semaphore, #tpu.memory_space<semaphore_mem>>) src(%dma_wait3A_1619 : memref<1000000x64xf32, #tpu.memory_space<hbm>>) dst(%dma_wait3A_1609 : memref<128x64xf32, #tpu.memory_space<vmem>>)
    %dma_wait3A_1620 = arith.constant 1 : i32
    %dma_wait3A_1621 = arith.constant 6 : i32
    %dma_wait3A_1622 = arith.constant 1 : i32
    %dma_wait3A_1623 = arith.constant 0 : i32
    %dma_wait3A_1624 = arith.constant 0 : i32
    %dma_wait3A_1625 = tpu.memref_slice %arg13[%dma_wait3A_1622, %dma_wait3A_1623, %dma_wait3A_1624] : memref<2x128x64xf32, #tpu.memory_space<vmem>> -> memref<1x128x64xf32, #tpu.memory_space<vmem>>
    %dma_wait3A_1626 = tpu.memref_squeeze %dma_wait3A_1625 : memref<1x128x64xf32, #tpu.memory_space<vmem>> -> memref<128x64xf32, #tpu.memory_space<vmem>>
    %dma_wait3A_1627 = arith.constant 0 : i32
    %dma_wait3A_1628 = arith.constant 0 : i32
    %dma_wait3A_1629 = tpu.memref_slice %arg10[%dma_wait3A_1620, %dma_wait3A_1627, %dma_wait3A_1628] : memref<2x20x128xi32, #tpu.memory_space<vmem>> -> memref<1x20x128xi32, #tpu.memory_space<vmem>>
    %dma_wait3A_1630 = tpu.memref_squeeze %dma_wait3A_1629 : memref<1x20x128xi32, #tpu.memory_space<vmem>> -> memref<20x128xi32, #tpu.memory_space<vmem>>
    %dma_wait3A_1631 = arith.constant 0 : i32
    %dma_wait3A_1632 = tpu.memref_slice %dma_wait3A_1630[%dma_wait3A_1621, %dma_wait3A_1631] : memref<20x128xi32, #tpu.memory_space<vmem>> -> memref<1x128xi32, #tpu.memory_space<vmem>>
    %dma_wait3A_1633 = tpu.memref_squeeze %dma_wait3A_1632 : memref<1x128xi32, #tpu.memory_space<vmem>> -> memref<128xi32, #tpu.memory_space<vmem>>
    %dma_wait3A_1634 = arith.constant 0 : i32
    %dma_wait3A_1635 = arith.constant 0 : i32
    %dma_wait3A_1636 = tpu.memref_slice %arg6[%dma_wait3A_1634, %dma_wait3A_1635] : memref<1000000x64xf32, #tpu.memory_space<hbm>> -> memref<1000000x64xf32, #tpu.memory_space<hbm>>
    tpu.wait_indirect_dma semaphore(%arg16 : memref<!tpu.dma_semaphore, #tpu.memory_space<semaphore_mem>>) src(%dma_wait3A_1636 : memref<1000000x64xf32, #tpu.memory_space<hbm>>) dst(%dma_wait3A_1626 : memref<128x64xf32, #tpu.memory_space<vmem>>)
    %dma_wait3A_1637 = arith.constant 1 : i32
    %dma_wait3A_1638 = arith.constant 7 : i32
    %dma_wait3A_1639 = arith.constant 1 : i32
    %dma_wait3A_1640 = arith.constant 0 : i32
    %dma_wait3A_1641 = arith.constant 0 : i32
    %dma_wait3A_1642 = tpu.memref_slice %arg13[%dma_wait3A_1639, %dma_wait3A_1640, %dma_wait3A_1641] : memref<2x128x64xf32, #tpu.memory_space<vmem>> -> memref<1x128x64xf32, #tpu.memory_space<vmem>>
    %dma_wait3A_1643 = tpu.memref_squeeze %dma_wait3A_1642 : memref<1x128x64xf32, #tpu.memory_space<vmem>> -> memref<128x64xf32, #tpu.memory_space<vmem>>
    %dma_wait3A_1644 = arith.constant 0 : i32
    %dma_wait3A_1645 = arith.constant 0 : i32
    %dma_wait3A_1646 = tpu.memref_slice %arg10[%dma_wait3A_1637, %dma_wait3A_1644, %dma_wait3A_1645] : memref<2x20x128xi32, #tpu.memory_space<vmem>> -> memref<1x20x128xi32, #tpu.memory_space<vmem>>
    %dma_wait3A_1647 = tpu.memref_squeeze %dma_wait3A_1646 : memref<1x20x128xi32, #tpu.memory_space<vmem>> -> memref<20x128xi32, #tpu.memory_space<vmem>>
    %dma_wait3A_1648 = arith.constant 0 : i32
    %dma_wait3A_1649 = tpu.memref_slice %dma_wait3A_1647[%dma_wait3A_1638, %dma_wait3A_1648] : memref<20x128xi32, #tpu.memory_space<vmem>> -> memref<1x128xi32, #tpu.memory_space<vmem>>
    %dma_wait3A_1650 = tpu.memref_squeeze %dma_wait3A_1649 : memref<1x128xi32, #tpu.memory_space<vmem>> -> memref<128xi32, #tpu.memory_space<vmem>>
    %dma_wait3A_1651 = arith.constant 0 : i32
    %dma_wait3A_1652 = arith.constant 0 : i32
    %dma_wait3A_1653 = tpu.memref_slice %arg6[%dma_wait3A_1651, %dma_wait3A_1652] : memref<1000000x64xf32, #tpu.memory_space<hbm>> -> memref<1000000x64xf32, #tpu.memory_space<hbm>>
    tpu.wait_indirect_dma semaphore(%arg16 : memref<!tpu.dma_semaphore, #tpu.memory_space<semaphore_mem>>) src(%dma_wait3A_1653 : memref<1000000x64xf32, #tpu.memory_space<hbm>>) dst(%dma_wait3A_1643 : memref<128x64xf32, #tpu.memory_space<vmem>>)
    %dma_wait3A_1654 = arith.constant 1 : i32
    %dma_wait3A_1655 = arith.constant 8 : i32
    %dma_wait3A_1656 = arith.constant 1 : i32
    %dma_wait3A_1657 = arith.constant 0 : i32
    %dma_wait3A_1658 = arith.constant 0 : i32
    %dma_wait3A_1659 = tpu.memref_slice %arg13[%dma_wait3A_1656, %dma_wait3A_1657, %dma_wait3A_1658] : memref<2x128x64xf32, #tpu.memory_space<vmem>> -> memref<1x128x64xf32, #tpu.memory_space<vmem>>
    %dma_wait3A_1660 = tpu.memref_squeeze %dma_wait3A_1659 : memref<1x128x64xf32, #tpu.memory_space<vmem>> -> memref<128x64xf32, #tpu.memory_space<vmem>>
    %dma_wait3A_1661 = arith.constant 0 : i32
    %dma_wait3A_1662 = arith.constant 0 : i32
    %dma_wait3A_1663 = tpu.memref_slice %arg10[%dma_wait3A_1654, %dma_wait3A_1661, %dma_wait3A_1662] : memref<2x20x128xi32, #tpu.memory_space<vmem>> -> memref<1x20x128xi32, #tpu.memory_space<vmem>>
    %dma_wait3A_1664 = tpu.memref_squeeze %dma_wait3A_1663 : memref<1x20x128xi32, #tpu.memory_space<vmem>> -> memref<20x128xi32, #tpu.memory_space<vmem>>
    %dma_wait3A_1665 = arith.constant 0 : i32
    %dma_wait3A_1666 = tpu.memref_slice %dma_wait3A_1664[%dma_wait3A_1655, %dma_wait3A_1665] : memref<20x128xi32, #tpu.memory_space<vmem>> -> memref<1x128xi32, #tpu.memory_space<vmem>>
    %dma_wait3A_1667 = tpu.memref_squeeze %dma_wait3A_1666 : memref<1x128xi32, #tpu.memory_space<vmem>> -> memref<128xi32, #tpu.memory_space<vmem>>
    %dma_wait3A_1668 = arith.constant 0 : i32
    %dma_wait3A_1669 = arith.constant 0 : i32
    %dma_wait3A_1670 = tpu.memref_slice %arg6[%dma_wait3A_1668, %dma_wait3A_1669] : memref<1000000x64xf32, #tpu.memory_space<hbm>> -> memref<1000000x64xf32, #tpu.memory_space<hbm>>
    tpu.wait_indirect_dma semaphore(%arg16 : memref<!tpu.dma_semaphore, #tpu.memory_space<semaphore_mem>>) src(%dma_wait3A_1670 : memref<1000000x64xf32, #tpu.memory_space<hbm>>) dst(%dma_wait3A_1660 : memref<128x64xf32, #tpu.memory_space<vmem>>)
    %dma_wait3A_1671 = arith.constant 1 : i32
    %dma_wait3A_1672 = arith.constant 9 : i32
    %dma_wait3A_1673 = arith.constant 1 : i32
    %dma_wait3A_1674 = arith.constant 0 : i32
    %dma_wait3A_1675 = arith.constant 0 : i32
    %dma_wait3A_1676 = tpu.memref_slice %arg13[%dma_wait3A_1673, %dma_wait3A_1674, %dma_wait3A_1675] : memref<2x128x64xf32, #tpu.memory_space<vmem>> -> memref<1x128x64xf32, #tpu.memory_space<vmem>>
    %dma_wait3A_1677 = tpu.memref_squeeze %dma_wait3A_1676 : memref<1x128x64xf32, #tpu.memory_space<vmem>> -> memref<128x64xf32, #tpu.memory_space<vmem>>
    %dma_wait3A_1678 = arith.constant 0 : i32
    %dma_wait3A_1679 = arith.constant 0 : i32
    %dma_wait3A_1680 = tpu.memref_slice %arg10[%dma_wait3A_1671, %dma_wait3A_1678, %dma_wait3A_1679] : memref<2x20x128xi32, #tpu.memory_space<vmem>> -> memref<1x20x128xi32, #tpu.memory_space<vmem>>
    %dma_wait3A_1681 = tpu.memref_squeeze %dma_wait3A_1680 : memref<1x20x128xi32, #tpu.memory_space<vmem>> -> memref<20x128xi32, #tpu.memory_space<vmem>>
    %dma_wait3A_1682 = arith.constant 0 : i32
    %dma_wait3A_1683 = tpu.memref_slice %dma_wait3A_1681[%dma_wait3A_1672, %dma_wait3A_1682] : memref<20x128xi32, #tpu.memory_space<vmem>> -> memref<1x128xi32, #tpu.memory_space<vmem>>
    %dma_wait3A_1684 = tpu.memref_squeeze %dma_wait3A_1683 : memref<1x128xi32, #tpu.memory_space<vmem>> -> memref<128xi32, #tpu.memory_space<vmem>>
    %dma_wait3A_1685 = arith.constant 0 : i32
    %dma_wait3A_1686 = arith.constant 0 : i32
    %dma_wait3A_1687 = tpu.memref_slice %arg6[%dma_wait3A_1685, %dma_wait3A_1686] : memref<1000000x64xf32, #tpu.memory_space<hbm>> -> memref<1000000x64xf32, #tpu.memory_space<hbm>>
    tpu.wait_indirect_dma semaphore(%arg16 : memref<!tpu.dma_semaphore, #tpu.memory_space<semaphore_mem>>) src(%dma_wait3A_1687 : memref<1000000x64xf32, #tpu.memory_space<hbm>>) dst(%dma_wait3A_1677 : memref<128x64xf32, #tpu.memory_space<vmem>>)
    %dma_wait3A_1688 = arith.constant 1 : i32
    %dma_wait3A_1689 = arith.constant 10 : i32
    %dma_wait3A_1690 = arith.constant 1 : i32
    %dma_wait3A_1691 = arith.constant 0 : i32
    %dma_wait3A_1692 = arith.constant 0 : i32
    %dma_wait3A_1693 = tpu.memref_slice %arg13[%dma_wait3A_1690, %dma_wait3A_1691, %dma_wait3A_1692] : memref<2x128x64xf32, #tpu.memory_space<vmem>> -> memref<1x128x64xf32, #tpu.memory_space<vmem>>
    %dma_wait3A_1694 = tpu.memref_squeeze %dma_wait3A_1693 : memref<1x128x64xf32, #tpu.memory_space<vmem>> -> memref<128x64xf32, #tpu.memory_space<vmem>>
    %dma_wait3A_1695 = arith.constant 0 : i32
    %dma_wait3A_1696 = arith.constant 0 : i32
    %dma_wait3A_1697 = tpu.memref_slice %arg10[%dma_wait3A_1688, %dma_wait3A_1695, %dma_wait3A_1696] : memref<2x20x128xi32, #tpu.memory_space<vmem>> -> memref<1x20x128xi32, #tpu.memory_space<vmem>>
    %dma_wait3A_1698 = tpu.memref_squeeze %dma_wait3A_1697 : memref<1x20x128xi32, #tpu.memory_space<vmem>> -> memref<20x128xi32, #tpu.memory_space<vmem>>
    %dma_wait3A_1699 = arith.constant 0 : i32
    %dma_wait3A_1700 = tpu.memref_slice %dma_wait3A_1698[%dma_wait3A_1689, %dma_wait3A_1699] : memref<20x128xi32, #tpu.memory_space<vmem>> -> memref<1x128xi32, #tpu.memory_space<vmem>>
    %dma_wait3A_1701 = tpu.memref_squeeze %dma_wait3A_1700 : memref<1x128xi32, #tpu.memory_space<vmem>> -> memref<128xi32, #tpu.memory_space<vmem>>
    %dma_wait3A_1702 = arith.constant 0 : i32
    %dma_wait3A_1703 = arith.constant 0 : i32
    %dma_wait3A_1704 = tpu.memref_slice %arg6[%dma_wait3A_1702, %dma_wait3A_1703] : memref<1000000x64xf32, #tpu.memory_space<hbm>> -> memref<1000000x64xf32, #tpu.memory_space<hbm>>
    tpu.wait_indirect_dma semaphore(%arg16 : memref<!tpu.dma_semaphore, #tpu.memory_space<semaphore_mem>>) src(%dma_wait3A_1704 : memref<1000000x64xf32, #tpu.memory_space<hbm>>) dst(%dma_wait3A_1694 : memref<128x64xf32, #tpu.memory_space<vmem>>)
    %dma_wait3A_1705 = arith.constant 1 : i32
    %dma_wait3A_1706 = arith.constant 11 : i32
    %dma_wait3A_1707 = arith.constant 1 : i32
    %dma_wait3A_1708 = arith.constant 0 : i32
    %dma_wait3A_1709 = arith.constant 0 : i32
    %dma_wait3A_1710 = tpu.memref_slice %arg13[%dma_wait3A_1707, %dma_wait3A_1708, %dma_wait3A_1709] : memref<2x128x64xf32, #tpu.memory_space<vmem>> -> memref<1x128x64xf32, #tpu.memory_space<vmem>>
    %dma_wait3A_1711 = tpu.memref_squeeze %dma_wait3A_1710 : memref<1x128x64xf32, #tpu.memory_space<vmem>> -> memref<128x64xf32, #tpu.memory_space<vmem>>
    %dma_wait3A_1712 = arith.constant 0 : i32
    %dma_wait3A_1713 = arith.constant 0 : i32
    %dma_wait3A_1714 = tpu.memref_slice %arg10[%dma_wait3A_1705, %dma_wait3A_1712, %dma_wait3A_1713] : memref<2x20x128xi32, #tpu.memory_space<vmem>> -> memref<1x20x128xi32, #tpu.memory_space<vmem>>
    %dma_wait3A_1715 = tpu.memref_squeeze %dma_wait3A_1714 : memref<1x20x128xi32, #tpu.memory_space<vmem>> -> memref<20x128xi32, #tpu.memory_space<vmem>>
    %dma_wait3A_1716 = arith.constant 0 : i32
    %dma_wait3A_1717 = tpu.memref_slice %dma_wait3A_1715[%dma_wait3A_1706, %dma_wait3A_1716] : memref<20x128xi32, #tpu.memory_space<vmem>> -> memref<1x128xi32, #tpu.memory_space<vmem>>
    %dma_wait3A_1718 = tpu.memref_squeeze %dma_wait3A_1717 : memref<1x128xi32, #tpu.memory_space<vmem>> -> memref<128xi32, #tpu.memory_space<vmem>>
    %dma_wait3A_1719 = arith.constant 0 : i32
    %dma_wait3A_1720 = arith.constant 0 : i32
    %dma_wait3A_1721 = tpu.memref_slice %arg6[%dma_wait3A_1719, %dma_wait3A_1720] : memref<1000000x64xf32, #tpu.memory_space<hbm>> -> memref<1000000x64xf32, #tpu.memory_space<hbm>>
    tpu.wait_indirect_dma semaphore(%arg16 : memref<!tpu.dma_semaphore, #tpu.memory_space<semaphore_mem>>) src(%dma_wait3A_1721 : memref<1000000x64xf32, #tpu.memory_space<hbm>>) dst(%dma_wait3A_1711 : memref<128x64xf32, #tpu.memory_space<vmem>>)
    %dma_wait3A_1722 = arith.constant 1 : i32
    %dma_wait3A_1723 = arith.constant 12 : i32
    %dma_wait3A_1724 = arith.constant 1 : i32
    %dma_wait3A_1725 = arith.constant 0 : i32
    %dma_wait3A_1726 = arith.constant 0 : i32
    %dma_wait3A_1727 = tpu.memref_slice %arg13[%dma_wait3A_1724, %dma_wait3A_1725, %dma_wait3A_1726] : memref<2x128x64xf32, #tpu.memory_space<vmem>> -> memref<1x128x64xf32, #tpu.memory_space<vmem>>
    %dma_wait3A_1728 = tpu.memref_squeeze %dma_wait3A_1727 : memref<1x128x64xf32, #tpu.memory_space<vmem>> -> memref<128x64xf32, #tpu.memory_space<vmem>>
    %dma_wait3A_1729 = arith.constant 0 : i32
    %dma_wait3A_1730 = arith.constant 0 : i32
    %dma_wait3A_1731 = tpu.memref_slice %arg10[%dma_wait3A_1722, %dma_wait3A_1729, %dma_wait3A_1730] : memref<2x20x128xi32, #tpu.memory_space<vmem>> -> memref<1x20x128xi32, #tpu.memory_space<vmem>>
    %dma_wait3A_1732 = tpu.memref_squeeze %dma_wait3A_1731 : memref<1x20x128xi32, #tpu.memory_space<vmem>> -> memref<20x128xi32, #tpu.memory_space<vmem>>
    %dma_wait3A_1733 = arith.constant 0 : i32
    %dma_wait3A_1734 = tpu.memref_slice %dma_wait3A_1732[%dma_wait3A_1723, %dma_wait3A_1733] : memref<20x128xi32, #tpu.memory_space<vmem>> -> memref<1x128xi32, #tpu.memory_space<vmem>>
    %dma_wait3A_1735 = tpu.memref_squeeze %dma_wait3A_1734 : memref<1x128xi32, #tpu.memory_space<vmem>> -> memref<128xi32, #tpu.memory_space<vmem>>
    %dma_wait3A_1736 = arith.constant 0 : i32
    %dma_wait3A_1737 = arith.constant 0 : i32
    %dma_wait3A_1738 = tpu.memref_slice %arg6[%dma_wait3A_1736, %dma_wait3A_1737] : memref<1000000x64xf32, #tpu.memory_space<hbm>> -> memref<1000000x64xf32, #tpu.memory_space<hbm>>
    tpu.wait_indirect_dma semaphore(%arg16 : memref<!tpu.dma_semaphore, #tpu.memory_space<semaphore_mem>>) src(%dma_wait3A_1738 : memref<1000000x64xf32, #tpu.memory_space<hbm>>) dst(%dma_wait3A_1728 : memref<128x64xf32, #tpu.memory_space<vmem>>)
    %dma_wait3A_1739 = arith.constant 1 : i32
    %dma_wait3A_1740 = arith.constant 13 : i32
    %dma_wait3A_1741 = arith.constant 1 : i32
    %dma_wait3A_1742 = arith.constant 0 : i32
    %dma_wait3A_1743 = arith.constant 0 : i32
    %dma_wait3A_1744 = tpu.memref_slice %arg13[%dma_wait3A_1741, %dma_wait3A_1742, %dma_wait3A_1743] : memref<2x128x64xf32, #tpu.memory_space<vmem>> -> memref<1x128x64xf32, #tpu.memory_space<vmem>>
    %dma_wait3A_1745 = tpu.memref_squeeze %dma_wait3A_1744 : memref<1x128x64xf32, #tpu.memory_space<vmem>> -> memref<128x64xf32, #tpu.memory_space<vmem>>
    %dma_wait3A_1746 = arith.constant 0 : i32
    %dma_wait3A_1747 = arith.constant 0 : i32
    %dma_wait3A_1748 = tpu.memref_slice %arg10[%dma_wait3A_1739, %dma_wait3A_1746, %dma_wait3A_1747] : memref<2x20x128xi32, #tpu.memory_space<vmem>> -> memref<1x20x128xi32, #tpu.memory_space<vmem>>
    %dma_wait3A_1749 = tpu.memref_squeeze %dma_wait3A_1748 : memref<1x20x128xi32, #tpu.memory_space<vmem>> -> memref<20x128xi32, #tpu.memory_space<vmem>>
    %dma_wait3A_1750 = arith.constant 0 : i32
    %dma_wait3A_1751 = tpu.memref_slice %dma_wait3A_1749[%dma_wait3A_1740, %dma_wait3A_1750] : memref<20x128xi32, #tpu.memory_space<vmem>> -> memref<1x128xi32, #tpu.memory_space<vmem>>
    %dma_wait3A_1752 = tpu.memref_squeeze %dma_wait3A_1751 : memref<1x128xi32, #tpu.memory_space<vmem>> -> memref<128xi32, #tpu.memory_space<vmem>>
    %dma_wait3A_1753 = arith.constant 0 : i32
    %dma_wait3A_1754 = arith.constant 0 : i32
    %dma_wait3A_1755 = tpu.memref_slice %arg6[%dma_wait3A_1753, %dma_wait3A_1754] : memref<1000000x64xf32, #tpu.memory_space<hbm>> -> memref<1000000x64xf32, #tpu.memory_space<hbm>>
    tpu.wait_indirect_dma semaphore(%arg16 : memref<!tpu.dma_semaphore, #tpu.memory_space<semaphore_mem>>) src(%dma_wait3A_1755 : memref<1000000x64xf32, #tpu.memory_space<hbm>>) dst(%dma_wait3A_1745 : memref<128x64xf32, #tpu.memory_space<vmem>>)
    %dma_wait3A_1756 = arith.constant 1 : i32
    %dma_wait3A_1757 = arith.constant 14 : i32
    %dma_wait3A_1758 = arith.constant 1 : i32
    %dma_wait3A_1759 = arith.constant 0 : i32
    %dma_wait3A_1760 = arith.constant 0 : i32
    %dma_wait3A_1761 = tpu.memref_slice %arg13[%dma_wait3A_1758, %dma_wait3A_1759, %dma_wait3A_1760] : memref<2x128x64xf32, #tpu.memory_space<vmem>> -> memref<1x128x64xf32, #tpu.memory_space<vmem>>
    %dma_wait3A_1762 = tpu.memref_squeeze %dma_wait3A_1761 : memref<1x128x64xf32, #tpu.memory_space<vmem>> -> memref<128x64xf32, #tpu.memory_space<vmem>>
    %dma_wait3A_1763 = arith.constant 0 : i32
    %dma_wait3A_1764 = arith.constant 0 : i32
    %dma_wait3A_1765 = tpu.memref_slice %arg10[%dma_wait3A_1756, %dma_wait3A_1763, %dma_wait3A_1764] : memref<2x20x128xi32, #tpu.memory_space<vmem>> -> memref<1x20x128xi32, #tpu.memory_space<vmem>>
    %dma_wait3A_1766 = tpu.memref_squeeze %dma_wait3A_1765 : memref<1x20x128xi32, #tpu.memory_space<vmem>> -> memref<20x128xi32, #tpu.memory_space<vmem>>
    %dma_wait3A_1767 = arith.constant 0 : i32
    %dma_wait3A_1768 = tpu.memref_slice %dma_wait3A_1766[%dma_wait3A_1757, %dma_wait3A_1767] : memref<20x128xi32, #tpu.memory_space<vmem>> -> memref<1x128xi32, #tpu.memory_space<vmem>>
    %dma_wait3A_1769 = tpu.memref_squeeze %dma_wait3A_1768 : memref<1x128xi32, #tpu.memory_space<vmem>> -> memref<128xi32, #tpu.memory_space<vmem>>
    %dma_wait3A_1770 = arith.constant 0 : i32
    %dma_wait3A_1771 = arith.constant 0 : i32
    %dma_wait3A_1772 = tpu.memref_slice %arg6[%dma_wait3A_1770, %dma_wait3A_1771] : memref<1000000x64xf32, #tpu.memory_space<hbm>> -> memref<1000000x64xf32, #tpu.memory_space<hbm>>
    tpu.wait_indirect_dma semaphore(%arg16 : memref<!tpu.dma_semaphore, #tpu.memory_space<semaphore_mem>>) src(%dma_wait3A_1772 : memref<1000000x64xf32, #tpu.memory_space<hbm>>) dst(%dma_wait3A_1762 : memref<128x64xf32, #tpu.memory_space<vmem>>)
    %dma_wait3A_1773 = arith.constant 1 : i32
    %dma_wait3A_1774 = arith.constant 15 : i32
    %dma_wait3A_1775 = arith.constant 1 : i32
    %dma_wait3A_1776 = arith.constant 0 : i32
    %dma_wait3A_1777 = arith.constant 0 : i32
    %dma_wait3A_1778 = tpu.memref_slice %arg13[%dma_wait3A_1775, %dma_wait3A_1776, %dma_wait3A_1777] : memref<2x128x64xf32, #tpu.memory_space<vmem>> -> memref<1x128x64xf32, #tpu.memory_space<vmem>>
    %dma_wait3A_1779 = tpu.memref_squeeze %dma_wait3A_1778 : memref<1x128x64xf32, #tpu.memory_space<vmem>> -> memref<128x64xf32, #tpu.memory_space<vmem>>
    %dma_wait3A_1780 = arith.constant 0 : i32
    %dma_wait3A_1781 = arith.constant 0 : i32
    %dma_wait3A_1782 = tpu.memref_slice %arg10[%dma_wait3A_1773, %dma_wait3A_1780, %dma_wait3A_1781] : memref<2x20x128xi32, #tpu.memory_space<vmem>> -> memref<1x20x128xi32, #tpu.memory_space<vmem>>
    %dma_wait3A_1783 = tpu.memref_squeeze %dma_wait3A_1782 : memref<1x20x128xi32, #tpu.memory_space<vmem>> -> memref<20x128xi32, #tpu.memory_space<vmem>>
    %dma_wait3A_1784 = arith.constant 0 : i32
    %dma_wait3A_1785 = tpu.memref_slice %dma_wait3A_1783[%dma_wait3A_1774, %dma_wait3A_1784] : memref<20x128xi32, #tpu.memory_space<vmem>> -> memref<1x128xi32, #tpu.memory_space<vmem>>
    %dma_wait3A_1786 = tpu.memref_squeeze %dma_wait3A_1785 : memref<1x128xi32, #tpu.memory_space<vmem>> -> memref<128xi32, #tpu.memory_space<vmem>>
    %dma_wait3A_1787 = arith.constant 0 : i32
    %dma_wait3A_1788 = arith.constant 0 : i32
    %dma_wait3A_1789 = tpu.memref_slice %arg6[%dma_wait3A_1787, %dma_wait3A_1788] : memref<1000000x64xf32, #tpu.memory_space<hbm>> -> memref<1000000x64xf32, #tpu.memory_space<hbm>>
    tpu.wait_indirect_dma semaphore(%arg16 : memref<!tpu.dma_semaphore, #tpu.memory_space<semaphore_mem>>) src(%dma_wait3A_1789 : memref<1000000x64xf32, #tpu.memory_space<hbm>>) dst(%dma_wait3A_1779 : memref<128x64xf32, #tpu.memory_space<vmem>>)
    %dma_wait3A_1790 = arith.constant 1 : i32
    %dma_wait3A_1791 = arith.constant 16 : i32
    %dma_wait3A_1792 = arith.constant 1 : i32
    %dma_wait3A_1793 = arith.constant 0 : i32
    %dma_wait3A_1794 = arith.constant 0 : i32
    %dma_wait3A_1795 = tpu.memref_slice %arg13[%dma_wait3A_1792, %dma_wait3A_1793, %dma_wait3A_1794] : memref<2x128x64xf32, #tpu.memory_space<vmem>> -> memref<1x128x64xf32, #tpu.memory_space<vmem>>
    %dma_wait3A_1796 = tpu.memref_squeeze %dma_wait3A_1795 : memref<1x128x64xf32, #tpu.memory_space<vmem>> -> memref<128x64xf32, #tpu.memory_space<vmem>>
    %dma_wait3A_1797 = arith.constant 0 : i32
    %dma_wait3A_1798 = arith.constant 0 : i32
    %dma_wait3A_1799 = tpu.memref_slice %arg10[%dma_wait3A_1790, %dma_wait3A_1797, %dma_wait3A_1798] : memref<2x20x128xi32, #tpu.memory_space<vmem>> -> memref<1x20x128xi32, #tpu.memory_space<vmem>>
    %dma_wait3A_1800 = tpu.memref_squeeze %dma_wait3A_1799 : memref<1x20x128xi32, #tpu.memory_space<vmem>> -> memref<20x128xi32, #tpu.memory_space<vmem>>
    %dma_wait3A_1801 = arith.constant 0 : i32
    %dma_wait3A_1802 = tpu.memref_slice %dma_wait3A_1800[%dma_wait3A_1791, %dma_wait3A_1801] : memref<20x128xi32, #tpu.memory_space<vmem>> -> memref<1x128xi32, #tpu.memory_space<vmem>>
    %dma_wait3A_1803 = tpu.memref_squeeze %dma_wait3A_1802 : memref<1x128xi32, #tpu.memory_space<vmem>> -> memref<128xi32, #tpu.memory_space<vmem>>
    %dma_wait3A_1804 = arith.constant 0 : i32
    %dma_wait3A_1805 = arith.constant 0 : i32
    %dma_wait3A_1806 = tpu.memref_slice %arg6[%dma_wait3A_1804, %dma_wait3A_1805] : memref<1000000x64xf32, #tpu.memory_space<hbm>> -> memref<1000000x64xf32, #tpu.memory_space<hbm>>
    tpu.wait_indirect_dma semaphore(%arg16 : memref<!tpu.dma_semaphore, #tpu.memory_space<semaphore_mem>>) src(%dma_wait3A_1806 : memref<1000000x64xf32, #tpu.memory_space<hbm>>) dst(%dma_wait3A_1796 : memref<128x64xf32, #tpu.memory_space<vmem>>)
    %dma_wait3A_1807 = arith.constant 1 : i32
    %dma_wait3A_1808 = arith.constant 17 : i32
    %dma_wait3A_1809 = arith.constant 1 : i32
    %dma_wait3A_1810 = arith.constant 0 : i32
    %dma_wait3A_1811 = arith.constant 0 : i32
    %dma_wait3A_1812 = tpu.memref_slice %arg13[%dma_wait3A_1809, %dma_wait3A_1810, %dma_wait3A_1811] : memref<2x128x64xf32, #tpu.memory_space<vmem>> -> memref<1x128x64xf32, #tpu.memory_space<vmem>>
    %dma_wait3A_1813 = tpu.memref_squeeze %dma_wait3A_1812 : memref<1x128x64xf32, #tpu.memory_space<vmem>> -> memref<128x64xf32, #tpu.memory_space<vmem>>
    %dma_wait3A_1814 = arith.constant 0 : i32
    %dma_wait3A_1815 = arith.constant 0 : i32
    %dma_wait3A_1816 = tpu.memref_slice %arg10[%dma_wait3A_1807, %dma_wait3A_1814, %dma_wait3A_1815] : memref<2x20x128xi32, #tpu.memory_space<vmem>> -> memref<1x20x128xi32, #tpu.memory_space<vmem>>
    %dma_wait3A_1817 = tpu.memref_squeeze %dma_wait3A_1816 : memref<1x20x128xi32, #tpu.memory_space<vmem>> -> memref<20x128xi32, #tpu.memory_space<vmem>>
    %dma_wait3A_1818 = arith.constant 0 : i32
    %dma_wait3A_1819 = tpu.memref_slice %dma_wait3A_1817[%dma_wait3A_1808, %dma_wait3A_1818] : memref<20x128xi32, #tpu.memory_space<vmem>> -> memref<1x128xi32, #tpu.memory_space<vmem>>
    %dma_wait3A_1820 = tpu.memref_squeeze %dma_wait3A_1819 : memref<1x128xi32, #tpu.memory_space<vmem>> -> memref<128xi32, #tpu.memory_space<vmem>>
    %dma_wait3A_1821 = arith.constant 0 : i32
    %dma_wait3A_1822 = arith.constant 0 : i32
    %dma_wait3A_1823 = tpu.memref_slice %arg6[%dma_wait3A_1821, %dma_wait3A_1822] : memref<1000000x64xf32, #tpu.memory_space<hbm>> -> memref<1000000x64xf32, #tpu.memory_space<hbm>>
    tpu.wait_indirect_dma semaphore(%arg16 : memref<!tpu.dma_semaphore, #tpu.memory_space<semaphore_mem>>) src(%dma_wait3A_1823 : memref<1000000x64xf32, #tpu.memory_space<hbm>>) dst(%dma_wait3A_1813 : memref<128x64xf32, #tpu.memory_space<vmem>>)
    %dma_wait3A_1824 = arith.constant 1 : i32
    %dma_wait3A_1825 = arith.constant 18 : i32
    %dma_wait3A_1826 = arith.constant 1 : i32
    %dma_wait3A_1827 = arith.constant 0 : i32
    %dma_wait3A_1828 = arith.constant 0 : i32
    %dma_wait3A_1829 = tpu.memref_slice %arg13[%dma_wait3A_1826, %dma_wait3A_1827, %dma_wait3A_1828] : memref<2x128x64xf32, #tpu.memory_space<vmem>> -> memref<1x128x64xf32, #tpu.memory_space<vmem>>
    %dma_wait3A_1830 = tpu.memref_squeeze %dma_wait3A_1829 : memref<1x128x64xf32, #tpu.memory_space<vmem>> -> memref<128x64xf32, #tpu.memory_space<vmem>>
    %dma_wait3A_1831 = arith.constant 0 : i32
    %dma_wait3A_1832 = arith.constant 0 : i32
    %dma_wait3A_1833 = tpu.memref_slice %arg10[%dma_wait3A_1824, %dma_wait3A_1831, %dma_wait3A_1832] : memref<2x20x128xi32, #tpu.memory_space<vmem>> -> memref<1x20x128xi32, #tpu.memory_space<vmem>>
    %dma_wait3A_1834 = tpu.memref_squeeze %dma_wait3A_1833 : memref<1x20x128xi32, #tpu.memory_space<vmem>> -> memref<20x128xi32, #tpu.memory_space<vmem>>
    %dma_wait3A_1835 = arith.constant 0 : i32
    %dma_wait3A_1836 = tpu.memref_slice %dma_wait3A_1834[%dma_wait3A_1825, %dma_wait3A_1835] : memref<20x128xi32, #tpu.memory_space<vmem>> -> memref<1x128xi32, #tpu.memory_space<vmem>>
    %dma_wait3A_1837 = tpu.memref_squeeze %dma_wait3A_1836 : memref<1x128xi32, #tpu.memory_space<vmem>> -> memref<128xi32, #tpu.memory_space<vmem>>
    %dma_wait3A_1838 = arith.constant 0 : i32
    %dma_wait3A_1839 = arith.constant 0 : i32
    %dma_wait3A_1840 = tpu.memref_slice %arg6[%dma_wait3A_1838, %dma_wait3A_1839] : memref<1000000x64xf32, #tpu.memory_space<hbm>> -> memref<1000000x64xf32, #tpu.memory_space<hbm>>
    tpu.wait_indirect_dma semaphore(%arg16 : memref<!tpu.dma_semaphore, #tpu.memory_space<semaphore_mem>>) src(%dma_wait3A_1840 : memref<1000000x64xf32, #tpu.memory_space<hbm>>) dst(%dma_wait3A_1830 : memref<128x64xf32, #tpu.memory_space<vmem>>)
    %dma_wait3A_1841 = arith.constant 1 : i32
    %dma_wait3A_1842 = arith.constant 19 : i32
    %dma_wait3A_1843 = arith.constant 1 : i32
    %dma_wait3A_1844 = arith.constant 0 : i32
    %dma_wait3A_1845 = arith.constant 0 : i32
    %dma_wait3A_1846 = tpu.memref_slice %arg13[%dma_wait3A_1843, %dma_wait3A_1844, %dma_wait3A_1845] : memref<2x128x64xf32, #tpu.memory_space<vmem>> -> memref<1x128x64xf32, #tpu.memory_space<vmem>>
    %dma_wait3A_1847 = tpu.memref_squeeze %dma_wait3A_1846 : memref<1x128x64xf32, #tpu.memory_space<vmem>> -> memref<128x64xf32, #tpu.memory_space<vmem>>
    %dma_wait3A_1848 = arith.constant 0 : i32
    %dma_wait3A_1849 = arith.constant 0 : i32
    %dma_wait3A_1850 = tpu.memref_slice %arg10[%dma_wait3A_1841, %dma_wait3A_1848, %dma_wait3A_1849] : memref<2x20x128xi32, #tpu.memory_space<vmem>> -> memref<1x20x128xi32, #tpu.memory_space<vmem>>
    %dma_wait3A_1851 = tpu.memref_squeeze %dma_wait3A_1850 : memref<1x20x128xi32, #tpu.memory_space<vmem>> -> memref<20x128xi32, #tpu.memory_space<vmem>>
    %dma_wait3A_1852 = arith.constant 0 : i32
    %dma_wait3A_1853 = tpu.memref_slice %dma_wait3A_1851[%dma_wait3A_1842, %dma_wait3A_1852] : memref<20x128xi32, #tpu.memory_space<vmem>> -> memref<1x128xi32, #tpu.memory_space<vmem>>
    %dma_wait3A_1854 = tpu.memref_squeeze %dma_wait3A_1853 : memref<1x128xi32, #tpu.memory_space<vmem>> -> memref<128xi32, #tpu.memory_space<vmem>>
    %dma_wait3A_1855 = arith.constant 0 : i32
    %dma_wait3A_1856 = arith.constant 0 : i32
    %dma_wait3A_1857 = tpu.memref_slice %arg6[%dma_wait3A_1855, %dma_wait3A_1856] : memref<1000000x64xf32, #tpu.memory_space<hbm>> -> memref<1000000x64xf32, #tpu.memory_space<hbm>>
    tpu.wait_indirect_dma semaphore(%arg16 : memref<!tpu.dma_semaphore, #tpu.memory_space<semaphore_mem>>) src(%dma_wait3A_1857 : memref<1000000x64xf32, #tpu.memory_space<hbm>>) dst(%dma_wait3A_1847 : memref<128x64xf32, #tpu.memory_space<vmem>>)
    %add3A_1858 = arith.constant 128 : i32
    %add3A_1859 = arith.addi %mul3A_2, %add3A_1858 : i32
    %scan3A_1860 = arith.constant 1 : i32
    %scan3A_1861 = arith.constant 1 : i32
    %scan3A_1862 = arith.constant 1 : i32
    %scan3A_1863 = arith.constant 0 : i32
    %scan3A_1864 = arith.constant 0 : i32
    %scan3A_1865 = arith.constant 128 : i32
    %scan3A_1866 = arith.addi %scan3A_1864, %scan3A_1865 : i32
    %scan3A_1867 = arith.constant 1 : i32
    %scan3A_1868 = scf.for %scan3A_3003 = %scan3A_1864 to %scan3A_1866 step %scan3A_1867 iter_args(%scan3A_3004 = %scan3A_1863) -> (i32)  : i32 {
      %broadcast_in_dim3A_3005 = arith.constant 0.000000e+00 : f32
      %broadcast_in_dim3A_3006 = vector.broadcast %broadcast_in_dim3A_3005 : f32 to vector<16xf32>
      %broadcast_in_dim3A_3007 = arith.constant 0.000000e+00 : f32
      %broadcast_in_dim3A_3008 = vector.broadcast %broadcast_in_dim3A_3007 : f32 to vector<16xf32>
      %get3A = arith.constant 0 : i32
      %get3A_3009 = arith.constant 0 : i32
      %get3A_3010 = tpu.memref_slice %arg11[%scan3A_1860, %get3A, %get3A_3009] : memref<2x128x64xf32, #tpu.memory_space<vmem>> -> memref<1x128x64xf32, #tpu.memory_space<vmem>>
      %get3A_3011 = tpu.memref_squeeze %get3A_3010 : memref<1x128x64xf32, #tpu.memory_space<vmem>> -> memref<128x64xf32, #tpu.memory_space<vmem>>
      %get3A_3012 = arith.index_cast %scan3A_3003 : i32 to index
      %get3A_3013 = arith.constant 0 : index
      %get3A_3014 = tpu.vector_load %get3A_3011[%get3A_3012, %get3A_3013] {strides = array<i32>} : memref<128x64xf32, #tpu.memory_space<vmem>>, vector<1x16xf32>,
      %get3A_3015 = vector.shape_cast %get3A_3014 : vector<1x16xf32> to vector<16xf32>
      %get3A_3016 = arith.constant 0 : i32
      %get3A_3017 = arith.constant 0 : i32
      %get3A_3018 = tpu.memref_slice %arg12[%scan3A_1861, %get3A_3016, %get3A_3017] : memref<2x128x64xf32, #tpu.memory_space<vmem>> -> memref<1x128x64xf32, #tpu.memory_space<vmem>>
      %get3A_3019 = tpu.memref_squeeze %get3A_3018 : memref<1x128x64xf32, #tpu.memory_space<vmem>> -> memref<128x64xf32, #tpu.memory_space<vmem>>
      %get3A_3020 = arith.index_cast %scan3A_3003 : i32 to index
      %get3A_3021 = arith.constant 0 : index
      %get3A_3022 = tpu.vector_load %get3A_3019[%get3A_3020, %get3A_3021] {strides = array<i32>} : memref<128x64xf32, #tpu.memory_space<vmem>>, vector<1x16xf32>,
      %get3A_3023 = vector.shape_cast %get3A_3022 : vector<1x16xf32> to vector<16xf32>
      %mul3A_3024 = arith.mulf %get3A_3015, %get3A_3023 : vector<16xf32>
      %add3A_3025 = arith.addf %broadcast_in_dim3A_3006, %mul3A_3024 : vector<16xf32>
      %get3A_3026 = arith.constant 0 : i32
      %get3A_3027 = arith.constant 0 : i32
      %get3A_3028 = tpu.memref_slice %arg13[%scan3A_1862, %get3A_3026, %get3A_3027] : memref<2x128x64xf32, #tpu.memory_space<vmem>> -> memref<1x128x64xf32, #tpu.memory_space<vmem>>
      %get3A_3029 = tpu.memref_squeeze %get3A_3028 : memref<1x128x64xf32, #tpu.memory_space<vmem>> -> memref<128x64xf32, #tpu.memory_space<vmem>>
      %get3A_3030 = arith.index_cast %scan3A_3003 : i32 to index
      %get3A_3031 = arith.constant 0 : index
      %get3A_3032 = tpu.vector_load %get3A_3029[%get3A_3030, %get3A_3031] {strides = array<i32>} : memref<128x64xf32, #tpu.memory_space<vmem>>, vector<1x16xf32>,
      %get3A_3033 = vector.shape_cast %get3A_3032 : vector<1x16xf32> to vector<16xf32>
      %mul3A_3034 = arith.mulf %get3A_3015, %get3A_3033 : vector<16xf32>
      %add3A_3035 = arith.addf %broadcast_in_dim3A_3008, %mul3A_3034 : vector<16xf32>
      %swap3A = arith.constant 0 : i32
      %swap3A_3036 = arith.constant 0 : i32
      %swap3A_3037 = tpu.memref_slice %arg13[%scan3A_1862, %swap3A, %swap3A_3036] : memref<2x128x64xf32, #tpu.memory_space<vmem>> -> memref<1x128x64xf32, #tpu.memory_space<vmem>>
      %swap3A_3038 = tpu.memref_squeeze %swap3A_3037 : memref<1x128x64xf32, #tpu.memory_space<vmem>> -> memref<128x64xf32, #tpu.memory_space<vmem>>
      %swap3A_3039 = arith.index_cast %scan3A_3003 : i32 to index
      %swap3A_3040 = arith.constant 0 : index
      %swap3A_3041 = tpu.vector_load %swap3A_3038[%swap3A_3039, %swap3A_3040] {strides = array<i32>} : memref<128x64xf32, #tpu.memory_space<vmem>>, vector<1x16xf32>,
      %swap3A_3042 = vector.shape_cast %swap3A_3041 : vector<1x16xf32> to vector<16xf32>
      %swap3A_3043 = vector.shape_cast %broadcast_in_dim3A_3 : vector<16xf32> to vector<1x16xf32>
      tpu.vector_store %swap3A_3038[%swap3A_3039, %swap3A_3040], %swap3A_3043 {strides = array<i32>} : memref<128x64xf32, #tpu.memory_space<vmem>>, vector<1x16xf32>,
      %get3A_3044 = arith.constant 0 : i32
      %get3A_3045 = arith.constant 0 : i32
      %get3A_3046 = tpu.memref_slice %arg11[%scan3A_1860, %get3A_3044, %get3A_3045] : memref<2x128x64xf32, #tpu.memory_space<vmem>> -> memref<1x128x64xf32, #tpu.memory_space<vmem>>
      %get3A_3047 = tpu.memref_squeeze %get3A_3046 : memref<1x128x64xf32, #tpu.memory_space<vmem>> -> memref<128x64xf32, #tpu.memory_space<vmem>>
      %get3A_3048 = arith.index_cast %scan3A_3003 : i32 to index
      %get3A_3049 = arith.constant 16 : index
      %get3A_3050 = tpu.vector_load %get3A_3047[%get3A_3048, %get3A_3049] {strides = array<i32>} : memref<128x64xf32, #tpu.memory_space<vmem>>, vector<1x16xf32>,
      %get3A_3051 = vector.shape_cast %get3A_3050 : vector<1x16xf32> to vector<16xf32>
      %get3A_3052 = arith.constant 0 : i32
      %get3A_3053 = arith.constant 0 : i32
      %get3A_3054 = tpu.memref_slice %arg12[%scan3A_1861, %get3A_3052, %get3A_3053] : memref<2x128x64xf32, #tpu.memory_space<vmem>> -> memref<1x128x64xf32, #tpu.memory_space<vmem>>
      %get3A_3055 = tpu.memref_squeeze %get3A_3054 : memref<1x128x64xf32, #tpu.memory_space<vmem>> -> memref<128x64xf32, #tpu.memory_space<vmem>>
      %get3A_3056 = arith.index_cast %scan3A_3003 : i32 to index
      %get3A_3057 = arith.constant 16 : index
      %get3A_3058 = tpu.vector_load %get3A_3055[%get3A_3056, %get3A_3057] {strides = array<i32>} : memref<128x64xf32, #tpu.memory_space<vmem>>, vector<1x16xf32>,
      %get3A_3059 = vector.shape_cast %get3A_3058 : vector<1x16xf32> to vector<16xf32>
      %mul3A_3060 = arith.mulf %get3A_3051, %get3A_3059 : vector<16xf32>
      %add3A_3061 = arith.addf %add3A_3025, %mul3A_3060 : vector<16xf32>
      %get3A_3062 = arith.constant 0 : i32
      %get3A_3063 = arith.constant 0 : i32
      %get3A_3064 = tpu.memref_slice %arg13[%scan3A_1862, %get3A_3062, %get3A_3063] : memref<2x128x64xf32, #tpu.memory_space<vmem>> -> memref<1x128x64xf32, #tpu.memory_space<vmem>>
      %get3A_3065 = tpu.memref_squeeze %get3A_3064 : memref<1x128x64xf32, #tpu.memory_space<vmem>> -> memref<128x64xf32, #tpu.memory_space<vmem>>
      %get3A_3066 = arith.index_cast %scan3A_3003 : i32 to index
      %get3A_3067 = arith.constant 16 : index
      %get3A_3068 = tpu.vector_load %get3A_3065[%get3A_3066, %get3A_3067] {strides = array<i32>} : memref<128x64xf32, #tpu.memory_space<vmem>>, vector<1x16xf32>,
      %get3A_3069 = vector.shape_cast %get3A_3068 : vector<1x16xf32> to vector<16xf32>
      %mul3A_3070 = arith.mulf %get3A_3051, %get3A_3069 : vector<16xf32>
      %add3A_3071 = arith.addf %add3A_3035, %mul3A_3070 : vector<16xf32>
      %swap3A_3072 = arith.constant 0 : i32
      %swap3A_3073 = arith.constant 0 : i32
      %swap3A_3074 = tpu.memref_slice %arg13[%scan3A_1862, %swap3A_3072, %swap3A_3073] : memref<2x128x64xf32, #tpu.memory_space<vmem>> -> memref<1x128x64xf32, #tpu.memory_space<vmem>>
      %swap3A_3075 = tpu.memref_squeeze %swap3A_3074 : memref<1x128x64xf32, #tpu.memory_space<vmem>> -> memref<128x64xf32, #tpu.memory_space<vmem>>
      %swap3A_3076 = arith.index_cast %scan3A_3003 : i32 to index
      %swap3A_3077 = arith.constant 16 : index
      %swap3A_3078 = tpu.vector_load %swap3A_3075[%swap3A_3076, %swap3A_3077] {strides = array<i32>} : memref<128x64xf32, #tpu.memory_space<vmem>>, vector<1x16xf32>,
      %swap3A_3079 = vector.shape_cast %swap3A_3078 : vector<1x16xf32> to vector<16xf32>
      %swap3A_3080 = vector.shape_cast %broadcast_in_dim3A_3 : vector<16xf32> to vector<1x16xf32>
      tpu.vector_store %swap3A_3075[%swap3A_3076, %swap3A_3077], %swap3A_3080 {strides = array<i32>} : memref<128x64xf32, #tpu.memory_space<vmem>>, vector<1x16xf32>,
      %get3A_3081 = arith.constant 0 : i32
      %get3A_3082 = arith.constant 0 : i32
      %get3A_3083 = tpu.memref_slice %arg11[%scan3A_1860, %get3A_3081, %get3A_3082] : memref<2x128x64xf32, #tpu.memory_space<vmem>> -> memref<1x128x64xf32, #tpu.memory_space<vmem>>
      %get3A_3084 = tpu.memref_squeeze %get3A_3083 : memref<1x128x64xf32, #tpu.memory_space<vmem>> -> memref<128x64xf32, #tpu.memory_space<vmem>>
      %get3A_3085 = arith.index_cast %scan3A_3003 : i32 to index
      %get3A_3086 = arith.constant 32 : index
      %get3A_3087 = tpu.vector_load %get3A_3084[%get3A_3085, %get3A_3086] {strides = array<i32>} : memref<128x64xf32, #tpu.memory_space<vmem>>, vector<1x16xf32>,
      %get3A_3088 = vector.shape_cast %get3A_3087 : vector<1x16xf32> to vector<16xf32>
      %get3A_3089 = arith.constant 0 : i32
      %get3A_3090 = arith.constant 0 : i32
      %get3A_3091 = tpu.memref_slice %arg12[%scan3A_1861, %get3A_3089, %get3A_3090] : memref<2x128x64xf32, #tpu.memory_space<vmem>> -> memref<1x128x64xf32, #tpu.memory_space<vmem>>
      %get3A_3092 = tpu.memref_squeeze %get3A_3091 : memref<1x128x64xf32, #tpu.memory_space<vmem>> -> memref<128x64xf32, #tpu.memory_space<vmem>>
      %get3A_3093 = arith.index_cast %scan3A_3003 : i32 to index
      %get3A_3094 = arith.constant 32 : index
      %get3A_3095 = tpu.vector_load %get3A_3092[%get3A_3093, %get3A_3094] {strides = array<i32>} : memref<128x64xf32, #tpu.memory_space<vmem>>, vector<1x16xf32>,
      %get3A_3096 = vector.shape_cast %get3A_3095 : vector<1x16xf32> to vector<16xf32>
      %mul3A_3097 = arith.mulf %get3A_3088, %get3A_3096 : vector<16xf32>
      %add3A_3098 = arith.addf %add3A_3061, %mul3A_3097 : vector<16xf32>
      %get3A_3099 = arith.constant 0 : i32
      %get3A_3100 = arith.constant 0 : i32
      %get3A_3101 = tpu.memref_slice %arg13[%scan3A_1862, %get3A_3099, %get3A_3100] : memref<2x128x64xf32, #tpu.memory_space<vmem>> -> memref<1x128x64xf32, #tpu.memory_space<vmem>>
      %get3A_3102 = tpu.memref_squeeze %get3A_3101 : memref<1x128x64xf32, #tpu.memory_space<vmem>> -> memref<128x64xf32, #tpu.memory_space<vmem>>
      %get3A_3103 = arith.index_cast %scan3A_3003 : i32 to index
      %get3A_3104 = arith.constant 32 : index
      %get3A_3105 = tpu.vector_load %get3A_3102[%get3A_3103, %get3A_3104] {strides = array<i32>} : memref<128x64xf32, #tpu.memory_space<vmem>>, vector<1x16xf32>,
      %get3A_3106 = vector.shape_cast %get3A_3105 : vector<1x16xf32> to vector<16xf32>
      %mul3A_3107 = arith.mulf %get3A_3088, %get3A_3106 : vector<16xf32>
      %add3A_3108 = arith.addf %add3A_3071, %mul3A_3107 : vector<16xf32>
      %swap3A_3109 = arith.constant 0 : i32
      %swap3A_3110 = arith.constant 0 : i32
      %swap3A_3111 = tpu.memref_slice %arg13[%scan3A_1862, %swap3A_3109, %swap3A_3110] : memref<2x128x64xf32, #tpu.memory_space<vmem>> -> memref<1x128x64xf32, #tpu.memory_space<vmem>>
      %swap3A_3112 = tpu.memref_squeeze %swap3A_3111 : memref<1x128x64xf32, #tpu.memory_space<vmem>> -> memref<128x64xf32, #tpu.memory_space<vmem>>
      %swap3A_3113 = arith.index_cast %scan3A_3003 : i32 to index
      %swap3A_3114 = arith.constant 32 : index
      %swap3A_3115 = tpu.vector_load %swap3A_3112[%swap3A_3113, %swap3A_3114] {strides = array<i32>} : memref<128x64xf32, #tpu.memory_space<vmem>>, vector<1x16xf32>,
      %swap3A_3116 = vector.shape_cast %swap3A_3115 : vector<1x16xf32> to vector<16xf32>
      %swap3A_3117 = vector.shape_cast %broadcast_in_dim3A_3 : vector<16xf32> to vector<1x16xf32>
      tpu.vector_store %swap3A_3112[%swap3A_3113, %swap3A_3114], %swap3A_3117 {strides = array<i32>} : memref<128x64xf32, #tpu.memory_space<vmem>>, vector<1x16xf32>,
      %get3A_3118 = arith.constant 0 : i32
      %get3A_3119 = arith.constant 0 : i32
      %get3A_3120 = tpu.memref_slice %arg11[%scan3A_1860, %get3A_3118, %get3A_3119] : memref<2x128x64xf32, #tpu.memory_space<vmem>> -> memref<1x128x64xf32, #tpu.memory_space<vmem>>
      %get3A_3121 = tpu.memref_squeeze %get3A_3120 : memref<1x128x64xf32, #tpu.memory_space<vmem>> -> memref<128x64xf32, #tpu.memory_space<vmem>>
      %get3A_3122 = arith.index_cast %scan3A_3003 : i32 to index
      %get3A_3123 = arith.constant 48 : index
      %get3A_3124 = tpu.vector_load %get3A_3121[%get3A_3122, %get3A_3123] {strides = array<i32>} : memref<128x64xf32, #tpu.memory_space<vmem>>, vector<1x16xf32>,
      %get3A_3125 = vector.shape_cast %get3A_3124 : vector<1x16xf32> to vector<16xf32>
      %get3A_3126 = arith.constant 0 : i32
      %get3A_3127 = arith.constant 0 : i32
      %get3A_3128 = tpu.memref_slice %arg12[%scan3A_1861, %get3A_3126, %get3A_3127] : memref<2x128x64xf32, #tpu.memory_space<vmem>> -> memref<1x128x64xf32, #tpu.memory_space<vmem>>
      %get3A_3129 = tpu.memref_squeeze %get3A_3128 : memref<1x128x64xf32, #tpu.memory_space<vmem>> -> memref<128x64xf32, #tpu.memory_space<vmem>>
      %get3A_3130 = arith.index_cast %scan3A_3003 : i32 to index
      %get3A_3131 = arith.constant 48 : index
      %get3A_3132 = tpu.vector_load %get3A_3129[%get3A_3130, %get3A_3131] {strides = array<i32>} : memref<128x64xf32, #tpu.memory_space<vmem>>, vector<1x16xf32>,
      %get3A_3133 = vector.shape_cast %get3A_3132 : vector<1x16xf32> to vector<16xf32>
      %mul3A_3134 = arith.mulf %get3A_3125, %get3A_3133 : vector<16xf32>
      %add3A_3135 = arith.addf %add3A_3098, %mul3A_3134 : vector<16xf32>
      %get3A_3136 = arith.constant 0 : i32
      %get3A_3137 = arith.constant 0 : i32
      %get3A_3138 = tpu.memref_slice %arg13[%scan3A_1862, %get3A_3136, %get3A_3137] : memref<2x128x64xf32, #tpu.memory_space<vmem>> -> memref<1x128x64xf32, #tpu.memory_space<vmem>>
      %get3A_3139 = tpu.memref_squeeze %get3A_3138 : memref<1x128x64xf32, #tpu.memory_space<vmem>> -> memref<128x64xf32, #tpu.memory_space<vmem>>
      %get3A_3140 = arith.index_cast %scan3A_3003 : i32 to index
      %get3A_3141 = arith.constant 48 : index
      %get3A_3142 = tpu.vector_load %get3A_3139[%get3A_3140, %get3A_3141] {strides = array<i32>} : memref<128x64xf32, #tpu.memory_space<vmem>>, vector<1x16xf32>,
      %get3A_3143 = vector.shape_cast %get3A_3142 : vector<1x16xf32> to vector<16xf32>
      %mul3A_3144 = arith.mulf %get3A_3125, %get3A_3143 : vector<16xf32>
      %add3A_3145 = arith.addf %add3A_3108, %mul3A_3144 : vector<16xf32>
      %swap3A_3146 = arith.constant 0 : i32
      %swap3A_3147 = arith.constant 0 : i32
      %swap3A_3148 = tpu.memref_slice %arg13[%scan3A_1862, %swap3A_3146, %swap3A_3147] : memref<2x128x64xf32, #tpu.memory_space<vmem>> -> memref<1x128x64xf32, #tpu.memory_space<vmem>>
      %swap3A_3149 = tpu.memref_squeeze %swap3A_3148 : memref<1x128x64xf32, #tpu.memory_space<vmem>> -> memref<128x64xf32, #tpu.memory_space<vmem>>
      %swap3A_3150 = arith.index_cast %scan3A_3003 : i32 to index
      %swap3A_3151 = arith.constant 48 : index
      %swap3A_3152 = tpu.vector_load %swap3A_3149[%swap3A_3150, %swap3A_3151] {strides = array<i32>} : memref<128x64xf32, #tpu.memory_space<vmem>>, vector<1x16xf32>,
      %swap3A_3153 = vector.shape_cast %swap3A_3152 : vector<1x16xf32> to vector<16xf32>
      %swap3A_3154 = vector.shape_cast %broadcast_in_dim3A_3 : vector<16xf32> to vector<1x16xf32>
      tpu.vector_store %swap3A_3149[%swap3A_3150, %swap3A_3151], %swap3A_3154 {strides = array<i32>} : memref<128x64xf32, #tpu.memory_space<vmem>>, vector<1x16xf32>,
      %mul3A_3155 = arith.constant 2 : i32
      %mul3A_3156 = arith.muli %scan3A_3003, %mul3A_3155 : i32
      %mul3A_3157 = arith.constant 16 : i32
      %mul3A_3158 = arith.muli %mul3A_3156, %mul3A_3157 : i32
      %swap3A_3159 = arith.index_cast %mul3A_3158 : i32 to index
      %swap3A_3160 = tpu.vector_load %arg14[%swap3A_3159] {strides = array<i32>} : memref<4096xf32, #tpu.memory_space<vmem>>, vector<16xf32>,
      %swap3A_3161 = vector.shape_cast %swap3A_3160 : vector<16xf32> to vector<16xf32>
      %swap3A_3162 = vector.shape_cast %add3A_3135 : vector<16xf32> to vector<16xf32>
      tpu.vector_store %arg14[%swap3A_3159], %swap3A_3162 {strides = array<i32>} : memref<4096xf32, #tpu.memory_space<vmem>>, vector<16xf32>,
      %mul3A_3163 = arith.constant 2 : i32
      %mul3A_3164 = arith.muli %scan3A_3003, %mul3A_3163 : i32
      %mul3A_3165 = arith.constant 16 : i32
      %mul3A_3166 = arith.muli %mul3A_3164, %mul3A_3165 : i32
      %add3A_3167 = arith.constant 16 : i32
      %add3A_3168 = arith.addi %mul3A_3166, %add3A_3167 : i32
      %swap3A_3169 = arith.index_cast %add3A_3168 : i32 to index
      %swap3A_3170 = tpu.vector_load %arg14[%swap3A_3169] {strides = array<i32>} : memref<4096xf32, #tpu.memory_space<vmem>>, vector<16xf32>,
      %swap3A_3171 = vector.shape_cast %swap3A_3170 : vector<16xf32> to vector<16xf32>
      %swap3A_3172 = vector.shape_cast %add3A_3145 : vector<16xf32> to vector<16xf32>
      tpu.vector_store %arg14[%swap3A_3169], %swap3A_3172 {strides = array<i32>} : memref<4096xf32, #tpu.memory_space<vmem>>, vector<16xf32>,
      %scan3A_3173 = arith.constant 0 : i32
      scf.yield %scan3A_3173 : i32
    }
    %scan3A_1869 = arith.constant 128 : i32
    %mul3A_1870 = arith.constant 2 : i32
    %mul3A_1871 = arith.muli %add3A_1859, %mul3A_1870 : i32
    %mul3A_1872 = arith.constant 16 : i32
    %mul3A_1873 = arith.muli %mul3A_1871, %mul3A_1872 : i32
    "tpu.region"() ({
      %run_scoped3A_3003 = tpu.sem_alloc : memref<!tpu.dma_semaphore, #tpu.memory_space<semaphore_mem>>
      %dma_start3A_3004 = tpu.memref_slice %arg7[%mul3A_1873] : memref<524288xf32, #tpu.memory_space<hbm>> -> memref<4096xf32, #tpu.memory_space<hbm>>
      %dma_start3A_3005 = tpu.memref_slice %arg7[%mul3A_1873] : memref<524288xf32, #tpu.memory_space<hbm>> -> memref<4096xf32, #tpu.memory_space<hbm>>
      tpu.enqueue_dma source(%arg14 : memref<4096xf32, #tpu.memory_space<vmem>>) target(%dma_start3A_3005 : memref<4096xf32, #tpu.memory_space<hbm>>) target_semaphore(%run_scoped3A_3003 : memref<!tpu.dma_semaphore, #tpu.memory_space<semaphore_mem>>)
      %dma_wait3A_3006 = tpu.memref_slice %arg7[%mul3A_1873] : memref<524288xf32, #tpu.memory_space<hbm>> -> memref<4096xf32, #tpu.memory_space<hbm>>
      %dma_wait3A_3007 = tpu.memref_slice %arg7[%mul3A_1873] : memref<524288xf32, #tpu.memory_space<hbm>> -> memref<4096xf32, #tpu.memory_space<hbm>>
      tpu.wait_dma2 semaphore(%run_scoped3A_3003 : memref<!tpu.dma_semaphore, #tpu.memory_space<semaphore_mem>>) src(%arg14 : memref<4096xf32, #tpu.memory_space<vmem>>) dst(%dma_wait3A_3007 : memref<4096xf32, #tpu.memory_space<hbm>>)
      tpu.yield
    }) : () -> ()
    %add3A_1874 = arith.constant 384 : i32
    %add3A_1875 = arith.addi %mul3A_2, %add3A_1874 : i32
    %run_scoped3A_1876 = arith.constant 1 : i32
    "tpu.region"() ({
      %run_scoped3A_3003 = tpu.sem_alloc : memref<!tpu.dma_semaphore, #tpu.memory_space<semaphore_mem>>
      %dma_start3A_3004 = arith.constant 0 : i32
      %dma_start3A_3005 = tpu.memref_slice %arg8[%run_scoped3A_1876, %dma_start3A_3004] : memref<2x128xi32, #tpu.memory_space<vmem>> -> memref<1x128xi32, #tpu.memory_space<vmem>>
      %dma_start3A_3006 = tpu.memref_squeeze %dma_start3A_3005 : memref<1x128xi32, #tpu.memory_space<vmem>> -> memref<128xi32, #tpu.memory_space<vmem>>
      %dma_start3A_3007 = tpu.memref_slice %arg2[%add3A_1875] : memref<16384xi32, #tpu.memory_space<hbm>> -> memref<128xi32, #tpu.memory_space<hbm>>
      %dma_start3A_3008 = arith.constant 0 : i32
      %dma_start3A_3009 = tpu.memref_slice %arg8[%run_scoped3A_1876, %dma_start3A_3008] : memref<2x128xi32, #tpu.memory_space<vmem>> -> memref<1x128xi32, #tpu.memory_space<vmem>>
      %dma_start3A_3010 = tpu.memref_squeeze %dma_start3A_3009 : memref<1x128xi32, #tpu.memory_space<vmem>> -> memref<128xi32, #tpu.memory_space<vmem>>
      %dma_start3A_3011 = tpu.memref_slice %arg2[%add3A_1875] : memref<16384xi32, #tpu.memory_space<hbm>> -> memref<128xi32, #tpu.memory_space<hbm>>
      tpu.enqueue_dma source(%dma_start3A_3011 : memref<128xi32, #tpu.memory_space<hbm>>) target(%dma_start3A_3010 : memref<128xi32, #tpu.memory_space<vmem>>) target_semaphore(%run_scoped3A_3003 : memref<!tpu.dma_semaphore, #tpu.memory_space<semaphore_mem>>)
      %dma_wait3A_3012 = arith.constant 0 : i32
      %dma_wait3A_3013 = tpu.memref_slice %arg8[%run_scoped3A_1876, %dma_wait3A_3012] : memref<2x128xi32, #tpu.memory_space<vmem>> -> memref<1x128xi32, #tpu.memory_space<vmem>>
      %dma_wait3A_3014 = tpu.memref_squeeze %dma_wait3A_3013 : memref<1x128xi32, #tpu.memory_space<vmem>> -> memref<128xi32, #tpu.memory_space<vmem>>
      %dma_wait3A_3015 = tpu.memref_slice %arg2[%add3A_1875] : memref<16384xi32, #tpu.memory_space<hbm>> -> memref<128xi32, #tpu.memory_space<hbm>>
      %dma_wait3A_3016 = arith.constant 0 : i32
      %dma_wait3A_3017 = tpu.memref_slice %arg8[%run_scoped3A_1876, %dma_wait3A_3016] : memref<2x128xi32, #tpu.memory_space<vmem>> -> memref<1x128xi32, #tpu.memory_space<vmem>>
      %dma_wait3A_3018 = tpu.memref_squeeze %dma_wait3A_3017 : memref<1x128xi32, #tpu.memory_space<vmem>> -> memref<128xi32, #tpu.memory_space<vmem>>
      %dma_wait3A_3019 = tpu.memref_slice %arg2[%add3A_1875] : memref<16384xi32, #tpu.memory_space<hbm>> -> memref<128xi32, #tpu.memory_space<hbm>>
      tpu.wait_dma2 semaphore(%run_scoped3A_3003 : memref<!tpu.dma_semaphore, #tpu.memory_space<semaphore_mem>>) src(%dma_wait3A_3019 : memref<128xi32, #tpu.memory_space<hbm>>) dst(%dma_wait3A_3018 : memref<128xi32, #tpu.memory_space<vmem>>)
      tpu.yield
    }) : () -> ()
    %run_scoped3A_1877 = arith.constant 1 : i32
    "tpu.region"() ({
      %run_scoped3A_3003 = tpu.sem_alloc : memref<!tpu.dma_semaphore, #tpu.memory_space<semaphore_mem>>
      %dma_start3A_3004 = arith.constant 0 : i32
      %dma_start3A_3005 = tpu.memref_slice %arg9[%run_scoped3A_1877, %dma_start3A_3004] : memref<2x128xi32, #tpu.memory_space<vmem>> -> memref<1x128xi32, #tpu.memory_space<vmem>>
      %dma_start3A_3006 = tpu.memref_squeeze %dma_start3A_3005 : memref<1x128xi32, #tpu.memory_space<vmem>> -> memref<128xi32, #tpu.memory_space<vmem>>
      %dma_start3A_3007 = tpu.memref_slice %arg3[%add3A_1875] : memref<16384xi32, #tpu.memory_space<hbm>> -> memref<128xi32, #tpu.memory_space<hbm>>
      %dma_start3A_3008 = arith.constant 0 : i32
      %dma_start3A_3009 = tpu.memref_slice %arg9[%run_scoped3A_1877, %dma_start3A_3008] : memref<2x128xi32, #tpu.memory_space<vmem>> -> memref<1x128xi32, #tpu.memory_space<vmem>>
      %dma_start3A_3010 = tpu.memref_squeeze %dma_start3A_3009 : memref<1x128xi32, #tpu.memory_space<vmem>> -> memref<128xi32, #tpu.memory_space<vmem>>
      %dma_start3A_3011 = tpu.memref_slice %arg3[%add3A_1875] : memref<16384xi32, #tpu.memory_space<hbm>> -> memref<128xi32, #tpu.memory_space<hbm>>
      tpu.enqueue_dma source(%dma_start3A_3011 : memref<128xi32, #tpu.memory_space<hbm>>) target(%dma_start3A_3010 : memref<128xi32, #tpu.memory_space<vmem>>) target_semaphore(%run_scoped3A_3003 : memref<!tpu.dma_semaphore, #tpu.memory_space<semaphore_mem>>)
      %dma_wait3A_3012 = arith.constant 0 : i32
      %dma_wait3A_3013 = tpu.memref_slice %arg9[%run_scoped3A_1877, %dma_wait3A_3012] : memref<2x128xi32, #tpu.memory_space<vmem>> -> memref<1x128xi32, #tpu.memory_space<vmem>>
      %dma_wait3A_3014 = tpu.memref_squeeze %dma_wait3A_3013 : memref<1x128xi32, #tpu.memory_space<vmem>> -> memref<128xi32, #tpu.memory_space<vmem>>
      %dma_wait3A_3015 = tpu.memref_slice %arg3[%add3A_1875] : memref<16384xi32, #tpu.memory_space<hbm>> -> memref<128xi32, #tpu.memory_space<hbm>>
      %dma_wait3A_3016 = arith.constant 0 : i32
      %dma_wait3A_3017 = tpu.memref_slice %arg9[%run_scoped3A_1877, %dma_wait3A_3016] : memref<2x128xi32, #tpu.memory_space<vmem>> -> memref<1x128xi32, #tpu.memory_space<vmem>>
      %dma_wait3A_3018 = tpu.memref_squeeze %dma_wait3A_3017 : memref<1x128xi32, #tpu.memory_space<vmem>> -> memref<128xi32, #tpu.memory_space<vmem>>
      %dma_wait3A_3019 = tpu.memref_slice %arg3[%add3A_1875] : memref<16384xi32, #tpu.memory_space<hbm>> -> memref<128xi32, #tpu.memory_space<hbm>>
      tpu.wait_dma2 semaphore(%run_scoped3A_3003 : memref<!tpu.dma_semaphore, #tpu.memory_space<semaphore_mem>>) src(%dma_wait3A_3019 : memref<128xi32, #tpu.memory_space<hbm>>) dst(%dma_wait3A_3018 : memref<128xi32, #tpu.memory_space<vmem>>)
      tpu.yield
    }) : () -> ()
    %run_scoped3A_1878 = arith.constant 1 : i32
    "tpu.region"() ({
      %run_scoped3A_3003 = tpu.sem_alloc : memref<!tpu.dma_semaphore, #tpu.memory_space<semaphore_mem>>
      %dma_start3A_3004 = arith.constant 0 : i32
      %dma_start3A_3005 = arith.constant 0 : i32
      %dma_start3A_3006 = tpu.memref_slice %arg10[%run_scoped3A_1878, %dma_start3A_3004, %dma_start3A_3005] : memref<2x20x128xi32, #tpu.memory_space<vmem>> -> memref<1x20x128xi32, #tpu.memory_space<vmem>>
      %dma_start3A_3007 = tpu.memref_squeeze %dma_start3A_3006 : memref<1x20x128xi32, #tpu.memory_space<vmem>> -> memref<20x128xi32, #tpu.memory_space<vmem>>
      %dma_start3A_3008 = arith.constant 0 : i32
      %dma_start3A_3009 = tpu.memref_slice %arg4[%dma_start3A_3008, %add3A_1875] : memref<20x16384xi32, #tpu.memory_space<hbm>> -> memref<20x128xi32, #tpu.memory_space<hbm>>
      %dma_start3A_3010 = arith.constant 0 : i32
      %dma_start3A_3011 = arith.constant 0 : i32
      %dma_start3A_3012 = tpu.memref_slice %arg10[%run_scoped3A_1878, %dma_start3A_3010, %dma_start3A_3011] : memref<2x20x128xi32, #tpu.memory_space<vmem>> -> memref<1x20x128xi32, #tpu.memory_space<vmem>>
      %dma_start3A_3013 = tpu.memref_squeeze %dma_start3A_3012 : memref<1x20x128xi32, #tpu.memory_space<vmem>> -> memref<20x128xi32, #tpu.memory_space<vmem>>
      %dma_start3A_3014 = arith.constant 0 : i32
      %dma_start3A_3015 = tpu.memref_slice %arg4[%dma_start3A_3014, %add3A_1875] : memref<20x16384xi32, #tpu.memory_space<hbm>> -> memref<20x128xi32, #tpu.memory_space<hbm>>
      tpu.enqueue_dma source(%dma_start3A_3015 : memref<20x128xi32, #tpu.memory_space<hbm>>) target(%dma_start3A_3013 : memref<20x128xi32, #tpu.memory_space<vmem>>) target_semaphore(%run_scoped3A_3003 : memref<!tpu.dma_semaphore, #tpu.memory_space<semaphore_mem>>)
      %dma_wait3A_3016 = arith.constant 0 : i32
      %dma_wait3A_3017 = arith.constant 0 : i32
      %dma_wait3A_3018 = tpu.memref_slice %arg10[%run_scoped3A_1878, %dma_wait3A_3016, %dma_wait3A_3017] : memref<2x20x128xi32, #tpu.memory_space<vmem>> -> memref<1x20x128xi32, #tpu.memory_space<vmem>>
      %dma_wait3A_3019 = tpu.memref_squeeze %dma_wait3A_3018 : memref<1x20x128xi32, #tpu.memory_space<vmem>> -> memref<20x128xi32, #tpu.memory_space<vmem>>
      %dma_wait3A_3020 = arith.constant 0 : i32
      %dma_wait3A_3021 = tpu.memref_slice %arg4[%dma_wait3A_3020, %add3A_1875] : memref<20x16384xi32, #tpu.memory_space<hbm>> -> memref<20x128xi32, #tpu.memory_space<hbm>>
      %dma_wait3A_3022 = arith.constant 0 : i32
      %dma_wait3A_3023 = arith.constant 0 : i32
      %dma_wait3A_3024 = tpu.memref_slice %arg10[%run_scoped3A_1878, %dma_wait3A_3022, %dma_wait3A_3023] : memref<2x20x128xi32, #tpu.memory_space<vmem>> -> memref<1x20x128xi32, #tpu.memory_space<vmem>>
      %dma_wait3A_3025 = tpu.memref_squeeze %dma_wait3A_3024 : memref<1x20x128xi32, #tpu.memory_space<vmem>> -> memref<20x128xi32, #tpu.memory_space<vmem>>
      %dma_wait3A_3026 = arith.constant 0 : i32
      %dma_wait3A_3027 = tpu.memref_slice %arg4[%dma_wait3A_3026, %add3A_1875] : memref<20x16384xi32, #tpu.memory_space<hbm>> -> memref<20x128xi32, #tpu.memory_space<hbm>>
      tpu.wait_dma2 semaphore(%run_scoped3A_3003 : memref<!tpu.dma_semaphore, #tpu.memory_space<semaphore_mem>>) src(%dma_wait3A_3027 : memref<20x128xi32, #tpu.memory_space<hbm>>) dst(%dma_wait3A_3025 : memref<20x128xi32, #tpu.memory_space<vmem>>)
      tpu.yield
    }) : () -> ()
    %dma_start3A_1879 = arith.constant 1 : i32
    %dma_start3A_1880 = arith.constant 1 : i32
    %dma_start3A_1881 = arith.constant 0 : i32
    %dma_start3A_1882 = arith.constant 0 : i32
    %dma_start3A_1883 = tpu.memref_slice %arg11[%dma_start3A_1880, %dma_start3A_1881, %dma_start3A_1882] : memref<2x128x64xf32, #tpu.memory_space<vmem>> -> memref<1x128x64xf32, #tpu.memory_space<vmem>>
    %dma_start3A_1884 = tpu.memref_squeeze %dma_start3A_1883 : memref<1x128x64xf32, #tpu.memory_space<vmem>> -> memref<128x64xf32, #tpu.memory_space<vmem>>
    %dma_start3A_1885 = arith.constant 0 : i32
    %dma_start3A_1886 = tpu.memref_slice %arg8[%dma_start3A_1879, %dma_start3A_1885] : memref<2x128xi32, #tpu.memory_space<vmem>> -> memref<1x128xi32, #tpu.memory_space<vmem>>
    %dma_start3A_1887 = tpu.memref_squeeze %dma_start3A_1886 : memref<1x128xi32, #tpu.memory_space<vmem>> -> memref<128xi32, #tpu.memory_space<vmem>>
    %dma_start3A_1888 = arith.constant 0 : i32
    %dma_start3A_1889 = arith.constant 0 : i32
    %dma_start3A_1890 = tpu.memref_slice %arg5[%dma_start3A_1888, %dma_start3A_1889] : memref<1000000x64xf32, #tpu.memory_space<hbm>> -> memref<1000000x64xf32, #tpu.memory_space<hbm>>
    tpu.enqueue_indirect_dma source(%dma_start3A_1890 : memref<1000000x64xf32, #tpu.memory_space<hbm>>) target(%dma_start3A_1884 : memref<128x64xf32, #tpu.memory_space<vmem>>) offsets(%dma_start3A_1887 : memref<128xi32, #tpu.memory_space<vmem>>) semaphore(%arg16 : memref<!tpu.dma_semaphore, #tpu.memory_space<semaphore_mem>>)
    %dma_start3A_1891 = arith.constant 1 : i32
    %dma_start3A_1892 = arith.constant 1 : i32
    %dma_start3A_1893 = arith.constant 0 : i32
    %dma_start3A_1894 = arith.constant 0 : i32
    %dma_start3A_1895 = tpu.memref_slice %arg12[%dma_start3A_1892, %dma_start3A_1893, %dma_start3A_1894] : memref<2x128x64xf32, #tpu.memory_space<vmem>> -> memref<1x128x64xf32, #tpu.memory_space<vmem>>
    %dma_start3A_1896 = tpu.memref_squeeze %dma_start3A_1895 : memref<1x128x64xf32, #tpu.memory_space<vmem>> -> memref<128x64xf32, #tpu.memory_space<vmem>>
    %dma_start3A_1897 = arith.constant 0 : i32
    %dma_start3A_1898 = tpu.memref_slice %arg9[%dma_start3A_1891, %dma_start3A_1897] : memref<2x128xi32, #tpu.memory_space<vmem>> -> memref<1x128xi32, #tpu.memory_space<vmem>>
    %dma_start3A_1899 = tpu.memref_squeeze %dma_start3A_1898 : memref<1x128xi32, #tpu.memory_space<vmem>> -> memref<128xi32, #tpu.memory_space<vmem>>
    %dma_start3A_1900 = arith.constant 0 : i32
    %dma_start3A_1901 = arith.constant 0 : i32
    %dma_start3A_1902 = tpu.memref_slice %arg6[%dma_start3A_1900, %dma_start3A_1901] : memref<1000000x64xf32, #tpu.memory_space<hbm>> -> memref<1000000x64xf32, #tpu.memory_space<hbm>>
    tpu.enqueue_indirect_dma source(%dma_start3A_1902 : memref<1000000x64xf32, #tpu.memory_space<hbm>>) target(%dma_start3A_1896 : memref<128x64xf32, #tpu.memory_space<vmem>>) offsets(%dma_start3A_1899 : memref<128xi32, #tpu.memory_space<vmem>>) semaphore(%arg16 : memref<!tpu.dma_semaphore, #tpu.memory_space<semaphore_mem>>)
    %dma_start3A_1903 = arith.constant 1 : i32
    %dma_start3A_1904 = arith.constant 0 : i32
    %dma_start3A_1905 = arith.constant 1 : i32
    %dma_start3A_1906 = arith.constant 0 : i32
    %dma_start3A_1907 = arith.constant 0 : i32
    %dma_start3A_1908 = tpu.memref_slice %arg13[%dma_start3A_1905, %dma_start3A_1906, %dma_start3A_1907] : memref<2x128x64xf32, #tpu.memory_space<vmem>> -> memref<1x128x64xf32, #tpu.memory_space<vmem>>
    %dma_start3A_1909 = tpu.memref_squeeze %dma_start3A_1908 : memref<1x128x64xf32, #tpu.memory_space<vmem>> -> memref<128x64xf32, #tpu.memory_space<vmem>>
    %dma_start3A_1910 = arith.constant 0 : i32
    %dma_start3A_1911 = arith.constant 0 : i32
    %dma_start3A_1912 = tpu.memref_slice %arg10[%dma_start3A_1903, %dma_start3A_1910, %dma_start3A_1911] : memref<2x20x128xi32, #tpu.memory_space<vmem>> -> memref<1x20x128xi32, #tpu.memory_space<vmem>>
    %dma_start3A_1913 = tpu.memref_squeeze %dma_start3A_1912 : memref<1x20x128xi32, #tpu.memory_space<vmem>> -> memref<20x128xi32, #tpu.memory_space<vmem>>
    %dma_start3A_1914 = arith.constant 0 : i32
    %dma_start3A_1915 = tpu.memref_slice %dma_start3A_1913[%dma_start3A_1904, %dma_start3A_1914] : memref<20x128xi32, #tpu.memory_space<vmem>> -> memref<1x128xi32, #tpu.memory_space<vmem>>
    %dma_start3A_1916 = tpu.memref_squeeze %dma_start3A_1915 : memref<1x128xi32, #tpu.memory_space<vmem>> -> memref<128xi32, #tpu.memory_space<vmem>>
    %dma_start3A_1917 = arith.constant 0 : i32
    %dma_start3A_1918 = arith.constant 0 : i32
    %dma_start3A_1919 = tpu.memref_slice %arg6[%dma_start3A_1917, %dma_start3A_1918] : memref<1000000x64xf32, #tpu.memory_space<hbm>> -> memref<1000000x64xf32, #tpu.memory_space<hbm>>
    tpu.enqueue_indirect_dma source(%dma_start3A_1919 : memref<1000000x64xf32, #tpu.memory_space<hbm>>) target(%dma_start3A_1909 : memref<128x64xf32, #tpu.memory_space<vmem>>) offsets(%dma_start3A_1916 : memref<128xi32, #tpu.memory_space<vmem>>) semaphore(%arg16 : memref<!tpu.dma_semaphore, #tpu.memory_space<semaphore_mem>>) {add = true}
    %dma_start3A_1920 = arith.constant 1 : i32
    %dma_start3A_1921 = arith.constant 1 : i32
    %dma_start3A_1922 = arith.constant 1 : i32
    %dma_start3A_1923 = arith.constant 0 : i32
    %dma_start3A_1924 = arith.constant 0 : i32
    %dma_start3A_1925 = tpu.memref_slice %arg13[%dma_start3A_1922, %dma_start3A_1923, %dma_start3A_1924] : memref<2x128x64xf32, #tpu.memory_space<vmem>> -> memref<1x128x64xf32, #tpu.memory_space<vmem>>
    %dma_start3A_1926 = tpu.memref_squeeze %dma_start3A_1925 : memref<1x128x64xf32, #tpu.memory_space<vmem>> -> memref<128x64xf32, #tpu.memory_space<vmem>>
    %dma_start3A_1927 = arith.constant 0 : i32
    %dma_start3A_1928 = arith.constant 0 : i32
    %dma_start3A_1929 = tpu.memref_slice %arg10[%dma_start3A_1920, %dma_start3A_1927, %dma_start3A_1928] : memref<2x20x128xi32, #tpu.memory_space<vmem>> -> memref<1x20x128xi32, #tpu.memory_space<vmem>>
    %dma_start3A_1930 = tpu.memref_squeeze %dma_start3A_1929 : memref<1x20x128xi32, #tpu.memory_space<vmem>> -> memref<20x128xi32, #tpu.memory_space<vmem>>
    %dma_start3A_1931 = arith.constant 0 : i32
    %dma_start3A_1932 = tpu.memref_slice %dma_start3A_1930[%dma_start3A_1921, %dma_start3A_1931] : memref<20x128xi32, #tpu.memory_space<vmem>> -> memref<1x128xi32, #tpu.memory_space<vmem>>
    %dma_start3A_1933 = tpu.memref_squeeze %dma_start3A_1932 : memref<1x128xi32, #tpu.memory_space<vmem>> -> memref<128xi32, #tpu.memory_space<vmem>>
    %dma_start3A_1934 = arith.constant 0 : i32
    %dma_start3A_1935 = arith.constant 0 : i32
    %dma_start3A_1936 = tpu.memref_slice %arg6[%dma_start3A_1934, %dma_start3A_1935] : memref<1000000x64xf32, #tpu.memory_space<hbm>> -> memref<1000000x64xf32, #tpu.memory_space<hbm>>
    tpu.enqueue_indirect_dma source(%dma_start3A_1936 : memref<1000000x64xf32, #tpu.memory_space<hbm>>) target(%dma_start3A_1926 : memref<128x64xf32, #tpu.memory_space<vmem>>) offsets(%dma_start3A_1933 : memref<128xi32, #tpu.memory_space<vmem>>) semaphore(%arg16 : memref<!tpu.dma_semaphore, #tpu.memory_space<semaphore_mem>>) {add = true}
    %dma_start3A_1937 = arith.constant 1 : i32
    %dma_start3A_1938 = arith.constant 2 : i32
    %dma_start3A_1939 = arith.constant 1 : i32
    %dma_start3A_1940 = arith.constant 0 : i32
    %dma_start3A_1941 = arith.constant 0 : i32
    %dma_start3A_1942 = tpu.memref_slice %arg13[%dma_start3A_1939, %dma_start3A_1940, %dma_start3A_1941] : memref<2x128x64xf32, #tpu.memory_space<vmem>> -> memref<1x128x64xf32, #tpu.memory_space<vmem>>
    %dma_start3A_1943 = tpu.memref_squeeze %dma_start3A_1942 : memref<1x128x64xf32, #tpu.memory_space<vmem>> -> memref<128x64xf32, #tpu.memory_space<vmem>>
    %dma_start3A_1944 = arith.constant 0 : i32
    %dma_start3A_1945 = arith.constant 0 : i32
    %dma_start3A_1946 = tpu.memref_slice %arg10[%dma_start3A_1937, %dma_start3A_1944, %dma_start3A_1945] : memref<2x20x128xi32, #tpu.memory_space<vmem>> -> memref<1x20x128xi32, #tpu.memory_space<vmem>>
    %dma_start3A_1947 = tpu.memref_squeeze %dma_start3A_1946 : memref<1x20x128xi32, #tpu.memory_space<vmem>> -> memref<20x128xi32, #tpu.memory_space<vmem>>
    %dma_start3A_1948 = arith.constant 0 : i32
    %dma_start3A_1949 = tpu.memref_slice %dma_start3A_1947[%dma_start3A_1938, %dma_start3A_1948] : memref<20x128xi32, #tpu.memory_space<vmem>> -> memref<1x128xi32, #tpu.memory_space<vmem>>
    %dma_start3A_1950 = tpu.memref_squeeze %dma_start3A_1949 : memref<1x128xi32, #tpu.memory_space<vmem>> -> memref<128xi32, #tpu.memory_space<vmem>>
    %dma_start3A_1951 = arith.constant 0 : i32
    %dma_start3A_1952 = arith.constant 0 : i32
    %dma_start3A_1953 = tpu.memref_slice %arg6[%dma_start3A_1951, %dma_start3A_1952] : memref<1000000x64xf32, #tpu.memory_space<hbm>> -> memref<1000000x64xf32, #tpu.memory_space<hbm>>
    tpu.enqueue_indirect_dma source(%dma_start3A_1953 : memref<1000000x64xf32, #tpu.memory_space<hbm>>) target(%dma_start3A_1943 : memref<128x64xf32, #tpu.memory_space<vmem>>) offsets(%dma_start3A_1950 : memref<128xi32, #tpu.memory_space<vmem>>) semaphore(%arg16 : memref<!tpu.dma_semaphore, #tpu.memory_space<semaphore_mem>>) {add = true}
    %dma_start3A_1954 = arith.constant 1 : i32
    %dma_start3A_1955 = arith.constant 3 : i32
    %dma_start3A_1956 = arith.constant 1 : i32
    %dma_start3A_1957 = arith.constant 0 : i32
    %dma_start3A_1958 = arith.constant 0 : i32
    %dma_start3A_1959 = tpu.memref_slice %arg13[%dma_start3A_1956, %dma_start3A_1957, %dma_start3A_1958] : memref<2x128x64xf32, #tpu.memory_space<vmem>> -> memref<1x128x64xf32, #tpu.memory_space<vmem>>
    %dma_start3A_1960 = tpu.memref_squeeze %dma_start3A_1959 : memref<1x128x64xf32, #tpu.memory_space<vmem>> -> memref<128x64xf32, #tpu.memory_space<vmem>>
    %dma_start3A_1961 = arith.constant 0 : i32
    %dma_start3A_1962 = arith.constant 0 : i32
    %dma_start3A_1963 = tpu.memref_slice %arg10[%dma_start3A_1954, %dma_start3A_1961, %dma_start3A_1962] : memref<2x20x128xi32, #tpu.memory_space<vmem>> -> memref<1x20x128xi32, #tpu.memory_space<vmem>>
    %dma_start3A_1964 = tpu.memref_squeeze %dma_start3A_1963 : memref<1x20x128xi32, #tpu.memory_space<vmem>> -> memref<20x128xi32, #tpu.memory_space<vmem>>
    %dma_start3A_1965 = arith.constant 0 : i32
    %dma_start3A_1966 = tpu.memref_slice %dma_start3A_1964[%dma_start3A_1955, %dma_start3A_1965] : memref<20x128xi32, #tpu.memory_space<vmem>> -> memref<1x128xi32, #tpu.memory_space<vmem>>
    %dma_start3A_1967 = tpu.memref_squeeze %dma_start3A_1966 : memref<1x128xi32, #tpu.memory_space<vmem>> -> memref<128xi32, #tpu.memory_space<vmem>>
    %dma_start3A_1968 = arith.constant 0 : i32
    %dma_start3A_1969 = arith.constant 0 : i32
    %dma_start3A_1970 = tpu.memref_slice %arg6[%dma_start3A_1968, %dma_start3A_1969] : memref<1000000x64xf32, #tpu.memory_space<hbm>> -> memref<1000000x64xf32, #tpu.memory_space<hbm>>
    tpu.enqueue_indirect_dma source(%dma_start3A_1970 : memref<1000000x64xf32, #tpu.memory_space<hbm>>) target(%dma_start3A_1960 : memref<128x64xf32, #tpu.memory_space<vmem>>) offsets(%dma_start3A_1967 : memref<128xi32, #tpu.memory_space<vmem>>) semaphore(%arg16 : memref<!tpu.dma_semaphore, #tpu.memory_space<semaphore_mem>>) {add = true}
    %dma_start3A_1971 = arith.constant 1 : i32
    %dma_start3A_1972 = arith.constant 4 : i32
    %dma_start3A_1973 = arith.constant 1 : i32
    %dma_start3A_1974 = arith.constant 0 : i32
    %dma_start3A_1975 = arith.constant 0 : i32
    %dma_start3A_1976 = tpu.memref_slice %arg13[%dma_start3A_1973, %dma_start3A_1974, %dma_start3A_1975] : memref<2x128x64xf32, #tpu.memory_space<vmem>> -> memref<1x128x64xf32, #tpu.memory_space<vmem>>
    %dma_start3A_1977 = tpu.memref_squeeze %dma_start3A_1976 : memref<1x128x64xf32, #tpu.memory_space<vmem>> -> memref<128x64xf32, #tpu.memory_space<vmem>>
    %dma_start3A_1978 = arith.constant 0 : i32
    %dma_start3A_1979 = arith.constant 0 : i32
    %dma_start3A_1980 = tpu.memref_slice %arg10[%dma_start3A_1971, %dma_start3A_1978, %dma_start3A_1979] : memref<2x20x128xi32, #tpu.memory_space<vmem>> -> memref<1x20x128xi32, #tpu.memory_space<vmem>>
    %dma_start3A_1981 = tpu.memref_squeeze %dma_start3A_1980 : memref<1x20x128xi32, #tpu.memory_space<vmem>> -> memref<20x128xi32, #tpu.memory_space<vmem>>
    %dma_start3A_1982 = arith.constant 0 : i32
    %dma_start3A_1983 = tpu.memref_slice %dma_start3A_1981[%dma_start3A_1972, %dma_start3A_1982] : memref<20x128xi32, #tpu.memory_space<vmem>> -> memref<1x128xi32, #tpu.memory_space<vmem>>
    %dma_start3A_1984 = tpu.memref_squeeze %dma_start3A_1983 : memref<1x128xi32, #tpu.memory_space<vmem>> -> memref<128xi32, #tpu.memory_space<vmem>>
    %dma_start3A_1985 = arith.constant 0 : i32
    %dma_start3A_1986 = arith.constant 0 : i32
    %dma_start3A_1987 = tpu.memref_slice %arg6[%dma_start3A_1985, %dma_start3A_1986] : memref<1000000x64xf32, #tpu.memory_space<hbm>> -> memref<1000000x64xf32, #tpu.memory_space<hbm>>
    tpu.enqueue_indirect_dma source(%dma_start3A_1987 : memref<1000000x64xf32, #tpu.memory_space<hbm>>) target(%dma_start3A_1977 : memref<128x64xf32, #tpu.memory_space<vmem>>) offsets(%dma_start3A_1984 : memref<128xi32, #tpu.memory_space<vmem>>) semaphore(%arg16 : memref<!tpu.dma_semaphore, #tpu.memory_space<semaphore_mem>>) {add = true}
    %dma_start3A_1988 = arith.constant 1 : i32
    %dma_start3A_1989 = arith.constant 5 : i32
    %dma_start3A_1990 = arith.constant 1 : i32
    %dma_start3A_1991 = arith.constant 0 : i32
    %dma_start3A_1992 = arith.constant 0 : i32
    %dma_start3A_1993 = tpu.memref_slice %arg13[%dma_start3A_1990, %dma_start3A_1991, %dma_start3A_1992] : memref<2x128x64xf32, #tpu.memory_space<vmem>> -> memref<1x128x64xf32, #tpu.memory_space<vmem>>
    %dma_start3A_1994 = tpu.memref_squeeze %dma_start3A_1993 : memref<1x128x64xf32, #tpu.memory_space<vmem>> -> memref<128x64xf32, #tpu.memory_space<vmem>>
    %dma_start3A_1995 = arith.constant 0 : i32
    %dma_start3A_1996 = arith.constant 0 : i32
    %dma_start3A_1997 = tpu.memref_slice %arg10[%dma_start3A_1988, %dma_start3A_1995, %dma_start3A_1996] : memref<2x20x128xi32, #tpu.memory_space<vmem>> -> memref<1x20x128xi32, #tpu.memory_space<vmem>>
    %dma_start3A_1998 = tpu.memref_squeeze %dma_start3A_1997 : memref<1x20x128xi32, #tpu.memory_space<vmem>> -> memref<20x128xi32, #tpu.memory_space<vmem>>
    %dma_start3A_1999 = arith.constant 0 : i32
    %dma_start3A_2000 = tpu.memref_slice %dma_start3A_1998[%dma_start3A_1989, %dma_start3A_1999] : memref<20x128xi32, #tpu.memory_space<vmem>> -> memref<1x128xi32, #tpu.memory_space<vmem>>
    %dma_start3A_2001 = tpu.memref_squeeze %dma_start3A_2000 : memref<1x128xi32, #tpu.memory_space<vmem>> -> memref<128xi32, #tpu.memory_space<vmem>>
    %dma_start3A_2002 = arith.constant 0 : i32
    %dma_start3A_2003 = arith.constant 0 : i32
    %dma_start3A_2004 = tpu.memref_slice %arg6[%dma_start3A_2002, %dma_start3A_2003] : memref<1000000x64xf32, #tpu.memory_space<hbm>> -> memref<1000000x64xf32, #tpu.memory_space<hbm>>
    tpu.enqueue_indirect_dma source(%dma_start3A_2004 : memref<1000000x64xf32, #tpu.memory_space<hbm>>) target(%dma_start3A_1994 : memref<128x64xf32, #tpu.memory_space<vmem>>) offsets(%dma_start3A_2001 : memref<128xi32, #tpu.memory_space<vmem>>) semaphore(%arg16 : memref<!tpu.dma_semaphore, #tpu.memory_space<semaphore_mem>>) {add = true}
    %dma_start3A_2005 = arith.constant 1 : i32
    %dma_start3A_2006 = arith.constant 6 : i32
    %dma_start3A_2007 = arith.constant 1 : i32
    %dma_start3A_2008 = arith.constant 0 : i32
    %dma_start3A_2009 = arith.constant 0 : i32
    %dma_start3A_2010 = tpu.memref_slice %arg13[%dma_start3A_2007, %dma_start3A_2008, %dma_start3A_2009] : memref<2x128x64xf32, #tpu.memory_space<vmem>> -> memref<1x128x64xf32, #tpu.memory_space<vmem>>
    %dma_start3A_2011 = tpu.memref_squeeze %dma_start3A_2010 : memref<1x128x64xf32, #tpu.memory_space<vmem>> -> memref<128x64xf32, #tpu.memory_space<vmem>>
    %dma_start3A_2012 = arith.constant 0 : i32
    %dma_start3A_2013 = arith.constant 0 : i32
    %dma_start3A_2014 = tpu.memref_slice %arg10[%dma_start3A_2005, %dma_start3A_2012, %dma_start3A_2013] : memref<2x20x128xi32, #tpu.memory_space<vmem>> -> memref<1x20x128xi32, #tpu.memory_space<vmem>>
    %dma_start3A_2015 = tpu.memref_squeeze %dma_start3A_2014 : memref<1x20x128xi32, #tpu.memory_space<vmem>> -> memref<20x128xi32, #tpu.memory_space<vmem>>
    %dma_start3A_2016 = arith.constant 0 : i32
    %dma_start3A_2017 = tpu.memref_slice %dma_start3A_2015[%dma_start3A_2006, %dma_start3A_2016] : memref<20x128xi32, #tpu.memory_space<vmem>> -> memref<1x128xi32, #tpu.memory_space<vmem>>
    %dma_start3A_2018 = tpu.memref_squeeze %dma_start3A_2017 : memref<1x128xi32, #tpu.memory_space<vmem>> -> memref<128xi32, #tpu.memory_space<vmem>>
    %dma_start3A_2019 = arith.constant 0 : i32
    %dma_start3A_2020 = arith.constant 0 : i32
    %dma_start3A_2021 = tpu.memref_slice %arg6[%dma_start3A_2019, %dma_start3A_2020] : memref<1000000x64xf32, #tpu.memory_space<hbm>> -> memref<1000000x64xf32, #tpu.memory_space<hbm>>
    tpu.enqueue_indirect_dma source(%dma_start3A_2021 : memref<1000000x64xf32, #tpu.memory_space<hbm>>) target(%dma_start3A_2011 : memref<128x64xf32, #tpu.memory_space<vmem>>) offsets(%dma_start3A_2018 : memref<128xi32, #tpu.memory_space<vmem>>) semaphore(%arg16 : memref<!tpu.dma_semaphore, #tpu.memory_space<semaphore_mem>>) {add = true}
    %dma_start3A_2022 = arith.constant 1 : i32
    %dma_start3A_2023 = arith.constant 7 : i32
    %dma_start3A_2024 = arith.constant 1 : i32
    %dma_start3A_2025 = arith.constant 0 : i32
    %dma_start3A_2026 = arith.constant 0 : i32
    %dma_start3A_2027 = tpu.memref_slice %arg13[%dma_start3A_2024, %dma_start3A_2025, %dma_start3A_2026] : memref<2x128x64xf32, #tpu.memory_space<vmem>> -> memref<1x128x64xf32, #tpu.memory_space<vmem>>
    %dma_start3A_2028 = tpu.memref_squeeze %dma_start3A_2027 : memref<1x128x64xf32, #tpu.memory_space<vmem>> -> memref<128x64xf32, #tpu.memory_space<vmem>>
    %dma_start3A_2029 = arith.constant 0 : i32
    %dma_start3A_2030 = arith.constant 0 : i32
    %dma_start3A_2031 = tpu.memref_slice %arg10[%dma_start3A_2022, %dma_start3A_2029, %dma_start3A_2030] : memref<2x20x128xi32, #tpu.memory_space<vmem>> -> memref<1x20x128xi32, #tpu.memory_space<vmem>>
    %dma_start3A_2032 = tpu.memref_squeeze %dma_start3A_2031 : memref<1x20x128xi32, #tpu.memory_space<vmem>> -> memref<20x128xi32, #tpu.memory_space<vmem>>
    %dma_start3A_2033 = arith.constant 0 : i32
    %dma_start3A_2034 = tpu.memref_slice %dma_start3A_2032[%dma_start3A_2023, %dma_start3A_2033] : memref<20x128xi32, #tpu.memory_space<vmem>> -> memref<1x128xi32, #tpu.memory_space<vmem>>
    %dma_start3A_2035 = tpu.memref_squeeze %dma_start3A_2034 : memref<1x128xi32, #tpu.memory_space<vmem>> -> memref<128xi32, #tpu.memory_space<vmem>>
    %dma_start3A_2036 = arith.constant 0 : i32
    %dma_start3A_2037 = arith.constant 0 : i32
    %dma_start3A_2038 = tpu.memref_slice %arg6[%dma_start3A_2036, %dma_start3A_2037] : memref<1000000x64xf32, #tpu.memory_space<hbm>> -> memref<1000000x64xf32, #tpu.memory_space<hbm>>
    tpu.enqueue_indirect_dma source(%dma_start3A_2038 : memref<1000000x64xf32, #tpu.memory_space<hbm>>) target(%dma_start3A_2028 : memref<128x64xf32, #tpu.memory_space<vmem>>) offsets(%dma_start3A_2035 : memref<128xi32, #tpu.memory_space<vmem>>) semaphore(%arg16 : memref<!tpu.dma_semaphore, #tpu.memory_space<semaphore_mem>>) {add = true}
    %dma_start3A_2039 = arith.constant 1 : i32
    %dma_start3A_2040 = arith.constant 8 : i32
    %dma_start3A_2041 = arith.constant 1 : i32
    %dma_start3A_2042 = arith.constant 0 : i32
    %dma_start3A_2043 = arith.constant 0 : i32
    %dma_start3A_2044 = tpu.memref_slice %arg13[%dma_start3A_2041, %dma_start3A_2042, %dma_start3A_2043] : memref<2x128x64xf32, #tpu.memory_space<vmem>> -> memref<1x128x64xf32, #tpu.memory_space<vmem>>
    %dma_start3A_2045 = tpu.memref_squeeze %dma_start3A_2044 : memref<1x128x64xf32, #tpu.memory_space<vmem>> -> memref<128x64xf32, #tpu.memory_space<vmem>>
    %dma_start3A_2046 = arith.constant 0 : i32
    %dma_start3A_2047 = arith.constant 0 : i32
    %dma_start3A_2048 = tpu.memref_slice %arg10[%dma_start3A_2039, %dma_start3A_2046, %dma_start3A_2047] : memref<2x20x128xi32, #tpu.memory_space<vmem>> -> memref<1x20x128xi32, #tpu.memory_space<vmem>>
    %dma_start3A_2049 = tpu.memref_squeeze %dma_start3A_2048 : memref<1x20x128xi32, #tpu.memory_space<vmem>> -> memref<20x128xi32, #tpu.memory_space<vmem>>
    %dma_start3A_2050 = arith.constant 0 : i32
    %dma_start3A_2051 = tpu.memref_slice %dma_start3A_2049[%dma_start3A_2040, %dma_start3A_2050] : memref<20x128xi32, #tpu.memory_space<vmem>> -> memref<1x128xi32, #tpu.memory_space<vmem>>
    %dma_start3A_2052 = tpu.memref_squeeze %dma_start3A_2051 : memref<1x128xi32, #tpu.memory_space<vmem>> -> memref<128xi32, #tpu.memory_space<vmem>>
    %dma_start3A_2053 = arith.constant 0 : i32
    %dma_start3A_2054 = arith.constant 0 : i32
    %dma_start3A_2055 = tpu.memref_slice %arg6[%dma_start3A_2053, %dma_start3A_2054] : memref<1000000x64xf32, #tpu.memory_space<hbm>> -> memref<1000000x64xf32, #tpu.memory_space<hbm>>
    tpu.enqueue_indirect_dma source(%dma_start3A_2055 : memref<1000000x64xf32, #tpu.memory_space<hbm>>) target(%dma_start3A_2045 : memref<128x64xf32, #tpu.memory_space<vmem>>) offsets(%dma_start3A_2052 : memref<128xi32, #tpu.memory_space<vmem>>) semaphore(%arg16 : memref<!tpu.dma_semaphore, #tpu.memory_space<semaphore_mem>>) {add = true}
    %dma_start3A_2056 = arith.constant 1 : i32
    %dma_start3A_2057 = arith.constant 9 : i32
    %dma_start3A_2058 = arith.constant 1 : i32
    %dma_start3A_2059 = arith.constant 0 : i32
    %dma_start3A_2060 = arith.constant 0 : i32
    %dma_start3A_2061 = tpu.memref_slice %arg13[%dma_start3A_2058, %dma_start3A_2059, %dma_start3A_2060] : memref<2x128x64xf32, #tpu.memory_space<vmem>> -> memref<1x128x64xf32, #tpu.memory_space<vmem>>
    %dma_start3A_2062 = tpu.memref_squeeze %dma_start3A_2061 : memref<1x128x64xf32, #tpu.memory_space<vmem>> -> memref<128x64xf32, #tpu.memory_space<vmem>>
    %dma_start3A_2063 = arith.constant 0 : i32
    %dma_start3A_2064 = arith.constant 0 : i32
    %dma_start3A_2065 = tpu.memref_slice %arg10[%dma_start3A_2056, %dma_start3A_2063, %dma_start3A_2064] : memref<2x20x128xi32, #tpu.memory_space<vmem>> -> memref<1x20x128xi32, #tpu.memory_space<vmem>>
    %dma_start3A_2066 = tpu.memref_squeeze %dma_start3A_2065 : memref<1x20x128xi32, #tpu.memory_space<vmem>> -> memref<20x128xi32, #tpu.memory_space<vmem>>
    %dma_start3A_2067 = arith.constant 0 : i32
    %dma_start3A_2068 = tpu.memref_slice %dma_start3A_2066[%dma_start3A_2057, %dma_start3A_2067] : memref<20x128xi32, #tpu.memory_space<vmem>> -> memref<1x128xi32, #tpu.memory_space<vmem>>
    %dma_start3A_2069 = tpu.memref_squeeze %dma_start3A_2068 : memref<1x128xi32, #tpu.memory_space<vmem>> -> memref<128xi32, #tpu.memory_space<vmem>>
    %dma_start3A_2070 = arith.constant 0 : i32
    %dma_start3A_2071 = arith.constant 0 : i32
    %dma_start3A_2072 = tpu.memref_slice %arg6[%dma_start3A_2070, %dma_start3A_2071] : memref<1000000x64xf32, #tpu.memory_space<hbm>> -> memref<1000000x64xf32, #tpu.memory_space<hbm>>
    tpu.enqueue_indirect_dma source(%dma_start3A_2072 : memref<1000000x64xf32, #tpu.memory_space<hbm>>) target(%dma_start3A_2062 : memref<128x64xf32, #tpu.memory_space<vmem>>) offsets(%dma_start3A_2069 : memref<128xi32, #tpu.memory_space<vmem>>) semaphore(%arg16 : memref<!tpu.dma_semaphore, #tpu.memory_space<semaphore_mem>>) {add = true}
    %dma_start3A_2073 = arith.constant 1 : i32
    %dma_start3A_2074 = arith.constant 10 : i32
    %dma_start3A_2075 = arith.constant 1 : i32
    %dma_start3A_2076 = arith.constant 0 : i32
    %dma_start3A_2077 = arith.constant 0 : i32
    %dma_start3A_2078 = tpu.memref_slice %arg13[%dma_start3A_2075, %dma_start3A_2076, %dma_start3A_2077] : memref<2x128x64xf32, #tpu.memory_space<vmem>> -> memref<1x128x64xf32, #tpu.memory_space<vmem>>
    %dma_start3A_2079 = tpu.memref_squeeze %dma_start3A_2078 : memref<1x128x64xf32, #tpu.memory_space<vmem>> -> memref<128x64xf32, #tpu.memory_space<vmem>>
    %dma_start3A_2080 = arith.constant 0 : i32
    %dma_start3A_2081 = arith.constant 0 : i32
    %dma_start3A_2082 = tpu.memref_slice %arg10[%dma_start3A_2073, %dma_start3A_2080, %dma_start3A_2081] : memref<2x20x128xi32, #tpu.memory_space<vmem>> -> memref<1x20x128xi32, #tpu.memory_space<vmem>>
    %dma_start3A_2083 = tpu.memref_squeeze %dma_start3A_2082 : memref<1x20x128xi32, #tpu.memory_space<vmem>> -> memref<20x128xi32, #tpu.memory_space<vmem>>
    %dma_start3A_2084 = arith.constant 0 : i32
    %dma_start3A_2085 = tpu.memref_slice %dma_start3A_2083[%dma_start3A_2074, %dma_start3A_2084] : memref<20x128xi32, #tpu.memory_space<vmem>> -> memref<1x128xi32, #tpu.memory_space<vmem>>
    %dma_start3A_2086 = tpu.memref_squeeze %dma_start3A_2085 : memref<1x128xi32, #tpu.memory_space<vmem>> -> memref<128xi32, #tpu.memory_space<vmem>>
    %dma_start3A_2087 = arith.constant 0 : i32
    %dma_start3A_2088 = arith.constant 0 : i32
    %dma_start3A_2089 = tpu.memref_slice %arg6[%dma_start3A_2087, %dma_start3A_2088] : memref<1000000x64xf32, #tpu.memory_space<hbm>> -> memref<1000000x64xf32, #tpu.memory_space<hbm>>
    tpu.enqueue_indirect_dma source(%dma_start3A_2089 : memref<1000000x64xf32, #tpu.memory_space<hbm>>) target(%dma_start3A_2079 : memref<128x64xf32, #tpu.memory_space<vmem>>) offsets(%dma_start3A_2086 : memref<128xi32, #tpu.memory_space<vmem>>) semaphore(%arg16 : memref<!tpu.dma_semaphore, #tpu.memory_space<semaphore_mem>>) {add = true}
    %dma_start3A_2090 = arith.constant 1 : i32
    %dma_start3A_2091 = arith.constant 11 : i32
    %dma_start3A_2092 = arith.constant 1 : i32
    %dma_start3A_2093 = arith.constant 0 : i32
    %dma_start3A_2094 = arith.constant 0 : i32
    %dma_start3A_2095 = tpu.memref_slice %arg13[%dma_start3A_2092, %dma_start3A_2093, %dma_start3A_2094] : memref<2x128x64xf32, #tpu.memory_space<vmem>> -> memref<1x128x64xf32, #tpu.memory_space<vmem>>
    %dma_start3A_2096 = tpu.memref_squeeze %dma_start3A_2095 : memref<1x128x64xf32, #tpu.memory_space<vmem>> -> memref<128x64xf32, #tpu.memory_space<vmem>>
    %dma_start3A_2097 = arith.constant 0 : i32
    %dma_start3A_2098 = arith.constant 0 : i32
    %dma_start3A_2099 = tpu.memref_slice %arg10[%dma_start3A_2090, %dma_start3A_2097, %dma_start3A_2098] : memref<2x20x128xi32, #tpu.memory_space<vmem>> -> memref<1x20x128xi32, #tpu.memory_space<vmem>>
    %dma_start3A_2100 = tpu.memref_squeeze %dma_start3A_2099 : memref<1x20x128xi32, #tpu.memory_space<vmem>> -> memref<20x128xi32, #tpu.memory_space<vmem>>
    %dma_start3A_2101 = arith.constant 0 : i32
    %dma_start3A_2102 = tpu.memref_slice %dma_start3A_2100[%dma_start3A_2091, %dma_start3A_2101] : memref<20x128xi32, #tpu.memory_space<vmem>> -> memref<1x128xi32, #tpu.memory_space<vmem>>
    %dma_start3A_2103 = tpu.memref_squeeze %dma_start3A_2102 : memref<1x128xi32, #tpu.memory_space<vmem>> -> memref<128xi32, #tpu.memory_space<vmem>>
    %dma_start3A_2104 = arith.constant 0 : i32
    %dma_start3A_2105 = arith.constant 0 : i32
    %dma_start3A_2106 = tpu.memref_slice %arg6[%dma_start3A_2104, %dma_start3A_2105] : memref<1000000x64xf32, #tpu.memory_space<hbm>> -> memref<1000000x64xf32, #tpu.memory_space<hbm>>
    tpu.enqueue_indirect_dma source(%dma_start3A_2106 : memref<1000000x64xf32, #tpu.memory_space<hbm>>) target(%dma_start3A_2096 : memref<128x64xf32, #tpu.memory_space<vmem>>) offsets(%dma_start3A_2103 : memref<128xi32, #tpu.memory_space<vmem>>) semaphore(%arg16 : memref<!tpu.dma_semaphore, #tpu.memory_space<semaphore_mem>>) {add = true}
    %dma_start3A_2107 = arith.constant 1 : i32
    %dma_start3A_2108 = arith.constant 12 : i32
    %dma_start3A_2109 = arith.constant 1 : i32
    %dma_start3A_2110 = arith.constant 0 : i32
    %dma_start3A_2111 = arith.constant 0 : i32
    %dma_start3A_2112 = tpu.memref_slice %arg13[%dma_start3A_2109, %dma_start3A_2110, %dma_start3A_2111] : memref<2x128x64xf32, #tpu.memory_space<vmem>> -> memref<1x128x64xf32, #tpu.memory_space<vmem>>
    %dma_start3A_2113 = tpu.memref_squeeze %dma_start3A_2112 : memref<1x128x64xf32, #tpu.memory_space<vmem>> -> memref<128x64xf32, #tpu.memory_space<vmem>>
    %dma_start3A_2114 = arith.constant 0 : i32
    %dma_start3A_2115 = arith.constant 0 : i32
    %dma_start3A_2116 = tpu.memref_slice %arg10[%dma_start3A_2107, %dma_start3A_2114, %dma_start3A_2115] : memref<2x20x128xi32, #tpu.memory_space<vmem>> -> memref<1x20x128xi32, #tpu.memory_space<vmem>>
    %dma_start3A_2117 = tpu.memref_squeeze %dma_start3A_2116 : memref<1x20x128xi32, #tpu.memory_space<vmem>> -> memref<20x128xi32, #tpu.memory_space<vmem>>
    %dma_start3A_2118 = arith.constant 0 : i32
    %dma_start3A_2119 = tpu.memref_slice %dma_start3A_2117[%dma_start3A_2108, %dma_start3A_2118] : memref<20x128xi32, #tpu.memory_space<vmem>> -> memref<1x128xi32, #tpu.memory_space<vmem>>
    %dma_start3A_2120 = tpu.memref_squeeze %dma_start3A_2119 : memref<1x128xi32, #tpu.memory_space<vmem>> -> memref<128xi32, #tpu.memory_space<vmem>>
    %dma_start3A_2121 = arith.constant 0 : i32
    %dma_start3A_2122 = arith.constant 0 : i32
    %dma_start3A_2123 = tpu.memref_slice %arg6[%dma_start3A_2121, %dma_start3A_2122] : memref<1000000x64xf32, #tpu.memory_space<hbm>> -> memref<1000000x64xf32, #tpu.memory_space<hbm>>
    tpu.enqueue_indirect_dma source(%dma_start3A_2123 : memref<1000000x64xf32, #tpu.memory_space<hbm>>) target(%dma_start3A_2113 : memref<128x64xf32, #tpu.memory_space<vmem>>) offsets(%dma_start3A_2120 : memref<128xi32, #tpu.memory_space<vmem>>) semaphore(%arg16 : memref<!tpu.dma_semaphore, #tpu.memory_space<semaphore_mem>>) {add = true}
    %dma_start3A_2124 = arith.constant 1 : i32
    %dma_start3A_2125 = arith.constant 13 : i32
    %dma_start3A_2126 = arith.constant 1 : i32
    %dma_start3A_2127 = arith.constant 0 : i32
    %dma_start3A_2128 = arith.constant 0 : i32
    %dma_start3A_2129 = tpu.memref_slice %arg13[%dma_start3A_2126, %dma_start3A_2127, %dma_start3A_2128] : memref<2x128x64xf32, #tpu.memory_space<vmem>> -> memref<1x128x64xf32, #tpu.memory_space<vmem>>
    %dma_start3A_2130 = tpu.memref_squeeze %dma_start3A_2129 : memref<1x128x64xf32, #tpu.memory_space<vmem>> -> memref<128x64xf32, #tpu.memory_space<vmem>>
    %dma_start3A_2131 = arith.constant 0 : i32
    %dma_start3A_2132 = arith.constant 0 : i32
    %dma_start3A_2133 = tpu.memref_slice %arg10[%dma_start3A_2124, %dma_start3A_2131, %dma_start3A_2132] : memref<2x20x128xi32, #tpu.memory_space<vmem>> -> memref<1x20x128xi32, #tpu.memory_space<vmem>>
    %dma_start3A_2134 = tpu.memref_squeeze %dma_start3A_2133 : memref<1x20x128xi32, #tpu.memory_space<vmem>> -> memref<20x128xi32, #tpu.memory_space<vmem>>
    %dma_start3A_2135 = arith.constant 0 : i32
    %dma_start3A_2136 = tpu.memref_slice %dma_start3A_2134[%dma_start3A_2125, %dma_start3A_2135] : memref<20x128xi32, #tpu.memory_space<vmem>> -> memref<1x128xi32, #tpu.memory_space<vmem>>
    %dma_start3A_2137 = tpu.memref_squeeze %dma_start3A_2136 : memref<1x128xi32, #tpu.memory_space<vmem>> -> memref<128xi32, #tpu.memory_space<vmem>>
    %dma_start3A_2138 = arith.constant 0 : i32
    %dma_start3A_2139 = arith.constant 0 : i32
    %dma_start3A_2140 = tpu.memref_slice %arg6[%dma_start3A_2138, %dma_start3A_2139] : memref<1000000x64xf32, #tpu.memory_space<hbm>> -> memref<1000000x64xf32, #tpu.memory_space<hbm>>
    tpu.enqueue_indirect_dma source(%dma_start3A_2140 : memref<1000000x64xf32, #tpu.memory_space<hbm>>) target(%dma_start3A_2130 : memref<128x64xf32, #tpu.memory_space<vmem>>) offsets(%dma_start3A_2137 : memref<128xi32, #tpu.memory_space<vmem>>) semaphore(%arg16 : memref<!tpu.dma_semaphore, #tpu.memory_space<semaphore_mem>>) {add = true}
    %dma_start3A_2141 = arith.constant 1 : i32
    %dma_start3A_2142 = arith.constant 14 : i32
    %dma_start3A_2143 = arith.constant 1 : i32
    %dma_start3A_2144 = arith.constant 0 : i32
    %dma_start3A_2145 = arith.constant 0 : i32
    %dma_start3A_2146 = tpu.memref_slice %arg13[%dma_start3A_2143, %dma_start3A_2144, %dma_start3A_2145] : memref<2x128x64xf32, #tpu.memory_space<vmem>> -> memref<1x128x64xf32, #tpu.memory_space<vmem>>
    %dma_start3A_2147 = tpu.memref_squeeze %dma_start3A_2146 : memref<1x128x64xf32, #tpu.memory_space<vmem>> -> memref<128x64xf32, #tpu.memory_space<vmem>>
    %dma_start3A_2148 = arith.constant 0 : i32
    %dma_start3A_2149 = arith.constant 0 : i32
    %dma_start3A_2150 = tpu.memref_slice %arg10[%dma_start3A_2141, %dma_start3A_2148, %dma_start3A_2149] : memref<2x20x128xi32, #tpu.memory_space<vmem>> -> memref<1x20x128xi32, #tpu.memory_space<vmem>>
    %dma_start3A_2151 = tpu.memref_squeeze %dma_start3A_2150 : memref<1x20x128xi32, #tpu.memory_space<vmem>> -> memref<20x128xi32, #tpu.memory_space<vmem>>
    %dma_start3A_2152 = arith.constant 0 : i32
    %dma_start3A_2153 = tpu.memref_slice %dma_start3A_2151[%dma_start3A_2142, %dma_start3A_2152] : memref<20x128xi32, #tpu.memory_space<vmem>> -> memref<1x128xi32, #tpu.memory_space<vmem>>
    %dma_start3A_2154 = tpu.memref_squeeze %dma_start3A_2153 : memref<1x128xi32, #tpu.memory_space<vmem>> -> memref<128xi32, #tpu.memory_space<vmem>>
    %dma_start3A_2155 = arith.constant 0 : i32
    %dma_start3A_2156 = arith.constant 0 : i32
    %dma_start3A_2157 = tpu.memref_slice %arg6[%dma_start3A_2155, %dma_start3A_2156] : memref<1000000x64xf32, #tpu.memory_space<hbm>> -> memref<1000000x64xf32, #tpu.memory_space<hbm>>
    tpu.enqueue_indirect_dma source(%dma_start3A_2157 : memref<1000000x64xf32, #tpu.memory_space<hbm>>) target(%dma_start3A_2147 : memref<128x64xf32, #tpu.memory_space<vmem>>) offsets(%dma_start3A_2154 : memref<128xi32, #tpu.memory_space<vmem>>) semaphore(%arg16 : memref<!tpu.dma_semaphore, #tpu.memory_space<semaphore_mem>>) {add = true}
    %dma_start3A_2158 = arith.constant 1 : i32
    %dma_start3A_2159 = arith.constant 15 : i32
    %dma_start3A_2160 = arith.constant 1 : i32
    %dma_start3A_2161 = arith.constant 0 : i32
    %dma_start3A_2162 = arith.constant 0 : i32
    %dma_start3A_2163 = tpu.memref_slice %arg13[%dma_start3A_2160, %dma_start3A_2161, %dma_start3A_2162] : memref<2x128x64xf32, #tpu.memory_space<vmem>> -> memref<1x128x64xf32, #tpu.memory_space<vmem>>
    %dma_start3A_2164 = tpu.memref_squeeze %dma_start3A_2163 : memref<1x128x64xf32, #tpu.memory_space<vmem>> -> memref<128x64xf32, #tpu.memory_space<vmem>>
    %dma_start3A_2165 = arith.constant 0 : i32
    %dma_start3A_2166 = arith.constant 0 : i32
    %dma_start3A_2167 = tpu.memref_slice %arg10[%dma_start3A_2158, %dma_start3A_2165, %dma_start3A_2166] : memref<2x20x128xi32, #tpu.memory_space<vmem>> -> memref<1x20x128xi32, #tpu.memory_space<vmem>>
    %dma_start3A_2168 = tpu.memref_squeeze %dma_start3A_2167 : memref<1x20x128xi32, #tpu.memory_space<vmem>> -> memref<20x128xi32, #tpu.memory_space<vmem>>
    %dma_start3A_2169 = arith.constant 0 : i32
    %dma_start3A_2170 = tpu.memref_slice %dma_start3A_2168[%dma_start3A_2159, %dma_start3A_2169] : memref<20x128xi32, #tpu.memory_space<vmem>> -> memref<1x128xi32, #tpu.memory_space<vmem>>
    %dma_start3A_2171 = tpu.memref_squeeze %dma_start3A_2170 : memref<1x128xi32, #tpu.memory_space<vmem>> -> memref<128xi32, #tpu.memory_space<vmem>>
    %dma_start3A_2172 = arith.constant 0 : i32
    %dma_start3A_2173 = arith.constant 0 : i32
    %dma_start3A_2174 = tpu.memref_slice %arg6[%dma_start3A_2172, %dma_start3A_2173] : memref<1000000x64xf32, #tpu.memory_space<hbm>> -> memref<1000000x64xf32, #tpu.memory_space<hbm>>
    tpu.enqueue_indirect_dma source(%dma_start3A_2174 : memref<1000000x64xf32, #tpu.memory_space<hbm>>) target(%dma_start3A_2164 : memref<128x64xf32, #tpu.memory_space<vmem>>) offsets(%dma_start3A_2171 : memref<128xi32, #tpu.memory_space<vmem>>) semaphore(%arg16 : memref<!tpu.dma_semaphore, #tpu.memory_space<semaphore_mem>>) {add = true}
    %dma_start3A_2175 = arith.constant 1 : i32
    %dma_start3A_2176 = arith.constant 16 : i32
    %dma_start3A_2177 = arith.constant 1 : i32
    %dma_start3A_2178 = arith.constant 0 : i32
    %dma_start3A_2179 = arith.constant 0 : i32
    %dma_start3A_2180 = tpu.memref_slice %arg13[%dma_start3A_2177, %dma_start3A_2178, %dma_start3A_2179] : memref<2x128x64xf32, #tpu.memory_space<vmem>> -> memref<1x128x64xf32, #tpu.memory_space<vmem>>
    %dma_start3A_2181 = tpu.memref_squeeze %dma_start3A_2180 : memref<1x128x64xf32, #tpu.memory_space<vmem>> -> memref<128x64xf32, #tpu.memory_space<vmem>>
    %dma_start3A_2182 = arith.constant 0 : i32
    %dma_start3A_2183 = arith.constant 0 : i32
    %dma_start3A_2184 = tpu.memref_slice %arg10[%dma_start3A_2175, %dma_start3A_2182, %dma_start3A_2183] : memref<2x20x128xi32, #tpu.memory_space<vmem>> -> memref<1x20x128xi32, #tpu.memory_space<vmem>>
    %dma_start3A_2185 = tpu.memref_squeeze %dma_start3A_2184 : memref<1x20x128xi32, #tpu.memory_space<vmem>> -> memref<20x128xi32, #tpu.memory_space<vmem>>
    %dma_start3A_2186 = arith.constant 0 : i32
    %dma_start3A_2187 = tpu.memref_slice %dma_start3A_2185[%dma_start3A_2176, %dma_start3A_2186] : memref<20x128xi32, #tpu.memory_space<vmem>> -> memref<1x128xi32, #tpu.memory_space<vmem>>
    %dma_start3A_2188 = tpu.memref_squeeze %dma_start3A_2187 : memref<1x128xi32, #tpu.memory_space<vmem>> -> memref<128xi32, #tpu.memory_space<vmem>>
    %dma_start3A_2189 = arith.constant 0 : i32
    %dma_start3A_2190 = arith.constant 0 : i32
    %dma_start3A_2191 = tpu.memref_slice %arg6[%dma_start3A_2189, %dma_start3A_2190] : memref<1000000x64xf32, #tpu.memory_space<hbm>> -> memref<1000000x64xf32, #tpu.memory_space<hbm>>
    tpu.enqueue_indirect_dma source(%dma_start3A_2191 : memref<1000000x64xf32, #tpu.memory_space<hbm>>) target(%dma_start3A_2181 : memref<128x64xf32, #tpu.memory_space<vmem>>) offsets(%dma_start3A_2188 : memref<128xi32, #tpu.memory_space<vmem>>) semaphore(%arg16 : memref<!tpu.dma_semaphore, #tpu.memory_space<semaphore_mem>>) {add = true}
    %dma_start3A_2192 = arith.constant 1 : i32
    %dma_start3A_2193 = arith.constant 17 : i32
    %dma_start3A_2194 = arith.constant 1 : i32
    %dma_start3A_2195 = arith.constant 0 : i32
    %dma_start3A_2196 = arith.constant 0 : i32
    %dma_start3A_2197 = tpu.memref_slice %arg13[%dma_start3A_2194, %dma_start3A_2195, %dma_start3A_2196] : memref<2x128x64xf32, #tpu.memory_space<vmem>> -> memref<1x128x64xf32, #tpu.memory_space<vmem>>
    %dma_start3A_2198 = tpu.memref_squeeze %dma_start3A_2197 : memref<1x128x64xf32, #tpu.memory_space<vmem>> -> memref<128x64xf32, #tpu.memory_space<vmem>>
    %dma_start3A_2199 = arith.constant 0 : i32
    %dma_start3A_2200 = arith.constant 0 : i32
    %dma_start3A_2201 = tpu.memref_slice %arg10[%dma_start3A_2192, %dma_start3A_2199, %dma_start3A_2200] : memref<2x20x128xi32, #tpu.memory_space<vmem>> -> memref<1x20x128xi32, #tpu.memory_space<vmem>>
    %dma_start3A_2202 = tpu.memref_squeeze %dma_start3A_2201 : memref<1x20x128xi32, #tpu.memory_space<vmem>> -> memref<20x128xi32, #tpu.memory_space<vmem>>
    %dma_start3A_2203 = arith.constant 0 : i32
    %dma_start3A_2204 = tpu.memref_slice %dma_start3A_2202[%dma_start3A_2193, %dma_start3A_2203] : memref<20x128xi32, #tpu.memory_space<vmem>> -> memref<1x128xi32, #tpu.memory_space<vmem>>
    %dma_start3A_2205 = tpu.memref_squeeze %dma_start3A_2204 : memref<1x128xi32, #tpu.memory_space<vmem>> -> memref<128xi32, #tpu.memory_space<vmem>>
    %dma_start3A_2206 = arith.constant 0 : i32
    %dma_start3A_2207 = arith.constant 0 : i32
    %dma_start3A_2208 = tpu.memref_slice %arg6[%dma_start3A_2206, %dma_start3A_2207] : memref<1000000x64xf32, #tpu.memory_space<hbm>> -> memref<1000000x64xf32, #tpu.memory_space<hbm>>
    tpu.enqueue_indirect_dma source(%dma_start3A_2208 : memref<1000000x64xf32, #tpu.memory_space<hbm>>) target(%dma_start3A_2198 : memref<128x64xf32, #tpu.memory_space<vmem>>) offsets(%dma_start3A_2205 : memref<128xi32, #tpu.memory_space<vmem>>) semaphore(%arg16 : memref<!tpu.dma_semaphore, #tpu.memory_space<semaphore_mem>>) {add = true}
    %dma_start3A_2209 = arith.constant 1 : i32
    %dma_start3A_2210 = arith.constant 18 : i32
    %dma_start3A_2211 = arith.constant 1 : i32
    %dma_start3A_2212 = arith.constant 0 : i32
    %dma_start3A_2213 = arith.constant 0 : i32
    %dma_start3A_2214 = tpu.memref_slice %arg13[%dma_start3A_2211, %dma_start3A_2212, %dma_start3A_2213] : memref<2x128x64xf32, #tpu.memory_space<vmem>> -> memref<1x128x64xf32, #tpu.memory_space<vmem>>
    %dma_start3A_2215 = tpu.memref_squeeze %dma_start3A_2214 : memref<1x128x64xf32, #tpu.memory_space<vmem>> -> memref<128x64xf32, #tpu.memory_space<vmem>>
    %dma_start3A_2216 = arith.constant 0 : i32
    %dma_start3A_2217 = arith.constant 0 : i32
    %dma_start3A_2218 = tpu.memref_slice %arg10[%dma_start3A_2209, %dma_start3A_2216, %dma_start3A_2217] : memref<2x20x128xi32, #tpu.memory_space<vmem>> -> memref<1x20x128xi32, #tpu.memory_space<vmem>>
    %dma_start3A_2219 = tpu.memref_squeeze %dma_start3A_2218 : memref<1x20x128xi32, #tpu.memory_space<vmem>> -> memref<20x128xi32, #tpu.memory_space<vmem>>
    %dma_start3A_2220 = arith.constant 0 : i32
    %dma_start3A_2221 = tpu.memref_slice %dma_start3A_2219[%dma_start3A_2210, %dma_start3A_2220] : memref<20x128xi32, #tpu.memory_space<vmem>> -> memref<1x128xi32, #tpu.memory_space<vmem>>
    %dma_start3A_2222 = tpu.memref_squeeze %dma_start3A_2221 : memref<1x128xi32, #tpu.memory_space<vmem>> -> memref<128xi32, #tpu.memory_space<vmem>>
    %dma_start3A_2223 = arith.constant 0 : i32
    %dma_start3A_2224 = arith.constant 0 : i32
    %dma_start3A_2225 = tpu.memref_slice %arg6[%dma_start3A_2223, %dma_start3A_2224] : memref<1000000x64xf32, #tpu.memory_space<hbm>> -> memref<1000000x64xf32, #tpu.memory_space<hbm>>
    tpu.enqueue_indirect_dma source(%dma_start3A_2225 : memref<1000000x64xf32, #tpu.memory_space<hbm>>) target(%dma_start3A_2215 : memref<128x64xf32, #tpu.memory_space<vmem>>) offsets(%dma_start3A_2222 : memref<128xi32, #tpu.memory_space<vmem>>) semaphore(%arg16 : memref<!tpu.dma_semaphore, #tpu.memory_space<semaphore_mem>>) {add = true}
    %dma_start3A_2226 = arith.constant 1 : i32
    %dma_start3A_2227 = arith.constant 19 : i32
    %dma_start3A_2228 = arith.constant 1 : i32
    %dma_start3A_2229 = arith.constant 0 : i32
    %dma_start3A_2230 = arith.constant 0 : i32
    %dma_start3A_2231 = tpu.memref_slice %arg13[%dma_start3A_2228, %dma_start3A_2229, %dma_start3A_2230] : memref<2x128x64xf32, #tpu.memory_space<vmem>> -> memref<1x128x64xf32, #tpu.memory_space<vmem>>
    %dma_start3A_2232 = tpu.memref_squeeze %dma_start3A_2231 : memref<1x128x64xf32, #tpu.memory_space<vmem>> -> memref<128x64xf32, #tpu.memory_space<vmem>>
    %dma_start3A_2233 = arith.constant 0 : i32
    %dma_start3A_2234 = arith.constant 0 : i32
    %dma_start3A_2235 = tpu.memref_slice %arg10[%dma_start3A_2226, %dma_start3A_2233, %dma_start3A_2234] : memref<2x20x128xi32, #tpu.memory_space<vmem>> -> memref<1x20x128xi32, #tpu.memory_space<vmem>>
    %dma_start3A_2236 = tpu.memref_squeeze %dma_start3A_2235 : memref<1x20x128xi32, #tpu.memory_space<vmem>> -> memref<20x128xi32, #tpu.memory_space<vmem>>
    %dma_start3A_2237 = arith.constant 0 : i32
    %dma_start3A_2238 = tpu.memref_slice %dma_start3A_2236[%dma_start3A_2227, %dma_start3A_2237] : memref<20x128xi32, #tpu.memory_space<vmem>> -> memref<1x128xi32, #tpu.memory_space<vmem>>
    %dma_start3A_2239 = tpu.memref_squeeze %dma_start3A_2238 : memref<1x128xi32, #tpu.memory_space<vmem>> -> memref<128xi32, #tpu.memory_space<vmem>>
    %dma_start3A_2240 = arith.constant 0 : i32
    %dma_start3A_2241 = arith.constant 0 : i32
    %dma_start3A_2242 = tpu.memref_slice %arg6[%dma_start3A_2240, %dma_start3A_2241] : memref<1000000x64xf32, #tpu.memory_space<hbm>> -> memref<1000000x64xf32, #tpu.memory_space<hbm>>
    tpu.enqueue_indirect_dma source(%dma_start3A_2242 : memref<1000000x64xf32, #tpu.memory_space<hbm>>) target(%dma_start3A_2232 : memref<128x64xf32, #tpu.memory_space<vmem>>) offsets(%dma_start3A_2239 : memref<128xi32, #tpu.memory_space<vmem>>) semaphore(%arg16 : memref<!tpu.dma_semaphore, #tpu.memory_space<semaphore_mem>>) {add = true}
    %dma_wait3A_2243 = arith.constant 0 : i32
    %dma_wait3A_2244 = arith.constant 0 : i32
    %dma_wait3A_2245 = arith.constant 0 : i32
    %dma_wait3A_2246 = arith.constant 0 : i32
    %dma_wait3A_2247 = tpu.memref_slice %arg11[%dma_wait3A_2244, %dma_wait3A_2245, %dma_wait3A_2246] : memref<2x128x64xf32, #tpu.memory_space<vmem>> -> memref<1x128x64xf32, #tpu.memory_space<vmem>>
    %dma_wait3A_2248 = tpu.memref_squeeze %dma_wait3A_2247 : memref<1x128x64xf32, #tpu.memory_space<vmem>> -> memref<128x64xf32, #tpu.memory_space<vmem>>
    %dma_wait3A_2249 = arith.constant 0 : i32
    %dma_wait3A_2250 = tpu.memref_slice %arg8[%dma_wait3A_2243, %dma_wait3A_2249] : memref<2x128xi32, #tpu.memory_space<vmem>> -> memref<1x128xi32, #tpu.memory_space<vmem>>
    %dma_wait3A_2251 = tpu.memref_squeeze %dma_wait3A_2250 : memref<1x128xi32, #tpu.memory_space<vmem>> -> memref<128xi32, #tpu.memory_space<vmem>>
    %dma_wait3A_2252 = arith.constant 0 : i32
    %dma_wait3A_2253 = arith.constant 0 : i32
    %dma_wait3A_2254 = tpu.memref_slice %arg5[%dma_wait3A_2252, %dma_wait3A_2253] : memref<1000000x64xf32, #tpu.memory_space<hbm>> -> memref<1000000x64xf32, #tpu.memory_space<hbm>>
    tpu.wait_indirect_dma semaphore(%arg15 : memref<!tpu.dma_semaphore, #tpu.memory_space<semaphore_mem>>) src(%dma_wait3A_2254 : memref<1000000x64xf32, #tpu.memory_space<hbm>>) dst(%dma_wait3A_2248 : memref<128x64xf32, #tpu.memory_space<vmem>>)
    %dma_wait3A_2255 = arith.constant 0 : i32
    %dma_wait3A_2256 = arith.constant 0 : i32
    %dma_wait3A_2257 = arith.constant 0 : i32
    %dma_wait3A_2258 = arith.constant 0 : i32
    %dma_wait3A_2259 = tpu.memref_slice %arg12[%dma_wait3A_2256, %dma_wait3A_2257, %dma_wait3A_2258] : memref<2x128x64xf32, #tpu.memory_space<vmem>> -> memref<1x128x64xf32, #tpu.memory_space<vmem>>
    %dma_wait3A_2260 = tpu.memref_squeeze %dma_wait3A_2259 : memref<1x128x64xf32, #tpu.memory_space<vmem>> -> memref<128x64xf32, #tpu.memory_space<vmem>>
    %dma_wait3A_2261 = arith.constant 0 : i32
    %dma_wait3A_2262 = tpu.memref_slice %arg9[%dma_wait3A_2255, %dma_wait3A_2261] : memref<2x128xi32, #tpu.memory_space<vmem>> -> memref<1x128xi32, #tpu.memory_space<vmem>>
    %dma_wait3A_2263 = tpu.memref_squeeze %dma_wait3A_2262 : memref<1x128xi32, #tpu.memory_space<vmem>> -> memref<128xi32, #tpu.memory_space<vmem>>
    %dma_wait3A_2264 = arith.constant 0 : i32
    %dma_wait3A_2265 = arith.constant 0 : i32
    %dma_wait3A_2266 = tpu.memref_slice %arg6[%dma_wait3A_2264, %dma_wait3A_2265] : memref<1000000x64xf32, #tpu.memory_space<hbm>> -> memref<1000000x64xf32, #tpu.memory_space<hbm>>
    tpu.wait_indirect_dma semaphore(%arg15 : memref<!tpu.dma_semaphore, #tpu.memory_space<semaphore_mem>>) src(%dma_wait3A_2266 : memref<1000000x64xf32, #tpu.memory_space<hbm>>) dst(%dma_wait3A_2260 : memref<128x64xf32, #tpu.memory_space<vmem>>)
    %dma_wait3A_2267 = arith.constant 0 : i32
    %dma_wait3A_2268 = arith.constant 0 : i32
    %dma_wait3A_2269 = arith.constant 0 : i32
    %dma_wait3A_2270 = arith.constant 0 : i32
    %dma_wait3A_2271 = arith.constant 0 : i32
    %dma_wait3A_2272 = tpu.memref_slice %arg13[%dma_wait3A_2269, %dma_wait3A_2270, %dma_wait3A_2271] : memref<2x128x64xf32, #tpu.memory_space<vmem>> -> memref<1x128x64xf32, #tpu.memory_space<vmem>>
    %dma_wait3A_2273 = tpu.memref_squeeze %dma_wait3A_2272 : memref<1x128x64xf32, #tpu.memory_space<vmem>> -> memref<128x64xf32, #tpu.memory_space<vmem>>
    %dma_wait3A_2274 = arith.constant 0 : i32
    %dma_wait3A_2275 = arith.constant 0 : i32
    %dma_wait3A_2276 = tpu.memref_slice %arg10[%dma_wait3A_2267, %dma_wait3A_2274, %dma_wait3A_2275] : memref<2x20x128xi32, #tpu.memory_space<vmem>> -> memref<1x20x128xi32, #tpu.memory_space<vmem>>
    %dma_wait3A_2277 = tpu.memref_squeeze %dma_wait3A_2276 : memref<1x20x128xi32, #tpu.memory_space<vmem>> -> memref<20x128xi32, #tpu.memory_space<vmem>>
    %dma_wait3A_2278 = arith.constant 0 : i32
    %dma_wait3A_2279 = tpu.memref_slice %dma_wait3A_2277[%dma_wait3A_2268, %dma_wait3A_2278] : memref<20x128xi32, #tpu.memory_space<vmem>> -> memref<1x128xi32, #tpu.memory_space<vmem>>
    %dma_wait3A_2280 = tpu.memref_squeeze %dma_wait3A_2279 : memref<1x128xi32, #tpu.memory_space<vmem>> -> memref<128xi32, #tpu.memory_space<vmem>>
    %dma_wait3A_2281 = arith.constant 0 : i32
    %dma_wait3A_2282 = arith.constant 0 : i32
    %dma_wait3A_2283 = tpu.memref_slice %arg6[%dma_wait3A_2281, %dma_wait3A_2282] : memref<1000000x64xf32, #tpu.memory_space<hbm>> -> memref<1000000x64xf32, #tpu.memory_space<hbm>>
    tpu.wait_indirect_dma semaphore(%arg15 : memref<!tpu.dma_semaphore, #tpu.memory_space<semaphore_mem>>) src(%dma_wait3A_2283 : memref<1000000x64xf32, #tpu.memory_space<hbm>>) dst(%dma_wait3A_2273 : memref<128x64xf32, #tpu.memory_space<vmem>>)
    %dma_wait3A_2284 = arith.constant 0 : i32
    %dma_wait3A_2285 = arith.constant 1 : i32
    %dma_wait3A_2286 = arith.constant 0 : i32
    %dma_wait3A_2287 = arith.constant 0 : i32
    %dma_wait3A_2288 = arith.constant 0 : i32
    %dma_wait3A_2289 = tpu.memref_slice %arg13[%dma_wait3A_2286, %dma_wait3A_2287, %dma_wait3A_2288] : memref<2x128x64xf32, #tpu.memory_space<vmem>> -> memref<1x128x64xf32, #tpu.memory_space<vmem>>
    %dma_wait3A_2290 = tpu.memref_squeeze %dma_wait3A_2289 : memref<1x128x64xf32, #tpu.memory_space<vmem>> -> memref<128x64xf32, #tpu.memory_space<vmem>>
    %dma_wait3A_2291 = arith.constant 0 : i32
    %dma_wait3A_2292 = arith.constant 0 : i32
    %dma_wait3A_2293 = tpu.memref_slice %arg10[%dma_wait3A_2284, %dma_wait3A_2291, %dma_wait3A_2292] : memref<2x20x128xi32, #tpu.memory_space<vmem>> -> memref<1x20x128xi32, #tpu.memory_space<vmem>>
    %dma_wait3A_2294 = tpu.memref_squeeze %dma_wait3A_2293 : memref<1x20x128xi32, #tpu.memory_space<vmem>> -> memref<20x128xi32, #tpu.memory_space<vmem>>
    %dma_wait3A_2295 = arith.constant 0 : i32
    %dma_wait3A_2296 = tpu.memref_slice %dma_wait3A_2294[%dma_wait3A_2285, %dma_wait3A_2295] : memref<20x128xi32, #tpu.memory_space<vmem>> -> memref<1x128xi32, #tpu.memory_space<vmem>>
    %dma_wait3A_2297 = tpu.memref_squeeze %dma_wait3A_2296 : memref<1x128xi32, #tpu.memory_space<vmem>> -> memref<128xi32, #tpu.memory_space<vmem>>
    %dma_wait3A_2298 = arith.constant 0 : i32
    %dma_wait3A_2299 = arith.constant 0 : i32
    %dma_wait3A_2300 = tpu.memref_slice %arg6[%dma_wait3A_2298, %dma_wait3A_2299] : memref<1000000x64xf32, #tpu.memory_space<hbm>> -> memref<1000000x64xf32, #tpu.memory_space<hbm>>
    tpu.wait_indirect_dma semaphore(%arg15 : memref<!tpu.dma_semaphore, #tpu.memory_space<semaphore_mem>>) src(%dma_wait3A_2300 : memref<1000000x64xf32, #tpu.memory_space<hbm>>) dst(%dma_wait3A_2290 : memref<128x64xf32, #tpu.memory_space<vmem>>)
    %dma_wait3A_2301 = arith.constant 0 : i32
    %dma_wait3A_2302 = arith.constant 2 : i32
    %dma_wait3A_2303 = arith.constant 0 : i32
    %dma_wait3A_2304 = arith.constant 0 : i32
    %dma_wait3A_2305 = arith.constant 0 : i32
    %dma_wait3A_2306 = tpu.memref_slice %arg13[%dma_wait3A_2303, %dma_wait3A_2304, %dma_wait3A_2305] : memref<2x128x64xf32, #tpu.memory_space<vmem>> -> memref<1x128x64xf32, #tpu.memory_space<vmem>>
    %dma_wait3A_2307 = tpu.memref_squeeze %dma_wait3A_2306 : memref<1x128x64xf32, #tpu.memory_space<vmem>> -> memref<128x64xf32, #tpu.memory_space<vmem>>
    %dma_wait3A_2308 = arith.constant 0 : i32
    %dma_wait3A_2309 = arith.constant 0 : i32
    %dma_wait3A_2310 = tpu.memref_slice %arg10[%dma_wait3A_2301, %dma_wait3A_2308, %dma_wait3A_2309] : memref<2x20x128xi32, #tpu.memory_space<vmem>> -> memref<1x20x128xi32, #tpu.memory_space<vmem>>
    %dma_wait3A_2311 = tpu.memref_squeeze %dma_wait3A_2310 : memref<1x20x128xi32, #tpu.memory_space<vmem>> -> memref<20x128xi32, #tpu.memory_space<vmem>>
    %dma_wait3A_2312 = arith.constant 0 : i32
    %dma_wait3A_2313 = tpu.memref_slice %dma_wait3A_2311[%dma_wait3A_2302, %dma_wait3A_2312] : memref<20x128xi32, #tpu.memory_space<vmem>> -> memref<1x128xi32, #tpu.memory_space<vmem>>
    %dma_wait3A_2314 = tpu.memref_squeeze %dma_wait3A_2313 : memref<1x128xi32, #tpu.memory_space<vmem>> -> memref<128xi32, #tpu.memory_space<vmem>>
    %dma_wait3A_2315 = arith.constant 0 : i32
    %dma_wait3A_2316 = arith.constant 0 : i32
    %dma_wait3A_2317 = tpu.memref_slice %arg6[%dma_wait3A_2315, %dma_wait3A_2316] : memref<1000000x64xf32, #tpu.memory_space<hbm>> -> memref<1000000x64xf32, #tpu.memory_space<hbm>>
    tpu.wait_indirect_dma semaphore(%arg15 : memref<!tpu.dma_semaphore, #tpu.memory_space<semaphore_mem>>) src(%dma_wait3A_2317 : memref<1000000x64xf32, #tpu.memory_space<hbm>>) dst(%dma_wait3A_2307 : memref<128x64xf32, #tpu.memory_space<vmem>>)
    %dma_wait3A_2318 = arith.constant 0 : i32
    %dma_wait3A_2319 = arith.constant 3 : i32
    %dma_wait3A_2320 = arith.constant 0 : i32
    %dma_wait3A_2321 = arith.constant 0 : i32
    %dma_wait3A_2322 = arith.constant 0 : i32
    %dma_wait3A_2323 = tpu.memref_slice %arg13[%dma_wait3A_2320, %dma_wait3A_2321, %dma_wait3A_2322] : memref<2x128x64xf32, #tpu.memory_space<vmem>> -> memref<1x128x64xf32, #tpu.memory_space<vmem>>
    %dma_wait3A_2324 = tpu.memref_squeeze %dma_wait3A_2323 : memref<1x128x64xf32, #tpu.memory_space<vmem>> -> memref<128x64xf32, #tpu.memory_space<vmem>>
    %dma_wait3A_2325 = arith.constant 0 : i32
    %dma_wait3A_2326 = arith.constant 0 : i32
    %dma_wait3A_2327 = tpu.memref_slice %arg10[%dma_wait3A_2318, %dma_wait3A_2325, %dma_wait3A_2326] : memref<2x20x128xi32, #tpu.memory_space<vmem>> -> memref<1x20x128xi32, #tpu.memory_space<vmem>>
    %dma_wait3A_2328 = tpu.memref_squeeze %dma_wait3A_2327 : memref<1x20x128xi32, #tpu.memory_space<vmem>> -> memref<20x128xi32, #tpu.memory_space<vmem>>
    %dma_wait3A_2329 = arith.constant 0 : i32
    %dma_wait3A_2330 = tpu.memref_slice %dma_wait3A_2328[%dma_wait3A_2319, %dma_wait3A_2329] : memref<20x128xi32, #tpu.memory_space<vmem>> -> memref<1x128xi32, #tpu.memory_space<vmem>>
    %dma_wait3A_2331 = tpu.memref_squeeze %dma_wait3A_2330 : memref<1x128xi32, #tpu.memory_space<vmem>> -> memref<128xi32, #tpu.memory_space<vmem>>
    %dma_wait3A_2332 = arith.constant 0 : i32
    %dma_wait3A_2333 = arith.constant 0 : i32
    %dma_wait3A_2334 = tpu.memref_slice %arg6[%dma_wait3A_2332, %dma_wait3A_2333] : memref<1000000x64xf32, #tpu.memory_space<hbm>> -> memref<1000000x64xf32, #tpu.memory_space<hbm>>
    tpu.wait_indirect_dma semaphore(%arg15 : memref<!tpu.dma_semaphore, #tpu.memory_space<semaphore_mem>>) src(%dma_wait3A_2334 : memref<1000000x64xf32, #tpu.memory_space<hbm>>) dst(%dma_wait3A_2324 : memref<128x64xf32, #tpu.memory_space<vmem>>)
    %dma_wait3A_2335 = arith.constant 0 : i32
    %dma_wait3A_2336 = arith.constant 4 : i32
    %dma_wait3A_2337 = arith.constant 0 : i32
    %dma_wait3A_2338 = arith.constant 0 : i32
    %dma_wait3A_2339 = arith.constant 0 : i32
    %dma_wait3A_2340 = tpu.memref_slice %arg13[%dma_wait3A_2337, %dma_wait3A_2338, %dma_wait3A_2339] : memref<2x128x64xf32, #tpu.memory_space<vmem>> -> memref<1x128x64xf32, #tpu.memory_space<vmem>>
    %dma_wait3A_2341 = tpu.memref_squeeze %dma_wait3A_2340 : memref<1x128x64xf32, #tpu.memory_space<vmem>> -> memref<128x64xf32, #tpu.memory_space<vmem>>
    %dma_wait3A_2342 = arith.constant 0 : i32
    %dma_wait3A_2343 = arith.constant 0 : i32
    %dma_wait3A_2344 = tpu.memref_slice %arg10[%dma_wait3A_2335, %dma_wait3A_2342, %dma_wait3A_2343] : memref<2x20x128xi32, #tpu.memory_space<vmem>> -> memref<1x20x128xi32, #tpu.memory_space<vmem>>
    %dma_wait3A_2345 = tpu.memref_squeeze %dma_wait3A_2344 : memref<1x20x128xi32, #tpu.memory_space<vmem>> -> memref<20x128xi32, #tpu.memory_space<vmem>>
    %dma_wait3A_2346 = arith.constant 0 : i32
    %dma_wait3A_2347 = tpu.memref_slice %dma_wait3A_2345[%dma_wait3A_2336, %dma_wait3A_2346] : memref<20x128xi32, #tpu.memory_space<vmem>> -> memref<1x128xi32, #tpu.memory_space<vmem>>
    %dma_wait3A_2348 = tpu.memref_squeeze %dma_wait3A_2347 : memref<1x128xi32, #tpu.memory_space<vmem>> -> memref<128xi32, #tpu.memory_space<vmem>>
    %dma_wait3A_2349 = arith.constant 0 : i32
    %dma_wait3A_2350 = arith.constant 0 : i32
    %dma_wait3A_2351 = tpu.memref_slice %arg6[%dma_wait3A_2349, %dma_wait3A_2350] : memref<1000000x64xf32, #tpu.memory_space<hbm>> -> memref<1000000x64xf32, #tpu.memory_space<hbm>>
    tpu.wait_indirect_dma semaphore(%arg15 : memref<!tpu.dma_semaphore, #tpu.memory_space<semaphore_mem>>) src(%dma_wait3A_2351 : memref<1000000x64xf32, #tpu.memory_space<hbm>>) dst(%dma_wait3A_2341 : memref<128x64xf32, #tpu.memory_space<vmem>>)
    %dma_wait3A_2352 = arith.constant 0 : i32
    %dma_wait3A_2353 = arith.constant 5 : i32
    %dma_wait3A_2354 = arith.constant 0 : i32
    %dma_wait3A_2355 = arith.constant 0 : i32
    %dma_wait3A_2356 = arith.constant 0 : i32
    %dma_wait3A_2357 = tpu.memref_slice %arg13[%dma_wait3A_2354, %dma_wait3A_2355, %dma_wait3A_2356] : memref<2x128x64xf32, #tpu.memory_space<vmem>> -> memref<1x128x64xf32, #tpu.memory_space<vmem>>
    %dma_wait3A_2358 = tpu.memref_squeeze %dma_wait3A_2357 : memref<1x128x64xf32, #tpu.memory_space<vmem>> -> memref<128x64xf32, #tpu.memory_space<vmem>>
    %dma_wait3A_2359 = arith.constant 0 : i32
    %dma_wait3A_2360 = arith.constant 0 : i32
    %dma_wait3A_2361 = tpu.memref_slice %arg10[%dma_wait3A_2352, %dma_wait3A_2359, %dma_wait3A_2360] : memref<2x20x128xi32, #tpu.memory_space<vmem>> -> memref<1x20x128xi32, #tpu.memory_space<vmem>>
    %dma_wait3A_2362 = tpu.memref_squeeze %dma_wait3A_2361 : memref<1x20x128xi32, #tpu.memory_space<vmem>> -> memref<20x128xi32, #tpu.memory_space<vmem>>
    %dma_wait3A_2363 = arith.constant 0 : i32
    %dma_wait3A_2364 = tpu.memref_slice %dma_wait3A_2362[%dma_wait3A_2353, %dma_wait3A_2363] : memref<20x128xi32, #tpu.memory_space<vmem>> -> memref<1x128xi32, #tpu.memory_space<vmem>>
    %dma_wait3A_2365 = tpu.memref_squeeze %dma_wait3A_2364 : memref<1x128xi32, #tpu.memory_space<vmem>> -> memref<128xi32, #tpu.memory_space<vmem>>
    %dma_wait3A_2366 = arith.constant 0 : i32
    %dma_wait3A_2367 = arith.constant 0 : i32
    %dma_wait3A_2368 = tpu.memref_slice %arg6[%dma_wait3A_2366, %dma_wait3A_2367] : memref<1000000x64xf32, #tpu.memory_space<hbm>> -> memref<1000000x64xf32, #tpu.memory_space<hbm>>
    tpu.wait_indirect_dma semaphore(%arg15 : memref<!tpu.dma_semaphore, #tpu.memory_space<semaphore_mem>>) src(%dma_wait3A_2368 : memref<1000000x64xf32, #tpu.memory_space<hbm>>) dst(%dma_wait3A_2358 : memref<128x64xf32, #tpu.memory_space<vmem>>)
    %dma_wait3A_2369 = arith.constant 0 : i32
    %dma_wait3A_2370 = arith.constant 6 : i32
    %dma_wait3A_2371 = arith.constant 0 : i32
    %dma_wait3A_2372 = arith.constant 0 : i32
    %dma_wait3A_2373 = arith.constant 0 : i32
    %dma_wait3A_2374 = tpu.memref_slice %arg13[%dma_wait3A_2371, %dma_wait3A_2372, %dma_wait3A_2373] : memref<2x128x64xf32, #tpu.memory_space<vmem>> -> memref<1x128x64xf32, #tpu.memory_space<vmem>>
    %dma_wait3A_2375 = tpu.memref_squeeze %dma_wait3A_2374 : memref<1x128x64xf32, #tpu.memory_space<vmem>> -> memref<128x64xf32, #tpu.memory_space<vmem>>
    %dma_wait3A_2376 = arith.constant 0 : i32
    %dma_wait3A_2377 = arith.constant 0 : i32
    %dma_wait3A_2378 = tpu.memref_slice %arg10[%dma_wait3A_2369, %dma_wait3A_2376, %dma_wait3A_2377] : memref<2x20x128xi32, #tpu.memory_space<vmem>> -> memref<1x20x128xi32, #tpu.memory_space<vmem>>
    %dma_wait3A_2379 = tpu.memref_squeeze %dma_wait3A_2378 : memref<1x20x128xi32, #tpu.memory_space<vmem>> -> memref<20x128xi32, #tpu.memory_space<vmem>>
    %dma_wait3A_2380 = arith.constant 0 : i32
    %dma_wait3A_2381 = tpu.memref_slice %dma_wait3A_2379[%dma_wait3A_2370, %dma_wait3A_2380] : memref<20x128xi32, #tpu.memory_space<vmem>> -> memref<1x128xi32, #tpu.memory_space<vmem>>
    %dma_wait3A_2382 = tpu.memref_squeeze %dma_wait3A_2381 : memref<1x128xi32, #tpu.memory_space<vmem>> -> memref<128xi32, #tpu.memory_space<vmem>>
    %dma_wait3A_2383 = arith.constant 0 : i32
    %dma_wait3A_2384 = arith.constant 0 : i32
    %dma_wait3A_2385 = tpu.memref_slice %arg6[%dma_wait3A_2383, %dma_wait3A_2384] : memref<1000000x64xf32, #tpu.memory_space<hbm>> -> memref<1000000x64xf32, #tpu.memory_space<hbm>>
    tpu.wait_indirect_dma semaphore(%arg15 : memref<!tpu.dma_semaphore, #tpu.memory_space<semaphore_mem>>) src(%dma_wait3A_2385 : memref<1000000x64xf32, #tpu.memory_space<hbm>>) dst(%dma_wait3A_2375 : memref<128x64xf32, #tpu.memory_space<vmem>>)
    %dma_wait3A_2386 = arith.constant 0 : i32
    %dma_wait3A_2387 = arith.constant 7 : i32
    %dma_wait3A_2388 = arith.constant 0 : i32
    %dma_wait3A_2389 = arith.constant 0 : i32
    %dma_wait3A_2390 = arith.constant 0 : i32
    %dma_wait3A_2391 = tpu.memref_slice %arg13[%dma_wait3A_2388, %dma_wait3A_2389, %dma_wait3A_2390] : memref<2x128x64xf32, #tpu.memory_space<vmem>> -> memref<1x128x64xf32, #tpu.memory_space<vmem>>
    %dma_wait3A_2392 = tpu.memref_squeeze %dma_wait3A_2391 : memref<1x128x64xf32, #tpu.memory_space<vmem>> -> memref<128x64xf32, #tpu.memory_space<vmem>>
    %dma_wait3A_2393 = arith.constant 0 : i32
    %dma_wait3A_2394 = arith.constant 0 : i32
    %dma_wait3A_2395 = tpu.memref_slice %arg10[%dma_wait3A_2386, %dma_wait3A_2393, %dma_wait3A_2394] : memref<2x20x128xi32, #tpu.memory_space<vmem>> -> memref<1x20x128xi32, #tpu.memory_space<vmem>>
    %dma_wait3A_2396 = tpu.memref_squeeze %dma_wait3A_2395 : memref<1x20x128xi32, #tpu.memory_space<vmem>> -> memref<20x128xi32, #tpu.memory_space<vmem>>
    %dma_wait3A_2397 = arith.constant 0 : i32
    %dma_wait3A_2398 = tpu.memref_slice %dma_wait3A_2396[%dma_wait3A_2387, %dma_wait3A_2397] : memref<20x128xi32, #tpu.memory_space<vmem>> -> memref<1x128xi32, #tpu.memory_space<vmem>>
    %dma_wait3A_2399 = tpu.memref_squeeze %dma_wait3A_2398 : memref<1x128xi32, #tpu.memory_space<vmem>> -> memref<128xi32, #tpu.memory_space<vmem>>
    %dma_wait3A_2400 = arith.constant 0 : i32
    %dma_wait3A_2401 = arith.constant 0 : i32
    %dma_wait3A_2402 = tpu.memref_slice %arg6[%dma_wait3A_2400, %dma_wait3A_2401] : memref<1000000x64xf32, #tpu.memory_space<hbm>> -> memref<1000000x64xf32, #tpu.memory_space<hbm>>
    tpu.wait_indirect_dma semaphore(%arg15 : memref<!tpu.dma_semaphore, #tpu.memory_space<semaphore_mem>>) src(%dma_wait3A_2402 : memref<1000000x64xf32, #tpu.memory_space<hbm>>) dst(%dma_wait3A_2392 : memref<128x64xf32, #tpu.memory_space<vmem>>)
    %dma_wait3A_2403 = arith.constant 0 : i32
    %dma_wait3A_2404 = arith.constant 8 : i32
    %dma_wait3A_2405 = arith.constant 0 : i32
    %dma_wait3A_2406 = arith.constant 0 : i32
    %dma_wait3A_2407 = arith.constant 0 : i32
    %dma_wait3A_2408 = tpu.memref_slice %arg13[%dma_wait3A_2405, %dma_wait3A_2406, %dma_wait3A_2407] : memref<2x128x64xf32, #tpu.memory_space<vmem>> -> memref<1x128x64xf32, #tpu.memory_space<vmem>>
    %dma_wait3A_2409 = tpu.memref_squeeze %dma_wait3A_2408 : memref<1x128x64xf32, #tpu.memory_space<vmem>> -> memref<128x64xf32, #tpu.memory_space<vmem>>
    %dma_wait3A_2410 = arith.constant 0 : i32
    %dma_wait3A_2411 = arith.constant 0 : i32
    %dma_wait3A_2412 = tpu.memref_slice %arg10[%dma_wait3A_2403, %dma_wait3A_2410, %dma_wait3A_2411] : memref<2x20x128xi32, #tpu.memory_space<vmem>> -> memref<1x20x128xi32, #tpu.memory_space<vmem>>
    %dma_wait3A_2413 = tpu.memref_squeeze %dma_wait3A_2412 : memref<1x20x128xi32, #tpu.memory_space<vmem>> -> memref<20x128xi32, #tpu.memory_space<vmem>>
    %dma_wait3A_2414 = arith.constant 0 : i32
    %dma_wait3A_2415 = tpu.memref_slice %dma_wait3A_2413[%dma_wait3A_2404, %dma_wait3A_2414] : memref<20x128xi32, #tpu.memory_space<vmem>> -> memref<1x128xi32, #tpu.memory_space<vmem>>
    %dma_wait3A_2416 = tpu.memref_squeeze %dma_wait3A_2415 : memref<1x128xi32, #tpu.memory_space<vmem>> -> memref<128xi32, #tpu.memory_space<vmem>>
    %dma_wait3A_2417 = arith.constant 0 : i32
    %dma_wait3A_2418 = arith.constant 0 : i32
    %dma_wait3A_2419 = tpu.memref_slice %arg6[%dma_wait3A_2417, %dma_wait3A_2418] : memref<1000000x64xf32, #tpu.memory_space<hbm>> -> memref<1000000x64xf32, #tpu.memory_space<hbm>>
    tpu.wait_indirect_dma semaphore(%arg15 : memref<!tpu.dma_semaphore, #tpu.memory_space<semaphore_mem>>) src(%dma_wait3A_2419 : memref<1000000x64xf32, #tpu.memory_space<hbm>>) dst(%dma_wait3A_2409 : memref<128x64xf32, #tpu.memory_space<vmem>>)
    %dma_wait3A_2420 = arith.constant 0 : i32
    %dma_wait3A_2421 = arith.constant 9 : i32
    %dma_wait3A_2422 = arith.constant 0 : i32
    %dma_wait3A_2423 = arith.constant 0 : i32
    %dma_wait3A_2424 = arith.constant 0 : i32
    %dma_wait3A_2425 = tpu.memref_slice %arg13[%dma_wait3A_2422, %dma_wait3A_2423, %dma_wait3A_2424] : memref<2x128x64xf32, #tpu.memory_space<vmem>> -> memref<1x128x64xf32, #tpu.memory_space<vmem>>
    %dma_wait3A_2426 = tpu.memref_squeeze %dma_wait3A_2425 : memref<1x128x64xf32, #tpu.memory_space<vmem>> -> memref<128x64xf32, #tpu.memory_space<vmem>>
    %dma_wait3A_2427 = arith.constant 0 : i32
    %dma_wait3A_2428 = arith.constant 0 : i32
    %dma_wait3A_2429 = tpu.memref_slice %arg10[%dma_wait3A_2420, %dma_wait3A_2427, %dma_wait3A_2428] : memref<2x20x128xi32, #tpu.memory_space<vmem>> -> memref<1x20x128xi32, #tpu.memory_space<vmem>>
    %dma_wait3A_2430 = tpu.memref_squeeze %dma_wait3A_2429 : memref<1x20x128xi32, #tpu.memory_space<vmem>> -> memref<20x128xi32, #tpu.memory_space<vmem>>
    %dma_wait3A_2431 = arith.constant 0 : i32
    %dma_wait3A_2432 = tpu.memref_slice %dma_wait3A_2430[%dma_wait3A_2421, %dma_wait3A_2431] : memref<20x128xi32, #tpu.memory_space<vmem>> -> memref<1x128xi32, #tpu.memory_space<vmem>>
    %dma_wait3A_2433 = tpu.memref_squeeze %dma_wait3A_2432 : memref<1x128xi32, #tpu.memory_space<vmem>> -> memref<128xi32, #tpu.memory_space<vmem>>
    %dma_wait3A_2434 = arith.constant 0 : i32
    %dma_wait3A_2435 = arith.constant 0 : i32
    %dma_wait3A_2436 = tpu.memref_slice %arg6[%dma_wait3A_2434, %dma_wait3A_2435] : memref<1000000x64xf32, #tpu.memory_space<hbm>> -> memref<1000000x64xf32, #tpu.memory_space<hbm>>
    tpu.wait_indirect_dma semaphore(%arg15 : memref<!tpu.dma_semaphore, #tpu.memory_space<semaphore_mem>>) src(%dma_wait3A_2436 : memref<1000000x64xf32, #tpu.memory_space<hbm>>) dst(%dma_wait3A_2426 : memref<128x64xf32, #tpu.memory_space<vmem>>)
    %dma_wait3A_2437 = arith.constant 0 : i32
    %dma_wait3A_2438 = arith.constant 10 : i32
    %dma_wait3A_2439 = arith.constant 0 : i32
    %dma_wait3A_2440 = arith.constant 0 : i32
    %dma_wait3A_2441 = arith.constant 0 : i32
    %dma_wait3A_2442 = tpu.memref_slice %arg13[%dma_wait3A_2439, %dma_wait3A_2440, %dma_wait3A_2441] : memref<2x128x64xf32, #tpu.memory_space<vmem>> -> memref<1x128x64xf32, #tpu.memory_space<vmem>>
    %dma_wait3A_2443 = tpu.memref_squeeze %dma_wait3A_2442 : memref<1x128x64xf32, #tpu.memory_space<vmem>> -> memref<128x64xf32, #tpu.memory_space<vmem>>
    %dma_wait3A_2444 = arith.constant 0 : i32
    %dma_wait3A_2445 = arith.constant 0 : i32
    %dma_wait3A_2446 = tpu.memref_slice %arg10[%dma_wait3A_2437, %dma_wait3A_2444, %dma_wait3A_2445] : memref<2x20x128xi32, #tpu.memory_space<vmem>> -> memref<1x20x128xi32, #tpu.memory_space<vmem>>
    %dma_wait3A_2447 = tpu.memref_squeeze %dma_wait3A_2446 : memref<1x20x128xi32, #tpu.memory_space<vmem>> -> memref<20x128xi32, #tpu.memory_space<vmem>>
    %dma_wait3A_2448 = arith.constant 0 : i32
    %dma_wait3A_2449 = tpu.memref_slice %dma_wait3A_2447[%dma_wait3A_2438, %dma_wait3A_2448] : memref<20x128xi32, #tpu.memory_space<vmem>> -> memref<1x128xi32, #tpu.memory_space<vmem>>
    %dma_wait3A_2450 = tpu.memref_squeeze %dma_wait3A_2449 : memref<1x128xi32, #tpu.memory_space<vmem>> -> memref<128xi32, #tpu.memory_space<vmem>>
    %dma_wait3A_2451 = arith.constant 0 : i32
    %dma_wait3A_2452 = arith.constant 0 : i32
    %dma_wait3A_2453 = tpu.memref_slice %arg6[%dma_wait3A_2451, %dma_wait3A_2452] : memref<1000000x64xf32, #tpu.memory_space<hbm>> -> memref<1000000x64xf32, #tpu.memory_space<hbm>>
    tpu.wait_indirect_dma semaphore(%arg15 : memref<!tpu.dma_semaphore, #tpu.memory_space<semaphore_mem>>) src(%dma_wait3A_2453 : memref<1000000x64xf32, #tpu.memory_space<hbm>>) dst(%dma_wait3A_2443 : memref<128x64xf32, #tpu.memory_space<vmem>>)
    %dma_wait3A_2454 = arith.constant 0 : i32
    %dma_wait3A_2455 = arith.constant 11 : i32
    %dma_wait3A_2456 = arith.constant 0 : i32
    %dma_wait3A_2457 = arith.constant 0 : i32
    %dma_wait3A_2458 = arith.constant 0 : i32
    %dma_wait3A_2459 = tpu.memref_slice %arg13[%dma_wait3A_2456, %dma_wait3A_2457, %dma_wait3A_2458] : memref<2x128x64xf32, #tpu.memory_space<vmem>> -> memref<1x128x64xf32, #tpu.memory_space<vmem>>
    %dma_wait3A_2460 = tpu.memref_squeeze %dma_wait3A_2459 : memref<1x128x64xf32, #tpu.memory_space<vmem>> -> memref<128x64xf32, #tpu.memory_space<vmem>>
    %dma_wait3A_2461 = arith.constant 0 : i32
    %dma_wait3A_2462 = arith.constant 0 : i32
    %dma_wait3A_2463 = tpu.memref_slice %arg10[%dma_wait3A_2454, %dma_wait3A_2461, %dma_wait3A_2462] : memref<2x20x128xi32, #tpu.memory_space<vmem>> -> memref<1x20x128xi32, #tpu.memory_space<vmem>>
    %dma_wait3A_2464 = tpu.memref_squeeze %dma_wait3A_2463 : memref<1x20x128xi32, #tpu.memory_space<vmem>> -> memref<20x128xi32, #tpu.memory_space<vmem>>
    %dma_wait3A_2465 = arith.constant 0 : i32
    %dma_wait3A_2466 = tpu.memref_slice %dma_wait3A_2464[%dma_wait3A_2455, %dma_wait3A_2465] : memref<20x128xi32, #tpu.memory_space<vmem>> -> memref<1x128xi32, #tpu.memory_space<vmem>>
    %dma_wait3A_2467 = tpu.memref_squeeze %dma_wait3A_2466 : memref<1x128xi32, #tpu.memory_space<vmem>> -> memref<128xi32, #tpu.memory_space<vmem>>
    %dma_wait3A_2468 = arith.constant 0 : i32
    %dma_wait3A_2469 = arith.constant 0 : i32
    %dma_wait3A_2470 = tpu.memref_slice %arg6[%dma_wait3A_2468, %dma_wait3A_2469] : memref<1000000x64xf32, #tpu.memory_space<hbm>> -> memref<1000000x64xf32, #tpu.memory_space<hbm>>
    tpu.wait_indirect_dma semaphore(%arg15 : memref<!tpu.dma_semaphore, #tpu.memory_space<semaphore_mem>>) src(%dma_wait3A_2470 : memref<1000000x64xf32, #tpu.memory_space<hbm>>) dst(%dma_wait3A_2460 : memref<128x64xf32, #tpu.memory_space<vmem>>)
    %dma_wait3A_2471 = arith.constant 0 : i32
    %dma_wait3A_2472 = arith.constant 12 : i32
    %dma_wait3A_2473 = arith.constant 0 : i32
    %dma_wait3A_2474 = arith.constant 0 : i32
    %dma_wait3A_2475 = arith.constant 0 : i32
    %dma_wait3A_2476 = tpu.memref_slice %arg13[%dma_wait3A_2473, %dma_wait3A_2474, %dma_wait3A_2475] : memref<2x128x64xf32, #tpu.memory_space<vmem>> -> memref<1x128x64xf32, #tpu.memory_space<vmem>>
    %dma_wait3A_2477 = tpu.memref_squeeze %dma_wait3A_2476 : memref<1x128x64xf32, #tpu.memory_space<vmem>> -> memref<128x64xf32, #tpu.memory_space<vmem>>
    %dma_wait3A_2478 = arith.constant 0 : i32
    %dma_wait3A_2479 = arith.constant 0 : i32
    %dma_wait3A_2480 = tpu.memref_slice %arg10[%dma_wait3A_2471, %dma_wait3A_2478, %dma_wait3A_2479] : memref<2x20x128xi32, #tpu.memory_space<vmem>> -> memref<1x20x128xi32, #tpu.memory_space<vmem>>
    %dma_wait3A_2481 = tpu.memref_squeeze %dma_wait3A_2480 : memref<1x20x128xi32, #tpu.memory_space<vmem>> -> memref<20x128xi32, #tpu.memory_space<vmem>>
    %dma_wait3A_2482 = arith.constant 0 : i32
    %dma_wait3A_2483 = tpu.memref_slice %dma_wait3A_2481[%dma_wait3A_2472, %dma_wait3A_2482] : memref<20x128xi32, #tpu.memory_space<vmem>> -> memref<1x128xi32, #tpu.memory_space<vmem>>
    %dma_wait3A_2484 = tpu.memref_squeeze %dma_wait3A_2483 : memref<1x128xi32, #tpu.memory_space<vmem>> -> memref<128xi32, #tpu.memory_space<vmem>>
    %dma_wait3A_2485 = arith.constant 0 : i32
    %dma_wait3A_2486 = arith.constant 0 : i32
    %dma_wait3A_2487 = tpu.memref_slice %arg6[%dma_wait3A_2485, %dma_wait3A_2486] : memref<1000000x64xf32, #tpu.memory_space<hbm>> -> memref<1000000x64xf32, #tpu.memory_space<hbm>>
    tpu.wait_indirect_dma semaphore(%arg15 : memref<!tpu.dma_semaphore, #tpu.memory_space<semaphore_mem>>) src(%dma_wait3A_2487 : memref<1000000x64xf32, #tpu.memory_space<hbm>>) dst(%dma_wait3A_2477 : memref<128x64xf32, #tpu.memory_space<vmem>>)
    %dma_wait3A_2488 = arith.constant 0 : i32
    %dma_wait3A_2489 = arith.constant 13 : i32
    %dma_wait3A_2490 = arith.constant 0 : i32
    %dma_wait3A_2491 = arith.constant 0 : i32
    %dma_wait3A_2492 = arith.constant 0 : i32
    %dma_wait3A_2493 = tpu.memref_slice %arg13[%dma_wait3A_2490, %dma_wait3A_2491, %dma_wait3A_2492] : memref<2x128x64xf32, #tpu.memory_space<vmem>> -> memref<1x128x64xf32, #tpu.memory_space<vmem>>
    %dma_wait3A_2494 = tpu.memref_squeeze %dma_wait3A_2493 : memref<1x128x64xf32, #tpu.memory_space<vmem>> -> memref<128x64xf32, #tpu.memory_space<vmem>>
    %dma_wait3A_2495 = arith.constant 0 : i32
    %dma_wait3A_2496 = arith.constant 0 : i32
    %dma_wait3A_2497 = tpu.memref_slice %arg10[%dma_wait3A_2488, %dma_wait3A_2495, %dma_wait3A_2496] : memref<2x20x128xi32, #tpu.memory_space<vmem>> -> memref<1x20x128xi32, #tpu.memory_space<vmem>>
    %dma_wait3A_2498 = tpu.memref_squeeze %dma_wait3A_2497 : memref<1x20x128xi32, #tpu.memory_space<vmem>> -> memref<20x128xi32, #tpu.memory_space<vmem>>
    %dma_wait3A_2499 = arith.constant 0 : i32
    %dma_wait3A_2500 = tpu.memref_slice %dma_wait3A_2498[%dma_wait3A_2489, %dma_wait3A_2499] : memref<20x128xi32, #tpu.memory_space<vmem>> -> memref<1x128xi32, #tpu.memory_space<vmem>>
    %dma_wait3A_2501 = tpu.memref_squeeze %dma_wait3A_2500 : memref<1x128xi32, #tpu.memory_space<vmem>> -> memref<128xi32, #tpu.memory_space<vmem>>
    %dma_wait3A_2502 = arith.constant 0 : i32
    %dma_wait3A_2503 = arith.constant 0 : i32
    %dma_wait3A_2504 = tpu.memref_slice %arg6[%dma_wait3A_2502, %dma_wait3A_2503] : memref<1000000x64xf32, #tpu.memory_space<hbm>> -> memref<1000000x64xf32, #tpu.memory_space<hbm>>
    tpu.wait_indirect_dma semaphore(%arg15 : memref<!tpu.dma_semaphore, #tpu.memory_space<semaphore_mem>>) src(%dma_wait3A_2504 : memref<1000000x64xf32, #tpu.memory_space<hbm>>) dst(%dma_wait3A_2494 : memref<128x64xf32, #tpu.memory_space<vmem>>)
    %dma_wait3A_2505 = arith.constant 0 : i32
    %dma_wait3A_2506 = arith.constant 14 : i32
    %dma_wait3A_2507 = arith.constant 0 : i32
    %dma_wait3A_2508 = arith.constant 0 : i32
    %dma_wait3A_2509 = arith.constant 0 : i32
    %dma_wait3A_2510 = tpu.memref_slice %arg13[%dma_wait3A_2507, %dma_wait3A_2508, %dma_wait3A_2509] : memref<2x128x64xf32, #tpu.memory_space<vmem>> -> memref<1x128x64xf32, #tpu.memory_space<vmem>>
    %dma_wait3A_2511 = tpu.memref_squeeze %dma_wait3A_2510 : memref<1x128x64xf32, #tpu.memory_space<vmem>> -> memref<128x64xf32, #tpu.memory_space<vmem>>
    %dma_wait3A_2512 = arith.constant 0 : i32
    %dma_wait3A_2513 = arith.constant 0 : i32
    %dma_wait3A_2514 = tpu.memref_slice %arg10[%dma_wait3A_2505, %dma_wait3A_2512, %dma_wait3A_2513] : memref<2x20x128xi32, #tpu.memory_space<vmem>> -> memref<1x20x128xi32, #tpu.memory_space<vmem>>
    %dma_wait3A_2515 = tpu.memref_squeeze %dma_wait3A_2514 : memref<1x20x128xi32, #tpu.memory_space<vmem>> -> memref<20x128xi32, #tpu.memory_space<vmem>>
    %dma_wait3A_2516 = arith.constant 0 : i32
    %dma_wait3A_2517 = tpu.memref_slice %dma_wait3A_2515[%dma_wait3A_2506, %dma_wait3A_2516] : memref<20x128xi32, #tpu.memory_space<vmem>> -> memref<1x128xi32, #tpu.memory_space<vmem>>
    %dma_wait3A_2518 = tpu.memref_squeeze %dma_wait3A_2517 : memref<1x128xi32, #tpu.memory_space<vmem>> -> memref<128xi32, #tpu.memory_space<vmem>>
    %dma_wait3A_2519 = arith.constant 0 : i32
    %dma_wait3A_2520 = arith.constant 0 : i32
    %dma_wait3A_2521 = tpu.memref_slice %arg6[%dma_wait3A_2519, %dma_wait3A_2520] : memref<1000000x64xf32, #tpu.memory_space<hbm>> -> memref<1000000x64xf32, #tpu.memory_space<hbm>>
    tpu.wait_indirect_dma semaphore(%arg15 : memref<!tpu.dma_semaphore, #tpu.memory_space<semaphore_mem>>) src(%dma_wait3A_2521 : memref<1000000x64xf32, #tpu.memory_space<hbm>>) dst(%dma_wait3A_2511 : memref<128x64xf32, #tpu.memory_space<vmem>>)
    %dma_wait3A_2522 = arith.constant 0 : i32
    %dma_wait3A_2523 = arith.constant 15 : i32
    %dma_wait3A_2524 = arith.constant 0 : i32
    %dma_wait3A_2525 = arith.constant 0 : i32
    %dma_wait3A_2526 = arith.constant 0 : i32
    %dma_wait3A_2527 = tpu.memref_slice %arg13[%dma_wait3A_2524, %dma_wait3A_2525, %dma_wait3A_2526] : memref<2x128x64xf32, #tpu.memory_space<vmem>> -> memref<1x128x64xf32, #tpu.memory_space<vmem>>
    %dma_wait3A_2528 = tpu.memref_squeeze %dma_wait3A_2527 : memref<1x128x64xf32, #tpu.memory_space<vmem>> -> memref<128x64xf32, #tpu.memory_space<vmem>>
    %dma_wait3A_2529 = arith.constant 0 : i32
    %dma_wait3A_2530 = arith.constant 0 : i32
    %dma_wait3A_2531 = tpu.memref_slice %arg10[%dma_wait3A_2522, %dma_wait3A_2529, %dma_wait3A_2530] : memref<2x20x128xi32, #tpu.memory_space<vmem>> -> memref<1x20x128xi32, #tpu.memory_space<vmem>>
    %dma_wait3A_2532 = tpu.memref_squeeze %dma_wait3A_2531 : memref<1x20x128xi32, #tpu.memory_space<vmem>> -> memref<20x128xi32, #tpu.memory_space<vmem>>
    %dma_wait3A_2533 = arith.constant 0 : i32
    %dma_wait3A_2534 = tpu.memref_slice %dma_wait3A_2532[%dma_wait3A_2523, %dma_wait3A_2533] : memref<20x128xi32, #tpu.memory_space<vmem>> -> memref<1x128xi32, #tpu.memory_space<vmem>>
    %dma_wait3A_2535 = tpu.memref_squeeze %dma_wait3A_2534 : memref<1x128xi32, #tpu.memory_space<vmem>> -> memref<128xi32, #tpu.memory_space<vmem>>
    %dma_wait3A_2536 = arith.constant 0 : i32
    %dma_wait3A_2537 = arith.constant 0 : i32
    %dma_wait3A_2538 = tpu.memref_slice %arg6[%dma_wait3A_2536, %dma_wait3A_2537] : memref<1000000x64xf32, #tpu.memory_space<hbm>> -> memref<1000000x64xf32, #tpu.memory_space<hbm>>
    tpu.wait_indirect_dma semaphore(%arg15 : memref<!tpu.dma_semaphore, #tpu.memory_space<semaphore_mem>>) src(%dma_wait3A_2538 : memref<1000000x64xf32, #tpu.memory_space<hbm>>) dst(%dma_wait3A_2528 : memref<128x64xf32, #tpu.memory_space<vmem>>)
    %dma_wait3A_2539 = arith.constant 0 : i32
    %dma_wait3A_2540 = arith.constant 16 : i32
    %dma_wait3A_2541 = arith.constant 0 : i32
    %dma_wait3A_2542 = arith.constant 0 : i32
    %dma_wait3A_2543 = arith.constant 0 : i32
    %dma_wait3A_2544 = tpu.memref_slice %arg13[%dma_wait3A_2541, %dma_wait3A_2542, %dma_wait3A_2543] : memref<2x128x64xf32, #tpu.memory_space<vmem>> -> memref<1x128x64xf32, #tpu.memory_space<vmem>>
    %dma_wait3A_2545 = tpu.memref_squeeze %dma_wait3A_2544 : memref<1x128x64xf32, #tpu.memory_space<vmem>> -> memref<128x64xf32, #tpu.memory_space<vmem>>
    %dma_wait3A_2546 = arith.constant 0 : i32
    %dma_wait3A_2547 = arith.constant 0 : i32
    %dma_wait3A_2548 = tpu.memref_slice %arg10[%dma_wait3A_2539, %dma_wait3A_2546, %dma_wait3A_2547] : memref<2x20x128xi32, #tpu.memory_space<vmem>> -> memref<1x20x128xi32, #tpu.memory_space<vmem>>
    %dma_wait3A_2549 = tpu.memref_squeeze %dma_wait3A_2548 : memref<1x20x128xi32, #tpu.memory_space<vmem>> -> memref<20x128xi32, #tpu.memory_space<vmem>>
    %dma_wait3A_2550 = arith.constant 0 : i32
    %dma_wait3A_2551 = tpu.memref_slice %dma_wait3A_2549[%dma_wait3A_2540, %dma_wait3A_2550] : memref<20x128xi32, #tpu.memory_space<vmem>> -> memref<1x128xi32, #tpu.memory_space<vmem>>
    %dma_wait3A_2552 = tpu.memref_squeeze %dma_wait3A_2551 : memref<1x128xi32, #tpu.memory_space<vmem>> -> memref<128xi32, #tpu.memory_space<vmem>>
    %dma_wait3A_2553 = arith.constant 0 : i32
    %dma_wait3A_2554 = arith.constant 0 : i32
    %dma_wait3A_2555 = tpu.memref_slice %arg6[%dma_wait3A_2553, %dma_wait3A_2554] : memref<1000000x64xf32, #tpu.memory_space<hbm>> -> memref<1000000x64xf32, #tpu.memory_space<hbm>>
    tpu.wait_indirect_dma semaphore(%arg15 : memref<!tpu.dma_semaphore, #tpu.memory_space<semaphore_mem>>) src(%dma_wait3A_2555 : memref<1000000x64xf32, #tpu.memory_space<hbm>>) dst(%dma_wait3A_2545 : memref<128x64xf32, #tpu.memory_space<vmem>>)
    %dma_wait3A_2556 = arith.constant 0 : i32
    %dma_wait3A_2557 = arith.constant 17 : i32
    %dma_wait3A_2558 = arith.constant 0 : i32
    %dma_wait3A_2559 = arith.constant 0 : i32
    %dma_wait3A_2560 = arith.constant 0 : i32
    %dma_wait3A_2561 = tpu.memref_slice %arg13[%dma_wait3A_2558, %dma_wait3A_2559, %dma_wait3A_2560] : memref<2x128x64xf32, #tpu.memory_space<vmem>> -> memref<1x128x64xf32, #tpu.memory_space<vmem>>
    %dma_wait3A_2562 = tpu.memref_squeeze %dma_wait3A_2561 : memref<1x128x64xf32, #tpu.memory_space<vmem>> -> memref<128x64xf32, #tpu.memory_space<vmem>>
    %dma_wait3A_2563 = arith.constant 0 : i32
    %dma_wait3A_2564 = arith.constant 0 : i32
    %dma_wait3A_2565 = tpu.memref_slice %arg10[%dma_wait3A_2556, %dma_wait3A_2563, %dma_wait3A_2564] : memref<2x20x128xi32, #tpu.memory_space<vmem>> -> memref<1x20x128xi32, #tpu.memory_space<vmem>>
    %dma_wait3A_2566 = tpu.memref_squeeze %dma_wait3A_2565 : memref<1x20x128xi32, #tpu.memory_space<vmem>> -> memref<20x128xi32, #tpu.memory_space<vmem>>
    %dma_wait3A_2567 = arith.constant 0 : i32
    %dma_wait3A_2568 = tpu.memref_slice %dma_wait3A_2566[%dma_wait3A_2557, %dma_wait3A_2567] : memref<20x128xi32, #tpu.memory_space<vmem>> -> memref<1x128xi32, #tpu.memory_space<vmem>>
    %dma_wait3A_2569 = tpu.memref_squeeze %dma_wait3A_2568 : memref<1x128xi32, #tpu.memory_space<vmem>> -> memref<128xi32, #tpu.memory_space<vmem>>
    %dma_wait3A_2570 = arith.constant 0 : i32
    %dma_wait3A_2571 = arith.constant 0 : i32
    %dma_wait3A_2572 = tpu.memref_slice %arg6[%dma_wait3A_2570, %dma_wait3A_2571] : memref<1000000x64xf32, #tpu.memory_space<hbm>> -> memref<1000000x64xf32, #tpu.memory_space<hbm>>
    tpu.wait_indirect_dma semaphore(%arg15 : memref<!tpu.dma_semaphore, #tpu.memory_space<semaphore_mem>>) src(%dma_wait3A_2572 : memref<1000000x64xf32, #tpu.memory_space<hbm>>) dst(%dma_wait3A_2562 : memref<128x64xf32, #tpu.memory_space<vmem>>)
    %dma_wait3A_2573 = arith.constant 0 : i32
    %dma_wait3A_2574 = arith.constant 18 : i32
    %dma_wait3A_2575 = arith.constant 0 : i32
    %dma_wait3A_2576 = arith.constant 0 : i32
    %dma_wait3A_2577 = arith.constant 0 : i32
    %dma_wait3A_2578 = tpu.memref_slice %arg13[%dma_wait3A_2575, %dma_wait3A_2576, %dma_wait3A_2577] : memref<2x128x64xf32, #tpu.memory_space<vmem>> -> memref<1x128x64xf32, #tpu.memory_space<vmem>>
    %dma_wait3A_2579 = tpu.memref_squeeze %dma_wait3A_2578 : memref<1x128x64xf32, #tpu.memory_space<vmem>> -> memref<128x64xf32, #tpu.memory_space<vmem>>
    %dma_wait3A_2580 = arith.constant 0 : i32
    %dma_wait3A_2581 = arith.constant 0 : i32
    %dma_wait3A_2582 = tpu.memref_slice %arg10[%dma_wait3A_2573, %dma_wait3A_2580, %dma_wait3A_2581] : memref<2x20x128xi32, #tpu.memory_space<vmem>> -> memref<1x20x128xi32, #tpu.memory_space<vmem>>
    %dma_wait3A_2583 = tpu.memref_squeeze %dma_wait3A_2582 : memref<1x20x128xi32, #tpu.memory_space<vmem>> -> memref<20x128xi32, #tpu.memory_space<vmem>>
    %dma_wait3A_2584 = arith.constant 0 : i32
    %dma_wait3A_2585 = tpu.memref_slice %dma_wait3A_2583[%dma_wait3A_2574, %dma_wait3A_2584] : memref<20x128xi32, #tpu.memory_space<vmem>> -> memref<1x128xi32, #tpu.memory_space<vmem>>
    %dma_wait3A_2586 = tpu.memref_squeeze %dma_wait3A_2585 : memref<1x128xi32, #tpu.memory_space<vmem>> -> memref<128xi32, #tpu.memory_space<vmem>>
    %dma_wait3A_2587 = arith.constant 0 : i32
    %dma_wait3A_2588 = arith.constant 0 : i32
    %dma_wait3A_2589 = tpu.memref_slice %arg6[%dma_wait3A_2587, %dma_wait3A_2588] : memref<1000000x64xf32, #tpu.memory_space<hbm>> -> memref<1000000x64xf32, #tpu.memory_space<hbm>>
    tpu.wait_indirect_dma semaphore(%arg15 : memref<!tpu.dma_semaphore, #tpu.memory_space<semaphore_mem>>) src(%dma_wait3A_2589 : memref<1000000x64xf32, #tpu.memory_space<hbm>>) dst(%dma_wait3A_2579 : memref<128x64xf32, #tpu.memory_space<vmem>>)
    %dma_wait3A_2590 = arith.constant 0 : i32
    %dma_wait3A_2591 = arith.constant 19 : i32
    %dma_wait3A_2592 = arith.constant 0 : i32
    %dma_wait3A_2593 = arith.constant 0 : i32
    %dma_wait3A_2594 = arith.constant 0 : i32
    %dma_wait3A_2595 = tpu.memref_slice %arg13[%dma_wait3A_2592, %dma_wait3A_2593, %dma_wait3A_2594] : memref<2x128x64xf32, #tpu.memory_space<vmem>> -> memref<1x128x64xf32, #tpu.memory_space<vmem>>
    %dma_wait3A_2596 = tpu.memref_squeeze %dma_wait3A_2595 : memref<1x128x64xf32, #tpu.memory_space<vmem>> -> memref<128x64xf32, #tpu.memory_space<vmem>>
    %dma_wait3A_2597 = arith.constant 0 : i32
    %dma_wait3A_2598 = arith.constant 0 : i32
    %dma_wait3A_2599 = tpu.memref_slice %arg10[%dma_wait3A_2590, %dma_wait3A_2597, %dma_wait3A_2598] : memref<2x20x128xi32, #tpu.memory_space<vmem>> -> memref<1x20x128xi32, #tpu.memory_space<vmem>>
    %dma_wait3A_2600 = tpu.memref_squeeze %dma_wait3A_2599 : memref<1x20x128xi32, #tpu.memory_space<vmem>> -> memref<20x128xi32, #tpu.memory_space<vmem>>
    %dma_wait3A_2601 = arith.constant 0 : i32
    %dma_wait3A_2602 = tpu.memref_slice %dma_wait3A_2600[%dma_wait3A_2591, %dma_wait3A_2601] : memref<20x128xi32, #tpu.memory_space<vmem>> -> memref<1x128xi32, #tpu.memory_space<vmem>>
    %dma_wait3A_2603 = tpu.memref_squeeze %dma_wait3A_2602 : memref<1x128xi32, #tpu.memory_space<vmem>> -> memref<128xi32, #tpu.memory_space<vmem>>
    %dma_wait3A_2604 = arith.constant 0 : i32
    %dma_wait3A_2605 = arith.constant 0 : i32
    %dma_wait3A_2606 = tpu.memref_slice %arg6[%dma_wait3A_2604, %dma_wait3A_2605] : memref<1000000x64xf32, #tpu.memory_space<hbm>> -> memref<1000000x64xf32, #tpu.memory_space<hbm>>
    tpu.wait_indirect_dma semaphore(%arg15 : memref<!tpu.dma_semaphore, #tpu.memory_space<semaphore_mem>>) src(%dma_wait3A_2606 : memref<1000000x64xf32, #tpu.memory_space<hbm>>) dst(%dma_wait3A_2596 : memref<128x64xf32, #tpu.memory_space<vmem>>)
    %add3A_2607 = arith.constant 256 : i32
    %add3A_2608 = arith.addi %mul3A_2, %add3A_2607 : i32
    %scan3A_2609 = arith.constant 0 : i32
    %scan3A_2610 = arith.constant 0 : i32
    %scan3A_2611 = arith.constant 0 : i32
    %scan3A_2612 = arith.constant 0 : i32
    %scan3A_2613 = arith.constant 0 : i32
    %scan3A_2614 = arith.constant 128 : i32
    %scan3A_2615 = arith.addi %scan3A_2613, %scan3A_2614 : i32
    %scan3A_2616 = arith.constant 1 : i32
    %scan3A_2617 = scf.for %scan3A_3003 = %scan3A_2613 to %scan3A_2615 step %scan3A_2616 iter_args(%scan3A_3004 = %scan3A_2612) -> (i32)  : i32 {
      %broadcast_in_dim3A_3005 = arith.constant 0.000000e+00 : f32
      %broadcast_in_dim3A_3006 = vector.broadcast %broadcast_in_dim3A_3005 : f32 to vector<16xf32>
      %broadcast_in_dim3A_3007 = arith.constant 0.000000e+00 : f32
      %broadcast_in_dim3A_3008 = vector.broadcast %broadcast_in_dim3A_3007 : f32 to vector<16xf32>
      %get3A = arith.constant 0 : i32
      %get3A_3009 = arith.constant 0 : i32
      %get3A_3010 = tpu.memref_slice %arg11[%scan3A_2609, %get3A, %get3A_3009] : memref<2x128x64xf32, #tpu.memory_space<vmem>> -> memref<1x128x64xf32, #tpu.memory_space<vmem>>
      %get3A_3011 = tpu.memref_squeeze %get3A_3010 : memref<1x128x64xf32, #tpu.memory_space<vmem>> -> memref<128x64xf32, #tpu.memory_space<vmem>>
      %get3A_3012 = arith.index_cast %scan3A_3003 : i32 to index
      %get3A_3013 = arith.constant 0 : index
      %get3A_3014 = tpu.vector_load %get3A_3011[%get3A_3012, %get3A_3013] {strides = array<i32>} : memref<128x64xf32, #tpu.memory_space<vmem>>, vector<1x16xf32>,
      %get3A_3015 = vector.shape_cast %get3A_3014 : vector<1x16xf32> to vector<16xf32>
      %get3A_3016 = arith.constant 0 : i32
      %get3A_3017 = arith.constant 0 : i32
      %get3A_3018 = tpu.memref_slice %arg12[%scan3A_2610, %get3A_3016, %get3A_3017] : memref<2x128x64xf32, #tpu.memory_space<vmem>> -> memref<1x128x64xf32, #tpu.memory_space<vmem>>
      %get3A_3019 = tpu.memref_squeeze %get3A_3018 : memref<1x128x64xf32, #tpu.memory_space<vmem>> -> memref<128x64xf32, #tpu.memory_space<vmem>>
      %get3A_3020 = arith.index_cast %scan3A_3003 : i32 to index
      %get3A_3021 = arith.constant 0 : index
      %get3A_3022 = tpu.vector_load %get3A_3019[%get3A_3020, %get3A_3021] {strides = array<i32>} : memref<128x64xf32, #tpu.memory_space<vmem>>, vector<1x16xf32>,
      %get3A_3023 = vector.shape_cast %get3A_3022 : vector<1x16xf32> to vector<16xf32>
      %mul3A_3024 = arith.mulf %get3A_3015, %get3A_3023 : vector<16xf32>
      %add3A_3025 = arith.addf %broadcast_in_dim3A_3006, %mul3A_3024 : vector<16xf32>
      %get3A_3026 = arith.constant 0 : i32
      %get3A_3027 = arith.constant 0 : i32
      %get3A_3028 = tpu.memref_slice %arg13[%scan3A_2611, %get3A_3026, %get3A_3027] : memref<2x128x64xf32, #tpu.memory_space<vmem>> -> memref<1x128x64xf32, #tpu.memory_space<vmem>>
      %get3A_3029 = tpu.memref_squeeze %get3A_3028 : memref<1x128x64xf32, #tpu.memory_space<vmem>> -> memref<128x64xf32, #tpu.memory_space<vmem>>
      %get3A_3030 = arith.index_cast %scan3A_3003 : i32 to index
      %get3A_3031 = arith.constant 0 : index
      %get3A_3032 = tpu.vector_load %get3A_3029[%get3A_3030, %get3A_3031] {strides = array<i32>} : memref<128x64xf32, #tpu.memory_space<vmem>>, vector<1x16xf32>,
      %get3A_3033 = vector.shape_cast %get3A_3032 : vector<1x16xf32> to vector<16xf32>
      %mul3A_3034 = arith.mulf %get3A_3015, %get3A_3033 : vector<16xf32>
      %add3A_3035 = arith.addf %broadcast_in_dim3A_3008, %mul3A_3034 : vector<16xf32>
      %swap3A = arith.constant 0 : i32
      %swap3A_3036 = arith.constant 0 : i32
      %swap3A_3037 = tpu.memref_slice %arg13[%scan3A_2611, %swap3A, %swap3A_3036] : memref<2x128x64xf32, #tpu.memory_space<vmem>> -> memref<1x128x64xf32, #tpu.memory_space<vmem>>
      %swap3A_3038 = tpu.memref_squeeze %swap3A_3037 : memref<1x128x64xf32, #tpu.memory_space<vmem>> -> memref<128x64xf32, #tpu.memory_space<vmem>>
      %swap3A_3039 = arith.index_cast %scan3A_3003 : i32 to index
      %swap3A_3040 = arith.constant 0 : index
      %swap3A_3041 = tpu.vector_load %swap3A_3038[%swap3A_3039, %swap3A_3040] {strides = array<i32>} : memref<128x64xf32, #tpu.memory_space<vmem>>, vector<1x16xf32>,
      %swap3A_3042 = vector.shape_cast %swap3A_3041 : vector<1x16xf32> to vector<16xf32>
      %swap3A_3043 = vector.shape_cast %broadcast_in_dim3A_3 : vector<16xf32> to vector<1x16xf32>
      tpu.vector_store %swap3A_3038[%swap3A_3039, %swap3A_3040], %swap3A_3043 {strides = array<i32>} : memref<128x64xf32, #tpu.memory_space<vmem>>, vector<1x16xf32>,
      %get3A_3044 = arith.constant 0 : i32
      %get3A_3045 = arith.constant 0 : i32
      %get3A_3046 = tpu.memref_slice %arg11[%scan3A_2609, %get3A_3044, %get3A_3045] : memref<2x128x64xf32, #tpu.memory_space<vmem>> -> memref<1x128x64xf32, #tpu.memory_space<vmem>>
      %get3A_3047 = tpu.memref_squeeze %get3A_3046 : memref<1x128x64xf32, #tpu.memory_space<vmem>> -> memref<128x64xf32, #tpu.memory_space<vmem>>
      %get3A_3048 = arith.index_cast %scan3A_3003 : i32 to index
      %get3A_3049 = arith.constant 16 : index
      %get3A_3050 = tpu.vector_load %get3A_3047[%get3A_3048, %get3A_3049] {strides = array<i32>} : memref<128x64xf32, #tpu.memory_space<vmem>>, vector<1x16xf32>,
      %get3A_3051 = vector.shape_cast %get3A_3050 : vector<1x16xf32> to vector<16xf32>
      %get3A_3052 = arith.constant 0 : i32
      %get3A_3053 = arith.constant 0 : i32
      %get3A_3054 = tpu.memref_slice %arg12[%scan3A_2610, %get3A_3052, %get3A_3053] : memref<2x128x64xf32, #tpu.memory_space<vmem>> -> memref<1x128x64xf32, #tpu.memory_space<vmem>>
      %get3A_3055 = tpu.memref_squeeze %get3A_3054 : memref<1x128x64xf32, #tpu.memory_space<vmem>> -> memref<128x64xf32, #tpu.memory_space<vmem>>
      %get3A_3056 = arith.index_cast %scan3A_3003 : i32 to index
      %get3A_3057 = arith.constant 16 : index
      %get3A_3058 = tpu.vector_load %get3A_3055[%get3A_3056, %get3A_3057] {strides = array<i32>} : memref<128x64xf32, #tpu.memory_space<vmem>>, vector<1x16xf32>,
      %get3A_3059 = vector.shape_cast %get3A_3058 : vector<1x16xf32> to vector<16xf32>
      %mul3A_3060 = arith.mulf %get3A_3051, %get3A_3059 : vector<16xf32>
      %add3A_3061 = arith.addf %add3A_3025, %mul3A_3060 : vector<16xf32>
      %get3A_3062 = arith.constant 0 : i32
      %get3A_3063 = arith.constant 0 : i32
      %get3A_3064 = tpu.memref_slice %arg13[%scan3A_2611, %get3A_3062, %get3A_3063] : memref<2x128x64xf32, #tpu.memory_space<vmem>> -> memref<1x128x64xf32, #tpu.memory_space<vmem>>
      %get3A_3065 = tpu.memref_squeeze %get3A_3064 : memref<1x128x64xf32, #tpu.memory_space<vmem>> -> memref<128x64xf32, #tpu.memory_space<vmem>>
      %get3A_3066 = arith.index_cast %scan3A_3003 : i32 to index
      %get3A_3067 = arith.constant 16 : index
      %get3A_3068 = tpu.vector_load %get3A_3065[%get3A_3066, %get3A_3067] {strides = array<i32>} : memref<128x64xf32, #tpu.memory_space<vmem>>, vector<1x16xf32>,
      %get3A_3069 = vector.shape_cast %get3A_3068 : vector<1x16xf32> to vector<16xf32>
      %mul3A_3070 = arith.mulf %get3A_3051, %get3A_3069 : vector<16xf32>
      %add3A_3071 = arith.addf %add3A_3035, %mul3A_3070 : vector<16xf32>
      %swap3A_3072 = arith.constant 0 : i32
      %swap3A_3073 = arith.constant 0 : i32
      %swap3A_3074 = tpu.memref_slice %arg13[%scan3A_2611, %swap3A_3072, %swap3A_3073] : memref<2x128x64xf32, #tpu.memory_space<vmem>> -> memref<1x128x64xf32, #tpu.memory_space<vmem>>
      %swap3A_3075 = tpu.memref_squeeze %swap3A_3074 : memref<1x128x64xf32, #tpu.memory_space<vmem>> -> memref<128x64xf32, #tpu.memory_space<vmem>>
      %swap3A_3076 = arith.index_cast %scan3A_3003 : i32 to index
      %swap3A_3077 = arith.constant 16 : index
      %swap3A_3078 = tpu.vector_load %swap3A_3075[%swap3A_3076, %swap3A_3077] {strides = array<i32>} : memref<128x64xf32, #tpu.memory_space<vmem>>, vector<1x16xf32>,
      %swap3A_3079 = vector.shape_cast %swap3A_3078 : vector<1x16xf32> to vector<16xf32>
      %swap3A_3080 = vector.shape_cast %broadcast_in_dim3A_3 : vector<16xf32> to vector<1x16xf32>
      tpu.vector_store %swap3A_3075[%swap3A_3076, %swap3A_3077], %swap3A_3080 {strides = array<i32>} : memref<128x64xf32, #tpu.memory_space<vmem>>, vector<1x16xf32>,
      %get3A_3081 = arith.constant 0 : i32
      %get3A_3082 = arith.constant 0 : i32
      %get3A_3083 = tpu.memref_slice %arg11[%scan3A_2609, %get3A_3081, %get3A_3082] : memref<2x128x64xf32, #tpu.memory_space<vmem>> -> memref<1x128x64xf32, #tpu.memory_space<vmem>>
      %get3A_3084 = tpu.memref_squeeze %get3A_3083 : memref<1x128x64xf32, #tpu.memory_space<vmem>> -> memref<128x64xf32, #tpu.memory_space<vmem>>
      %get3A_3085 = arith.index_cast %scan3A_3003 : i32 to index
      %get3A_3086 = arith.constant 32 : index
      %get3A_3087 = tpu.vector_load %get3A_3084[%get3A_3085, %get3A_3086] {strides = array<i32>} : memref<128x64xf32, #tpu.memory_space<vmem>>, vector<1x16xf32>,
      %get3A_3088 = vector.shape_cast %get3A_3087 : vector<1x16xf32> to vector<16xf32>
      %get3A_3089 = arith.constant 0 : i32
      %get3A_3090 = arith.constant 0 : i32
      %get3A_3091 = tpu.memref_slice %arg12[%scan3A_2610, %get3A_3089, %get3A_3090] : memref<2x128x64xf32, #tpu.memory_space<vmem>> -> memref<1x128x64xf32, #tpu.memory_space<vmem>>
      %get3A_3092 = tpu.memref_squeeze %get3A_3091 : memref<1x128x64xf32, #tpu.memory_space<vmem>> -> memref<128x64xf32, #tpu.memory_space<vmem>>
      %get3A_3093 = arith.index_cast %scan3A_3003 : i32 to index
      %get3A_3094 = arith.constant 32 : index
      %get3A_3095 = tpu.vector_load %get3A_3092[%get3A_3093, %get3A_3094] {strides = array<i32>} : memref<128x64xf32, #tpu.memory_space<vmem>>, vector<1x16xf32>,
      %get3A_3096 = vector.shape_cast %get3A_3095 : vector<1x16xf32> to vector<16xf32>
      %mul3A_3097 = arith.mulf %get3A_3088, %get3A_3096 : vector<16xf32>
      %add3A_3098 = arith.addf %add3A_3061, %mul3A_3097 : vector<16xf32>
      %get3A_3099 = arith.constant 0 : i32
      %get3A_3100 = arith.constant 0 : i32
      %get3A_3101 = tpu.memref_slice %arg13[%scan3A_2611, %get3A_3099, %get3A_3100] : memref<2x128x64xf32, #tpu.memory_space<vmem>> -> memref<1x128x64xf32, #tpu.memory_space<vmem>>
      %get3A_3102 = tpu.memref_squeeze %get3A_3101 : memref<1x128x64xf32, #tpu.memory_space<vmem>> -> memref<128x64xf32, #tpu.memory_space<vmem>>
      %get3A_3103 = arith.index_cast %scan3A_3003 : i32 to index
      %get3A_3104 = arith.constant 32 : index
      %get3A_3105 = tpu.vector_load %get3A_3102[%get3A_3103, %get3A_3104] {strides = array<i32>} : memref<128x64xf32, #tpu.memory_space<vmem>>, vector<1x16xf32>,
      %get3A_3106 = vector.shape_cast %get3A_3105 : vector<1x16xf32> to vector<16xf32>
      %mul3A_3107 = arith.mulf %get3A_3088, %get3A_3106 : vector<16xf32>
      %add3A_3108 = arith.addf %add3A_3071, %mul3A_3107 : vector<16xf32>
      %swap3A_3109 = arith.constant 0 : i32
      %swap3A_3110 = arith.constant 0 : i32
      %swap3A_3111 = tpu.memref_slice %arg13[%scan3A_2611, %swap3A_3109, %swap3A_3110] : memref<2x128x64xf32, #tpu.memory_space<vmem>> -> memref<1x128x64xf32, #tpu.memory_space<vmem>>
      %swap3A_3112 = tpu.memref_squeeze %swap3A_3111 : memref<1x128x64xf32, #tpu.memory_space<vmem>> -> memref<128x64xf32, #tpu.memory_space<vmem>>
      %swap3A_3113 = arith.index_cast %scan3A_3003 : i32 to index
      %swap3A_3114 = arith.constant 32 : index
      %swap3A_3115 = tpu.vector_load %swap3A_3112[%swap3A_3113, %swap3A_3114] {strides = array<i32>} : memref<128x64xf32, #tpu.memory_space<vmem>>, vector<1x16xf32>,
      %swap3A_3116 = vector.shape_cast %swap3A_3115 : vector<1x16xf32> to vector<16xf32>
      %swap3A_3117 = vector.shape_cast %broadcast_in_dim3A_3 : vector<16xf32> to vector<1x16xf32>
      tpu.vector_store %swap3A_3112[%swap3A_3113, %swap3A_3114], %swap3A_3117 {strides = array<i32>} : memref<128x64xf32, #tpu.memory_space<vmem>>, vector<1x16xf32>,
      %get3A_3118 = arith.constant 0 : i32
      %get3A_3119 = arith.constant 0 : i32
      %get3A_3120 = tpu.memref_slice %arg11[%scan3A_2609, %get3A_3118, %get3A_3119] : memref<2x128x64xf32, #tpu.memory_space<vmem>> -> memref<1x128x64xf32, #tpu.memory_space<vmem>>
      %get3A_3121 = tpu.memref_squeeze %get3A_3120 : memref<1x128x64xf32, #tpu.memory_space<vmem>> -> memref<128x64xf32, #tpu.memory_space<vmem>>
      %get3A_3122 = arith.index_cast %scan3A_3003 : i32 to index
      %get3A_3123 = arith.constant 48 : index
      %get3A_3124 = tpu.vector_load %get3A_3121[%get3A_3122, %get3A_3123] {strides = array<i32>} : memref<128x64xf32, #tpu.memory_space<vmem>>, vector<1x16xf32>,
      %get3A_3125 = vector.shape_cast %get3A_3124 : vector<1x16xf32> to vector<16xf32>
      %get3A_3126 = arith.constant 0 : i32
      %get3A_3127 = arith.constant 0 : i32
      %get3A_3128 = tpu.memref_slice %arg12[%scan3A_2610, %get3A_3126, %get3A_3127] : memref<2x128x64xf32, #tpu.memory_space<vmem>> -> memref<1x128x64xf32, #tpu.memory_space<vmem>>
      %get3A_3129 = tpu.memref_squeeze %get3A_3128 : memref<1x128x64xf32, #tpu.memory_space<vmem>> -> memref<128x64xf32, #tpu.memory_space<vmem>>
      %get3A_3130 = arith.index_cast %scan3A_3003 : i32 to index
      %get3A_3131 = arith.constant 48 : index
      %get3A_3132 = tpu.vector_load %get3A_3129[%get3A_3130, %get3A_3131] {strides = array<i32>} : memref<128x64xf32, #tpu.memory_space<vmem>>, vector<1x16xf32>,
      %get3A_3133 = vector.shape_cast %get3A_3132 : vector<1x16xf32> to vector<16xf32>
      %mul3A_3134 = arith.mulf %get3A_3125, %get3A_3133 : vector<16xf32>
      %add3A_3135 = arith.addf %add3A_3098, %mul3A_3134 : vector<16xf32>
      %get3A_3136 = arith.constant 0 : i32
      %get3A_3137 = arith.constant 0 : i32
      %get3A_3138 = tpu.memref_slice %arg13[%scan3A_2611, %get3A_3136, %get3A_3137] : memref<2x128x64xf32, #tpu.memory_space<vmem>> -> memref<1x128x64xf32, #tpu.memory_space<vmem>>
      %get3A_3139 = tpu.memref_squeeze %get3A_3138 : memref<1x128x64xf32, #tpu.memory_space<vmem>> -> memref<128x64xf32, #tpu.memory_space<vmem>>
      %get3A_3140 = arith.index_cast %scan3A_3003 : i32 to index
      %get3A_3141 = arith.constant 48 : index
      %get3A_3142 = tpu.vector_load %get3A_3139[%get3A_3140, %get3A_3141] {strides = array<i32>} : memref<128x64xf32, #tpu.memory_space<vmem>>, vector<1x16xf32>,
      %get3A_3143 = vector.shape_cast %get3A_3142 : vector<1x16xf32> to vector<16xf32>
      %mul3A_3144 = arith.mulf %get3A_3125, %get3A_3143 : vector<16xf32>
      %add3A_3145 = arith.addf %add3A_3108, %mul3A_3144 : vector<16xf32>
      %swap3A_3146 = arith.constant 0 : i32
      %swap3A_3147 = arith.constant 0 : i32
      %swap3A_3148 = tpu.memref_slice %arg13[%scan3A_2611, %swap3A_3146, %swap3A_3147] : memref<2x128x64xf32, #tpu.memory_space<vmem>> -> memref<1x128x64xf32, #tpu.memory_space<vmem>>
      %swap3A_3149 = tpu.memref_squeeze %swap3A_3148 : memref<1x128x64xf32, #tpu.memory_space<vmem>> -> memref<128x64xf32, #tpu.memory_space<vmem>>
      %swap3A_3150 = arith.index_cast %scan3A_3003 : i32 to index
      %swap3A_3151 = arith.constant 48 : index
      %swap3A_3152 = tpu.vector_load %swap3A_3149[%swap3A_3150, %swap3A_3151] {strides = array<i32>} : memref<128x64xf32, #tpu.memory_space<vmem>>, vector<1x16xf32>,
      %swap3A_3153 = vector.shape_cast %swap3A_3152 : vector<1x16xf32> to vector<16xf32>
      %swap3A_3154 = vector.shape_cast %broadcast_in_dim3A_3 : vector<16xf32> to vector<1x16xf32>
      tpu.vector_store %swap3A_3149[%swap3A_3150, %swap3A_3151], %swap3A_3154 {strides = array<i32>} : memref<128x64xf32, #tpu.memory_space<vmem>>, vector<1x16xf32>,
      %mul3A_3155 = arith.constant 2 : i32
      %mul3A_3156 = arith.muli %scan3A_3003, %mul3A_3155 : i32
      %mul3A_3157 = arith.constant 16 : i32
      %mul3A_3158 = arith.muli %mul3A_3156, %mul3A_3157 : i32
      %swap3A_3159 = arith.index_cast %mul3A_3158 : i32 to index
      %swap3A_3160 = tpu.vector_load %arg14[%swap3A_3159] {strides = array<i32>} : memref<4096xf32, #tpu.memory_space<vmem>>, vector<16xf32>,
      %swap3A_3161 = vector.shape_cast %swap3A_3160 : vector<16xf32> to vector<16xf32>
      %swap3A_3162 = vector.shape_cast %add3A_3135 : vector<16xf32> to vector<16xf32>
      tpu.vector_store %arg14[%swap3A_3159], %swap3A_3162 {strides = array<i32>} : memref<4096xf32, #tpu.memory_space<vmem>>, vector<16xf32>,
      %mul3A_3163 = arith.constant 2 : i32
      %mul3A_3164 = arith.muli %scan3A_3003, %mul3A_3163 : i32
      %mul3A_3165 = arith.constant 16 : i32
      %mul3A_3166 = arith.muli %mul3A_3164, %mul3A_3165 : i32
      %add3A_3167 = arith.constant 16 : i32
      %add3A_3168 = arith.addi %mul3A_3166, %add3A_3167 : i32
      %swap3A_3169 = arith.index_cast %add3A_3168 : i32 to index
      %swap3A_3170 = tpu.vector_load %arg14[%swap3A_3169] {strides = array<i32>} : memref<4096xf32, #tpu.memory_space<vmem>>, vector<16xf32>,
      %swap3A_3171 = vector.shape_cast %swap3A_3170 : vector<16xf32> to vector<16xf32>
      %swap3A_3172 = vector.shape_cast %add3A_3145 : vector<16xf32> to vector<16xf32>
      tpu.vector_store %arg14[%swap3A_3169], %swap3A_3172 {strides = array<i32>} : memref<4096xf32, #tpu.memory_space<vmem>>, vector<16xf32>,
      %scan3A_3173 = arith.constant 0 : i32
      scf.yield %scan3A_3173 : i32
    }
    %scan3A_2618 = arith.constant 128 : i32
    %mul3A_2619 = arith.constant 2 : i32
    %mul3A_2620 = arith.muli %add3A_2608, %mul3A_2619 : i32
    %mul3A_2621 = arith.constant 16 : i32
    %mul3A_2622 = arith.muli %mul3A_2620, %mul3A_2621 : i32
    "tpu.region"() ({
      %run_scoped3A_3003 = tpu.sem_alloc : memref<!tpu.dma_semaphore, #tpu.memory_space<semaphore_mem>>
      %dma_start3A_3004 = tpu.memref_slice %arg7[%mul3A_2622] : memref<524288xf32, #tpu.memory_space<hbm>> -> memref<4096xf32, #tpu.memory_space<hbm>>
      %dma_start3A_3005 = tpu.memref_slice %arg7[%mul3A_2622] : memref<524288xf32, #tpu.memory_space<hbm>> -> memref<4096xf32, #tpu.memory_space<hbm>>
      tpu.enqueue_dma source(%arg14 : memref<4096xf32, #tpu.memory_space<vmem>>) target(%dma_start3A_3005 : memref<4096xf32, #tpu.memory_space<hbm>>) target_semaphore(%run_scoped3A_3003 : memref<!tpu.dma_semaphore, #tpu.memory_space<semaphore_mem>>)
      %dma_wait3A_3006 = tpu.memref_slice %arg7[%mul3A_2622] : memref<524288xf32, #tpu.memory_space<hbm>> -> memref<4096xf32, #tpu.memory_space<hbm>>
      %dma_wait3A_3007 = tpu.memref_slice %arg7[%mul3A_2622] : memref<524288xf32, #tpu.memory_space<hbm>> -> memref<4096xf32, #tpu.memory_space<hbm>>
      tpu.wait_dma2 semaphore(%run_scoped3A_3003 : memref<!tpu.dma_semaphore, #tpu.memory_space<semaphore_mem>>) src(%arg14 : memref<4096xf32, #tpu.memory_space<vmem>>) dst(%dma_wait3A_3007 : memref<4096xf32, #tpu.memory_space<hbm>>)
      tpu.yield
    }) : () -> ()
    %dma_wait3A_2623 = arith.constant 1 : i32
    %dma_wait3A_2624 = arith.constant 1 : i32
    %dma_wait3A_2625 = arith.constant 0 : i32
    %dma_wait3A_2626 = arith.constant 0 : i32
    %dma_wait3A_2627 = tpu.memref_slice %arg11[%dma_wait3A_2624, %dma_wait3A_2625, %dma_wait3A_2626] : memref<2x128x64xf32, #tpu.memory_space<vmem>> -> memref<1x128x64xf32, #tpu.memory_space<vmem>>
    %dma_wait3A_2628 = tpu.memref_squeeze %dma_wait3A_2627 : memref<1x128x64xf32, #tpu.memory_space<vmem>> -> memref<128x64xf32, #tpu.memory_space<vmem>>
    %dma_wait3A_2629 = arith.constant 0 : i32
    %dma_wait3A_2630 = tpu.memref_slice %arg8[%dma_wait3A_2623, %dma_wait3A_2629] : memref<2x128xi32, #tpu.memory_space<vmem>> -> memref<1x128xi32, #tpu.memory_space<vmem>>
    %dma_wait3A_2631 = tpu.memref_squeeze %dma_wait3A_2630 : memref<1x128xi32, #tpu.memory_space<vmem>> -> memref<128xi32, #tpu.memory_space<vmem>>
    %dma_wait3A_2632 = arith.constant 0 : i32
    %dma_wait3A_2633 = arith.constant 0 : i32
    %dma_wait3A_2634 = tpu.memref_slice %arg5[%dma_wait3A_2632, %dma_wait3A_2633] : memref<1000000x64xf32, #tpu.memory_space<hbm>> -> memref<1000000x64xf32, #tpu.memory_space<hbm>>
    tpu.wait_indirect_dma semaphore(%arg16 : memref<!tpu.dma_semaphore, #tpu.memory_space<semaphore_mem>>) src(%dma_wait3A_2634 : memref<1000000x64xf32, #tpu.memory_space<hbm>>) dst(%dma_wait3A_2628 : memref<128x64xf32, #tpu.memory_space<vmem>>)
    %dma_wait3A_2635 = arith.constant 1 : i32
    %dma_wait3A_2636 = arith.constant 1 : i32
    %dma_wait3A_2637 = arith.constant 0 : i32
    %dma_wait3A_2638 = arith.constant 0 : i32
    %dma_wait3A_2639 = tpu.memref_slice %arg12[%dma_wait3A_2636, %dma_wait3A_2637, %dma_wait3A_2638] : memref<2x128x64xf32, #tpu.memory_space<vmem>> -> memref<1x128x64xf32, #tpu.memory_space<vmem>>
    %dma_wait3A_2640 = tpu.memref_squeeze %dma_wait3A_2639 : memref<1x128x64xf32, #tpu.memory_space<vmem>> -> memref<128x64xf32, #tpu.memory_space<vmem>>
    %dma_wait3A_2641 = arith.constant 0 : i32
    %dma_wait3A_2642 = tpu.memref_slice %arg9[%dma_wait3A_2635, %dma_wait3A_2641] : memref<2x128xi32, #tpu.memory_space<vmem>> -> memref<1x128xi32, #tpu.memory_space<vmem>>
    %dma_wait3A_2643 = tpu.memref_squeeze %dma_wait3A_2642 : memref<1x128xi32, #tpu.memory_space<vmem>> -> memref<128xi32, #tpu.memory_space<vmem>>
    %dma_wait3A_2644 = arith.constant 0 : i32
    %dma_wait3A_2645 = arith.constant 0 : i32
    %dma_wait3A_2646 = tpu.memref_slice %arg6[%dma_wait3A_2644, %dma_wait3A_2645] : memref<1000000x64xf32, #tpu.memory_space<hbm>> -> memref<1000000x64xf32, #tpu.memory_space<hbm>>
    tpu.wait_indirect_dma semaphore(%arg16 : memref<!tpu.dma_semaphore, #tpu.memory_space<semaphore_mem>>) src(%dma_wait3A_2646 : memref<1000000x64xf32, #tpu.memory_space<hbm>>) dst(%dma_wait3A_2640 : memref<128x64xf32, #tpu.memory_space<vmem>>)
    %dma_wait3A_2647 = arith.constant 1 : i32
    %dma_wait3A_2648 = arith.constant 0 : i32
    %dma_wait3A_2649 = arith.constant 1 : i32
    %dma_wait3A_2650 = arith.constant 0 : i32
    %dma_wait3A_2651 = arith.constant 0 : i32
    %dma_wait3A_2652 = tpu.memref_slice %arg13[%dma_wait3A_2649, %dma_wait3A_2650, %dma_wait3A_2651] : memref<2x128x64xf32, #tpu.memory_space<vmem>> -> memref<1x128x64xf32, #tpu.memory_space<vmem>>
    %dma_wait3A_2653 = tpu.memref_squeeze %dma_wait3A_2652 : memref<1x128x64xf32, #tpu.memory_space<vmem>> -> memref<128x64xf32, #tpu.memory_space<vmem>>
    %dma_wait3A_2654 = arith.constant 0 : i32
    %dma_wait3A_2655 = arith.constant 0 : i32
    %dma_wait3A_2656 = tpu.memref_slice %arg10[%dma_wait3A_2647, %dma_wait3A_2654, %dma_wait3A_2655] : memref<2x20x128xi32, #tpu.memory_space<vmem>> -> memref<1x20x128xi32, #tpu.memory_space<vmem>>
    %dma_wait3A_2657 = tpu.memref_squeeze %dma_wait3A_2656 : memref<1x20x128xi32, #tpu.memory_space<vmem>> -> memref<20x128xi32, #tpu.memory_space<vmem>>
    %dma_wait3A_2658 = arith.constant 0 : i32
    %dma_wait3A_2659 = tpu.memref_slice %dma_wait3A_2657[%dma_wait3A_2648, %dma_wait3A_2658] : memref<20x128xi32, #tpu.memory_space<vmem>> -> memref<1x128xi32, #tpu.memory_space<vmem>>
    %dma_wait3A_2660 = tpu.memref_squeeze %dma_wait3A_2659 : memref<1x128xi32, #tpu.memory_space<vmem>> -> memref<128xi32, #tpu.memory_space<vmem>>
    %dma_wait3A_2661 = arith.constant 0 : i32
    %dma_wait3A_2662 = arith.constant 0 : i32
    %dma_wait3A_2663 = tpu.memref_slice %arg6[%dma_wait3A_2661, %dma_wait3A_2662] : memref<1000000x64xf32, #tpu.memory_space<hbm>> -> memref<1000000x64xf32, #tpu.memory_space<hbm>>
    tpu.wait_indirect_dma semaphore(%arg16 : memref<!tpu.dma_semaphore, #tpu.memory_space<semaphore_mem>>) src(%dma_wait3A_2663 : memref<1000000x64xf32, #tpu.memory_space<hbm>>) dst(%dma_wait3A_2653 : memref<128x64xf32, #tpu.memory_space<vmem>>)
    %dma_wait3A_2664 = arith.constant 1 : i32
    %dma_wait3A_2665 = arith.constant 1 : i32
    %dma_wait3A_2666 = arith.constant 1 : i32
    %dma_wait3A_2667 = arith.constant 0 : i32
    %dma_wait3A_2668 = arith.constant 0 : i32
    %dma_wait3A_2669 = tpu.memref_slice %arg13[%dma_wait3A_2666, %dma_wait3A_2667, %dma_wait3A_2668] : memref<2x128x64xf32, #tpu.memory_space<vmem>> -> memref<1x128x64xf32, #tpu.memory_space<vmem>>
    %dma_wait3A_2670 = tpu.memref_squeeze %dma_wait3A_2669 : memref<1x128x64xf32, #tpu.memory_space<vmem>> -> memref<128x64xf32, #tpu.memory_space<vmem>>
    %dma_wait3A_2671 = arith.constant 0 : i32
    %dma_wait3A_2672 = arith.constant 0 : i32
    %dma_wait3A_2673 = tpu.memref_slice %arg10[%dma_wait3A_2664, %dma_wait3A_2671, %dma_wait3A_2672] : memref<2x20x128xi32, #tpu.memory_space<vmem>> -> memref<1x20x128xi32, #tpu.memory_space<vmem>>
    %dma_wait3A_2674 = tpu.memref_squeeze %dma_wait3A_2673 : memref<1x20x128xi32, #tpu.memory_space<vmem>> -> memref<20x128xi32, #tpu.memory_space<vmem>>
    %dma_wait3A_2675 = arith.constant 0 : i32
    %dma_wait3A_2676 = tpu.memref_slice %dma_wait3A_2674[%dma_wait3A_2665, %dma_wait3A_2675] : memref<20x128xi32, #tpu.memory_space<vmem>> -> memref<1x128xi32, #tpu.memory_space<vmem>>
    %dma_wait3A_2677 = tpu.memref_squeeze %dma_wait3A_2676 : memref<1x128xi32, #tpu.memory_space<vmem>> -> memref<128xi32, #tpu.memory_space<vmem>>
    %dma_wait3A_2678 = arith.constant 0 : i32
    %dma_wait3A_2679 = arith.constant 0 : i32
    %dma_wait3A_2680 = tpu.memref_slice %arg6[%dma_wait3A_2678, %dma_wait3A_2679] : memref<1000000x64xf32, #tpu.memory_space<hbm>> -> memref<1000000x64xf32, #tpu.memory_space<hbm>>
    tpu.wait_indirect_dma semaphore(%arg16 : memref<!tpu.dma_semaphore, #tpu.memory_space<semaphore_mem>>) src(%dma_wait3A_2680 : memref<1000000x64xf32, #tpu.memory_space<hbm>>) dst(%dma_wait3A_2670 : memref<128x64xf32, #tpu.memory_space<vmem>>)
    %dma_wait3A_2681 = arith.constant 1 : i32
    %dma_wait3A_2682 = arith.constant 2 : i32
    %dma_wait3A_2683 = arith.constant 1 : i32
    %dma_wait3A_2684 = arith.constant 0 : i32
    %dma_wait3A_2685 = arith.constant 0 : i32
    %dma_wait3A_2686 = tpu.memref_slice %arg13[%dma_wait3A_2683, %dma_wait3A_2684, %dma_wait3A_2685] : memref<2x128x64xf32, #tpu.memory_space<vmem>> -> memref<1x128x64xf32, #tpu.memory_space<vmem>>
    %dma_wait3A_2687 = tpu.memref_squeeze %dma_wait3A_2686 : memref<1x128x64xf32, #tpu.memory_space<vmem>> -> memref<128x64xf32, #tpu.memory_space<vmem>>
    %dma_wait3A_2688 = arith.constant 0 : i32
    %dma_wait3A_2689 = arith.constant 0 : i32
    %dma_wait3A_2690 = tpu.memref_slice %arg10[%dma_wait3A_2681, %dma_wait3A_2688, %dma_wait3A_2689] : memref<2x20x128xi32, #tpu.memory_space<vmem>> -> memref<1x20x128xi32, #tpu.memory_space<vmem>>
    %dma_wait3A_2691 = tpu.memref_squeeze %dma_wait3A_2690 : memref<1x20x128xi32, #tpu.memory_space<vmem>> -> memref<20x128xi32, #tpu.memory_space<vmem>>
    %dma_wait3A_2692 = arith.constant 0 : i32
    %dma_wait3A_2693 = tpu.memref_slice %dma_wait3A_2691[%dma_wait3A_2682, %dma_wait3A_2692] : memref<20x128xi32, #tpu.memory_space<vmem>> -> memref<1x128xi32, #tpu.memory_space<vmem>>
    %dma_wait3A_2694 = tpu.memref_squeeze %dma_wait3A_2693 : memref<1x128xi32, #tpu.memory_space<vmem>> -> memref<128xi32, #tpu.memory_space<vmem>>
    %dma_wait3A_2695 = arith.constant 0 : i32
    %dma_wait3A_2696 = arith.constant 0 : i32
    %dma_wait3A_2697 = tpu.memref_slice %arg6[%dma_wait3A_2695, %dma_wait3A_2696] : memref<1000000x64xf32, #tpu.memory_space<hbm>> -> memref<1000000x64xf32, #tpu.memory_space<hbm>>
    tpu.wait_indirect_dma semaphore(%arg16 : memref<!tpu.dma_semaphore, #tpu.memory_space<semaphore_mem>>) src(%dma_wait3A_2697 : memref<1000000x64xf32, #tpu.memory_space<hbm>>) dst(%dma_wait3A_2687 : memref<128x64xf32, #tpu.memory_space<vmem>>)
    %dma_wait3A_2698 = arith.constant 1 : i32
    %dma_wait3A_2699 = arith.constant 3 : i32
    %dma_wait3A_2700 = arith.constant 1 : i32
    %dma_wait3A_2701 = arith.constant 0 : i32
    %dma_wait3A_2702 = arith.constant 0 : i32
    %dma_wait3A_2703 = tpu.memref_slice %arg13[%dma_wait3A_2700, %dma_wait3A_2701, %dma_wait3A_2702] : memref<2x128x64xf32, #tpu.memory_space<vmem>> -> memref<1x128x64xf32, #tpu.memory_space<vmem>>
    %dma_wait3A_2704 = tpu.memref_squeeze %dma_wait3A_2703 : memref<1x128x64xf32, #tpu.memory_space<vmem>> -> memref<128x64xf32, #tpu.memory_space<vmem>>
    %dma_wait3A_2705 = arith.constant 0 : i32
    %dma_wait3A_2706 = arith.constant 0 : i32
    %dma_wait3A_2707 = tpu.memref_slice %arg10[%dma_wait3A_2698, %dma_wait3A_2705, %dma_wait3A_2706] : memref<2x20x128xi32, #tpu.memory_space<vmem>> -> memref<1x20x128xi32, #tpu.memory_space<vmem>>
    %dma_wait3A_2708 = tpu.memref_squeeze %dma_wait3A_2707 : memref<1x20x128xi32, #tpu.memory_space<vmem>> -> memref<20x128xi32, #tpu.memory_space<vmem>>
    %dma_wait3A_2709 = arith.constant 0 : i32
    %dma_wait3A_2710 = tpu.memref_slice %dma_wait3A_2708[%dma_wait3A_2699, %dma_wait3A_2709] : memref<20x128xi32, #tpu.memory_space<vmem>> -> memref<1x128xi32, #tpu.memory_space<vmem>>
    %dma_wait3A_2711 = tpu.memref_squeeze %dma_wait3A_2710 : memref<1x128xi32, #tpu.memory_space<vmem>> -> memref<128xi32, #tpu.memory_space<vmem>>
    %dma_wait3A_2712 = arith.constant 0 : i32
    %dma_wait3A_2713 = arith.constant 0 : i32
    %dma_wait3A_2714 = tpu.memref_slice %arg6[%dma_wait3A_2712, %dma_wait3A_2713] : memref<1000000x64xf32, #tpu.memory_space<hbm>> -> memref<1000000x64xf32, #tpu.memory_space<hbm>>
    tpu.wait_indirect_dma semaphore(%arg16 : memref<!tpu.dma_semaphore, #tpu.memory_space<semaphore_mem>>) src(%dma_wait3A_2714 : memref<1000000x64xf32, #tpu.memory_space<hbm>>) dst(%dma_wait3A_2704 : memref<128x64xf32, #tpu.memory_space<vmem>>)
    %dma_wait3A_2715 = arith.constant 1 : i32
    %dma_wait3A_2716 = arith.constant 4 : i32
    %dma_wait3A_2717 = arith.constant 1 : i32
    %dma_wait3A_2718 = arith.constant 0 : i32
    %dma_wait3A_2719 = arith.constant 0 : i32
    %dma_wait3A_2720 = tpu.memref_slice %arg13[%dma_wait3A_2717, %dma_wait3A_2718, %dma_wait3A_2719] : memref<2x128x64xf32, #tpu.memory_space<vmem>> -> memref<1x128x64xf32, #tpu.memory_space<vmem>>
    %dma_wait3A_2721 = tpu.memref_squeeze %dma_wait3A_2720 : memref<1x128x64xf32, #tpu.memory_space<vmem>> -> memref<128x64xf32, #tpu.memory_space<vmem>>
    %dma_wait3A_2722 = arith.constant 0 : i32
    %dma_wait3A_2723 = arith.constant 0 : i32
    %dma_wait3A_2724 = tpu.memref_slice %arg10[%dma_wait3A_2715, %dma_wait3A_2722, %dma_wait3A_2723] : memref<2x20x128xi32, #tpu.memory_space<vmem>> -> memref<1x20x128xi32, #tpu.memory_space<vmem>>
    %dma_wait3A_2725 = tpu.memref_squeeze %dma_wait3A_2724 : memref<1x20x128xi32, #tpu.memory_space<vmem>> -> memref<20x128xi32, #tpu.memory_space<vmem>>
    %dma_wait3A_2726 = arith.constant 0 : i32
    %dma_wait3A_2727 = tpu.memref_slice %dma_wait3A_2725[%dma_wait3A_2716, %dma_wait3A_2726] : memref<20x128xi32, #tpu.memory_space<vmem>> -> memref<1x128xi32, #tpu.memory_space<vmem>>
    %dma_wait3A_2728 = tpu.memref_squeeze %dma_wait3A_2727 : memref<1x128xi32, #tpu.memory_space<vmem>> -> memref<128xi32, #tpu.memory_space<vmem>>
    %dma_wait3A_2729 = arith.constant 0 : i32
    %dma_wait3A_2730 = arith.constant 0 : i32
    %dma_wait3A_2731 = tpu.memref_slice %arg6[%dma_wait3A_2729, %dma_wait3A_2730] : memref<1000000x64xf32, #tpu.memory_space<hbm>> -> memref<1000000x64xf32, #tpu.memory_space<hbm>>
    tpu.wait_indirect_dma semaphore(%arg16 : memref<!tpu.dma_semaphore, #tpu.memory_space<semaphore_mem>>) src(%dma_wait3A_2731 : memref<1000000x64xf32, #tpu.memory_space<hbm>>) dst(%dma_wait3A_2721 : memref<128x64xf32, #tpu.memory_space<vmem>>)
    %dma_wait3A_2732 = arith.constant 1 : i32
    %dma_wait3A_2733 = arith.constant 5 : i32
    %dma_wait3A_2734 = arith.constant 1 : i32
    %dma_wait3A_2735 = arith.constant 0 : i32
    %dma_wait3A_2736 = arith.constant 0 : i32
    %dma_wait3A_2737 = tpu.memref_slice %arg13[%dma_wait3A_2734, %dma_wait3A_2735, %dma_wait3A_2736] : memref<2x128x64xf32, #tpu.memory_space<vmem>> -> memref<1x128x64xf32, #tpu.memory_space<vmem>>
    %dma_wait3A_2738 = tpu.memref_squeeze %dma_wait3A_2737 : memref<1x128x64xf32, #tpu.memory_space<vmem>> -> memref<128x64xf32, #tpu.memory_space<vmem>>
    %dma_wait3A_2739 = arith.constant 0 : i32
    %dma_wait3A_2740 = arith.constant 0 : i32
    %dma_wait3A_2741 = tpu.memref_slice %arg10[%dma_wait3A_2732, %dma_wait3A_2739, %dma_wait3A_2740] : memref<2x20x128xi32, #tpu.memory_space<vmem>> -> memref<1x20x128xi32, #tpu.memory_space<vmem>>
    %dma_wait3A_2742 = tpu.memref_squeeze %dma_wait3A_2741 : memref<1x20x128xi32, #tpu.memory_space<vmem>> -> memref<20x128xi32, #tpu.memory_space<vmem>>
    %dma_wait3A_2743 = arith.constant 0 : i32
    %dma_wait3A_2744 = tpu.memref_slice %dma_wait3A_2742[%dma_wait3A_2733, %dma_wait3A_2743] : memref<20x128xi32, #tpu.memory_space<vmem>> -> memref<1x128xi32, #tpu.memory_space<vmem>>
    %dma_wait3A_2745 = tpu.memref_squeeze %dma_wait3A_2744 : memref<1x128xi32, #tpu.memory_space<vmem>> -> memref<128xi32, #tpu.memory_space<vmem>>
    %dma_wait3A_2746 = arith.constant 0 : i32
    %dma_wait3A_2747 = arith.constant 0 : i32
    %dma_wait3A_2748 = tpu.memref_slice %arg6[%dma_wait3A_2746, %dma_wait3A_2747] : memref<1000000x64xf32, #tpu.memory_space<hbm>> -> memref<1000000x64xf32, #tpu.memory_space<hbm>>
    tpu.wait_indirect_dma semaphore(%arg16 : memref<!tpu.dma_semaphore, #tpu.memory_space<semaphore_mem>>) src(%dma_wait3A_2748 : memref<1000000x64xf32, #tpu.memory_space<hbm>>) dst(%dma_wait3A_2738 : memref<128x64xf32, #tpu.memory_space<vmem>>)
    %dma_wait3A_2749 = arith.constant 1 : i32
    %dma_wait3A_2750 = arith.constant 6 : i32
    %dma_wait3A_2751 = arith.constant 1 : i32
    %dma_wait3A_2752 = arith.constant 0 : i32
    %dma_wait3A_2753 = arith.constant 0 : i32
    %dma_wait3A_2754 = tpu.memref_slice %arg13[%dma_wait3A_2751, %dma_wait3A_2752, %dma_wait3A_2753] : memref<2x128x64xf32, #tpu.memory_space<vmem>> -> memref<1x128x64xf32, #tpu.memory_space<vmem>>
    %dma_wait3A_2755 = tpu.memref_squeeze %dma_wait3A_2754 : memref<1x128x64xf32, #tpu.memory_space<vmem>> -> memref<128x64xf32, #tpu.memory_space<vmem>>
    %dma_wait3A_2756 = arith.constant 0 : i32
    %dma_wait3A_2757 = arith.constant 0 : i32
    %dma_wait3A_2758 = tpu.memref_slice %arg10[%dma_wait3A_2749, %dma_wait3A_2756, %dma_wait3A_2757] : memref<2x20x128xi32, #tpu.memory_space<vmem>> -> memref<1x20x128xi32, #tpu.memory_space<vmem>>
    %dma_wait3A_2759 = tpu.memref_squeeze %dma_wait3A_2758 : memref<1x20x128xi32, #tpu.memory_space<vmem>> -> memref<20x128xi32, #tpu.memory_space<vmem>>
    %dma_wait3A_2760 = arith.constant 0 : i32
    %dma_wait3A_2761 = tpu.memref_slice %dma_wait3A_2759[%dma_wait3A_2750, %dma_wait3A_2760] : memref<20x128xi32, #tpu.memory_space<vmem>> -> memref<1x128xi32, #tpu.memory_space<vmem>>
    %dma_wait3A_2762 = tpu.memref_squeeze %dma_wait3A_2761 : memref<1x128xi32, #tpu.memory_space<vmem>> -> memref<128xi32, #tpu.memory_space<vmem>>
    %dma_wait3A_2763 = arith.constant 0 : i32
    %dma_wait3A_2764 = arith.constant 0 : i32
    %dma_wait3A_2765 = tpu.memref_slice %arg6[%dma_wait3A_2763, %dma_wait3A_2764] : memref<1000000x64xf32, #tpu.memory_space<hbm>> -> memref<1000000x64xf32, #tpu.memory_space<hbm>>
    tpu.wait_indirect_dma semaphore(%arg16 : memref<!tpu.dma_semaphore, #tpu.memory_space<semaphore_mem>>) src(%dma_wait3A_2765 : memref<1000000x64xf32, #tpu.memory_space<hbm>>) dst(%dma_wait3A_2755 : memref<128x64xf32, #tpu.memory_space<vmem>>)
    %dma_wait3A_2766 = arith.constant 1 : i32
    %dma_wait3A_2767 = arith.constant 7 : i32
    %dma_wait3A_2768 = arith.constant 1 : i32
    %dma_wait3A_2769 = arith.constant 0 : i32
    %dma_wait3A_2770 = arith.constant 0 : i32
    %dma_wait3A_2771 = tpu.memref_slice %arg13[%dma_wait3A_2768, %dma_wait3A_2769, %dma_wait3A_2770] : memref<2x128x64xf32, #tpu.memory_space<vmem>> -> memref<1x128x64xf32, #tpu.memory_space<vmem>>
    %dma_wait3A_2772 = tpu.memref_squeeze %dma_wait3A_2771 : memref<1x128x64xf32, #tpu.memory_space<vmem>> -> memref<128x64xf32, #tpu.memory_space<vmem>>
    %dma_wait3A_2773 = arith.constant 0 : i32
    %dma_wait3A_2774 = arith.constant 0 : i32
    %dma_wait3A_2775 = tpu.memref_slice %arg10[%dma_wait3A_2766, %dma_wait3A_2773, %dma_wait3A_2774] : memref<2x20x128xi32, #tpu.memory_space<vmem>> -> memref<1x20x128xi32, #tpu.memory_space<vmem>>
    %dma_wait3A_2776 = tpu.memref_squeeze %dma_wait3A_2775 : memref<1x20x128xi32, #tpu.memory_space<vmem>> -> memref<20x128xi32, #tpu.memory_space<vmem>>
    %dma_wait3A_2777 = arith.constant 0 : i32
    %dma_wait3A_2778 = tpu.memref_slice %dma_wait3A_2776[%dma_wait3A_2767, %dma_wait3A_2777] : memref<20x128xi32, #tpu.memory_space<vmem>> -> memref<1x128xi32, #tpu.memory_space<vmem>>
    %dma_wait3A_2779 = tpu.memref_squeeze %dma_wait3A_2778 : memref<1x128xi32, #tpu.memory_space<vmem>> -> memref<128xi32, #tpu.memory_space<vmem>>
    %dma_wait3A_2780 = arith.constant 0 : i32
    %dma_wait3A_2781 = arith.constant 0 : i32
    %dma_wait3A_2782 = tpu.memref_slice %arg6[%dma_wait3A_2780, %dma_wait3A_2781] : memref<1000000x64xf32, #tpu.memory_space<hbm>> -> memref<1000000x64xf32, #tpu.memory_space<hbm>>
    tpu.wait_indirect_dma semaphore(%arg16 : memref<!tpu.dma_semaphore, #tpu.memory_space<semaphore_mem>>) src(%dma_wait3A_2782 : memref<1000000x64xf32, #tpu.memory_space<hbm>>) dst(%dma_wait3A_2772 : memref<128x64xf32, #tpu.memory_space<vmem>>)
    %dma_wait3A_2783 = arith.constant 1 : i32
    %dma_wait3A_2784 = arith.constant 8 : i32
    %dma_wait3A_2785 = arith.constant 1 : i32
    %dma_wait3A_2786 = arith.constant 0 : i32
    %dma_wait3A_2787 = arith.constant 0 : i32
    %dma_wait3A_2788 = tpu.memref_slice %arg13[%dma_wait3A_2785, %dma_wait3A_2786, %dma_wait3A_2787] : memref<2x128x64xf32, #tpu.memory_space<vmem>> -> memref<1x128x64xf32, #tpu.memory_space<vmem>>
    %dma_wait3A_2789 = tpu.memref_squeeze %dma_wait3A_2788 : memref<1x128x64xf32, #tpu.memory_space<vmem>> -> memref<128x64xf32, #tpu.memory_space<vmem>>
    %dma_wait3A_2790 = arith.constant 0 : i32
    %dma_wait3A_2791 = arith.constant 0 : i32
    %dma_wait3A_2792 = tpu.memref_slice %arg10[%dma_wait3A_2783, %dma_wait3A_2790, %dma_wait3A_2791] : memref<2x20x128xi32, #tpu.memory_space<vmem>> -> memref<1x20x128xi32, #tpu.memory_space<vmem>>
    %dma_wait3A_2793 = tpu.memref_squeeze %dma_wait3A_2792 : memref<1x20x128xi32, #tpu.memory_space<vmem>> -> memref<20x128xi32, #tpu.memory_space<vmem>>
    %dma_wait3A_2794 = arith.constant 0 : i32
    %dma_wait3A_2795 = tpu.memref_slice %dma_wait3A_2793[%dma_wait3A_2784, %dma_wait3A_2794] : memref<20x128xi32, #tpu.memory_space<vmem>> -> memref<1x128xi32, #tpu.memory_space<vmem>>
    %dma_wait3A_2796 = tpu.memref_squeeze %dma_wait3A_2795 : memref<1x128xi32, #tpu.memory_space<vmem>> -> memref<128xi32, #tpu.memory_space<vmem>>
    %dma_wait3A_2797 = arith.constant 0 : i32
    %dma_wait3A_2798 = arith.constant 0 : i32
    %dma_wait3A_2799 = tpu.memref_slice %arg6[%dma_wait3A_2797, %dma_wait3A_2798] : memref<1000000x64xf32, #tpu.memory_space<hbm>> -> memref<1000000x64xf32, #tpu.memory_space<hbm>>
    tpu.wait_indirect_dma semaphore(%arg16 : memref<!tpu.dma_semaphore, #tpu.memory_space<semaphore_mem>>) src(%dma_wait3A_2799 : memref<1000000x64xf32, #tpu.memory_space<hbm>>) dst(%dma_wait3A_2789 : memref<128x64xf32, #tpu.memory_space<vmem>>)
    %dma_wait3A_2800 = arith.constant 1 : i32
    %dma_wait3A_2801 = arith.constant 9 : i32
    %dma_wait3A_2802 = arith.constant 1 : i32
    %dma_wait3A_2803 = arith.constant 0 : i32
    %dma_wait3A_2804 = arith.constant 0 : i32
    %dma_wait3A_2805 = tpu.memref_slice %arg13[%dma_wait3A_2802, %dma_wait3A_2803, %dma_wait3A_2804] : memref<2x128x64xf32, #tpu.memory_space<vmem>> -> memref<1x128x64xf32, #tpu.memory_space<vmem>>
    %dma_wait3A_2806 = tpu.memref_squeeze %dma_wait3A_2805 : memref<1x128x64xf32, #tpu.memory_space<vmem>> -> memref<128x64xf32, #tpu.memory_space<vmem>>
    %dma_wait3A_2807 = arith.constant 0 : i32
    %dma_wait3A_2808 = arith.constant 0 : i32
    %dma_wait3A_2809 = tpu.memref_slice %arg10[%dma_wait3A_2800, %dma_wait3A_2807, %dma_wait3A_2808] : memref<2x20x128xi32, #tpu.memory_space<vmem>> -> memref<1x20x128xi32, #tpu.memory_space<vmem>>
    %dma_wait3A_2810 = tpu.memref_squeeze %dma_wait3A_2809 : memref<1x20x128xi32, #tpu.memory_space<vmem>> -> memref<20x128xi32, #tpu.memory_space<vmem>>
    %dma_wait3A_2811 = arith.constant 0 : i32
    %dma_wait3A_2812 = tpu.memref_slice %dma_wait3A_2810[%dma_wait3A_2801, %dma_wait3A_2811] : memref<20x128xi32, #tpu.memory_space<vmem>> -> memref<1x128xi32, #tpu.memory_space<vmem>>
    %dma_wait3A_2813 = tpu.memref_squeeze %dma_wait3A_2812 : memref<1x128xi32, #tpu.memory_space<vmem>> -> memref<128xi32, #tpu.memory_space<vmem>>
    %dma_wait3A_2814 = arith.constant 0 : i32
    %dma_wait3A_2815 = arith.constant 0 : i32
    %dma_wait3A_2816 = tpu.memref_slice %arg6[%dma_wait3A_2814, %dma_wait3A_2815] : memref<1000000x64xf32, #tpu.memory_space<hbm>> -> memref<1000000x64xf32, #tpu.memory_space<hbm>>
    tpu.wait_indirect_dma semaphore(%arg16 : memref<!tpu.dma_semaphore, #tpu.memory_space<semaphore_mem>>) src(%dma_wait3A_2816 : memref<1000000x64xf32, #tpu.memory_space<hbm>>) dst(%dma_wait3A_2806 : memref<128x64xf32, #tpu.memory_space<vmem>>)
    %dma_wait3A_2817 = arith.constant 1 : i32
    %dma_wait3A_2818 = arith.constant 10 : i32
    %dma_wait3A_2819 = arith.constant 1 : i32
    %dma_wait3A_2820 = arith.constant 0 : i32
    %dma_wait3A_2821 = arith.constant 0 : i32
    %dma_wait3A_2822 = tpu.memref_slice %arg13[%dma_wait3A_2819, %dma_wait3A_2820, %dma_wait3A_2821] : memref<2x128x64xf32, #tpu.memory_space<vmem>> -> memref<1x128x64xf32, #tpu.memory_space<vmem>>
    %dma_wait3A_2823 = tpu.memref_squeeze %dma_wait3A_2822 : memref<1x128x64xf32, #tpu.memory_space<vmem>> -> memref<128x64xf32, #tpu.memory_space<vmem>>
    %dma_wait3A_2824 = arith.constant 0 : i32
    %dma_wait3A_2825 = arith.constant 0 : i32
    %dma_wait3A_2826 = tpu.memref_slice %arg10[%dma_wait3A_2817, %dma_wait3A_2824, %dma_wait3A_2825] : memref<2x20x128xi32, #tpu.memory_space<vmem>> -> memref<1x20x128xi32, #tpu.memory_space<vmem>>
    %dma_wait3A_2827 = tpu.memref_squeeze %dma_wait3A_2826 : memref<1x20x128xi32, #tpu.memory_space<vmem>> -> memref<20x128xi32, #tpu.memory_space<vmem>>
    %dma_wait3A_2828 = arith.constant 0 : i32
    %dma_wait3A_2829 = tpu.memref_slice %dma_wait3A_2827[%dma_wait3A_2818, %dma_wait3A_2828] : memref<20x128xi32, #tpu.memory_space<vmem>> -> memref<1x128xi32, #tpu.memory_space<vmem>>
    %dma_wait3A_2830 = tpu.memref_squeeze %dma_wait3A_2829 : memref<1x128xi32, #tpu.memory_space<vmem>> -> memref<128xi32, #tpu.memory_space<vmem>>
    %dma_wait3A_2831 = arith.constant 0 : i32
    %dma_wait3A_2832 = arith.constant 0 : i32
    %dma_wait3A_2833 = tpu.memref_slice %arg6[%dma_wait3A_2831, %dma_wait3A_2832] : memref<1000000x64xf32, #tpu.memory_space<hbm>> -> memref<1000000x64xf32, #tpu.memory_space<hbm>>
    tpu.wait_indirect_dma semaphore(%arg16 : memref<!tpu.dma_semaphore, #tpu.memory_space<semaphore_mem>>) src(%dma_wait3A_2833 : memref<1000000x64xf32, #tpu.memory_space<hbm>>) dst(%dma_wait3A_2823 : memref<128x64xf32, #tpu.memory_space<vmem>>)
    %dma_wait3A_2834 = arith.constant 1 : i32
    %dma_wait3A_2835 = arith.constant 11 : i32
    %dma_wait3A_2836 = arith.constant 1 : i32
    %dma_wait3A_2837 = arith.constant 0 : i32
    %dma_wait3A_2838 = arith.constant 0 : i32
    %dma_wait3A_2839 = tpu.memref_slice %arg13[%dma_wait3A_2836, %dma_wait3A_2837, %dma_wait3A_2838] : memref<2x128x64xf32, #tpu.memory_space<vmem>> -> memref<1x128x64xf32, #tpu.memory_space<vmem>>
    %dma_wait3A_2840 = tpu.memref_squeeze %dma_wait3A_2839 : memref<1x128x64xf32, #tpu.memory_space<vmem>> -> memref<128x64xf32, #tpu.memory_space<vmem>>
    %dma_wait3A_2841 = arith.constant 0 : i32
    %dma_wait3A_2842 = arith.constant 0 : i32
    %dma_wait3A_2843 = tpu.memref_slice %arg10[%dma_wait3A_2834, %dma_wait3A_2841, %dma_wait3A_2842] : memref<2x20x128xi32, #tpu.memory_space<vmem>> -> memref<1x20x128xi32, #tpu.memory_space<vmem>>
    %dma_wait3A_2844 = tpu.memref_squeeze %dma_wait3A_2843 : memref<1x20x128xi32, #tpu.memory_space<vmem>> -> memref<20x128xi32, #tpu.memory_space<vmem>>
    %dma_wait3A_2845 = arith.constant 0 : i32
    %dma_wait3A_2846 = tpu.memref_slice %dma_wait3A_2844[%dma_wait3A_2835, %dma_wait3A_2845] : memref<20x128xi32, #tpu.memory_space<vmem>> -> memref<1x128xi32, #tpu.memory_space<vmem>>
    %dma_wait3A_2847 = tpu.memref_squeeze %dma_wait3A_2846 : memref<1x128xi32, #tpu.memory_space<vmem>> -> memref<128xi32, #tpu.memory_space<vmem>>
    %dma_wait3A_2848 = arith.constant 0 : i32
    %dma_wait3A_2849 = arith.constant 0 : i32
    %dma_wait3A_2850 = tpu.memref_slice %arg6[%dma_wait3A_2848, %dma_wait3A_2849] : memref<1000000x64xf32, #tpu.memory_space<hbm>> -> memref<1000000x64xf32, #tpu.memory_space<hbm>>
    tpu.wait_indirect_dma semaphore(%arg16 : memref<!tpu.dma_semaphore, #tpu.memory_space<semaphore_mem>>) src(%dma_wait3A_2850 : memref<1000000x64xf32, #tpu.memory_space<hbm>>) dst(%dma_wait3A_2840 : memref<128x64xf32, #tpu.memory_space<vmem>>)
    %dma_wait3A_2851 = arith.constant 1 : i32
    %dma_wait3A_2852 = arith.constant 12 : i32
    %dma_wait3A_2853 = arith.constant 1 : i32
    %dma_wait3A_2854 = arith.constant 0 : i32
    %dma_wait3A_2855 = arith.constant 0 : i32
    %dma_wait3A_2856 = tpu.memref_slice %arg13[%dma_wait3A_2853, %dma_wait3A_2854, %dma_wait3A_2855] : memref<2x128x64xf32, #tpu.memory_space<vmem>> -> memref<1x128x64xf32, #tpu.memory_space<vmem>>
    %dma_wait3A_2857 = tpu.memref_squeeze %dma_wait3A_2856 : memref<1x128x64xf32, #tpu.memory_space<vmem>> -> memref<128x64xf32, #tpu.memory_space<vmem>>
    %dma_wait3A_2858 = arith.constant 0 : i32
    %dma_wait3A_2859 = arith.constant 0 : i32
    %dma_wait3A_2860 = tpu.memref_slice %arg10[%dma_wait3A_2851, %dma_wait3A_2858, %dma_wait3A_2859] : memref<2x20x128xi32, #tpu.memory_space<vmem>> -> memref<1x20x128xi32, #tpu.memory_space<vmem>>
    %dma_wait3A_2861 = tpu.memref_squeeze %dma_wait3A_2860 : memref<1x20x128xi32, #tpu.memory_space<vmem>> -> memref<20x128xi32, #tpu.memory_space<vmem>>
    %dma_wait3A_2862 = arith.constant 0 : i32
    %dma_wait3A_2863 = tpu.memref_slice %dma_wait3A_2861[%dma_wait3A_2852, %dma_wait3A_2862] : memref<20x128xi32, #tpu.memory_space<vmem>> -> memref<1x128xi32, #tpu.memory_space<vmem>>
    %dma_wait3A_2864 = tpu.memref_squeeze %dma_wait3A_2863 : memref<1x128xi32, #tpu.memory_space<vmem>> -> memref<128xi32, #tpu.memory_space<vmem>>
    %dma_wait3A_2865 = arith.constant 0 : i32
    %dma_wait3A_2866 = arith.constant 0 : i32
    %dma_wait3A_2867 = tpu.memref_slice %arg6[%dma_wait3A_2865, %dma_wait3A_2866] : memref<1000000x64xf32, #tpu.memory_space<hbm>> -> memref<1000000x64xf32, #tpu.memory_space<hbm>>
    tpu.wait_indirect_dma semaphore(%arg16 : memref<!tpu.dma_semaphore, #tpu.memory_space<semaphore_mem>>) src(%dma_wait3A_2867 : memref<1000000x64xf32, #tpu.memory_space<hbm>>) dst(%dma_wait3A_2857 : memref<128x64xf32, #tpu.memory_space<vmem>>)
    %dma_wait3A_2868 = arith.constant 1 : i32
    %dma_wait3A_2869 = arith.constant 13 : i32
    %dma_wait3A_2870 = arith.constant 1 : i32
    %dma_wait3A_2871 = arith.constant 0 : i32
    %dma_wait3A_2872 = arith.constant 0 : i32
    %dma_wait3A_2873 = tpu.memref_slice %arg13[%dma_wait3A_2870, %dma_wait3A_2871, %dma_wait3A_2872] : memref<2x128x64xf32, #tpu.memory_space<vmem>> -> memref<1x128x64xf32, #tpu.memory_space<vmem>>
    %dma_wait3A_2874 = tpu.memref_squeeze %dma_wait3A_2873 : memref<1x128x64xf32, #tpu.memory_space<vmem>> -> memref<128x64xf32, #tpu.memory_space<vmem>>
    %dma_wait3A_2875 = arith.constant 0 : i32
    %dma_wait3A_2876 = arith.constant 0 : i32
    %dma_wait3A_2877 = tpu.memref_slice %arg10[%dma_wait3A_2868, %dma_wait3A_2875, %dma_wait3A_2876] : memref<2x20x128xi32, #tpu.memory_space<vmem>> -> memref<1x20x128xi32, #tpu.memory_space<vmem>>
    %dma_wait3A_2878 = tpu.memref_squeeze %dma_wait3A_2877 : memref<1x20x128xi32, #tpu.memory_space<vmem>> -> memref<20x128xi32, #tpu.memory_space<vmem>>
    %dma_wait3A_2879 = arith.constant 0 : i32
    %dma_wait3A_2880 = tpu.memref_slice %dma_wait3A_2878[%dma_wait3A_2869, %dma_wait3A_2879] : memref<20x128xi32, #tpu.memory_space<vmem>> -> memref<1x128xi32, #tpu.memory_space<vmem>>
    %dma_wait3A_2881 = tpu.memref_squeeze %dma_wait3A_2880 : memref<1x128xi32, #tpu.memory_space<vmem>> -> memref<128xi32, #tpu.memory_space<vmem>>
    %dma_wait3A_2882 = arith.constant 0 : i32
    %dma_wait3A_2883 = arith.constant 0 : i32
    %dma_wait3A_2884 = tpu.memref_slice %arg6[%dma_wait3A_2882, %dma_wait3A_2883] : memref<1000000x64xf32, #tpu.memory_space<hbm>> -> memref<1000000x64xf32, #tpu.memory_space<hbm>>
    tpu.wait_indirect_dma semaphore(%arg16 : memref<!tpu.dma_semaphore, #tpu.memory_space<semaphore_mem>>) src(%dma_wait3A_2884 : memref<1000000x64xf32, #tpu.memory_space<hbm>>) dst(%dma_wait3A_2874 : memref<128x64xf32, #tpu.memory_space<vmem>>)
    %dma_wait3A_2885 = arith.constant 1 : i32
    %dma_wait3A_2886 = arith.constant 14 : i32
    %dma_wait3A_2887 = arith.constant 1 : i32
    %dma_wait3A_2888 = arith.constant 0 : i32
    %dma_wait3A_2889 = arith.constant 0 : i32
    %dma_wait3A_2890 = tpu.memref_slice %arg13[%dma_wait3A_2887, %dma_wait3A_2888, %dma_wait3A_2889] : memref<2x128x64xf32, #tpu.memory_space<vmem>> -> memref<1x128x64xf32, #tpu.memory_space<vmem>>
    %dma_wait3A_2891 = tpu.memref_squeeze %dma_wait3A_2890 : memref<1x128x64xf32, #tpu.memory_space<vmem>> -> memref<128x64xf32, #tpu.memory_space<vmem>>
    %dma_wait3A_2892 = arith.constant 0 : i32
    %dma_wait3A_2893 = arith.constant 0 : i32
    %dma_wait3A_2894 = tpu.memref_slice %arg10[%dma_wait3A_2885, %dma_wait3A_2892, %dma_wait3A_2893] : memref<2x20x128xi32, #tpu.memory_space<vmem>> -> memref<1x20x128xi32, #tpu.memory_space<vmem>>
    %dma_wait3A_2895 = tpu.memref_squeeze %dma_wait3A_2894 : memref<1x20x128xi32, #tpu.memory_space<vmem>> -> memref<20x128xi32, #tpu.memory_space<vmem>>
    %dma_wait3A_2896 = arith.constant 0 : i32
    %dma_wait3A_2897 = tpu.memref_slice %dma_wait3A_2895[%dma_wait3A_2886, %dma_wait3A_2896] : memref<20x128xi32, #tpu.memory_space<vmem>> -> memref<1x128xi32, #tpu.memory_space<vmem>>
    %dma_wait3A_2898 = tpu.memref_squeeze %dma_wait3A_2897 : memref<1x128xi32, #tpu.memory_space<vmem>> -> memref<128xi32, #tpu.memory_space<vmem>>
    %dma_wait3A_2899 = arith.constant 0 : i32
    %dma_wait3A_2900 = arith.constant 0 : i32
    %dma_wait3A_2901 = tpu.memref_slice %arg6[%dma_wait3A_2899, %dma_wait3A_2900] : memref<1000000x64xf32, #tpu.memory_space<hbm>> -> memref<1000000x64xf32, #tpu.memory_space<hbm>>
    tpu.wait_indirect_dma semaphore(%arg16 : memref<!tpu.dma_semaphore, #tpu.memory_space<semaphore_mem>>) src(%dma_wait3A_2901 : memref<1000000x64xf32, #tpu.memory_space<hbm>>) dst(%dma_wait3A_2891 : memref<128x64xf32, #tpu.memory_space<vmem>>)
    %dma_wait3A_2902 = arith.constant 1 : i32
    %dma_wait3A_2903 = arith.constant 15 : i32
    %dma_wait3A_2904 = arith.constant 1 : i32
    %dma_wait3A_2905 = arith.constant 0 : i32
    %dma_wait3A_2906 = arith.constant 0 : i32
    %dma_wait3A_2907 = tpu.memref_slice %arg13[%dma_wait3A_2904, %dma_wait3A_2905, %dma_wait3A_2906] : memref<2x128x64xf32, #tpu.memory_space<vmem>> -> memref<1x128x64xf32, #tpu.memory_space<vmem>>
    %dma_wait3A_2908 = tpu.memref_squeeze %dma_wait3A_2907 : memref<1x128x64xf32, #tpu.memory_space<vmem>> -> memref<128x64xf32, #tpu.memory_space<vmem>>
    %dma_wait3A_2909 = arith.constant 0 : i32
    %dma_wait3A_2910 = arith.constant 0 : i32
    %dma_wait3A_2911 = tpu.memref_slice %arg10[%dma_wait3A_2902, %dma_wait3A_2909, %dma_wait3A_2910] : memref<2x20x128xi32, #tpu.memory_space<vmem>> -> memref<1x20x128xi32, #tpu.memory_space<vmem>>
    %dma_wait3A_2912 = tpu.memref_squeeze %dma_wait3A_2911 : memref<1x20x128xi32, #tpu.memory_space<vmem>> -> memref<20x128xi32, #tpu.memory_space<vmem>>
    %dma_wait3A_2913 = arith.constant 0 : i32
    %dma_wait3A_2914 = tpu.memref_slice %dma_wait3A_2912[%dma_wait3A_2903, %dma_wait3A_2913] : memref<20x128xi32, #tpu.memory_space<vmem>> -> memref<1x128xi32, #tpu.memory_space<vmem>>
    %dma_wait3A_2915 = tpu.memref_squeeze %dma_wait3A_2914 : memref<1x128xi32, #tpu.memory_space<vmem>> -> memref<128xi32, #tpu.memory_space<vmem>>
    %dma_wait3A_2916 = arith.constant 0 : i32
    %dma_wait3A_2917 = arith.constant 0 : i32
    %dma_wait3A_2918 = tpu.memref_slice %arg6[%dma_wait3A_2916, %dma_wait3A_2917] : memref<1000000x64xf32, #tpu.memory_space<hbm>> -> memref<1000000x64xf32, #tpu.memory_space<hbm>>
    tpu.wait_indirect_dma semaphore(%arg16 : memref<!tpu.dma_semaphore, #tpu.memory_space<semaphore_mem>>) src(%dma_wait3A_2918 : memref<1000000x64xf32, #tpu.memory_space<hbm>>) dst(%dma_wait3A_2908 : memref<128x64xf32, #tpu.memory_space<vmem>>)
    %dma_wait3A_2919 = arith.constant 1 : i32
    %dma_wait3A_2920 = arith.constant 16 : i32
    %dma_wait3A_2921 = arith.constant 1 : i32
    %dma_wait3A_2922 = arith.constant 0 : i32
    %dma_wait3A_2923 = arith.constant 0 : i32
    %dma_wait3A_2924 = tpu.memref_slice %arg13[%dma_wait3A_2921, %dma_wait3A_2922, %dma_wait3A_2923] : memref<2x128x64xf32, #tpu.memory_space<vmem>> -> memref<1x128x64xf32, #tpu.memory_space<vmem>>
    %dma_wait3A_2925 = tpu.memref_squeeze %dma_wait3A_2924 : memref<1x128x64xf32, #tpu.memory_space<vmem>> -> memref<128x64xf32, #tpu.memory_space<vmem>>
    %dma_wait3A_2926 = arith.constant 0 : i32
    %dma_wait3A_2927 = arith.constant 0 : i32
    %dma_wait3A_2928 = tpu.memref_slice %arg10[%dma_wait3A_2919, %dma_wait3A_2926, %dma_wait3A_2927] : memref<2x20x128xi32, #tpu.memory_space<vmem>> -> memref<1x20x128xi32, #tpu.memory_space<vmem>>
    %dma_wait3A_2929 = tpu.memref_squeeze %dma_wait3A_2928 : memref<1x20x128xi32, #tpu.memory_space<vmem>> -> memref<20x128xi32, #tpu.memory_space<vmem>>
    %dma_wait3A_2930 = arith.constant 0 : i32
    %dma_wait3A_2931 = tpu.memref_slice %dma_wait3A_2929[%dma_wait3A_2920, %dma_wait3A_2930] : memref<20x128xi32, #tpu.memory_space<vmem>> -> memref<1x128xi32, #tpu.memory_space<vmem>>
    %dma_wait3A_2932 = tpu.memref_squeeze %dma_wait3A_2931 : memref<1x128xi32, #tpu.memory_space<vmem>> -> memref<128xi32, #tpu.memory_space<vmem>>
    %dma_wait3A_2933 = arith.constant 0 : i32
    %dma_wait3A_2934 = arith.constant 0 : i32
    %dma_wait3A_2935 = tpu.memref_slice %arg6[%dma_wait3A_2933, %dma_wait3A_2934] : memref<1000000x64xf32, #tpu.memory_space<hbm>> -> memref<1000000x64xf32, #tpu.memory_space<hbm>>
    tpu.wait_indirect_dma semaphore(%arg16 : memref<!tpu.dma_semaphore, #tpu.memory_space<semaphore_mem>>) src(%dma_wait3A_2935 : memref<1000000x64xf32, #tpu.memory_space<hbm>>) dst(%dma_wait3A_2925 : memref<128x64xf32, #tpu.memory_space<vmem>>)
    %dma_wait3A_2936 = arith.constant 1 : i32
    %dma_wait3A_2937 = arith.constant 17 : i32
    %dma_wait3A_2938 = arith.constant 1 : i32
    %dma_wait3A_2939 = arith.constant 0 : i32
    %dma_wait3A_2940 = arith.constant 0 : i32
    %dma_wait3A_2941 = tpu.memref_slice %arg13[%dma_wait3A_2938, %dma_wait3A_2939, %dma_wait3A_2940] : memref<2x128x64xf32, #tpu.memory_space<vmem>> -> memref<1x128x64xf32, #tpu.memory_space<vmem>>
    %dma_wait3A_2942 = tpu.memref_squeeze %dma_wait3A_2941 : memref<1x128x64xf32, #tpu.memory_space<vmem>> -> memref<128x64xf32, #tpu.memory_space<vmem>>
    %dma_wait3A_2943 = arith.constant 0 : i32
    %dma_wait3A_2944 = arith.constant 0 : i32
    %dma_wait3A_2945 = tpu.memref_slice %arg10[%dma_wait3A_2936, %dma_wait3A_2943, %dma_wait3A_2944] : memref<2x20x128xi32, #tpu.memory_space<vmem>> -> memref<1x20x128xi32, #tpu.memory_space<vmem>>
    %dma_wait3A_2946 = tpu.memref_squeeze %dma_wait3A_2945 : memref<1x20x128xi32, #tpu.memory_space<vmem>> -> memref<20x128xi32, #tpu.memory_space<vmem>>
    %dma_wait3A_2947 = arith.constant 0 : i32
    %dma_wait3A_2948 = tpu.memref_slice %dma_wait3A_2946[%dma_wait3A_2937, %dma_wait3A_2947] : memref<20x128xi32, #tpu.memory_space<vmem>> -> memref<1x128xi32, #tpu.memory_space<vmem>>
    %dma_wait3A_2949 = tpu.memref_squeeze %dma_wait3A_2948 : memref<1x128xi32, #tpu.memory_space<vmem>> -> memref<128xi32, #tpu.memory_space<vmem>>
    %dma_wait3A_2950 = arith.constant 0 : i32
    %dma_wait3A_2951 = arith.constant 0 : i32
    %dma_wait3A_2952 = tpu.memref_slice %arg6[%dma_wait3A_2950, %dma_wait3A_2951] : memref<1000000x64xf32, #tpu.memory_space<hbm>> -> memref<1000000x64xf32, #tpu.memory_space<hbm>>
    tpu.wait_indirect_dma semaphore(%arg16 : memref<!tpu.dma_semaphore, #tpu.memory_space<semaphore_mem>>) src(%dma_wait3A_2952 : memref<1000000x64xf32, #tpu.memory_space<hbm>>) dst(%dma_wait3A_2942 : memref<128x64xf32, #tpu.memory_space<vmem>>)
    %dma_wait3A_2953 = arith.constant 1 : i32
    %dma_wait3A_2954 = arith.constant 18 : i32
    %dma_wait3A_2955 = arith.constant 1 : i32
    %dma_wait3A_2956 = arith.constant 0 : i32
    %dma_wait3A_2957 = arith.constant 0 : i32
    %dma_wait3A_2958 = tpu.memref_slice %arg13[%dma_wait3A_2955, %dma_wait3A_2956, %dma_wait3A_2957] : memref<2x128x64xf32, #tpu.memory_space<vmem>> -> memref<1x128x64xf32, #tpu.memory_space<vmem>>
    %dma_wait3A_2959 = tpu.memref_squeeze %dma_wait3A_2958 : memref<1x128x64xf32, #tpu.memory_space<vmem>> -> memref<128x64xf32, #tpu.memory_space<vmem>>
    %dma_wait3A_2960 = arith.constant 0 : i32
    %dma_wait3A_2961 = arith.constant 0 : i32
    %dma_wait3A_2962 = tpu.memref_slice %arg10[%dma_wait3A_2953, %dma_wait3A_2960, %dma_wait3A_2961] : memref<2x20x128xi32, #tpu.memory_space<vmem>> -> memref<1x20x128xi32, #tpu.memory_space<vmem>>
    %dma_wait3A_2963 = tpu.memref_squeeze %dma_wait3A_2962 : memref<1x20x128xi32, #tpu.memory_space<vmem>> -> memref<20x128xi32, #tpu.memory_space<vmem>>
    %dma_wait3A_2964 = arith.constant 0 : i32
    %dma_wait3A_2965 = tpu.memref_slice %dma_wait3A_2963[%dma_wait3A_2954, %dma_wait3A_2964] : memref<20x128xi32, #tpu.memory_space<vmem>> -> memref<1x128xi32, #tpu.memory_space<vmem>>
    %dma_wait3A_2966 = tpu.memref_squeeze %dma_wait3A_2965 : memref<1x128xi32, #tpu.memory_space<vmem>> -> memref<128xi32, #tpu.memory_space<vmem>>
    %dma_wait3A_2967 = arith.constant 0 : i32
    %dma_wait3A_2968 = arith.constant 0 : i32
    %dma_wait3A_2969 = tpu.memref_slice %arg6[%dma_wait3A_2967, %dma_wait3A_2968] : memref<1000000x64xf32, #tpu.memory_space<hbm>> -> memref<1000000x64xf32, #tpu.memory_space<hbm>>
    tpu.wait_indirect_dma semaphore(%arg16 : memref<!tpu.dma_semaphore, #tpu.memory_space<semaphore_mem>>) src(%dma_wait3A_2969 : memref<1000000x64xf32, #tpu.memory_space<hbm>>) dst(%dma_wait3A_2959 : memref<128x64xf32, #tpu.memory_space<vmem>>)
    %dma_wait3A_2970 = arith.constant 1 : i32
    %dma_wait3A_2971 = arith.constant 19 : i32
    %dma_wait3A_2972 = arith.constant 1 : i32
    %dma_wait3A_2973 = arith.constant 0 : i32
    %dma_wait3A_2974 = arith.constant 0 : i32
    %dma_wait3A_2975 = tpu.memref_slice %arg13[%dma_wait3A_2972, %dma_wait3A_2973, %dma_wait3A_2974] : memref<2x128x64xf32, #tpu.memory_space<vmem>> -> memref<1x128x64xf32, #tpu.memory_space<vmem>>
    %dma_wait3A_2976 = tpu.memref_squeeze %dma_wait3A_2975 : memref<1x128x64xf32, #tpu.memory_space<vmem>> -> memref<128x64xf32, #tpu.memory_space<vmem>>
    %dma_wait3A_2977 = arith.constant 0 : i32
    %dma_wait3A_2978 = arith.constant 0 : i32
    %dma_wait3A_2979 = tpu.memref_slice %arg10[%dma_wait3A_2970, %dma_wait3A_2977, %dma_wait3A_2978] : memref<2x20x128xi32, #tpu.memory_space<vmem>> -> memref<1x20x128xi32, #tpu.memory_space<vmem>>
    %dma_wait3A_2980 = tpu.memref_squeeze %dma_wait3A_2979 : memref<1x20x128xi32, #tpu.memory_space<vmem>> -> memref<20x128xi32, #tpu.memory_space<vmem>>
    %dma_wait3A_2981 = arith.constant 0 : i32
    %dma_wait3A_2982 = tpu.memref_slice %dma_wait3A_2980[%dma_wait3A_2971, %dma_wait3A_2981] : memref<20x128xi32, #tpu.memory_space<vmem>> -> memref<1x128xi32, #tpu.memory_space<vmem>>
    %dma_wait3A_2983 = tpu.memref_squeeze %dma_wait3A_2982 : memref<1x128xi32, #tpu.memory_space<vmem>> -> memref<128xi32, #tpu.memory_space<vmem>>
    %dma_wait3A_2984 = arith.constant 0 : i32
    %dma_wait3A_2985 = arith.constant 0 : i32
    %dma_wait3A_2986 = tpu.memref_slice %arg6[%dma_wait3A_2984, %dma_wait3A_2985] : memref<1000000x64xf32, #tpu.memory_space<hbm>> -> memref<1000000x64xf32, #tpu.memory_space<hbm>>
    tpu.wait_indirect_dma semaphore(%arg16 : memref<!tpu.dma_semaphore, #tpu.memory_space<semaphore_mem>>) src(%dma_wait3A_2986 : memref<1000000x64xf32, #tpu.memory_space<hbm>>) dst(%dma_wait3A_2976 : memref<128x64xf32, #tpu.memory_space<vmem>>)
    %add3A_2987 = arith.constant 384 : i32
    %add3A_2988 = arith.addi %mul3A_2, %add3A_2987 : i32
    %scan3A_2989 = arith.constant 1 : i32
    %scan3A_2990 = arith.constant 1 : i32
    %scan3A_2991 = arith.constant 1 : i32
    %scan3A_2992 = arith.constant 0 : i32
    %scan3A_2993 = arith.constant 0 : i32
    %scan3A_2994 = arith.constant 128 : i32
    %scan3A_2995 = arith.addi %scan3A_2993, %scan3A_2994 : i32
    %scan3A_2996 = arith.constant 1 : i32
    %scan3A_2997 = scf.for %scan3A_3003 = %scan3A_2993 to %scan3A_2995 step %scan3A_2996 iter_args(%scan3A_3004 = %scan3A_2992) -> (i32)  : i32 {
      %broadcast_in_dim3A_3005 = arith.constant 0.000000e+00 : f32
      %broadcast_in_dim3A_3006 = vector.broadcast %broadcast_in_dim3A_3005 : f32 to vector<16xf32>
      %broadcast_in_dim3A_3007 = arith.constant 0.000000e+00 : f32
      %broadcast_in_dim3A_3008 = vector.broadcast %broadcast_in_dim3A_3007 : f32 to vector<16xf32>
      %get3A = arith.constant 0 : i32
      %get3A_3009 = arith.constant 0 : i32
      %get3A_3010 = tpu.memref_slice %arg11[%scan3A_2989, %get3A, %get3A_3009] : memref<2x128x64xf32, #tpu.memory_space<vmem>> -> memref<1x128x64xf32, #tpu.memory_space<vmem>>
      %get3A_3011 = tpu.memref_squeeze %get3A_3010 : memref<1x128x64xf32, #tpu.memory_space<vmem>> -> memref<128x64xf32, #tpu.memory_space<vmem>>
      %get3A_3012 = arith.index_cast %scan3A_3003 : i32 to index
      %get3A_3013 = arith.constant 0 : index
      %get3A_3014 = tpu.vector_load %get3A_3011[%get3A_3012, %get3A_3013] {strides = array<i32>} : memref<128x64xf32, #tpu.memory_space<vmem>>, vector<1x16xf32>,
      %get3A_3015 = vector.shape_cast %get3A_3014 : vector<1x16xf32> to vector<16xf32>
      %get3A_3016 = arith.constant 0 : i32
      %get3A_3017 = arith.constant 0 : i32
      %get3A_3018 = tpu.memref_slice %arg12[%scan3A_2990, %get3A_3016, %get3A_3017] : memref<2x128x64xf32, #tpu.memory_space<vmem>> -> memref<1x128x64xf32, #tpu.memory_space<vmem>>
      %get3A_3019 = tpu.memref_squeeze %get3A_3018 : memref<1x128x64xf32, #tpu.memory_space<vmem>> -> memref<128x64xf32, #tpu.memory_space<vmem>>
      %get3A_3020 = arith.index_cast %scan3A_3003 : i32 to index
      %get3A_3021 = arith.constant 0 : index
      %get3A_3022 = tpu.vector_load %get3A_3019[%get3A_3020, %get3A_3021] {strides = array<i32>} : memref<128x64xf32, #tpu.memory_space<vmem>>, vector<1x16xf32>,
      %get3A_3023 = vector.shape_cast %get3A_3022 : vector<1x16xf32> to vector<16xf32>
      %mul3A_3024 = arith.mulf %get3A_3015, %get3A_3023 : vector<16xf32>
      %add3A_3025 = arith.addf %broadcast_in_dim3A_3006, %mul3A_3024 : vector<16xf32>
      %get3A_3026 = arith.constant 0 : i32
      %get3A_3027 = arith.constant 0 : i32
      %get3A_3028 = tpu.memref_slice %arg13[%scan3A_2991, %get3A_3026, %get3A_3027] : memref<2x128x64xf32, #tpu.memory_space<vmem>> -> memref<1x128x64xf32, #tpu.memory_space<vmem>>
      %get3A_3029 = tpu.memref_squeeze %get3A_3028 : memref<1x128x64xf32, #tpu.memory_space<vmem>> -> memref<128x64xf32, #tpu.memory_space<vmem>>
      %get3A_3030 = arith.index_cast %scan3A_3003 : i32 to index
      %get3A_3031 = arith.constant 0 : index
      %get3A_3032 = tpu.vector_load %get3A_3029[%get3A_3030, %get3A_3031] {strides = array<i32>} : memref<128x64xf32, #tpu.memory_space<vmem>>, vector<1x16xf32>,
      %get3A_3033 = vector.shape_cast %get3A_3032 : vector<1x16xf32> to vector<16xf32>
      %mul3A_3034 = arith.mulf %get3A_3015, %get3A_3033 : vector<16xf32>
      %add3A_3035 = arith.addf %broadcast_in_dim3A_3008, %mul3A_3034 : vector<16xf32>
      %swap3A = arith.constant 0 : i32
      %swap3A_3036 = arith.constant 0 : i32
      %swap3A_3037 = tpu.memref_slice %arg13[%scan3A_2991, %swap3A, %swap3A_3036] : memref<2x128x64xf32, #tpu.memory_space<vmem>> -> memref<1x128x64xf32, #tpu.memory_space<vmem>>
      %swap3A_3038 = tpu.memref_squeeze %swap3A_3037 : memref<1x128x64xf32, #tpu.memory_space<vmem>> -> memref<128x64xf32, #tpu.memory_space<vmem>>
      %swap3A_3039 = arith.index_cast %scan3A_3003 : i32 to index
      %swap3A_3040 = arith.constant 0 : index
      %swap3A_3041 = tpu.vector_load %swap3A_3038[%swap3A_3039, %swap3A_3040] {strides = array<i32>} : memref<128x64xf32, #tpu.memory_space<vmem>>, vector<1x16xf32>,
      %swap3A_3042 = vector.shape_cast %swap3A_3041 : vector<1x16xf32> to vector<16xf32>
      %swap3A_3043 = vector.shape_cast %broadcast_in_dim3A_3 : vector<16xf32> to vector<1x16xf32>
      tpu.vector_store %swap3A_3038[%swap3A_3039, %swap3A_3040], %swap3A_3043 {strides = array<i32>} : memref<128x64xf32, #tpu.memory_space<vmem>>, vector<1x16xf32>,
      %get3A_3044 = arith.constant 0 : i32
      %get3A_3045 = arith.constant 0 : i32
      %get3A_3046 = tpu.memref_slice %arg11[%scan3A_2989, %get3A_3044, %get3A_3045] : memref<2x128x64xf32, #tpu.memory_space<vmem>> -> memref<1x128x64xf32, #tpu.memory_space<vmem>>
      %get3A_3047 = tpu.memref_squeeze %get3A_3046 : memref<1x128x64xf32, #tpu.memory_space<vmem>> -> memref<128x64xf32, #tpu.memory_space<vmem>>
      %get3A_3048 = arith.index_cast %scan3A_3003 : i32 to index
      %get3A_3049 = arith.constant 16 : index
      %get3A_3050 = tpu.vector_load %get3A_3047[%get3A_3048, %get3A_3049] {strides = array<i32>} : memref<128x64xf32, #tpu.memory_space<vmem>>, vector<1x16xf32>,
      %get3A_3051 = vector.shape_cast %get3A_3050 : vector<1x16xf32> to vector<16xf32>
      %get3A_3052 = arith.constant 0 : i32
      %get3A_3053 = arith.constant 0 : i32
      %get3A_3054 = tpu.memref_slice %arg12[%scan3A_2990, %get3A_3052, %get3A_3053] : memref<2x128x64xf32, #tpu.memory_space<vmem>> -> memref<1x128x64xf32, #tpu.memory_space<vmem>>
      %get3A_3055 = tpu.memref_squeeze %get3A_3054 : memref<1x128x64xf32, #tpu.memory_space<vmem>> -> memref<128x64xf32, #tpu.memory_space<vmem>>
      %get3A_3056 = arith.index_cast %scan3A_3003 : i32 to index
      %get3A_3057 = arith.constant 16 : index
      %get3A_3058 = tpu.vector_load %get3A_3055[%get3A_3056, %get3A_3057] {strides = array<i32>} : memref<128x64xf32, #tpu.memory_space<vmem>>, vector<1x16xf32>,
      %get3A_3059 = vector.shape_cast %get3A_3058 : vector<1x16xf32> to vector<16xf32>
      %mul3A_3060 = arith.mulf %get3A_3051, %get3A_3059 : vector<16xf32>
      %add3A_3061 = arith.addf %add3A_3025, %mul3A_3060 : vector<16xf32>
      %get3A_3062 = arith.constant 0 : i32
      %get3A_3063 = arith.constant 0 : i32
      %get3A_3064 = tpu.memref_slice %arg13[%scan3A_2991, %get3A_3062, %get3A_3063] : memref<2x128x64xf32, #tpu.memory_space<vmem>> -> memref<1x128x64xf32, #tpu.memory_space<vmem>>
      %get3A_3065 = tpu.memref_squeeze %get3A_3064 : memref<1x128x64xf32, #tpu.memory_space<vmem>> -> memref<128x64xf32, #tpu.memory_space<vmem>>
      %get3A_3066 = arith.index_cast %scan3A_3003 : i32 to index
      %get3A_3067 = arith.constant 16 : index
      %get3A_3068 = tpu.vector_load %get3A_3065[%get3A_3066, %get3A_3067] {strides = array<i32>} : memref<128x64xf32, #tpu.memory_space<vmem>>, vector<1x16xf32>,
      %get3A_3069 = vector.shape_cast %get3A_3068 : vector<1x16xf32> to vector<16xf32>
      %mul3A_3070 = arith.mulf %get3A_3051, %get3A_3069 : vector<16xf32>
      %add3A_3071 = arith.addf %add3A_3035, %mul3A_3070 : vector<16xf32>
      %swap3A_3072 = arith.constant 0 : i32
      %swap3A_3073 = arith.constant 0 : i32
      %swap3A_3074 = tpu.memref_slice %arg13[%scan3A_2991, %swap3A_3072, %swap3A_3073] : memref<2x128x64xf32, #tpu.memory_space<vmem>> -> memref<1x128x64xf32, #tpu.memory_space<vmem>>
      %swap3A_3075 = tpu.memref_squeeze %swap3A_3074 : memref<1x128x64xf32, #tpu.memory_space<vmem>> -> memref<128x64xf32, #tpu.memory_space<vmem>>
      %swap3A_3076 = arith.index_cast %scan3A_3003 : i32 to index
      %swap3A_3077 = arith.constant 16 : index
      %swap3A_3078 = tpu.vector_load %swap3A_3075[%swap3A_3076, %swap3A_3077] {strides = array<i32>} : memref<128x64xf32, #tpu.memory_space<vmem>>, vector<1x16xf32>,
      %swap3A_3079 = vector.shape_cast %swap3A_3078 : vector<1x16xf32> to vector<16xf32>
      %swap3A_3080 = vector.shape_cast %broadcast_in_dim3A_3 : vector<16xf32> to vector<1x16xf32>
      tpu.vector_store %swap3A_3075[%swap3A_3076, %swap3A_3077], %swap3A_3080 {strides = array<i32>} : memref<128x64xf32, #tpu.memory_space<vmem>>, vector<1x16xf32>,
      %get3A_3081 = arith.constant 0 : i32
      %get3A_3082 = arith.constant 0 : i32
      %get3A_3083 = tpu.memref_slice %arg11[%scan3A_2989, %get3A_3081, %get3A_3082] : memref<2x128x64xf32, #tpu.memory_space<vmem>> -> memref<1x128x64xf32, #tpu.memory_space<vmem>>
      %get3A_3084 = tpu.memref_squeeze %get3A_3083 : memref<1x128x64xf32, #tpu.memory_space<vmem>> -> memref<128x64xf32, #tpu.memory_space<vmem>>
      %get3A_3085 = arith.index_cast %scan3A_3003 : i32 to index
      %get3A_3086 = arith.constant 32 : index
      %get3A_3087 = tpu.vector_load %get3A_3084[%get3A_3085, %get3A_3086] {strides = array<i32>} : memref<128x64xf32, #tpu.memory_space<vmem>>, vector<1x16xf32>,
      %get3A_3088 = vector.shape_cast %get3A_3087 : vector<1x16xf32> to vector<16xf32>
      %get3A_3089 = arith.constant 0 : i32
      %get3A_3090 = arith.constant 0 : i32
      %get3A_3091 = tpu.memref_slice %arg12[%scan3A_2990, %get3A_3089, %get3A_3090] : memref<2x128x64xf32, #tpu.memory_space<vmem>> -> memref<1x128x64xf32, #tpu.memory_space<vmem>>
      %get3A_3092 = tpu.memref_squeeze %get3A_3091 : memref<1x128x64xf32, #tpu.memory_space<vmem>> -> memref<128x64xf32, #tpu.memory_space<vmem>>
      %get3A_3093 = arith.index_cast %scan3A_3003 : i32 to index
      %get3A_3094 = arith.constant 32 : index
      %get3A_3095 = tpu.vector_load %get3A_3092[%get3A_3093, %get3A_3094] {strides = array<i32>} : memref<128x64xf32, #tpu.memory_space<vmem>>, vector<1x16xf32>,
      %get3A_3096 = vector.shape_cast %get3A_3095 : vector<1x16xf32> to vector<16xf32>
      %mul3A_3097 = arith.mulf %get3A_3088, %get3A_3096 : vector<16xf32>
      %add3A_3098 = arith.addf %add3A_3061, %mul3A_3097 : vector<16xf32>
      %get3A_3099 = arith.constant 0 : i32
      %get3A_3100 = arith.constant 0 : i32
      %get3A_3101 = tpu.memref_slice %arg13[%scan3A_2991, %get3A_3099, %get3A_3100] : memref<2x128x64xf32, #tpu.memory_space<vmem>> -> memref<1x128x64xf32, #tpu.memory_space<vmem>>
      %get3A_3102 = tpu.memref_squeeze %get3A_3101 : memref<1x128x64xf32, #tpu.memory_space<vmem>> -> memref<128x64xf32, #tpu.memory_space<vmem>>
      %get3A_3103 = arith.index_cast %scan3A_3003 : i32 to index
      %get3A_3104 = arith.constant 32 : index
      %get3A_3105 = tpu.vector_load %get3A_3102[%get3A_3103, %get3A_3104] {strides = array<i32>} : memref<128x64xf32, #tpu.memory_space<vmem>>, vector<1x16xf32>,
      %get3A_3106 = vector.shape_cast %get3A_3105 : vector<1x16xf32> to vector<16xf32>
      %mul3A_3107 = arith.mulf %get3A_3088, %get3A_3106 : vector<16xf32>
      %add3A_3108 = arith.addf %add3A_3071, %mul3A_3107 : vector<16xf32>
      %swap3A_3109 = arith.constant 0 : i32
      %swap3A_3110 = arith.constant 0 : i32
      %swap3A_3111 = tpu.memref_slice %arg13[%scan3A_2991, %swap3A_3109, %swap3A_3110] : memref<2x128x64xf32, #tpu.memory_space<vmem>> -> memref<1x128x64xf32, #tpu.memory_space<vmem>>
      %swap3A_3112 = tpu.memref_squeeze %swap3A_3111 : memref<1x128x64xf32, #tpu.memory_space<vmem>> -> memref<128x64xf32, #tpu.memory_space<vmem>>
      %swap3A_3113 = arith.index_cast %scan3A_3003 : i32 to index
      %swap3A_3114 = arith.constant 32 : index
      %swap3A_3115 = tpu.vector_load %swap3A_3112[%swap3A_3113, %swap3A_3114] {strides = array<i32>} : memref<128x64xf32, #tpu.memory_space<vmem>>, vector<1x16xf32>,
      %swap3A_3116 = vector.shape_cast %swap3A_3115 : vector<1x16xf32> to vector<16xf32>
      %swap3A_3117 = vector.shape_cast %broadcast_in_dim3A_3 : vector<16xf32> to vector<1x16xf32>
      tpu.vector_store %swap3A_3112[%swap3A_3113, %swap3A_3114], %swap3A_3117 {strides = array<i32>} : memref<128x64xf32, #tpu.memory_space<vmem>>, vector<1x16xf32>,
      %get3A_3118 = arith.constant 0 : i32
      %get3A_3119 = arith.constant 0 : i32
      %get3A_3120 = tpu.memref_slice %arg11[%scan3A_2989, %get3A_3118, %get3A_3119] : memref<2x128x64xf32, #tpu.memory_space<vmem>> -> memref<1x128x64xf32, #tpu.memory_space<vmem>>
      %get3A_3121 = tpu.memref_squeeze %get3A_3120 : memref<1x128x64xf32, #tpu.memory_space<vmem>> -> memref<128x64xf32, #tpu.memory_space<vmem>>
      %get3A_3122 = arith.index_cast %scan3A_3003 : i32 to index
      %get3A_3123 = arith.constant 48 : index
      %get3A_3124 = tpu.vector_load %get3A_3121[%get3A_3122, %get3A_3123] {strides = array<i32>} : memref<128x64xf32, #tpu.memory_space<vmem>>, vector<1x16xf32>,
      %get3A_3125 = vector.shape_cast %get3A_3124 : vector<1x16xf32> to vector<16xf32>
      %get3A_3126 = arith.constant 0 : i32
      %get3A_3127 = arith.constant 0 : i32
      %get3A_3128 = tpu.memref_slice %arg12[%scan3A_2990, %get3A_3126, %get3A_3127] : memref<2x128x64xf32, #tpu.memory_space<vmem>> -> memref<1x128x64xf32, #tpu.memory_space<vmem>>
      %get3A_3129 = tpu.memref_squeeze %get3A_3128 : memref<1x128x64xf32, #tpu.memory_space<vmem>> -> memref<128x64xf32, #tpu.memory_space<vmem>>
      %get3A_3130 = arith.index_cast %scan3A_3003 : i32 to index
      %get3A_3131 = arith.constant 48 : index
      %get3A_3132 = tpu.vector_load %get3A_3129[%get3A_3130, %get3A_3131] {strides = array<i32>} : memref<128x64xf32, #tpu.memory_space<vmem>>, vector<1x16xf32>,
      %get3A_3133 = vector.shape_cast %get3A_3132 : vector<1x16xf32> to vector<16xf32>
      %mul3A_3134 = arith.mulf %get3A_3125, %get3A_3133 : vector<16xf32>
      %add3A_3135 = arith.addf %add3A_3098, %mul3A_3134 : vector<16xf32>
      %get3A_3136 = arith.constant 0 : i32
      %get3A_3137 = arith.constant 0 : i32
      %get3A_3138 = tpu.memref_slice %arg13[%scan3A_2991, %get3A_3136, %get3A_3137] : memref<2x128x64xf32, #tpu.memory_space<vmem>> -> memref<1x128x64xf32, #tpu.memory_space<vmem>>
      %get3A_3139 = tpu.memref_squeeze %get3A_3138 : memref<1x128x64xf32, #tpu.memory_space<vmem>> -> memref<128x64xf32, #tpu.memory_space<vmem>>
      %get3A_3140 = arith.index_cast %scan3A_3003 : i32 to index
      %get3A_3141 = arith.constant 48 : index
      %get3A_3142 = tpu.vector_load %get3A_3139[%get3A_3140, %get3A_3141] {strides = array<i32>} : memref<128x64xf32, #tpu.memory_space<vmem>>, vector<1x16xf32>,
      %get3A_3143 = vector.shape_cast %get3A_3142 : vector<1x16xf32> to vector<16xf32>
      %mul3A_3144 = arith.mulf %get3A_3125, %get3A_3143 : vector<16xf32>
      %add3A_3145 = arith.addf %add3A_3108, %mul3A_3144 : vector<16xf32>
      %swap3A_3146 = arith.constant 0 : i32
      %swap3A_3147 = arith.constant 0 : i32
      %swap3A_3148 = tpu.memref_slice %arg13[%scan3A_2991, %swap3A_3146, %swap3A_3147] : memref<2x128x64xf32, #tpu.memory_space<vmem>> -> memref<1x128x64xf32, #tpu.memory_space<vmem>>
      %swap3A_3149 = tpu.memref_squeeze %swap3A_3148 : memref<1x128x64xf32, #tpu.memory_space<vmem>> -> memref<128x64xf32, #tpu.memory_space<vmem>>
      %swap3A_3150 = arith.index_cast %scan3A_3003 : i32 to index
      %swap3A_3151 = arith.constant 48 : index
      %swap3A_3152 = tpu.vector_load %swap3A_3149[%swap3A_3150, %swap3A_3151] {strides = array<i32>} : memref<128x64xf32, #tpu.memory_space<vmem>>, vector<1x16xf32>,
      %swap3A_3153 = vector.shape_cast %swap3A_3152 : vector<1x16xf32> to vector<16xf32>
      %swap3A_3154 = vector.shape_cast %broadcast_in_dim3A_3 : vector<16xf32> to vector<1x16xf32>
      tpu.vector_store %swap3A_3149[%swap3A_3150, %swap3A_3151], %swap3A_3154 {strides = array<i32>} : memref<128x64xf32, #tpu.memory_space<vmem>>, vector<1x16xf32>,
      %mul3A_3155 = arith.constant 2 : i32
      %mul3A_3156 = arith.muli %scan3A_3003, %mul3A_3155 : i32
      %mul3A_3157 = arith.constant 16 : i32
      %mul3A_3158 = arith.muli %mul3A_3156, %mul3A_3157 : i32
      %swap3A_3159 = arith.index_cast %mul3A_3158 : i32 to index
      %swap3A_3160 = tpu.vector_load %arg14[%swap3A_3159] {strides = array<i32>} : memref<4096xf32, #tpu.memory_space<vmem>>, vector<16xf32>,
      %swap3A_3161 = vector.shape_cast %swap3A_3160 : vector<16xf32> to vector<16xf32>
      %swap3A_3162 = vector.shape_cast %add3A_3135 : vector<16xf32> to vector<16xf32>
      tpu.vector_store %arg14[%swap3A_3159], %swap3A_3162 {strides = array<i32>} : memref<4096xf32, #tpu.memory_space<vmem>>, vector<16xf32>,
      %mul3A_3163 = arith.constant 2 : i32
      %mul3A_3164 = arith.muli %scan3A_3003, %mul3A_3163 : i32
      %mul3A_3165 = arith.constant 16 : i32
      %mul3A_3166 = arith.muli %mul3A_3164, %mul3A_3165 : i32
      %add3A_3167 = arith.constant 16 : i32
      %add3A_3168 = arith.addi %mul3A_3166, %add3A_3167 : i32
      %swap3A_3169 = arith.index_cast %add3A_3168 : i32 to index
      %swap3A_3170 = tpu.vector_load %arg14[%swap3A_3169] {strides = array<i32>} : memref<4096xf32, #tpu.memory_space<vmem>>, vector<16xf32>,
      %swap3A_3171 = vector.shape_cast %swap3A_3170 : vector<16xf32> to vector<16xf32>
      %swap3A_3172 = vector.shape_cast %add3A_3145 : vector<16xf32> to vector<16xf32>
      tpu.vector_store %arg14[%swap3A_3169], %swap3A_3172 {strides = array<i32>} : memref<4096xf32, #tpu.memory_space<vmem>>, vector<16xf32>,
      %scan3A_3173 = arith.constant 0 : i32
      scf.yield %scan3A_3173 : i32
    }
    %scan3A_2998 = arith.constant 128 : i32
    %mul3A_2999 = arith.constant 2 : i32
    %mul3A_3000 = arith.muli %add3A_2988, %mul3A_2999 : i32
    %mul3A_3001 = arith.constant 16 : i32
    %mul3A_3002 = arith.muli %mul3A_3000, %mul3A_3001 : i32
    "tpu.region"() ({
      %run_scoped3A_3003 = tpu.sem_alloc : memref<!tpu.dma_semaphore, #tpu.memory_space<semaphore_mem>>
      %dma_start3A_3004 = tpu.memref_slice %arg7[%mul3A_3002] : memref<524288xf32, #tpu.memory_space<hbm>> -> memref<4096xf32, #tpu.memory_space<hbm>>
      %dma_start3A_3005 = tpu.memref_slice %arg7[%mul3A_3002] : memref<524288xf32, #tpu.memory_space<hbm>> -> memref<4096xf32, #tpu.memory_space<hbm>>
      tpu.enqueue_dma source(%arg14 : memref<4096xf32, #tpu.memory_space<vmem>>) target(%dma_start3A_3005 : memref<4096xf32, #tpu.memory_space<hbm>>) target_semaphore(%run_scoped3A_3003 : memref<!tpu.dma_semaphore, #tpu.memory_space<semaphore_mem>>)
      %dma_wait3A_3006 = tpu.memref_slice %arg7[%mul3A_3002] : memref<524288xf32, #tpu.memory_space<hbm>> -> memref<4096xf32, #tpu.memory_space<hbm>>
      %dma_wait3A_3007 = tpu.memref_slice %arg7[%mul3A_3002] : memref<524288xf32, #tpu.memory_space<hbm>> -> memref<4096xf32, #tpu.memory_space<hbm>>
      tpu.wait_dma2 semaphore(%run_scoped3A_3003 : memref<!tpu.dma_semaphore, #tpu.memory_space<semaphore_mem>>) src(%arg14 : memref<4096xf32, #tpu.memory_space<vmem>>) dst(%dma_wait3A_3007 : memref<4096xf32, #tpu.memory_space<hbm>>)
      tpu.yield
    }) : () -> ()
    return
  }
}

module attributes {stable_mosaic.version = 14 : i64} {
  func.func @body(%arg0: memref<16384x32xf32, #tpu.memory_space<vmem>>, %arg1: memref<1x1xf32, #tpu.memory_space<smem>>) attributes {dimension_semantics = [], scalar_prefetch = 0 : i64, scratch_operands = 0 : i64, tpu.core_type = #tpu.core_type<tc>} {
    %get3A = arith.constant 0 : index
    %get3A_0 = arith.constant 0 : index
    %get3A_1 = vector.load %arg0[%get3A, %get3A_0] : memref<16384x32xf32, #tpu.memory_space<vmem>>, vector<16384x32xf32>
    %slice3A = vector.extract_strided_slice %get3A_1 {offsets = [0, 0], sizes = [16384, 16], strides = [1, 1]} : vector<16384x32xf32> to vector<16384x16xf32>
    %reduce_sum3A = arith.constant dense<0.000000e+00> : vector<16384xf32>
    %reduce_sum3A_2 = vector.multi_reduction <add>, %slice3A, %reduce_sum3A [1] : vector<16384x16xf32> to vector<16384xf32>
    %slice3A_3 = vector.extract_strided_slice %get3A_1 {offsets = [0, 16], sizes = [16384, 16], strides = [1, 1]} : vector<16384x32xf32> to vector<16384x16xf32>
    %reduce_sum3A_4 = arith.constant dense<0.000000e+00> : vector<16384xf32>
    %reduce_sum3A_5 = vector.multi_reduction <add>, %slice3A_3, %reduce_sum3A_4 [1] : vector<16384x16xf32> to vector<16384xf32>
    %min3A = arith.constant 0.000000e+00 : f32
    %min3A_6 = vector.broadcast %min3A : f32 to vector<16384xf32>
    %min3A_7 = arith.minimumf %reduce_sum3A_2, %min3A_6 : vector<16384xf32>
    %abs3A = math.absf %reduce_sum3A_2 : vector<16384xf32>
    %neg3A = arith.constant 0.000000e+00 : f32
    %neg3A_8 = vector.broadcast %neg3A : f32 to vector<16384xf32>
    %neg3A_9 = arith.subf %neg3A_8, %abs3A : vector<16384xf32>
    %exp3A = math.exp %neg3A_9 : vector<16384xf32>
    %log1p3A = math.log1p %exp3A : vector<16384xf32>
    %sub3A = arith.subf %min3A_7, %log1p3A : vector<16384xf32>
    %reduce_sum3A_10 = vector.shape_cast %sub3A : vector<16384xf32> to vector<1x16384xf32>
    %reduce_sum3A_11 = arith.constant dense<0.000000e+00> : vector<1xf32>
    %reduce_sum3A_12 = vector.multi_reduction <add>, %reduce_sum3A_10, %reduce_sum3A_11 [1] : vector<1x16384xf32> to vector<1xf32>
    %reduce_sum3A_13 = vector.shape_cast %reduce_sum3A_12 : vector<1xf32> to vector<1x1xf32>
    %reduce_sum3A_14 = vector.extract %reduce_sum3A_13[0, 0] : f32 from vector<1x1xf32>
    %neg3A_15 = arith.constant 0.000000e+00 : f32
    %neg3A_16 = vector.broadcast %neg3A_15 : f32 to vector<16384xf32>
    %neg3A_17 = arith.subf %neg3A_16, %reduce_sum3A_5 : vector<16384xf32>
    %min3A_18 = arith.constant 0.000000e+00 : f32
    %min3A_19 = vector.broadcast %min3A_18 : f32 to vector<16384xf32>
    %min3A_20 = arith.minimumf %neg3A_17, %min3A_19 : vector<16384xf32>
    %abs3A_21 = math.absf %neg3A_17 : vector<16384xf32>
    %neg3A_22 = arith.constant 0.000000e+00 : f32
    %neg3A_23 = vector.broadcast %neg3A_22 : f32 to vector<16384xf32>
    %neg3A_24 = arith.subf %neg3A_23, %abs3A_21 : vector<16384xf32>
    %exp3A_25 = math.exp %neg3A_24 : vector<16384xf32>
    %log1p3A_26 = math.log1p %exp3A_25 : vector<16384xf32>
    %sub3A_27 = arith.subf %min3A_20, %log1p3A_26 : vector<16384xf32>
    %reduce_sum3A_28 = vector.shape_cast %sub3A_27 : vector<16384xf32> to vector<1x16384xf32>
    %reduce_sum3A_29 = arith.constant dense<0.000000e+00> : vector<1xf32>
    %reduce_sum3A_30 = vector.multi_reduction <add>, %reduce_sum3A_28, %reduce_sum3A_29 [1] : vector<1x16384xf32> to vector<1xf32>
    %reduce_sum3A_31 = vector.shape_cast %reduce_sum3A_30 : vector<1xf32> to vector<1x1xf32>
    %reduce_sum3A_32 = vector.extract %reduce_sum3A_31[0, 0] : f32 from vector<1x1xf32>
    %add3A = arith.addf %reduce_sum3A_14, %reduce_sum3A_32 : f32
    %neg3A_33 = arith.constant 0.000000e+00 : f32
    %neg3A_34 = arith.subf %neg3A_33, %add3A : f32
    %div3A = arith.constant 1.638400e+04 : f32
    %div3A_35 = arith.divf %neg3A_34, %div3A : f32
    %swap3A = arith.constant 0 : index
    %swap3A_36 = arith.constant 0 : index
    %swap3A_37 = memref.load %arg1[%swap3A, %swap3A_36] : memref<1x1xf32, #tpu.memory_space<smem>>
    memref.store %div3A_35, %arg1[%swap3A, %swap3A_36] : memref<1x1xf32, #tpu.memory_space<smem>>
    return
  }
}

</mosaic_0001>

<sc_bundles>
// kernel: kernel.4.cloned.1.call-start
scs
__scs_entry_jumppad:
0x0: {  	(pc) =	sbr.rel $0x88, $3  }
0x1: {  	(tag) =	ssettag $0x0;
	lr =	simm.s32 $0x1  }
0x2: {  	[smem:$0x3F9C] =	sst lr;
	_ =	strace $0xD0000000  }
0x3: {  	_ = 	snop  }
0x4: {  	_ = 	snop  }
0x5: {  	_ = 	snop  }
0x6: {  	_ = 	snop  }
0x7: {  	_ = 	snop  }
__scs_overlays_trampoline_lowered:
0x8: {  	[smem:$0x3FAB] =	sst s0  }
0x9: {  	[smem:$0x3FAC] =	sst s1  }
0xa: {  	[smem:$0x3FAD] =	sst s2  }
0xb: {  	[smem:$0x3FAE] =	sst s3  }
0xc: {  	[smem:$0x3FAF] =	sst s4  }
0xd: {  	[smem:$0x3FB0] =	sst s5  }
0xe: {  	[smem:$0x3FB1] =	sst s6  }
0xf: {  	[smem:$0x3FB2] =	sst s7  }
0x10: {  	[smem:$0x3FB3] =	sst s8  }
0x11: {  	[smem:$0x3FB4] =	sst s9;
	s0 =	simm.s32 @!p0 $0x0  }
0x12: {  	s1 =	sld [smem:$0x3F9A];
	s0 =	simm.s32 @p0 $0x1  }
0x13: {  	[smem:$0x3FB5] =	sst s0;
	s0 =	simm.s32 @!p1 $0x0  }
0x14: {  	s2 =	sld [smem:$0x3F99];
	s0 =	simm.s32 @p1 $0x1  }
0x15: {  	[smem:$0x3FB6] =	sst s0;
	s0 =	simm.s32 @!p2 $0x0  }
0x16: {  	s3 =	sld [smem:$0x3FDB];
	s0 =	simm.s32 @p2 $0x1  }
0x17: {  	s4 =	simm.s32 $0x1BF5;
	[smem:$0x3FB8] =	sst s0  }
0x18: {  	s0 =	sld [smem:$0x3F9B];
	_ =	swait.ge [sflag:s4], $0x0  }
0x19: {  	s7 =	sld [smem:$0x3F9C]  }
0x1a: {  	s8 =	sadd.s32 $0xFFFFE003, lr  }
0x1b: {  	s9 =	sadd.s32 $0xFFFFFEF7, lr;
	s5 =	simm.s32 $0xFFFFFFFF;
	p2 =	slt.u32 s8, $0xFFFFF086  }
0x1c: {  	p1 =	slt.u32 s9, $0xF7A;
	s5 =	simm.s32 @!p2 $0x0  }
0x1d: {  	s5 =	simm.s32 @p1 $0x1;
	p0 =	seq.s32 s7, s2  }
0x1e: {  	s7 =	smul.u32 @!p0 $0xF7A, s2;
	p2 =	seq.s32 @!p0 s5, $0x0  }
0x1f: {  	s9 =	smul.u32 $0xF7A, s1;
	s8 =	simm.s32 @!p0 $0x1BF5;
	p2 =	por !p2, p0  }
0x20: {  	[sflag:s8] =	ssyncset.s32 @!p0 $0xFFFFF086;
	s6 =	sadd.s32 @!p0 s3, s7;
	s7 =	simm.s32 @!p0 $0x108  }
0x21: {  	s3 =	sadd.s32 s3, s9;
	s6 =	sadd.s32 @!p0 $0x88, s6;
	s7 =	simm.s32 @p2 $0x1082  }
0x22: {  	[simem:s7], [sflag:s8] =	dma.local @!p0 [hbm:s6], $0xF7A  }
0x23: {  	s9 =	sor.u32 $0xD0000000, s2;
	s6 =	simm.s32 $0x108;
	_ =	swait.ge @!p0 [sflag:s8], $0x0  }
0x24: {  	s3 =	sadd.s32 $0x88, s3;
	s6 =	simm.s32 @!p1 $0x1082;
	[sflag:s4] =	ssyncset.s32 $0xFFFFF086  }
0x25: {  	[simem:s6], [sflag:s4] =	dma.local [hbm:s3], $0xF7A  }
0x26: {  	[smem:$0x3F9C] =	sst s1;
	(tag) =	ssettag s2;
	_ =	strace s9  }
0x27: {  	s1 =	sld [smem:$0x3FAC]  }
0x28: {  	s2 =	sld [smem:$0x3FAD]  }
0x29: {  	s4 =	sld [smem:$0x3FAF]  }
0x2a: {  	p0 =	seq.s32 s5, $0x0;
	s5 =	sld [smem:$0x3FB0]  }
0x2b: {  	s6 =	sld [smem:$0x3FB1]  }
0x2c: {  	s7 =	sld [smem:$0x3FB2]  }
0x2d: {  	s3 =	simm.s32 $0x108;
	s8 =	sld [smem:$0x3FB3]  }
0x2e: {  	s3 =	simm.s32 @!p0 $0x1082;
	s9 =	sld [smem:$0x3FB4]  }
0x2f: {  	lr =	sadd.s32 s0, s3;
	s0 =	sld [smem:$0x3FAB]  }
0x30: {  	s3 =	sld [smem:$0x3FAE]  }
0x31: {  	[smem:$0x3FB7] =	sst s10  }
0x32: {  	s10 =	sld [smem:$0x3FB5];
	_ =	sdelay $0x3  }
0x33: {  	p0 =	seq.s32 s10, $0x1;
	s10 =	sld [smem:$0x3FB7];
	_ =	sdelay $0x3  }
0x34: {  	[smem:$0x3FB7] =	sst s10  }
0x35: {  	s10 =	sld [smem:$0x3FB6];
	_ =	sdelay $0x3  }
0x36: {  	p1 =	seq.s32 s10, $0x1;
	s10 =	sld [smem:$0x3FB7];
	_ =	sdelay $0x3  }
0x37: {  	[smem:$0x3FB7] =	sst s10  }
0x38: {  	s10 =	sld [smem:$0x3FB8]  }
0x39: {  	_ = 	snop;
	(pc) =	sbr.ind lr, $3  }
0x3a: {  	_ = 	snop  }
0x3b: {  	_ = 	snop  }
0x3c: {  	p2 =	seq.s32 s10, $0x1;
	s10 =	sld [smem:$0x3FB7]  }
0x3d: {  	_ =	shalt  }
0x3e: {  	_ =	shalt  }
0x3f: {  	_ =	shalt  }
0x40: {  	_ =	shalt  }
0x41: {  	_ =	shalt  }
0x42: {  	_ =	shalt  }
0x43: {  	_ =	shalt  }
0x44: {  	_ =	shalt  }
0x45: {  	_ =	shalt  }
0x46: {  	_ =	shalt  }
0x47: {  	_ =	shalt  }
0x48: {  	_ =	shalt  }
0x49: {  	_ =	shalt  }
0x4a: {  	_ =	shalt  }
0x4b: {  	_ =	shalt  }
0x4c: {  	_ =	shalt  }
0x4d: {  	_ =	shalt  }
0x4e: {  	_ =	shalt  }
0x4f: {  	_ =	shalt  }
0x50: {  	_ =	shalt  }
0x51: {  	_ =	shalt  }
0x52: {  	_ =	shalt  }
0x53: {  	_ =	shalt  }
0x54: {  	_ =	shalt  }
0x55: {  	_ =	shalt  }
0x56: {  	_ =	shalt  }
0x57: {  	_ =	shalt  }
0x58: {  	_ =	shalt  }
0x59: {  	_ =	shalt  }
0x5a: {  	_ =	shalt  }
0x5b: {  	_ =	shalt  }
0x5c: {  	_ =	shalt  }
0x5d: {  	_ =	shalt  }
0x5e: {  	_ =	shalt  }
0x5f: {  	_ =	shalt  }
0x60: {  	_ =	shalt  }
0x61: {  	_ =	shalt  }
0x62: {  	_ =	shalt  }
0x63: {  	_ =	shalt  }
0x64: {  	_ =	shalt  }
0x65: {  	_ =	shalt  }
0x66: {  	_ =	shalt  }
0x67: {  	_ =	shalt  }
0x68: {  	_ =	shalt  }
0x69: {  	_ =	shalt  }
0x6a: {  	_ =	shalt  }
0x6b: {  	_ =	shalt  }
0x6c: {  	_ =	shalt  }
0x6d: {  	_ =	shalt  }
0x6e: {  	_ =	shalt  }
0x6f: {  	_ =	shalt  }
0x70: {  	_ =	shalt  }
0x71: {  	_ =	shalt  }
0x72: {  	_ =	shalt  }
0x73: {  	_ =	shalt  }
0x74: {  	_ =	shalt  }
0x75: {  	_ =	shalt  }
0x76: {  	_ =	shalt  }
0x77: {  	_ =	shalt  }
0x78: {  	_ =	shalt  }
0x79: {  	_ =	shalt  }
0x7a: {  	_ =	shalt  }
0x7b: {  	_ =	shalt  }
0x7c: {  	_ =	shalt  }
0x7d: {  	_ =	shalt  }
0x7e: {  	_ =	shalt  }
0x7f: {  	_ =	shalt  }
0x80: {  	_ =	shalt  }
0x81: {  	_ =	shalt  }
0x82: {  	_ =	shalt  }
0x83: {  	_ =	shalt  }
0x84: {  	_ =	shalt  }
0x85: {  	_ =	shalt  }
0x86: {  	_ =	shalt  }
0x87: {  	_ =	shalt  }
.Lfunc_end0:
.L_simem_size_0:
called_computation_lowered:
.L_overlay_start_0:
0x88: {  	s2 =	sld [smem:$0x3FD9]  }
0x89: {  	s3 =	sld [smem:$0x3FFE];
	_ =	sdelay $0x1  }
0x8a: {  	s1 =	srdreg.scid  }
0x8b: {  	s0 =	sand.u32 $0x1, s1  }
0x8c: {  	s17 =	sshll.u32 s0, $0xA;
	s2 =	sadd.s32 s3, s2  }
0x8d: {  	s2 =	sadd.s32 s2, s17  }
0x8e: {  	[smem:$0x3FC3] =	sst s2  }
0x8f: {  	_ = 	snop  }
0x90: {  	s2 =	sld [smem:$0x3FC9]  }
0x91: {  	s18 =	sld [smem:$0x3FC8];
	(tm) =	ssettm $0x1  }
0x92: {  	s4 =	sld [smem:$0x3FFB];
	_ =	sdelay $0x3  }
0x93: {  	_ =	strace s4  }
0x94: {  	s4 =	sld [smem:$0x3FFC];
	_ =	sdelay $0x3  }
0x95: {  	_ =	strace s4  }
0x96: {  	s4 =	sld [smem:$0x3FFD];
	_ =	sdelay $0x3  }
0x97: {  	_ =	strace s4  }
0x98: {  	_ =	strace $0x8FFFFFFF  }
0x99: {  	s19 =	sld [smem:$0x3FDB];
	_ =	sdelay $0x1  }
0x9a: {  	s5 =	simm.s32 $_scs_section_size  }
0x9b: {  	s6 =	simm.s32 $_size__tile_overlayer_lowered;
	s7 =	simm.s32 $_tile_overlayer_lowered  }
0x9c: {  	s22 =	simm.s32 $0x1BFF;
	s21 =	sshll.u32 s7, $0x1;
	s4 =	sadd.s32 s5, s19  }
0x9d: {  	s8 =	simm.s32 $0x0;
	s20 =	sshll.u32 s6, $0x1;
	s6 =	sadd.s32 s21, s4  }
0x9e: {  	[timem:s8], [sflag:s22] =	dma.local [hbm:s6], s20  }
0x9f: {  	_ =	swait.ge [sflag:s22], s20  }
0xa0: {  	s5 =	ssub.s32 $0x0, s20;
	[sflag:s22] =	ssyncset.done $0x0  }
0xa1: {  	[sflag:s22] =	ssyncadd.s32 s5;
	_ =	sdelay $0x1  }
0xa2: {  	s23 =	simm.s32 $0x1B8B  }
0xa3: {  	_ =	swait.ge [sflag:s23], $0x1  }
0xa4: {  	[sflag:s23] =	ssyncset.done $0x0  }
0xa5: {  	s25 =	simm.s32 $0x1B8E;
	s24 =	sld [smem:$0x3FFE];
	[sflag:s23] =	ssyncadd.s32 $0xFFFFFFFF  }
0xa6: {  	s26 =	simm.s32 $execute0_lowered;
	[smem:$0x3FD2] =	sst s25  }
0xa7: {  	s6 =	sshll.u32 s26, $0x1;
	_ =	strace $0x80000046;
	[dreg:$0x1] =	wrdreg $0xFFFFFFFF  }
0xa8: {  	s28 =	simm.s32 $_size_execute0_lowered;
	s4 =	sadd.s32 s4, s6;
	[dreg:$0x0] =	wrdreg $0x0  }
0xa9: {  	s6 =	sshll.u32 s28, $0x1;
	[dreg:$0x2] =	wrdreg s4  }
0xaa: {  	[dreg:$0x3] =	wrdreg s6  }
0xab: {  	[dreg:$0x4] =	wrdreg $0xC0  }
0xac: {  	_ =	task [dreg:s8], $0x5FFFF  }
0xad: {  	[dreg:$0x1] =	wrdreg $0xFFFFFFFF  }
0xae: {  	[dreg:$0x0] =	wrdreg $0x60  }
0xaf: {  	[dreg:$0x2] =	wrdreg s2  }
0xb0: {  	[dreg:$0x3] =	wrdreg s18  }
0xb1: {  	[dreg:$0x4] =	wrdreg s24  }
0xb2: {  	[dreg:$0x5] =	wrdreg $0x9  }
0xb3: {  	_ =	task.clear_ibuf [dreg:s8], $0x6FFFF;
	_ =	strace $0x90000046  }
0xb4: {  	s29 =	simm.s32 $0x9;
	_ =	strace $0x80000048  }
0xb5: {  	_ =	swait.ge [sflag:s29], $0x1  }
0xb6: {  	[sflag:s29] =	ssyncadd.s32 $0xFFFFFFFF  }
0xb7: {  	_ =	strace $0x90000048  }
0xb8: {  	_ =	sfence  }
0xb9: {  	s30 =	sld [smem:$0x0];
	_ =	sdelay $0x2  }
0xba: {  	s31 =	sshll.u32 s1, $0xD;
	s1 =	sshrl.u32 s1, $0x2  }
0xbb: {  	s3 =	sand.u32 $0x4000, s31;
	s1 =	sadd.s32 s1, s30  }
0xbc: {  	s0 =	sor.u32 s3, s0;
	s1 =	sshll.u32 s1, $0x11  }
0xbd: {  	s0 =	sor.u32 s1, s0  }
0xbe: {  	s0 =	sadd.s32 $0x8F2B, s0  }
0xbf: {  	[sflag:s0] =	ssyncadd.remote.s32 $0x1  }
0xc0: {  	_ =	sfence.sel $0xFFFF  }
0xc1: {  	[dreg:$0x0] =	wrdreg $0xFFFFFFFF;
	(pc) =	sbr.abs _section_cstart, $3  }
0xc2: {  	[dreg:$0x1] =	wrdreg $0xFFFFFFFF  }
0xc3: {  	_ =	task.clear_ibuf [dreg:s8], $0x2FFFF;
	_ =	strace $0x9FFFFFFF  }
0xc4: {  	(tm) =	ssettm $0x7FFFFFFF  }
0xc5: {  	_ =	shalt  }
tec
execute0_lowered:
.L_overlay_start_1:
0x0: {  	(tag) =	ssettag $0x1  }
0x1: {  	s0 =	rddreg [dreg:$0x0]  }
0x2: {  	s1 =	rddreg [dreg:$0x1]  }
0x3: {  	s2 =	rddreg [dreg:$0x2];
	s3 =	simm.s32 $0x0  }
0x4: {  	s4 =	srdreg.scid;
	s7 =	stileid.u32;
	s30 =	simm.s32 $0x9600  }
0x5: {  	s31 =	simm.s32 $0x180;
	s28 =	simm.s32 $0x1380;
	s29 =	simm.s32 $0x1400  }
0x6: {  	[smem:$0x7FF] =	sst s3;
	s5 =	sadd.s32 $0x600, s2;
	s3 =	sadd.s32 $0x16E3C00, s2  }
0x7: {  	s6 =	sand.u32 $0x1, s4;
	s7 =	sshll.u32 s7, $0x1;
	s4 =	sadd.s32 $0xF42A00, s2  }
0x8: {  	s2 =	sadd.s32 $0xA600, s2;
	s8 =	ssub.s32 $0x2, s6;
	s6 =	sor.u32 s6, s7  }
0x9: {  	_ =	strace $0x80000047;
	s25 =	sshrl.u32 s8, $0x1;
	s9 =	sshll.u32 s6, $0x9  }
0xa: {  	s26 =	sshll.u32 s6, $0x6;
	s6 =	sshll.u32 s6, $0xB;
	s7 =	ssub.s32 s8, s25  }
0xb: {  	s10 =	sor.u32 $0x80, s9;
	s11 =	sadd.s32 s0, s26;
	s12 =	sadd.s32 s1, s26  }
0xc: {  	s8 =	sadd.s32 s5, s26;
	s15 =	sor.u32 $0x100, s9;
	[dreg:$0x4] =	wrdreg s11  }
0xd: {  	s6 =	sadd.s32 s2, s6;
	s9 =	sor.u32 $0x180, s9;
	[dreg:$0x5] =	wrdreg s12  }
0xe: {  	s13 =	sshrl.u32 s10, $0x3;
	[dreg:$0x6] =	wrdreg s8;
	s16 =	sshrl.u32 s15, $0x3  }
0xf: {  	[dreg:$0xa] =	wrdreg s6;
	s19 =	sshll.u32 s10, $0x2;
	s26 =	smax.u32 s7, $0x1  }
0x10: {  	s21 =	sshrl.u32 s9, $0x3;
	s14 =	sadd.s32 s0, s13;
	[dreg:$0x14] =	wrdreg s26  }
0x11: {  	s23 =	sshll.u32 s15, $0x2;
	s12 =	sadd.s32 s1, s13;
	[dreg:$0x7] =	wrdreg s14  }
0x12: {  	s25 =	sshll.u32 s9, $0x2;
	s11 =	sadd.s32 s5, s13;
	[dreg:$0x8] =	wrdreg s12  }
0x13: {  	s10 =	simm.s32 $0x1080;
	s17 =	sadd.s32 s0, s16;
	[dreg:$0x9] =	wrdreg s11  }
0x14: {  	s15 =	simm.s32 $0x1300;
	s18 =	sadd.s32 s1, s16;
	[dreg:$0xb] =	wrdreg s17  }
0x15: {  	s20 =	sadd.s32 s5, s16;
	s6 =	sadd.s32 s2, s19;
	[dreg:$0xc] =	wrdreg s18  }
0x16: {  	s0 =	sadd.s32 s0, s21;
	s22 =	sadd.s32 s1, s21;
	[dreg:$0xd] =	wrdreg s20  }
0x17: {  	s24 =	sadd.s32 s5, s21;
	s26 =	simm.s32 $0x200;
	[dreg:$0xe] =	wrdreg s6  }
0x18: {  	s19 =	simm.s32 $0xB600;
	s13 =	simm.s32 $0x1200;
	[dreg:$0xf] =	wrdreg s0  }
0x19: {  	s16 =	simm.s32 $0x1480;
	s1 =	simm.s32 $0xD600;
	[dreg:$0x10] =	wrdreg s22  }
0x1a: {  	s5 =	simm.s32 $0x2;
	[dreg:$0x11] =	wrdreg s24;
	s0 =	sadd.s32 s2, s23  }
0x1b: {  	s22 =	simm.s32 $0x3;
	s23 =	simm.s32 $0x100;
	s24 =	simm.s32 $0x80  }
0x1c: {  	s11 =	simm.s32 $0x1100;
	s12 =	simm.s32 $0x1180;
	s14 =	simm.s32 $0x1280  }
0x1d: {  	s17 =	simm.s32 $0x1500;
	s18 =	simm.s32 $0x1580;
	s20 =	simm.s32 $0x0  }
0x1e: {  	[dreg:$0x12] =	wrdreg s0;
	s0 =	sadd.s32 s2, s25;
	s25 =	simm.s32 $0x4000  }
0x1f: {  	v0 =	vimm.f32 $0.0e+00;
	s2 =	simm.s32 $0x1;
	[dreg:$0x13] =	wrdreg s0;
	s0 =	simm.s32 $0xC00  }
.LBB2_1:
0x20: {  	s6 =	simm.s32 $0xFFFFE000;
	s7 =	simm.s32 $0xFFFF8100  }
.LBB2_2:
0x21: {  	p0 =	sne.s32 s7, $0xFFFFFF00;
	[tilespmem:s6+$0xD630] =	vst v0  }
0x22: {  	[tilespmem:s6+$0xB600] =	vst v0  }
0x23: {  	[tilespmem:s6+$0xB610] =	vst v0  }
.Ltmp0:
0x24: {  	[tilespmem:s6+$0xB620] =	vst v0;
	(pc) =	sbr.rel @p0 .LBB2_2-.Ltmp0, $4  }
0x25: {  	[tilespmem:s6+$0xB630] =	vst v0  }
0x26: {  	[tilespmem:s6+$0xD600] =	vst v0  }
0x27: {  	[tilespmem:s6+$0xD610] =	vst v0  }
0x28: {  	[tilespmem:s6+$0xD620] =	vst v0;
	s6 =	sshra.s32 s7, $0x2;
	s7 =	sadd.s32 $0x100, s7  }
0x29: {  	[tilespmem:s6+$0xD630] =	vst v0  }
0x2a: {  	[tilespmem:s6+$0xB600] =	vst v0  }
0x2b: {  	[tilespmem:s6+$0xB610] =	vst v0  }
0x2c: {  	[tilespmem:s6+$0xB620] =	vst v0  }
0x2d: {  	[tilespmem:s6+$0xB630] =	vst v0  }
0x2e: {  	[tilespmem:s6+$0xD600] =	vst v0  }
0x2f: {  	[tilespmem:s6+$0xD610] =	vst v0  }
0x30: {  	[tilespmem:s6+$0xD620] =	vst v0;
	s6 =	simm.s32 $0x0;
	s7 =	rddreg [dreg:$0x4]  }
0x31: {  	[tilespmem:s6], [sflag:$0x3] =	stream.linear.gather [hbm4b:s7+s6], $0x80, $0x38;
	[tilespmem:$0xE600] =	vst v63  }
0x32: {  	_ =	swait.ge [sflag:s22], $0x80  }
0x33: {  	[sflag:s22] =	ssyncset.done $0x0  }
0x34: {  	s21 =	rddreg [dreg:$0x5];
	[sflag:s22] =	ssyncadd.s32 $0xFFFFFF80  }
0x35: {  	[tilespmem:s23], [sflag:$0x3] =	stream.linear.gather [hbm4b:s21+s6], $0x80, $0x38;
	[tilespmem:$0xE600] =	vst v63  }
0x36: {  	_ =	swait.ge [sflag:s22], $0x80  }
0x37: {  	[sflag:s22] =	ssyncset.done $0x0  }
0x38: {  	s8 =	rddreg [dreg:$0x6];
	[sflag:s22] =	ssyncadd.s32 $0xFFFFFF80  }
0x39: {  	[tilespmem:s26], [sflag:$0x3] =	stream.strided.gather [hbm4b:s8+s24], $0xA00, s25, s24, $0x38;
	[tilespmem:$0xE600] =	vst v63  }
0x3a: {  	_ =	swait.ge [sflag:s22], $0xA00  }
0x3b: {  	[sflag:s22] =	ssyncset.done $0x0  }
0x3c: {  	s9 =	simm.s32 $0x1600;
	[sflag:s22] =	ssyncadd.s32 $0xFFFFF600  }
0x3d: {  	[tilespmem:s9], [sflag:$0x1] =	stream.indirect.gather [hbm4b:s3+s24], $0x40, s6, s24, $0xb8;
	[tilespmem:$0xE600] =	vst v63  }
0x3e: {  	s21 =	simm.s32 $0x5600  }
0x3f: {  	[tilespmem:s21], [sflag:$0x1] =	stream.indirect.gather [hbm4b:s4+s24], $0x40, s23, s24, $0xb8;
	[tilespmem:$0xE600] =	vst v63  }
0x40: {  	_ = 	snop  }
0x41: {  	[tilespmem:s30], [sflag:$0x1] =	stream.indirect.gather.add.f32 [hbm:s4], $0x40, s26, s24, $0xb8;
	[tilespmem:$0xE600] =	vst v63  }
0x42: {  	s8 =	simm.s32 $0x280  }
0x43: {  	[tilespmem:s30], [sflag:$0x1] =	stream.indirect.gather.add.f32 [hbm:s4], $0x40, s8, s24, $0xb8;
	[tilespmem:$0xE600] =	vst v63  }
0x44: {  	s9 =	simm.s32 $0x300  }
0x45: {  	[tilespmem:s30], [sflag:$0x1] =	stream.indirect.gather.add.f32 [hbm:s4], $0x40, s9, s24, $0xb8;
	[tilespmem:$0xE600] =	vst v63  }
0x46: {  	s21 =	simm.s32 $0x380  }
0x47: {  	[tilespmem:s30], [sflag:$0x1] =	stream.indirect.gather.add.f32 [hbm:s4], $0x40, s21, s24, $0xb8;
	[tilespmem:$0xE600] =	vst v63  }
0x48: {  	s8 =	simm.s32 $0x400  }
0x49: {  	[tilespmem:s30], [sflag:$0x1] =	stream.indirect.gather.add.f32 [hbm:s4], $0x40, s8, s24, $0xb8;
	[tilespmem:$0xE600] =	vst v63  }
0x4a: {  	s9 =	simm.s32 $0x480  }
0x4b: {  	[tilespmem:s30], [sflag:$0x1] =	stream.indirect.gather.add.f32 [hbm:s4], $0x40, s9, s24, $0xb8;
	[tilespmem:$0xE600] =	vst v63  }
0x4c: {  	s21 =	simm.s32 $0x500  }
0x4d: {  	[tilespmem:s30], [sflag:$0x1] =	stream.indirect.gather.add.f32 [hbm:s4], $0x40, s21, s24, $0xb8;
	[tilespmem:$0xE600] =	vst v63  }
0x4e: {  	s8 =	simm.s32 $0x580  }
0x4f: {  	[tilespmem:s30], [sflag:$0x1] =	stream.indirect.gather.add.f32 [hbm:s4], $0x40, s8, s24, $0xb8;
	[tilespmem:$0xE600] =	vst v63  }
0x50: {  	s9 =	simm.s32 $0x600  }
0x51: {  	[tilespmem:s30], [sflag:$0x1] =	stream.indirect.gather.add.f32 [hbm:s4], $0x40, s9, s24, $0xb8;
	[tilespmem:$0xE600] =	vst v63  }
0x52: {  	s21 =	simm.s32 $0x680  }
0x53: {  	[tilespmem:s30], [sflag:$0x1] =	stream.indirect.gather.add.f32 [hbm:s4], $0x40, s21, s24, $0xb8;
	[tilespmem:$0xE600] =	vst v63  }
0x54: {  	s8 =	simm.s32 $0x700  }
0x55: {  	[tilespmem:s30], [sflag:$0x1] =	stream.indirect.gather.add.f32 [hbm:s4], $0x40, s8, s24, $0xb8;
	[tilespmem:$0xE600] =	vst v63  }
0x56: {  	s9 =	simm.s32 $0x780  }
0x57: {  	[tilespmem:s30], [sflag:$0x1] =	stream.indirect.gather.add.f32 [hbm:s4], $0x40, s9, s24, $0xb8;
	[tilespmem:$0xE600] =	vst v63  }
0x58: {  	s21 =	simm.s32 $0x800  }
0x59: {  	[tilespmem:s30], [sflag:$0x1] =	stream.indirect.gather.add.f32 [hbm:s4], $0x40, s21, s24, $0xb8;
	[tilespmem:$0xE600] =	vst v63  }
0x5a: {  	s8 =	simm.s32 $0x880  }
0x5b: {  	[tilespmem:s30], [sflag:$0x1] =	stream.indirect.gather.add.f32 [hbm:s4], $0x40, s8, s24, $0xb8;
	[tilespmem:$0xE600] =	vst v63  }
0x5c: {  	s9 =	simm.s32 $0x900  }
0x5d: {  	[tilespmem:s30], [sflag:$0x1] =	stream.indirect.gather.add.f32 [hbm:s4], $0x40, s9, s24, $0xb8;
	[tilespmem:$0xE600] =	vst v63  }
0x5e: {  	s21 =	simm.s32 $0x980  }
0x5f: {  	[tilespmem:s30], [sflag:$0x1] =	stream.indirect.gather.add.f32 [hbm:s4], $0x40, s21, s24, $0xb8;
	[tilespmem:$0xE600] =	vst v63  }
0x60: {  	s8 =	simm.s32 $0xA00  }
0x61: {  	[tilespmem:s30], [sflag:$0x1] =	stream.indirect.gather.add.f32 [hbm:s4], $0x40, s8, s24, $0xb8;
	[tilespmem:$0xE600] =	vst v63  }
0x62: {  	s9 =	simm.s32 $0xA80  }
0x63: {  	[tilespmem:s30], [sflag:$0x1] =	stream.indirect.gather.add.f32 [hbm:s4], $0x40, s9, s24, $0xb8;
	[tilespmem:$0xE600] =	vst v63  }
0x64: {  	s21 =	simm.s32 $0xB00  }
0x65: {  	[tilespmem:s30], [sflag:$0x1] =	stream.indirect.gather.add.f32 [hbm:s4], $0x40, s21, s24, $0xb8;
	[tilespmem:$0xE600] =	vst v63  }
0x66: {  	s8 =	simm.s32 $0xB80  }
0x67: {  	[tilespmem:s30], [sflag:$0x1] =	stream.indirect.gather.add.f32 [hbm:s4], $0x40, s8, s24, $0xb8;
	[tilespmem:$0xE600] =	vst v63  }
0x68: {  	s9 =	rddreg [dreg:$0x7]  }
0x69: {  	[tilespmem:s24], [sflag:$0x3] =	stream.linear.gather [hbm4b:s9+s6], $0x80, $0x38;
	[tilespmem:$0xE600] =	vst v63  }
0x6a: {  	_ =	swait.ge [sflag:s22], $0x80  }
0x6b: {  	[sflag:s22] =	ssyncset.done $0x0  }
0x6c: {  	s21 =	rddreg [dreg:$0x8];
	[sflag:s22] =	ssyncadd.s32 $0xFFFFFF80  }
0x6d: {  	[tilespmem:s31], [sflag:$0x3] =	stream.linear.gather [hbm4b:s21+s6], $0x80, $0x38;
	[tilespmem:$0xE600] =	vst v63  }
0x6e: {  	_ =	swait.ge [sflag:s22], $0x80  }
0x6f: {  	[sflag:s22] =	ssyncset.done $0x0  }
0x70: {  	s8 =	rddreg [dreg:$0x9];
	[sflag:s22] =	ssyncadd.s32 $0xFFFFFF80  }
0x71: {  	[tilespmem:s0], [sflag:$0x3] =	stream.strided.gather [hbm4b:s8+s24], $0xA00, s25, s24, $0x38;
	[tilespmem:$0xE600] =	vst v63  }
0x72: {  	_ =	swait.ge [sflag:s22], $0xA00  }
0x73: {  	[sflag:s22] =	ssyncset.done $0x0  }
0x74: {  	s9 =	simm.s32 $0x3600;
	[sflag:s22] =	ssyncadd.s32 $0xFFFFF600  }
0x75: {  	[tilespmem:s9], [sflag:$0x2] =	stream.indirect.gather [hbm4b:s3+s24], $0x40, s24, s24, $0xb8;
	[tilespmem:$0xE600] =	vst v63  }
0x76: {  	s21 =	simm.s32 $0x7600  }
0x77: {  	[tilespmem:s21], [sflag:$0x2] =	stream.indirect.gather [hbm4b:s4+s24], $0x40, s31, s24, $0xb8;
	[tilespmem:$0xE600] =	vst v63  }
0x78: {  	_ = 	snop  }
0x79: {  	[tilespmem:s19], [sflag:$0x2] =	stream.indirect.gather.add.f32 [hbm:s4], $0x40, s0, s24, $0xb8;
	[tilespmem:$0xE600] =	vst v63  }
0x7a: {  	s7 =	simm.s32 $0xC80  }
0x7b: {  	[tilespmem:s19], [sflag:$0x2] =	stream.indirect.gather.add.f32 [hbm:s4], $0x40, s7, s24, $0xb8;
	[tilespmem:$0xE600] =	vst v63  }
0x7c: {  	s8 =	simm.s32 $0xD00  }
0x7d: {  	[tilespmem:s19], [sflag:$0x2] =	stream.indirect.gather.add.f32 [hbm:s4], $0x40, s8, s24, $0xb8;
	[tilespmem:$0xE600] =	vst v63  }
0x7e: {  	s9 =	simm.s32 $0xD80  }
0x7f: {  	[tilespmem:s19], [sflag:$0x2] =	stream.indirect.gather.add.f32 [hbm:s4], $0x40, s9, s24, $0xb8;
	[tilespmem:$0xE600] =	vst v63  }
0x80: {  	s21 =	simm.s32 $0xE00  }
0x81: {  	[tilespmem:s19], [sflag:$0x2] =	stream.indirect.gather.add.f32 [hbm:s4], $0x40, s21, s24, $0xb8;
	[tilespmem:$0xE600] =	vst v63  }
0x82: {  	s7 =	simm.s32 $0xE80  }
0x83: {  	[tilespmem:s19], [sflag:$0x2] =	stream.indirect.gather.add.f32 [hbm:s4], $0x40, s7, s24, $0xb8;
	[tilespmem:$0xE600] =	vst v63  }
0x84: {  	s8 =	simm.s32 $0xF00  }
0x85: {  	[tilespmem:s19], [sflag:$0x2] =	stream.indirect.gather.add.f32 [hbm:s4], $0x40, s8, s24, $0xb8;
	[tilespmem:$0xE600] =	vst v63  }
0x86: {  	s9 =	simm.s32 $0xF80  }
0x87: {  	[tilespmem:s19], [sflag:$0x2] =	stream.indirect.gather.add.f32 [hbm:s4], $0x40, s9, s24, $0xb8;
	[tilespmem:$0xE600] =	vst v63  }
0x88: {  	s21 =	simm.s32 $0x1000  }
0x89: {  	[tilespmem:s19], [sflag:$0x2] =	stream.indirect.gather.add.f32 [hbm:s4], $0x40, s21, s24, $0xb8;
	[tilespmem:$0xE600] =	vst v63  }
0x8a: {  	_ = 	snop  }
0x8b: {  	[tilespmem:s19], [sflag:$0x2] =	stream.indirect.gather.add.f32 [hbm:s4], $0x40, s10, s24, $0xb8;
	[tilespmem:$0xE600] =	vst v63  }
0x8c: {  	_ = 	snop  }
0x8d: {  	[tilespmem:s19], [sflag:$0x2] =	stream.indirect.gather.add.f32 [hbm:s4], $0x40, s11, s24, $0xb8;
	[tilespmem:$0xE600] =	vst v63  }
0x8e: {  	_ = 	snop  }
0x8f: {  	[tilespmem:s19], [sflag:$0x2] =	stream.indirect.gather.add.f32 [hbm:s4], $0x40, s12, s24, $0xb8;
	[tilespmem:$0xE600] =	vst v63  }
0x90: {  	_ = 	snop  }
0x91: {  	[tilespmem:s19], [sflag:$0x2] =	stream.indirect.gather.add.f32 [hbm:s4], $0x40, s13, s24, $0xb8;
	[tilespmem:$0xE600] =	vst v63  }
0x92: {  	_ = 	snop  }
0x93: {  	[tilespmem:s19], [sflag:$0x2] =	stream.indirect.gather.add.f32 [hbm:s4], $0x40, s14, s24, $0xb8;
	[tilespmem:$0xE600] =	vst v63  }
0x94: {  	_ = 	snop  }
0x95: {  	[tilespmem:s19], [sflag:$0x2] =	stream.indirect.gather.add.f32 [hbm:s4], $0x40, s15, s24, $0xb8;
	[tilespmem:$0xE600] =	vst v63  }
0x96: {  	_ = 	snop  }
0x97: {  	[tilespmem:s19], [sflag:$0x2] =	stream.indirect.gather.add.f32 [hbm:s4], $0x40, s28, s24, $0xb8;
	[tilespmem:$0xE600] =	vst v63  }
0x98: {  	_ = 	snop  }
0x99: {  	[tilespmem:s19], [sflag:$0x2] =	stream.indirect.gather.add.f32 [hbm:s4], $0x40, s29, s24, $0xb8;
	[tilespmem:$0xE600] =	vst v63  }
0x9a: {  	_ = 	snop  }
0x9b: {  	[tilespmem:s19], [sflag:$0x2] =	stream.indirect.gather.add.f32 [hbm:s4], $0x40, s16, s24, $0xb8;
	[tilespmem:$0xE600] =	vst v63  }
0x9c: {  	_ = 	snop  }
0x9d: {  	[tilespmem:s19], [sflag:$0x2] =	stream.indirect.gather.add.f32 [hbm:s4], $0x40, s17, s24, $0xb8;
	[tilespmem:$0xE600] =	vst v63  }
0x9e: {  	_ = 	snop  }
0x9f: {  	[tilespmem:s19], [sflag:$0x2] =	stream.indirect.gather.add.f32 [hbm:s4], $0x40, s18, s24, $0xb8;
	[tilespmem:$0xE600] =	vst v63  }
0xa0: {  	_ =	swait.ge [sflag:s2], $0x2000  }
0xa1: {  	[sflag:s2] =	ssyncset.done $0x0  }
0xa2: {  	[sflag:s2] =	ssyncadd.s32 $0xFFFFE000  }
0xa3: {  	_ =	swait.ge [sflag:s2], $0x2000  }
0xa4: {  	[sflag:s2] =	ssyncset.done $0x0  }
0xa5: {  	[sflag:s2] =	ssyncadd.s32 $0xFFFFE000  }
0xa6: {  	_ =	swait.ge [sflag:s2], $0x2000  }
0xa7: {  	[sflag:s2] =	ssyncset.done $0x0  }
0xa8: {  	[sflag:s2] =	ssyncadd.s32 $0xFFFFE000  }
0xa9: {  	_ =	swait.ge [sflag:s2], $0x2000  }
0xaa: {  	[sflag:s2] =	ssyncset.done $0x0  }
0xab: {  	[sflag:s2] =	ssyncadd.s32 $0xFFFFE000  }
0xac: {  	_ =	swait.ge [sflag:s2], $0x2000  }
0xad: {  	[sflag:s2] =	ssyncset.done $0x0  }
0xae: {  	[sflag:s2] =	ssyncadd.s32 $0xFFFFE000  }
0xaf: {  	_ =	swait.ge [sflag:s2], $0x2000  }
0xb0: {  	[sflag:s2] =	ssyncset.done $0x0  }
0xb1: {  	[sflag:s2] =	ssyncadd.s32 $0xFFFFE000  }
0xb2: {  	_ =	swait.ge [sflag:s2], $0x2000  }
0xb3: {  	[sflag:s2] =	ssyncset.done $0x0  }
0xb4: {  	[sflag:s2] =	ssyncadd.s32 $0xFFFFE000  }
0xb5: {  	_ =	swait.ge [sflag:s2], $0x2000  }
0xb6: {  	[sflag:s2] =	ssyncset.done $0x0  }
0xb7: {  	[sflag:s2] =	ssyncadd.s32 $0xFFFFE000  }
0xb8: {  	_ =	swait.ge [sflag:s2], $0x2000  }
0xb9: {  	[sflag:s2] =	ssyncset.done $0x0  }
0xba: {  	[sflag:s2] =	ssyncadd.s32 $0xFFFFE000  }
0xbb: {  	_ =	swait.ge [sflag:s2], $0x2000  }
0xbc: {  	[sflag:s2] =	ssyncset.done $0x0  }
0xbd: {  	[sflag:s2] =	ssyncadd.s32 $0xFFFFE000  }
0xbe: {  	_ =	swait.ge [sflag:s2], $0x2000  }
0xbf: {  	[sflag:s2] =	ssyncset.done $0x0  }
0xc0: {  	[sflag:s2] =	ssyncadd.s32 $0xFFFFE000  }
0xc1: {  	_ =	swait.ge [sflag:s2], $0x2000  }
0xc2: {  	[sflag:s2] =	ssyncset.done $0x0  }
0xc3: {  	[sflag:s2] =	ssyncadd.s32 $0xFFFFE000  }
0xc4: {  	_ =	swait.ge [sflag:s2], $0x2000  }
0xc5: {  	[sflag:s2] =	ssyncset.done $0x0  }
0xc6: {  	[sflag:s2] =	ssyncadd.s32 $0xFFFFE000  }
0xc7: {  	_ =	swait.ge [sflag:s2], $0x2000  }
0xc8: {  	[sflag:s2] =	ssyncset.done $0x0  }
0xc9: {  	[sflag:s2] =	ssyncadd.s32 $0xFFFFE000  }
0xca: {  	_ =	swait.ge [sflag:s2], $0x2000  }
0xcb: {  	[sflag:s2] =	ssyncset.done $0x0  }
0xcc: {  	[sflag:s2] =	ssyncadd.s32 $0xFFFFE000  }
0xcd: {  	_ =	swait.ge [sflag:s2], $0x2000  }
0xce: {  	[sflag:s2] =	ssyncset.done $0x0  }
0xcf: {  	[sflag:s2] =	ssyncadd.s32 $0xFFFFE000  }
0xd0: {  	_ =	swait.ge [sflag:s2], $0x2000  }
0xd1: {  	[sflag:s2] =	ssyncset.done $0x0  }
0xd2: {  	[sflag:s2] =	ssyncadd.s32 $0xFFFFE000  }
0xd3: {  	_ =	swait.ge [sflag:s2], $0x2000  }
0xd4: {  	[sflag:s2] =	ssyncset.done $0x0  }
0xd5: {  	[sflag:s2] =	ssyncadd.s32 $0xFFFFE000  }
0xd6: {  	_ =	swait.ge [sflag:s2], $0x2000  }
0xd7: {  	[sflag:s2] =	ssyncset.done $0x0  }
0xd8: {  	[sflag:s2] =	ssyncadd.s32 $0xFFFFE000  }
0xd9: {  	_ =	swait.ge [sflag:s2], $0x2000  }
0xda: {  	[sflag:s2] =	ssyncset.done $0x0  }
0xdb: {  	[sflag:s2] =	ssyncadd.s32 $0xFFFFE000  }
0xdc: {  	_ =	swait.ge [sflag:s2], $0x2000  }
0xdd: {  	[sflag:s2] =	ssyncset.done $0x0  }
0xde: {  	[sflag:s2] =	ssyncadd.s32 $0xFFFFE000  }
0xdf: {  	_ =	swait.ge [sflag:s2], $0x2000  }
0xe0: {  	[sflag:s2] =	ssyncset.done $0x0  }
0xe1: {  	s6 =	simm.s32 $0x0;
	[sflag:s2] =	ssyncadd.s32 $0xFFFFE000  }
0xe2: {  	v3 =	vld [tilespmem:s6+$0x1610]  }
0xe3: {  	v8 =	vld [tilespmem:s6+$0x9620]  }
0xe4: {  	v1 =	vld [tilespmem:s6+$0x9610]  }
0xe5: {  	v2 =	vld [tilespmem:s6+$0x9600]  }
0xe6: {  	v4 =	vld [tilespmem:s6+$0x1600]  }
0xe7: {  	v5 =	vld [tilespmem:s6+$0x5600]  }
0xe8: {  	v6 =	vld [tilespmem:s6+$0x5610]  }
0xe9: {  	v10 =	vld [tilespmem:s6+$0x1620]  }
0xea: {  	v9 =	vld [tilespmem:s6+$0x5620]  }
0xeb: {  	v7 =	vmul.f32 v2, v4  }
0xec: {  	v2 =	vld [tilespmem:s6+$0x9630]  }
0xed: {  	v4 =	vmul.f32 v5, v4;
	v11 =	vmul.f32 v1, v3;
	v1 =	vld [tilespmem:s6+$0x1630];
	v7 =	vadd.f32 $0.0e+00, v7  }
0xee: {  	v6 =	vmul.f32 v6, v3;
	v3 =	vld [tilespmem:s6+$0x5630];
	v8 =	vmul.f32 v8, v10  }
0xef: {  	s7 =	simm.s32 $0xD610;
	s8 =	simm.s32 $0x100;
	s21 =	simm.s32 $0xD610;
	v5 =	vadd.f32 $0.0e+00, v4;
	v4 =	vmul.f32 v9, v10;
	v7 =	vadd.f32 v11, v7  }
.LBB2_4:
0xf0: {  	p0 =	sne.s32 s8, $0x7F00  }
0xf1: {  	v5 =	vadd.f32 v6, v5;
	s7 =	sadd.s32 $0x20, s7;
	s9 =	smov.u32 s8;
	s8 =	sadd.s32 $0x100, s8  }
0xf2: {  	v6 =	vadd.f32 v8, v7;
	v2 =	vmul.f32 v2, v1;
	[tilespmem:s6+$0x9630] =	vst v0  }
0xf3: {  	v4 =	vadd.f32 v4, v5;
	[tilespmem:s6+$0x9620] =	vst v0;
	v1 =	vmul.f32 v3, v1  }
0xf4: {  	[tilespmem:s6+$0x9610] =	vst v0;
	v2 =	vadd.f32 v2, v6  }
0xf5: {  	[tilespmem:s6+$0x9600] =	vst v0;
	v1 =	vadd.f32 v1, v4  }
0xf6: {  	s6 =	sshra.s32 s9, $0x2;
	[tilespmem:s21+$0x0] =	vst v2  }
0xf7: {  	[tilespmem:s21+$0xFFFFFFF0] =	vst v1;
	s21 =	smov.u32 s7  }
0xf8: {  	v4 =	vld [tilespmem:s6+$0x1610]  }
0xf9: {  	v8 =	vld [tilespmem:s6+$0x9620]  }
0xfa: {  	v1 =	vld [tilespmem:s6+$0x9610]  }
0xfb: {  	v2 =	vld [tilespmem:s6+$0x9600]  }
0xfc: {  	v3 =	vld [tilespmem:s6+$0x1600]  }
0xfd: {  	v5 =	vld [tilespmem:s6+$0x5600]  }
0xfe: {  	v9 =	vld [tilespmem:s6+$0x5620]  }
0xff: {  	v6 =	vld [tilespmem:s6+$0x5610];
	v7 =	vmul.f32 v1, v4  }
0x100: {  	v10 =	vld [tilespmem:s6+$0x1620]  }
.Ltmp1:
0x101: {  	v11 =	vmul.f32 v2, v3;
	v2 =	vld [tilespmem:s6+$0x9630];
	(pc) =	sbr.rel @p0 .LBB2_4-.Ltmp1, $4  }
0x102: {  	v5 =	vmul.f32 v5, v3;
	v1 =	vld [tilespmem:s6+$0x1630]  }
0x103: {  	v11 =	vadd.f32 $0.0e+00, v11;
	v3 =	vld [tilespmem:s6+$0x5630]  }
0x104: {  	v5 =	vadd.f32 $0.0e+00, v5;
	v6 =	vmul.f32 v6, v4  }
0x105: {  	v7 =	vadd.f32 v7, v11;
	v4 =	vmul.f32 v9, v10;
	v8 =	vmul.f32 v8, v10  }
0x106: {  	v5 =	vadd.f32 v6, v5  }
0x107: {  	[tilespmem:s6+$0x9630] =	vst v0;
	v6 =	vadd.f32 v8, v7;
	v2 =	vmul.f32 v2, v1  }
0x108: {  	[tilespmem:s6+$0x9620] =	vst v0;
	v4 =	vadd.f32 v4, v5;
	v1 =	vmul.f32 v3, v1  }
0x109: {  	[tilespmem:s6+$0x9610] =	vst v0;
	v2 =	vadd.f32 v2, v6  }
0x10a: {  	[tilespmem:s6+$0x9600] =	vst v0;
	v1 =	vadd.f32 v1, v4  }
0x10b: {  	[tilespmem:s21+$0x0] =	vst v2  }
0x10c: {  	s6 =	simm.s32 $0x0;
	s7 =	rddreg [dreg:$0xa];
	[tilespmem:s21+$0xFFFFFFF0] =	vst v1  }
0x10d: {  	[hbm4b:s7+s6] =	stream.linear.scatter [tilespmem:s1], [sflag:$0x3], $0x1000, $0x38;
	[tilespmem:$0xE600] =	vst v63  }
0x10e: {  	_ =	swait.ge [sflag:s22], $0x1000  }
0x10f: {  	[sflag:s22] =	ssyncset.done $0x0  }
0x110: {  	s21 =	rddreg [dreg:$0xb];
	[sflag:s22] =	ssyncadd.s32 $0xFFFFF000  }
0x111: {  	[tilespmem:s6], [sflag:$0x3] =	stream.linear.gather [hbm4b:s21+s6], $0x80, $0x38;
	[tilespmem:$0xE600] =	vst v63  }
0x112: {  	_ =	swait.ge [sflag:s22], $0x80  }
0x113: {  	[sflag:s22] =	ssyncset.done $0x0  }
0x114: {  	s8 =	rddreg [dreg:$0xc];
	[sflag:s22] =	ssyncadd.s32 $0xFFFFFF80  }
0x115: {  	[tilespmem:s23], [sflag:$0x3] =	stream.linear.gather [hbm4b:s8+s6], $0x80, $0x38;
	[tilespmem:$0xE600] =	vst v63  }
0x116: {  	_ =	swait.ge [sflag:s22], $0x80  }
0x117: {  	[sflag:s22] =	ssyncset.done $0x0  }
0x118: {  	s9 =	rddreg [dreg:$0xd];
	[sflag:s22] =	ssyncadd.s32 $0xFFFFFF80  }
0x119: {  	[tilespmem:s26], [sflag:$0x3] =	stream.strided.gather [hbm4b:s9+s24], $0xA00, s25, s24, $0x38;
	[tilespmem:$0xE600] =	vst v63  }
0x11a: {  	_ =	swait.ge [sflag:s22], $0xA00  }
0x11b: {  	[sflag:s22] =	ssyncset.done $0x0  }
0x11c: {  	s21 =	simm.s32 $0x1600;
	[sflag:s22] =	ssyncadd.s32 $0xFFFFF600  }
0x11d: {  	[tilespmem:s21], [sflag:$0x1] =	stream.indirect.gather [hbm4b:s3+s24], $0x40, s6, s24, $0xb8;
	[tilespmem:$0xE600] =	vst v63  }
0x11e: {  	s7 =	simm.s32 $0x5600  }
0x11f: {  	[tilespmem:s7], [sflag:$0x1] =	stream.indirect.gather [hbm4b:s4+s24], $0x40, s23, s24, $0xb8;
	[tilespmem:$0xE600] =	vst v63  }
0x120: {  	_ = 	snop  }
0x121: {  	[tilespmem:s30], [sflag:$0x1] =	stream.indirect.gather.add.f32 [hbm:s4], $0x40, s26, s24, $0xb8;
	[tilespmem:$0xE600] =	vst v63  }
0x122: {  	s8 =	simm.s32 $0x280  }
0x123: {  	[tilespmem:s30], [sflag:$0x1] =	stream.indirect.gather.add.f32 [hbm:s4], $0x40, s8, s24, $0xb8;
	[tilespmem:$0xE600] =	vst v63  }
0x124: {  	s9 =	simm.s32 $0x300  }
0x125: {  	[tilespmem:s30], [sflag:$0x1] =	stream.indirect.gather.add.f32 [hbm:s4], $0x40, s9, s24, $0xb8;
	[tilespmem:$0xE600] =	vst v63  }
0x126: {  	s21 =	simm.s32 $0x380  }
0x127: {  	[tilespmem:s30], [sflag:$0x1] =	stream.indirect.gather.add.f32 [hbm:s4], $0x40, s21, s24, $0xb8;
	[tilespmem:$0xE600] =	vst v63  }
0x128: {  	s7 =	simm.s32 $0x400  }
0x129: {  	[tilespmem:s30], [sflag:$0x1] =	stream.indirect.gather.add.f32 [hbm:s4], $0x40, s7, s24, $0xb8;
	[tilespmem:$0xE600] =	vst v63  }
0x12a: {  	s8 =	simm.s32 $0x480  }
0x12b: {  	[tilespmem:s30], [sflag:$0x1] =	stream.indirect.gather.add.f32 [hbm:s4], $0x40, s8, s24, $0xb8;
	[tilespmem:$0xE600] =	vst v63  }
0x12c: {  	s9 =	simm.s32 $0x500  }
0x12d: {  	[tilespmem:s30], [sflag:$0x1] =	stream.indirect.gather.add.f32 [hbm:s4], $0x40, s9, s24, $0xb8;
	[tilespmem:$0xE600] =	vst v63  }
0x12e: {  	s21 =	simm.s32 $0x580  }
0x12f: {  	[tilespmem:s30], [sflag:$0x1] =	stream.indirect.gather.add.f32 [hbm:s4], $0x40, s21, s24, $0xb8;
	[tilespmem:$0xE600] =	vst v63  }
0x130: {  	s7 =	simm.s32 $0x600  }
0x131: {  	[tilespmem:s30], [sflag:$0x1] =	stream.indirect.gather.add.f32 [hbm:s4], $0x40, s7, s24, $0xb8;
	[tilespmem:$0xE600] =	vst v63  }
0x132: {  	s8 =	simm.s32 $0x680  }
0x133: {  	[tilespmem:s30], [sflag:$0x1] =	stream.indirect.gather.add.f32 [hbm:s4], $0x40, s8, s24, $0xb8;
	[tilespmem:$0xE600] =	vst v63  }
0x134: {  	s9 =	simm.s32 $0x700  }
0x135: {  	[tilespmem:s30], [sflag:$0x1] =	stream.indirect.gather.add.f32 [hbm:s4], $0x40, s9, s24, $0xb8;
	[tilespmem:$0xE600] =	vst v63  }
0x136: {  	s21 =	simm.s32 $0x780  }
0x137: {  	[tilespmem:s30], [sflag:$0x1] =	stream.indirect.gather.add.f32 [hbm:s4], $0x40, s21, s24, $0xb8;
	[tilespmem:$0xE600] =	vst v63  }
0x138: {  	s7 =	simm.s32 $0x800  }
0x139: {  	[tilespmem:s30], [sflag:$0x1] =	stream.indirect.gather.add.f32 [hbm:s4], $0x40, s7, s24, $0xb8;
	[tilespmem:$0xE600] =	vst v63  }
0x13a: {  	s8 =	simm.s32 $0x880  }
0x13b: {  	[tilespmem:s30], [sflag:$0x1] =	stream.indirect.gather.add.f32 [hbm:s4], $0x40, s8, s24, $0xb8;
	[tilespmem:$0xE600] =	vst v63  }
0x13c: {  	s9 =	simm.s32 $0x900  }
0x13d: {  	[tilespmem:s30], [sflag:$0x1] =	stream.indirect.gather.add.f32 [hbm:s4], $0x40, s9, s24, $0xb8;
	[tilespmem:$0xE600] =	vst v63  }
0x13e: {  	s21 =	simm.s32 $0x980  }
0x13f: {  	[tilespmem:s30], [sflag:$0x1] =	stream.indirect.gather.add.f32 [hbm:s4], $0x40, s21, s24, $0xb8;
	[tilespmem:$0xE600] =	vst v63  }
0x140: {  	s7 =	simm.s32 $0xA00  }
0x141: {  	[tilespmem:s30], [sflag:$0x1] =	stream.indirect.gather.add.f32 [hbm:s4], $0x40, s7, s24, $0xb8;
	[tilespmem:$0xE600] =	vst v63  }
0x142: {  	s8 =	simm.s32 $0xA80  }
0x143: {  	[tilespmem:s30], [sflag:$0x1] =	stream.indirect.gather.add.f32 [hbm:s4], $0x40, s8, s24, $0xb8;
	[tilespmem:$0xE600] =	vst v63  }
0x144: {  	s9 =	simm.s32 $0xB00  }
0x145: {  	[tilespmem:s30], [sflag:$0x1] =	stream.indirect.gather.add.f32 [hbm:s4], $0x40, s9, s24, $0xb8;
	[tilespmem:$0xE600] =	vst v63  }
0x146: {  	s21 =	simm.s32 $0xB80  }
0x147: {  	[tilespmem:s30], [sflag:$0x1] =	stream.indirect.gather.add.f32 [hbm:s4], $0x40, s21, s24, $0xb8;
	[tilespmem:$0xE600] =	vst v63  }
0x148: {  	_ =	swait.ge [sflag:s5], $0x2000  }
0x149: {  	[sflag:s5] =	ssyncset.done $0x0  }
0x14a: {  	[sflag:s5] =	ssyncadd.s32 $0xFFFFE000  }
0x14b: {  	_ =	swait.ge [sflag:s5], $0x2000  }
0x14c: {  	[sflag:s5] =	ssyncset.done $0x0  }
0x14d: {  	[sflag:s5] =	ssyncadd.s32 $0xFFFFE000  }
0x14e: {  	_ =	swait.ge [sflag:s5], $0x2000  }
0x14f: {  	[sflag:s5] =	ssyncset.done $0x0  }
0x150: {  	[sflag:s5] =	ssyncadd.s32 $0xFFFFE000  }
0x151: {  	_ =	swait.ge [sflag:s5], $0x2000  }
0x152: {  	[sflag:s5] =	ssyncset.done $0x0  }
0x153: {  	[sflag:s5] =	ssyncadd.s32 $0xFFFFE000  }
0x154: {  	_ =	swait.ge [sflag:s5], $0x2000  }
0x155: {  	[sflag:s5] =	ssyncset.done $0x0  }
0x156: {  	[sflag:s5] =	ssyncadd.s32 $0xFFFFE000  }
0x157: {  	_ =	swait.ge [sflag:s5], $0x2000  }
0x158: {  	[sflag:s5] =	ssyncset.done $0x0  }
0x159: {  	[sflag:s5] =	ssyncadd.s32 $0xFFFFE000  }
0x15a: {  	_ =	swait.ge [sflag:s5], $0x2000  }
0x15b: {  	[sflag:s5] =	ssyncset.done $0x0  }
0x15c: {  	[sflag:s5] =	ssyncadd.s32 $0xFFFFE000  }
0x15d: {  	_ =	swait.ge [sflag:s5], $0x2000  }
0x15e: {  	[sflag:s5] =	ssyncset.done $0x0  }
0x15f: {  	[sflag:s5] =	ssyncadd.s32 $0xFFFFE000  }
0x160: {  	_ =	swait.ge [sflag:s5], $0x2000  }
0x161: {  	[sflag:s5] =	ssyncset.done $0x0  }
0x162: {  	[sflag:s5] =	ssyncadd.s32 $0xFFFFE000  }
0x163: {  	_ =	swait.ge [sflag:s5], $0x2000  }
0x164: {  	[sflag:s5] =	ssyncset.done $0x0  }
0x165: {  	[sflag:s5] =	ssyncadd.s32 $0xFFFFE000  }
0x166: {  	_ =	swait.ge [sflag:s5], $0x2000  }
0x167: {  	[sflag:s5] =	ssyncset.done $0x0  }
0x168: {  	[sflag:s5] =	ssyncadd.s32 $0xFFFFE000  }
0x169: {  	_ =	swait.ge [sflag:s5], $0x2000  }
0x16a: {  	[sflag:s5] =	ssyncset.done $0x0  }
0x16b: {  	[sflag:s5] =	ssyncadd.s32 $0xFFFFE000  }
0x16c: {  	_ =	swait.ge [sflag:s5], $0x2000  }
0x16d: {  	[sflag:s5] =	ssyncset.done $0x0  }
0x16e: {  	[sflag:s5] =	ssyncadd.s32 $0xFFFFE000  }
0x16f: {  	_ =	swait.ge [sflag:s5], $0x2000  }
0x170: {  	[sflag:s5] =	ssyncset.done $0x0  }
0x171: {  	[sflag:s5] =	ssyncadd.s32 $0xFFFFE000  }
0x172: {  	_ =	swait.ge [sflag:s5], $0x2000  }
0x173: {  	[sflag:s5] =	ssyncset.done $0x0  }
0x174: {  	[sflag:s5] =	ssyncadd.s32 $0xFFFFE000  }
0x175: {  	_ =	swait.ge [sflag:s5], $0x2000  }
0x176: {  	[sflag:s5] =	ssyncset.done $0x0  }
0x177: {  	[sflag:s5] =	ssyncadd.s32 $0xFFFFE000  }
0x178: {  	_ =	swait.ge [sflag:s5], $0x2000  }
0x179: {  	[sflag:s5] =	ssyncset.done $0x0  }
0x17a: {  	[sflag:s5] =	ssyncadd.s32 $0xFFFFE000  }
0x17b: {  	_ =	swait.ge [sflag:s5], $0x2000  }
0x17c: {  	[sflag:s5] =	ssyncset.done $0x0  }
0x17d: {  	[sflag:s5] =	ssyncadd.s32 $0xFFFFE000  }
0x17e: {  	_ =	swait.ge [sflag:s5], $0x2000  }
0x17f: {  	[sflag:s5] =	ssyncset.done $0x0  }
0x180: {  	[sflag:s5] =	ssyncadd.s32 $0xFFFFE000  }
0x181: {  	_ =	swait.ge [sflag:s5], $0x2000  }
0x182: {  	[sflag:s5] =	ssyncset.done $0x0  }
0x183: {  	[sflag:s5] =	ssyncadd.s32 $0xFFFFE000  }
0x184: {  	_ =	swait.ge [sflag:s5], $0x2000  }
0x185: {  	[sflag:s5] =	ssyncset.done $0x0  }
0x186: {  	[sflag:s5] =	ssyncadd.s32 $0xFFFFE000  }
0x187: {  	_ =	swait.ge [sflag:s5], $0x2000  }
0x188: {  	[sflag:s5] =	ssyncset.done $0x0  }
0x189: {  	s6 =	simm.s32 $0x0;
	[sflag:s5] =	ssyncadd.s32 $0xFFFFE000  }
0x18a: {  	v3 =	vld [tilespmem:s6+$0x3610]  }
0x18b: {  	v8 =	vld [tilespmem:s6+$0xB620]  }
0x18c: {  	v1 =	vld [tilespmem:s6+$0xB610]  }
0x18d: {  	v2 =	vld [tilespmem:s6+$0xB600]  }
0x18e: {  	v4 =	vld [tilespmem:s6+$0x3600]  }
0x18f: {  	v5 =	vld [tilespmem:s6+$0x7600]  }
0x190: {  	v6 =	vld [tilespmem:s6+$0x7610]  }
0x191: {  	v10 =	vld [tilespmem:s6+$0x3620]  }
0x192: {  	v9 =	vld [tilespmem:s6+$0x7620]  }
0x193: {  	v7 =	vmul.f32 v2, v4  }
0x194: {  	v2 =	vld [tilespmem:s6+$0xB630]  }
0x195: {  	v4 =	vmul.f32 v5, v4;
	v11 =	vmul.f32 v1, v3;
	v1 =	vld [tilespmem:s6+$0x3630];
	v7 =	vadd.f32 $0.0e+00, v7  }
0x196: {  	v6 =	vmul.f32 v6, v3;
	v3 =	vld [tilespmem:s6+$0x7630];
	v8 =	vmul.f32 v8, v10  }
0x197: {  	s7 =	simm.s32 $0xD610;
	s8 =	simm.s32 $0x100;
	s21 =	simm.s32 $0xD610;
	v5 =	vadd.f32 $0.0e+00, v4;
	v4 =	vmul.f32 v9, v10;
	v7 =	vadd.f32 v11, v7  }
.LBB2_6:
0x198: {  	p0 =	sne.s32 s8, $0x7F00  }
0x199: {  	v5 =	vadd.f32 v6, v5;
	s7 =	sadd.s32 $0x20, s7;
	s9 =	smov.u32 s8;
	s8 =	sadd.s32 $0x100, s8  }
0x19a: {  	v6 =	vadd.f32 v8, v7;
	v2 =	vmul.f32 v2, v1;
	[tilespmem:s6+$0xB630] =	vst v0  }
0x19b: {  	v4 =	vadd.f32 v4, v5;
	[tilespmem:s6+$0xB620] =	vst v0;
	v1 =	vmul.f32 v3, v1  }
0x19c: {  	[tilespmem:s6+$0xB610] =	vst v0;
	v2 =	vadd.f32 v2, v6  }
0x19d: {  	[tilespmem:s6+$0xB600] =	vst v0;
	v1 =	vadd.f32 v1, v4  }
0x19e: {  	s6 =	sshra.s32 s9, $0x2;
	[tilespmem:s21+$0x0] =	vst v2  }
0x19f: {  	[tilespmem:s21+$0xFFFFFFF0] =	vst v1;
	s21 =	smov.u32 s7  }
0x1a0: {  	v4 =	vld [tilespmem:s6+$0x3610]  }
0x1a1: {  	v8 =	vld [tilespmem:s6+$0xB620]  }
0x1a2: {  	v1 =	vld [tilespmem:s6+$0xB610]  }
0x1a3: {  	v2 =	vld [tilespmem:s6+$0xB600]  }
0x1a4: {  	v3 =	vld [tilespmem:s6+$0x3600]  }
0x1a5: {  	v5 =	vld [tilespmem:s6+$0x7600]  }
0x1a6: {  	v9 =	vld [tilespmem:s6+$0x7620]  }
0x1a7: {  	v6 =	vld [tilespmem:s6+$0x7610];
	v7 =	vmul.f32 v1, v4  }
0x1a8: {  	v10 =	vld [tilespmem:s6+$0x3620]  }
.Ltmp2:
0x1a9: {  	v11 =	vmul.f32 v2, v3;
	v2 =	vld [tilespmem:s6+$0xB630];
	(pc) =	sbr.rel @p0 .LBB2_6-.Ltmp2, $4  }
0x1aa: {  	v5 =	vmul.f32 v5, v3;
	v1 =	vld [tilespmem:s6+$0x3630]  }
0x1ab: {  	v11 =	vadd.f32 $0.0e+00, v11;
	v3 =	vld [tilespmem:s6+$0x7630]  }
0x1ac: {  	v5 =	vadd.f32 $0.0e+00, v5;
	v6 =	vmul.f32 v6, v4  }
0x1ad: {  	v7 =	vadd.f32 v7, v11;
	v4 =	vmul.f32 v9, v10;
	v8 =	vmul.f32 v8, v10  }
0x1ae: {  	v5 =	vadd.f32 v6, v5  }
0x1af: {  	[tilespmem:s6+$0xB630] =	vst v0;
	v6 =	vadd.f32 v8, v7;
	v2 =	vmul.f32 v2, v1  }
0x1b0: {  	[tilespmem:s6+$0xB620] =	vst v0;
	v4 =	vadd.f32 v4, v5;
	v1 =	vmul.f32 v3, v1  }
0x1b1: {  	[tilespmem:s6+$0xB610] =	vst v0;
	v2 =	vadd.f32 v2, v6  }
0x1b2: {  	[tilespmem:s6+$0xB600] =	vst v0;
	v1 =	vadd.f32 v1, v4  }
0x1b3: {  	[tilespmem:s21+$0x0] =	vst v2  }
0x1b4: {  	s8 =	simm.s32 $0x0;
	s7 =	rddreg [dreg:$0xe];
	[tilespmem:s21+$0xFFFFFFF0] =	vst v1  }
0x1b5: {  	[hbm4b:s7+s8] =	stream.linear.scatter [tilespmem:s1], [sflag:$0x3], $0x1000, $0x38;
	[tilespmem:$0xE600] =	vst v63  }
0x1b6: {  	_ =	swait.ge [sflag:s22], $0x1000  }
0x1b7: {  	[sflag:s22] =	ssyncset.done $0x0  }
0x1b8: {  	s9 =	rddreg [dreg:$0xf];
	[sflag:s22] =	ssyncadd.s32 $0xFFFFF000  }
0x1b9: {  	[tilespmem:s24], [sflag:$0x3] =	stream.linear.gather [hbm4b:s9+s8], $0x80, $0x38;
	[tilespmem:$0xE600] =	vst v63  }
0x1ba: {  	_ =	swait.ge [sflag:s22], $0x80  }
0x1bb: {  	[sflag:s22] =	ssyncset.done $0x0  }
0x1bc: {  	s21 =	rddreg [dreg:$0x10];
	[sflag:s22] =	ssyncadd.s32 $0xFFFFFF80  }
0x1bd: {  	[tilespmem:s31], [sflag:$0x3] =	stream.linear.gather [hbm4b:s21+s8], $0x80, $0x38;
	[tilespmem:$0xE600] =	vst v63  }
0x1be: {  	_ =	swait.ge [sflag:s22], $0x80  }
0x1bf: {  	[sflag:s22] =	ssyncset.done $0x0  }
0x1c0: {  	s8 =	rddreg [dreg:$0x11];
	[sflag:s22] =	ssyncadd.s32 $0xFFFFFF80  }
0x1c1: {  	[tilespmem:s0], [sflag:$0x3] =	stream.strided.gather [hbm4b:s8+s24], $0xA00, s25, s24, $0x38;
	[tilespmem:$0xE600] =	vst v63  }
0x1c2: {  	_ =	swait.ge [sflag:s22], $0xA00  }
0x1c3: {  	[sflag:s22] =	ssyncset.done $0x0  }
0x1c4: {  	s9 =	simm.s32 $0x3600;
	[sflag:s22] =	ssyncadd.s32 $0xFFFFF600  }
0x1c5: {  	[tilespmem:s9], [sflag:$0x2] =	stream.indirect.gather [hbm4b:s3+s24], $0x40, s24, s24, $0xb8;
	[tilespmem:$0xE600] =	vst v63  }
0x1c6: {  	s21 =	simm.s32 $0x7600  }
0x1c7: {  	[tilespmem:s21], [sflag:$0x2] =	stream.indirect.gather [hbm4b:s4+s24], $0x40, s31, s24, $0xb8;
	[tilespmem:$0xE600] =	vst v63  }
0x1c8: {  	_ = 	snop  }
0x1c9: {  	[tilespmem:s19], [sflag:$0x2] =	stream.indirect.gather.add.f32 [hbm:s4], $0x40, s0, s24, $0xb8;
	[tilespmem:$0xE600] =	vst v63  }
0x1ca: {  	s7 =	simm.s32 $0xC80  }
0x1cb: {  	[tilespmem:s19], [sflag:$0x2] =	stream.indirect.gather.add.f32 [hbm:s4], $0x40, s7, s24, $0xb8;
	[tilespmem:$0xE600] =	vst v63  }
0x1cc: {  	s8 =	simm.s32 $0xD00  }
0x1cd: {  	[tilespmem:s19], [sflag:$0x2] =	stream.indirect.gather.add.f32 [hbm:s4], $0x40, s8, s24, $0xb8;
	[tilespmem:$0xE600] =	vst v63  }
0x1ce: {  	s9 =	simm.s32 $0xD80  }
0x1cf: {  	[tilespmem:s19], [sflag:$0x2] =	stream.indirect.gather.add.f32 [hbm:s4], $0x40, s9, s24, $0xb8;
	[tilespmem:$0xE600] =	vst v63  }
0x1d0: {  	s21 =	simm.s32 $0xE00  }
0x1d1: {  	[tilespmem:s19], [sflag:$0x2] =	stream.indirect.gather.add.f32 [hbm:s4], $0x40, s21, s24, $0xb8;
	[tilespmem:$0xE600] =	vst v63  }
0x1d2: {  	s7 =	simm.s32 $0xE80  }
0x1d3: {  	[tilespmem:s19], [sflag:$0x2] =	stream.indirect.gather.add.f32 [hbm:s4], $0x40, s7, s24, $0xb8;
	[tilespmem:$0xE600] =	vst v63  }
0x1d4: {  	s8 =	simm.s32 $0xF00  }
0x1d5: {  	[tilespmem:s19], [sflag:$0x2] =	stream.indirect.gather.add.f32 [hbm:s4], $0x40, s8, s24, $0xb8;
	[tilespmem:$0xE600] =	vst v63  }
0x1d6: {  	s9 =	simm.s32 $0xF80  }
0x1d7: {  	[tilespmem:s19], [sflag:$0x2] =	stream.indirect.gather.add.f32 [hbm:s4], $0x40, s9, s24, $0xb8;
	[tilespmem:$0xE600] =	vst v63  }
0x1d8: {  	s21 =	simm.s32 $0x1000  }
0x1d9: {  	[tilespmem:s19], [sflag:$0x2] =	stream.indirect.gather.add.f32 [hbm:s4], $0x40, s21, s24, $0xb8;
	[tilespmem:$0xE600] =	vst v63  }
0x1da: {  	_ = 	snop  }
0x1db: {  	[tilespmem:s19], [sflag:$0x2] =	stream.indirect.gather.add.f32 [hbm:s4], $0x40, s10, s24, $0xb8;
	[tilespmem:$0xE600] =	vst v63  }
0x1dc: {  	_ = 	snop  }
0x1dd: {  	[tilespmem:s19], [sflag:$0x2] =	stream.indirect.gather.add.f32 [hbm:s4], $0x40, s11, s24, $0xb8;
	[tilespmem:$0xE600] =	vst v63  }
0x1de: {  	_ = 	snop  }
0x1df: {  	[tilespmem:s19], [sflag:$0x2] =	stream.indirect.gather.add.f32 [hbm:s4], $0x40, s12, s24, $0xb8;
	[tilespmem:$0xE600] =	vst v63  }
0x1e0: {  	_ = 	snop  }
0x1e1: {  	[tilespmem:s19], [sflag:$0x2] =	stream.indirect.gather.add.f32 [hbm:s4], $0x40, s13, s24, $0xb8;
	[tilespmem:$0xE600] =	vst v63  }
0x1e2: {  	_ = 	snop  }
0x1e3: {  	[tilespmem:s19], [sflag:$0x2] =	stream.indirect.gather.add.f32 [hbm:s4], $0x40, s14, s24, $0xb8;
	[tilespmem:$0xE600] =	vst v63  }
0x1e4: {  	_ = 	snop  }
0x1e5: {  	[tilespmem:s19], [sflag:$0x2] =	stream.indirect.gather.add.f32 [hbm:s4], $0x40, s15, s24, $0xb8;
	[tilespmem:$0xE600] =	vst v63  }
0x1e6: {  	_ = 	snop  }
0x1e7: {  	[tilespmem:s19], [sflag:$0x2] =	stream.indirect.gather.add.f32 [hbm:s4], $0x40, s28, s24, $0xb8;
	[tilespmem:$0xE600] =	vst v63  }
0x1e8: {  	_ = 	snop  }
0x1e9: {  	[tilespmem:s19], [sflag:$0x2] =	stream.indirect.gather.add.f32 [hbm:s4], $0x40, s29, s24, $0xb8;
	[tilespmem:$0xE600] =	vst v63  }
0x1ea: {  	_ = 	snop  }
0x1eb: {  	[tilespmem:s19], [sflag:$0x2] =	stream.indirect.gather.add.f32 [hbm:s4], $0x40, s16, s24, $0xb8;
	[tilespmem:$0xE600] =	vst v63  }
0x1ec: {  	_ = 	snop  }
0x1ed: {  	[tilespmem:s19], [sflag:$0x2] =	stream.indirect.gather.add.f32 [hbm:s4], $0x40, s17, s24, $0xb8;
	[tilespmem:$0xE600] =	vst v63  }
0x1ee: {  	_ = 	snop  }
0x1ef: {  	[tilespmem:s19], [sflag:$0x2] =	stream.indirect.gather.add.f32 [hbm:s4], $0x40, s18, s24, $0xb8;
	[tilespmem:$0xE600] =	vst v63  }
0x1f0: {  	_ =	swait.ge [sflag:s2], $0x2000  }
0x1f1: {  	[sflag:s2] =	ssyncset.done $0x0  }
0x1f2: {  	[sflag:s2] =	ssyncadd.s32 $0xFFFFE000  }
0x1f3: {  	_ =	swait.ge [sflag:s2], $0x2000  }
0x1f4: {  	[sflag:s2] =	ssyncset.done $0x0  }
0x1f5: {  	[sflag:s2] =	ssyncadd.s32 $0xFFFFE000  }
0x1f6: {  	_ =	swait.ge [sflag:s2], $0x2000  }
0x1f7: {  	[sflag:s2] =	ssyncset.done $0x0  }
0x1f8: {  	[sflag:s2] =	ssyncadd.s32 $0xFFFFE000  }
0x1f9: {  	_ =	swait.ge [sflag:s2], $0x2000  }
0x1fa: {  	[sflag:s2] =	ssyncset.done $0x0  }
0x1fb: {  	[sflag:s2] =	ssyncadd.s32 $0xFFFFE000  }
0x1fc: {  	_ =	swait.ge [sflag:s2], $0x2000  }
0x1fd: {  	[sflag:s2] =	ssyncset.done $0x0  }
0x1fe: {  	[sflag:s2] =	ssyncadd.s32 $0xFFFFE000  }
0x1ff: {  	_ =	swait.ge [sflag:s2], $0x2000  }
0x200: {  	[sflag:s2] =	ssyncset.done $0x0  }
0x201: {  	[sflag:s2] =	ssyncadd.s32 $0xFFFFE000  }
0x202: {  	_ =	swait.ge [sflag:s2], $0x2000  }
0x203: {  	[sflag:s2] =	ssyncset.done $0x0  }
0x204: {  	[sflag:s2] =	ssyncadd.s32 $0xFFFFE000  }
0x205: {  	_ =	swait.ge [sflag:s2], $0x2000  }
0x206: {  	[sflag:s2] =	ssyncset.done $0x0  }
0x207: {  	[sflag:s2] =	ssyncadd.s32 $0xFFFFE000  }
0x208: {  	_ =	swait.ge [sflag:s2], $0x2000  }
0x209: {  	[sflag:s2] =	ssyncset.done $0x0  }
0x20a: {  	[sflag:s2] =	ssyncadd.s32 $0xFFFFE000  }
0x20b: {  	_ =	swait.ge [sflag:s2], $0x2000  }
0x20c: {  	[sflag:s2] =	ssyncset.done $0x0  }
0x20d: {  	[sflag:s2] =	ssyncadd.s32 $0xFFFFE000  }
0x20e: {  	_ =	swait.ge [sflag:s2], $0x2000  }
0x20f: {  	[sflag:s2] =	ssyncset.done $0x0  }
0x210: {  	[sflag:s2] =	ssyncadd.s32 $0xFFFFE000  }
0x211: {  	_ =	swait.ge [sflag:s2], $0x2000  }
0x212: {  	[sflag:s2] =	ssyncset.done $0x0  }
0x213: {  	[sflag:s2] =	ssyncadd.s32 $0xFFFFE000  }
0x214: {  	_ =	swait.ge [sflag:s2], $0x2000  }
0x215: {  	[sflag:s2] =	ssyncset.done $0x0  }
0x216: {  	[sflag:s2] =	ssyncadd.s32 $0xFFFFE000  }
0x217: {  	_ =	swait.ge [sflag:s2], $0x2000  }
0x218: {  	[sflag:s2] =	ssyncset.done $0x0  }
0x219: {  	[sflag:s2] =	ssyncadd.s32 $0xFFFFE000  }
0x21a: {  	_ =	swait.ge [sflag:s2], $0x2000  }
0x21b: {  	[sflag:s2] =	ssyncset.done $0x0  }
0x21c: {  	[sflag:s2] =	ssyncadd.s32 $0xFFFFE000  }
0x21d: {  	_ =	swait.ge [sflag:s2], $0x2000  }
0x21e: {  	[sflag:s2] =	ssyncset.done $0x0  }
0x21f: {  	[sflag:s2] =	ssyncadd.s32 $0xFFFFE000  }
0x220: {  	_ =	swait.ge [sflag:s2], $0x2000  }
0x221: {  	[sflag:s2] =	ssyncset.done $0x0  }
0x222: {  	[sflag:s2] =	ssyncadd.s32 $0xFFFFE000  }
0x223: {  	_ =	swait.ge [sflag:s2], $0x2000  }
0x224: {  	[sflag:s2] =	ssyncset.done $0x0  }
0x225: {  	[sflag:s2] =	ssyncadd.s32 $0xFFFFE000  }
0x226: {  	_ =	swait.ge [sflag:s2], $0x2000  }
0x227: {  	[sflag:s2] =	ssyncset.done $0x0  }
0x228: {  	[sflag:s2] =	ssyncadd.s32 $0xFFFFE000  }
0x229: {  	_ =	swait.ge [sflag:s2], $0x2000  }
0x22a: {  	[sflag:s2] =	ssyncset.done $0x0  }
0x22b: {  	[sflag:s2] =	ssyncadd.s32 $0xFFFFE000  }
0x22c: {  	_ =	swait.ge [sflag:s2], $0x2000  }
0x22d: {  	[sflag:s2] =	ssyncset.done $0x0  }
0x22e: {  	[sflag:s2] =	ssyncadd.s32 $0xFFFFE000  }
0x22f: {  	_ =	swait.ge [sflag:s2], $0x2000  }
0x230: {  	[sflag:s2] =	ssyncset.done $0x0  }
0x231: {  	s6 =	simm.s32 $0x0;
	[sflag:s2] =	ssyncadd.s32 $0xFFFFE000  }
0x232: {  	v3 =	vld [tilespmem:s6+$0x1610]  }
0x233: {  	v8 =	vld [tilespmem:s6+$0x9620]  }
0x234: {  	v1 =	vld [tilespmem:s6+$0x9610]  }
0x235: {  	v2 =	vld [tilespmem:s6+$0x9600]  }
0x236: {  	v4 =	vld [tilespmem:s6+$0x1600]  }
0x237: {  	v5 =	vld [tilespmem:s6+$0x5600]  }
0x238: {  	v6 =	vld [tilespmem:s6+$0x5610]  }
0x239: {  	v10 =	vld [tilespmem:s6+$0x1620]  }
0x23a: {  	v9 =	vld [tilespmem:s6+$0x5620]  }
0x23b: {  	v7 =	vmul.f32 v2, v4  }
0x23c: {  	v2 =	vld [tilespmem:s6+$0x9630]  }
0x23d: {  	v4 =	vmul.f32 v5, v4;
	v11 =	vmul.f32 v1, v3;
	v1 =	vld [tilespmem:s6+$0x1630];
	v7 =	vadd.f32 $0.0e+00, v7  }
0x23e: {  	v6 =	vmul.f32 v6, v3;
	v3 =	vld [tilespmem:s6+$0x5630];
	v8 =	vmul.f32 v8, v10  }
0x23f: {  	s7 =	simm.s32 $0xD610;
	s8 =	simm.s32 $0x100;
	s21 =	simm.s32 $0xD610;
	v5 =	vadd.f32 $0.0e+00, v4;
	v4 =	vmul.f32 v9, v10;
	v7 =	vadd.f32 v11, v7  }
.LBB2_8:
0x240: {  	p0 =	sne.s32 s8, $0x7F00  }
0x241: {  	v5 =	vadd.f32 v6, v5;
	s7 =	sadd.s32 $0x20, s7;
	s9 =	smov.u32 s8;
	s8 =	sadd.s32 $0x100, s8  }
0x242: {  	v6 =	vadd.f32 v8, v7;
	v2 =	vmul.f32 v2, v1;
	[tilespmem:s6+$0x9630] =	vst v0  }
0x243: {  	v4 =	vadd.f32 v4, v5;
	[tilespmem:s6+$0x9620] =	vst v0;
	v1 =	vmul.f32 v3, v1  }
0x244: {  	[tilespmem:s6+$0x9610] =	vst v0;
	v2 =	vadd.f32 v2, v6  }
0x245: {  	[tilespmem:s6+$0x9600] =	vst v0;
	v1 =	vadd.f32 v1, v4  }
0x246: {  	s6 =	sshra.s32 s9, $0x2;
	[tilespmem:s21+$0x0] =	vst v2  }
0x247: {  	[tilespmem:s21+$0xFFFFFFF0] =	vst v1;
	s21 =	smov.u32 s7  }
0x248: {  	v4 =	vld [tilespmem:s6+$0x1610]  }
0x249: {  	v8 =	vld [tilespmem:s6+$0x9620]  }
0x24a: {  	v1 =	vld [tilespmem:s6+$0x9610]  }
0x24b: {  	v2 =	vld [tilespmem:s6+$0x9600]  }
0x24c: {  	v3 =	vld [tilespmem:s6+$0x1600]  }
0x24d: {  	v5 =	vld [tilespmem:s6+$0x5600]  }
0x24e: {  	v9 =	vld [tilespmem:s6+$0x5620]  }
0x24f: {  	v6 =	vld [tilespmem:s6+$0x5610];
	v7 =	vmul.f32 v1, v4  }
0x250: {  	v10 =	vld [tilespmem:s6+$0x1620]  }
.Ltmp3:
0x251: {  	v11 =	vmul.f32 v2, v3;
	v2 =	vld [tilespmem:s6+$0x9630];
	(pc) =	sbr.rel @p0 .LBB2_8-.Ltmp3, $4  }
0x252: {  	v5 =	vmul.f32 v5, v3;
	v1 =	vld [tilespmem:s6+$0x1630]  }
0x253: {  	v11 =	vadd.f32 $0.0e+00, v11;
	v3 =	vld [tilespmem:s6+$0x5630]  }
0x254: {  	v5 =	vadd.f32 $0.0e+00, v5;
	v6 =	vmul.f32 v6, v4  }
0x255: {  	v7 =	vadd.f32 v7, v11;
	v4 =	vmul.f32 v9, v10;
	v8 =	vmul.f32 v8, v10  }
0x256: {  	v5 =	vadd.f32 v6, v5  }
0x257: {  	[tilespmem:s6+$0x9630] =	vst v0;
	v6 =	vadd.f32 v8, v7;
	v2 =	vmul.f32 v2, v1  }
0x258: {  	[tilespmem:s6+$0x9620] =	vst v0;
	v4 =	vadd.f32 v4, v5;
	v1 =	vmul.f32 v3, v1  }
0x259: {  	[tilespmem:s6+$0x9610] =	vst v0;
	v2 =	vadd.f32 v2, v6  }
0x25a: {  	[tilespmem:s6+$0x9600] =	vst v0;
	v1 =	vadd.f32 v1, v4  }
0x25b: {  	[tilespmem:s21+$0x0] =	vst v2  }
0x25c: {  	s7 =	rddreg [dreg:$0x12];
	[tilespmem:s21+$0xFFFFFFF0] =	vst v1;
	s21 =	simm.s32 $0x0  }
0x25d: {  	[hbm4b:s7+s21] =	stream.linear.scatter [tilespmem:s1], [sflag:$0x3], $0x1000, $0x38;
	[tilespmem:$0xE600] =	vst v63  }
0x25e: {  	_ =	swait.ge [sflag:s22], $0x1000  }
0x25f: {  	[sflag:s22] =	ssyncset.done $0x0  }
0x260: {  	[sflag:s22] =	ssyncadd.s32 $0xFFFFF000  }
0x261: {  	_ =	swait.ge [sflag:s5], $0x2000  }
0x262: {  	[sflag:s5] =	ssyncset.done $0x0  }
0x263: {  	[sflag:s5] =	ssyncadd.s32 $0xFFFFE000  }
0x264: {  	_ =	swait.ge [sflag:s5], $0x2000  }
0x265: {  	[sflag:s5] =	ssyncset.done $0x0  }
0x266: {  	[sflag:s5] =	ssyncadd.s32 $0xFFFFE000  }
0x267: {  	_ =	swait.ge [sflag:s5], $0x2000  }
0x268: {  	[sflag:s5] =	ssyncset.done $0x0  }
0x269: {  	[sflag:s5] =	ssyncadd.s32 $0xFFFFE000  }
0x26a: {  	_ =	swait.ge [sflag:s5], $0x2000  }
0x26b: {  	[sflag:s5] =	ssyncset.done $0x0  }
0x26c: {  	[sflag:s5] =	ssyncadd.s32 $0xFFFFE000  }
0x26d: {  	_ =	swait.ge [sflag:s5], $0x2000  }
0x26e: {  	[sflag:s5] =	ssyncset.done $0x0  }
0x26f: {  	[sflag:s5] =	ssyncadd.s32 $0xFFFFE000  }
0x270: {  	_ =	swait.ge [sflag:s5], $0x2000  }
0x271: {  	[sflag:s5] =	ssyncset.done $0x0  }
0x272: {  	[sflag:s5] =	ssyncadd.s32 $0xFFFFE000  }
0x273: {  	_ =	swait.ge [sflag:s5], $0x2000  }
0x274: {  	[sflag:s5] =	ssyncset.done $0x0  }
0x275: {  	[sflag:s5] =	ssyncadd.s32 $0xFFFFE000  }
0x276: {  	_ =	swait.ge [sflag:s5], $0x2000  }
0x277: {  	[sflag:s5] =	ssyncset.done $0x0  }
0x278: {  	[sflag:s5] =	ssyncadd.s32 $0xFFFFE000  }
0x279: {  	_ =	swait.ge [sflag:s5], $0x2000  }
0x27a: {  	[sflag:s5] =	ssyncset.done $0x0  }
0x27b: {  	[sflag:s5] =	ssyncadd.s32 $0xFFFFE000  }
0x27c: {  	_ =	swait.ge [sflag:s5], $0x2000  }
0x27d: {  	[sflag:s5] =	ssyncset.done $0x0  }
0x27e: {  	[sflag:s5] =	ssyncadd.s32 $0xFFFFE000  }
0x27f: {  	_ =	swait.ge [sflag:s5], $0x2000  }
0x280: {  	[sflag:s5] =	ssyncset.done $0x0  }
0x281: {  	[sflag:s5] =	ssyncadd.s32 $0xFFFFE000  }
0x282: {  	_ =	swait.ge [sflag:s5], $0x2000  }
0x283: {  	[sflag:s5] =	ssyncset.done $0x0  }
0x284: {  	[sflag:s5] =	ssyncadd.s32 $0xFFFFE000  }
0x285: {  	_ =	swait.ge [sflag:s5], $0x2000  }
0x286: {  	[sflag:s5] =	ssyncset.done $0x0  }
0x287: {  	[sflag:s5] =	ssyncadd.s32 $0xFFFFE000  }
0x288: {  	_ =	swait.ge [sflag:s5], $0x2000  }
0x289: {  	[sflag:s5] =	ssyncset.done $0x0  }
0x28a: {  	[sflag:s5] =	ssyncadd.s32 $0xFFFFE000  }
0x28b: {  	_ =	swait.ge [sflag:s5], $0x2000  }
0x28c: {  	[sflag:s5] =	ssyncset.done $0x0  }
0x28d: {  	[sflag:s5] =	ssyncadd.s32 $0xFFFFE000  }
0x28e: {  	_ =	swait.ge [sflag:s5], $0x2000  }
0x28f: {  	[sflag:s5] =	ssyncset.done $0x0  }
0x290: {  	[sflag:s5] =	ssyncadd.s32 $0xFFFFE000  }
0x291: {  	_ =	swait.ge [sflag:s5], $0x2000  }
0x292: {  	[sflag:s5] =	ssyncset.done $0x0  }
0x293: {  	[sflag:s5] =	ssyncadd.s32 $0xFFFFE000  }
0x294: {  	_ =	swait.ge [sflag:s5], $0x2000  }
0x295: {  	[sflag:s5] =	ssyncset.done $0x0  }
0x296: {  	[sflag:s5] =	ssyncadd.s32 $0xFFFFE000  }
0x297: {  	_ =	swait.ge [sflag:s5], $0x2000  }
0x298: {  	[sflag:s5] =	ssyncset.done $0x0  }
0x299: {  	[sflag:s5] =	ssyncadd.s32 $0xFFFFE000  }
0x29a: {  	_ =	swait.ge [sflag:s5], $0x2000  }
0x29b: {  	[sflag:s5] =	ssyncset.done $0x0  }
0x29c: {  	[sflag:s5] =	ssyncadd.s32 $0xFFFFE000  }
0x29d: {  	_ =	swait.ge [sflag:s5], $0x2000  }
0x29e: {  	[sflag:s5] =	ssyncset.done $0x0  }
0x29f: {  	[sflag:s5] =	ssyncadd.s32 $0xFFFFE000  }
0x2a0: {  	_ =	swait.ge [sflag:s5], $0x2000  }
0x2a1: {  	[sflag:s5] =	ssyncset.done $0x0  }
0x2a2: {  	s6 =	simm.s32 $0x0;
	[sflag:s5] =	ssyncadd.s32 $0xFFFFE000  }
0x2a3: {  	v3 =	vld [tilespmem:s6+$0x3610]  }
0x2a4: {  	v8 =	vld [tilespmem:s6+$0xB620]  }
0x2a5: {  	v1 =	vld [tilespmem:s6+$0xB610]  }
0x2a6: {  	v2 =	vld [tilespmem:s6+$0xB600]  }
0x2a7: {  	v4 =	vld [tilespmem:s6+$0x3600]  }
0x2a8: {  	v5 =	vld [tilespmem:s6+$0x7600]  }
0x2a9: {  	v6 =	vld [tilespmem:s6+$0x7610]  }
0x2aa: {  	v10 =	vld [tilespmem:s6+$0x3620]  }
0x2ab: {  	v9 =	vld [tilespmem:s6+$0x7620]  }
0x2ac: {  	v7 =	vmul.f32 v2, v4  }
0x2ad: {  	v2 =	vld [tilespmem:s6+$0xB630]  }
0x2ae: {  	v4 =	vmul.f32 v5, v4;
	v11 =	vmul.f32 v1, v3;
	v1 =	vld [tilespmem:s6+$0x3630];
	v7 =	vadd.f32 $0.0e+00, v7  }
0x2af: {  	v6 =	vmul.f32 v6, v3;
	v3 =	vld [tilespmem:s6+$0x7630];
	v8 =	vmul.f32 v8, v10  }
0x2b0: {  	s8 =	simm.s32 $0x100;
	s7 =	simm.s32 $0xD610;
	s21 =	simm.s32 $0xD610;
	v5 =	vadd.f32 $0.0e+00, v4;
	v4 =	vmul.f32 v9, v10;
	v7 =	vadd.f32 v11, v7  }
.LBB2_10:
0x2b1: {  	p0 =	sne.s32 s8, $0x7F00  }
0x2b2: {  	v5 =	vadd.f32 v6, v5;
	s7 =	sadd.s32 $0x20, s7;
	s9 =	smov.u32 s8;
	s8 =	sadd.s32 $0x100, s8  }
0x2b3: {  	v6 =	vadd.f32 v8, v7;
	v2 =	vmul.f32 v2, v1;
	[tilespmem:s6+$0xB630] =	vst v0  }
0x2b4: {  	v4 =	vadd.f32 v4, v5;
	[tilespmem:s6+$0xB620] =	vst v0;
	v1 =	vmul.f32 v3, v1  }
0x2b5: {  	[tilespmem:s6+$0xB610] =	vst v0;
	v2 =	vadd.f32 v2, v6  }
0x2b6: {  	[tilespmem:s6+$0xB600] =	vst v0;
	v1 =	vadd.f32 v1, v4  }
0x2b7: {  	s6 =	sshra.s32 s9, $0x2;
	[tilespmem:s21+$0x0] =	vst v2  }
0x2b8: {  	[tilespmem:s21+$0xFFFFFFF0] =	vst v1;
	s21 =	smov.u32 s7  }
0x2b9: {  	v4 =	vld [tilespmem:s6+$0x3610]  }
0x2ba: {  	v8 =	vld [tilespmem:s6+$0xB620]  }
0x2bb: {  	v1 =	vld [tilespmem:s6+$0xB610]  }
0x2bc: {  	v2 =	vld [tilespmem:s6+$0xB600]  }
0x2bd: {  	v3 =	vld [tilespmem:s6+$0x3600]  }
0x2be: {  	v5 =	vld [tilespmem:s6+$0x7600]  }
0x2bf: {  	v9 =	vld [tilespmem:s6+$0x7620]  }
0x2c0: {  	v6 =	vld [tilespmem:s6+$0x7610];
	v7 =	vmul.f32 v1, v4  }
0x2c1: {  	v10 =	vld [tilespmem:s6+$0x3620]  }
.Ltmp4:
0x2c2: {  	v11 =	vmul.f32 v2, v3;
	v2 =	vld [tilespmem:s6+$0xB630];
	(pc) =	sbr.rel @p0 .LBB2_10-.Ltmp4, $4  }
0x2c3: {  	v5 =	vmul.f32 v5, v3;
	v1 =	vld [tilespmem:s6+$0x3630]  }
0x2c4: {  	v11 =	vadd.f32 $0.0e+00, v11;
	v3 =	vld [tilespmem:s6+$0x7630]  }
0x2c5: {  	v5 =	vadd.f32 $0.0e+00, v5;
	v6 =	vmul.f32 v6, v4  }
0x2c6: {  	v7 =	vadd.f32 v7, v11;
	v4 =	vmul.f32 v9, v10;
	v8 =	vmul.f32 v8, v10  }
0x2c7: {  	v5 =	vadd.f32 v6, v5  }
0x2c8: {  	[tilespmem:s6+$0xB630] =	vst v0;
	v63 =	vadd.f32 v8, v7;
	v2 =	vmul.f32 v2, v1  }
0x2c9: {  	[tilespmem:s6+$0xB620] =	vst v0;
	v4 =	vadd.f32 v4, v5;
	v1 =	vmul.f32 v3, v1  }
0x2ca: {  	[tilespmem:s6+$0xB610] =	vst v0;
	v2 =	vadd.f32 v2, v63  }
0x2cb: {  	[tilespmem:s6+$0xB600] =	vst v0;
	v1 =	vadd.f32 v1, v4  }
0x2cc: {  	[tilespmem:s21+$0x0] =	vst v2  }
0x2cd: {  	s9 =	simm.s32 $0x0;
	s7 =	rddreg [dreg:$0x13];
	[tilespmem:s21+$0xFFFFFFF0] =	vst v1  }
0x2ce: {  	[hbm4b:s7+s9] =	stream.linear.scatter [tilespmem:s1], [sflag:$0x3], $0x1000, $0x38;
	[tilespmem:$0xE600] =	vst v63  }
0x2cf: {  	_ =	swait.ge [sflag:s22], $0x1000  }
0x2d0: {  	s20 =	sadd.s32 $0x1, s20;
	s21 =	rddreg [dreg:$0x14]  }
0x2d1: {  	p0 =	sne.s32 s20, s21  }
.Ltmp5:
0x2d2: {  	_ = 	snop;
	(pc) =	sbr.rel @p0 .LBB2_1-.Ltmp5, $3  }
0x2d3: {  	_ =	sdelay $0x1  }
0x2d4: {  	[sflag:s22] =	ssyncset.done $0x0  }
0x2d5: {  	[sflag:s22] =	ssyncadd.s32 $0xFFFFF000  }
0x2d6: {  	_ =	sfence.sel $0x180000  }
0x2d7: {  	[bflag:$0x0] =	sbarrier.arrive $0xFFFF  }
0x2d8: {  	_ =	strace $0x90000047  }
0x2d9: {  	s0 =	stileid.u32;
	[bflag:$0x2] =	sbarrier.arrive $0xFFFF  }
0x2da: {  	p0 =	sne.s32 s0, $0x0;
	s0 =	rddreg [dreg:$0x3]  }
0x2db: {  	s0 =	sadd.s32 @!p0 $0x100000, s0  }
0x2dc: {  	[sflag:s0] =	ssyncadd.tile.s32 @!p0 $0x1;
	_ =	shalt  }
.Lfunc_end2:
_tile_overlayer_lowered:
.L_overlay_start_2:
0x2dd: {  	(tag) =	ssettag $0x2  }
0x2de: {  	s0 =	rddreg [dreg:$0x0];
	s2 =	stileid.u32  }
0x2df: {  	s1 =	rddreg [dreg:$0x1];
	p0 =	sne.s32 s2, $0x0  }
0x2e0: {  	s3 =	rddreg [dreg:$0x2];
	[bflag:$0x3] =	sbarrier.arrive $0xFFFF;
	s2 =	simm.s32 @!p0 $0x1C03  }
0x2e1: {  	[timem:s3], [sflag:s2] =	dma.local @!p0 [hbm:s0], s1  }
0x2e2: {  	s0 =	simm.s32 @!p0 $0x3  }
0x2e3: {  	_ =	swait.ge @!p0 [sflag:s0], s1  }
0x2e4: {  	s1 =	ssub.s32 @!p0 $0x0, s1;
	[sflag:s0] =	ssyncset.done @!p0 $0x0  }
0x2e5: {  	[sflag:s0] =	ssyncadd.s32 @!p0 s1  }
0x2e6: {  	[bflag:$0x3] =	sbarrier.arrive $0xFFFF  }
0x2e7: {  	_ =	shalt  }

</sc_bundles>
